<compile_context>
chip_gen: v7x
topology: tpu7x:2x2x1
jax: 0.10.2.dev20260603
libtpu: 0.0.44.dev20260713+nightly
codegen_flags: <defaults>
</compile_context>

<pallas_src>
import functools

import jax
import jax.numpy as jnp
from jax import lax
from jax.experimental import pallas as pl
from jax.experimental.pallas import tpu as pltpu
from jax.experimental.pallas import tpu_sc as plsc

N = 2048
E = 65536
STATE_DIM = 256
HID = 64
N_HEADS = 4

ROWS_PER_BLOCK = 512
BLOCK_WORDS = ROWS_PER_BLOCK * N
NUM_SUBCORES = 16
EDGES_PER_SUBCORE = E // NUM_SUBCORES
CHUNK = 128
NUM_CHUNKS = EDGES_PER_SUBCORE // CHUNK
ZERO_WORDS = 16384


def _build_adj(adj_row, adj_col, adj_val):
    mesh = plsc.VectorSubcoreMesh(core_axis_name="core", subcore_axis_name="subcore")

    @functools.partial(
        pl.kernel,
        out_type=jax.ShapeDtypeStruct((N, N), jnp.float32),
        mesh=mesh,
        scratch_types=[
            pltpu.VMEM((EDGES_PER_SUBCORE,), jnp.int32),
            pltpu.VMEM((EDGES_PER_SUBCORE,), jnp.int32),
            pltpu.VMEM((EDGES_PER_SUBCORE,), jnp.float32),
            pltpu.VMEM((2, NUM_CHUNKS, CHUNK), jnp.int32),
            pltpu.VMEM((ZERO_WORDS,), jnp.float32),
            pltpu.VMEM_SHARED((BLOCK_WORDS + 16,), jnp.float32),
            pltpu.SemaphoreType.DMA,
        ],
    )
    def build(row_hbm, col_hbm, val_hbm, out_hbm, row_v, col_v, val_v, idx_v,
              zero_v, acc_sh, sem):
        c = lax.axis_index("core")
        s = lax.axis_index("subcore")

        e0 = s * EDGES_PER_SUBCORE
        d_row = pltpu.async_copy(row_hbm.at[pl.ds(e0, EDGES_PER_SUBCORE)],
                                 row_v, sem)
        d_col = pltpu.async_copy(col_hbm.at[pl.ds(e0, EDGES_PER_SUBCORE)],
                                 col_v, sem)
        d_val = pltpu.async_copy(val_hbm.at[pl.ds(e0, EDGES_PER_SUBCORE)],
                                 val_v, sem)

        @pl.loop(0, ZERO_WORDS, step=16)
        def _(i):
            zero_v[pl.ds(i, 16)] = jnp.zeros((16,), jnp.float32)

        d_row.wait()
        d_col.wait()
        d_val.wait()

        words_per_sub = BLOCK_WORDS // NUM_SUBCORES
        rows_per_sub = ROWS_PER_BLOCK // NUM_SUBCORES

        zdescs = [
            pltpu.async_copy(
                zero_v,
                acc_sh.at[pl.ds(s * words_per_sub + z * ZERO_WORDS,
                                ZERO_WORDS)], sem)
            for z in range(words_per_sub // ZERO_WORDS)]

        @pl.when(s == 0)
        def _():
            pltpu.sync_copy(zero_v.at[pl.ds(0, 16)],
                            acc_sh.at[pl.ds(BLOCK_WORDS, 16)])

        for p in range(2):
            row_lo0 = (2 * c + p) * ROWS_PER_BLOCK

            @pl.loop(0, NUM_CHUNKS)
            def _(k, row_lo0=row_lo0, p=p):
                @pl.loop(0, CHUNK, step=16)
                def _(j, k=k):
                    off = k * CHUNK + j
                    r = row_v[pl.ds(off, 16)]
                    cc = col_v[pl.ds(off, 16)]
                    rb = r - row_lo0
                    ok = (rb >= 0) & (rb < ROWS_PER_BLOCK)
                    flat = jnp.where(ok, rb * N + cc, BLOCK_WORDS + s)
                    idx_v[p, k, pl.ds(j, 16)] = flat

        for p in range(2):
            block = 2 * c + p

            for d in zdescs:
                d.wait()
            plsc.subcore_barrier()

            sdescs = [
                pltpu.async_copy(val_v.at[pl.ds(k * CHUNK, CHUNK)],
                                 acc_sh.at[idx_v.at[p, k]], sem, add=True)
                for k in range(NUM_CHUNKS)]
            for d in sdescs:
                d.wait()

            plsc.subcore_barrier()

            wdescs = [
                pltpu.async_copy(
                    acc_sh.at[pl.ds(s * words_per_sub + r * N, N)],
                    out_hbm.at[block * ROWS_PER_BLOCK + s * rows_per_sub + r],
                    sem)
                for r in range(rows_per_sub)]
            for d in wdescs:
                d.wait()

            if p == 0:
                zdescs = [
                    pltpu.async_copy(
                        zero_v,
                        acc_sh.at[pl.ds(s * words_per_sub + z * ZERO_WORDS,
                                        ZERO_WORDS)], sem)
                    for z in range(words_per_sub // ZERO_WORDS)]
            else:
                zdescs = []
            plsc.subcore_barrier()

    return build(adj_row, adj_col, adj_val)



def _mm_kernel(x_ref, w_ref, o_ref):
    o_ref[...] = jnp.dot(x_ref[...], w_ref[...],
                         preferred_element_type=jnp.float32)


def _input_proj(state, gc1_w):
    return pl.pallas_call(
        _mm_kernel,
        out_shape=jax.ShapeDtypeStruct((N, HID), jnp.float32),
    )(state, gc1_w)


def _layer1_kernel(a_ref, y_ref, b1_ref, w2_ref, o_ref):
    s1 = jnp.dot(a_ref[...], y_ref[...], preferred_element_type=jnp.float32)
    x1 = jnp.maximum(s1 + b1_ref[...], 0.0)
    o_ref[...] = jnp.dot(x1, w2_ref[...], preferred_element_type=jnp.float32)


def _layer1(A, y1, gc1_b, gc2_w):
    blk = 512
    return pl.pallas_call(
        _layer1_kernel,
        grid=(N // blk,),
        in_specs=[
            pl.BlockSpec((blk, N), lambda i: (i, 0)),
            pl.BlockSpec((N, HID), lambda i: (0, 0)),
            pl.BlockSpec((1, HID), lambda i: (0, 0)),
            pl.BlockSpec((HID, HID), lambda i: (0, 0)),
        ],
        out_specs=pl.BlockSpec((blk, HID), lambda i: (i, 0)),
        out_shape=jax.ShapeDtypeStruct((N, HID), jnp.float32),
    )(A, y1, gc1_b, gc2_w)


def _layer2_kernel(a_ref, y_ref, b2_ref, o_ref):
    s2 = jnp.dot(a_ref[...], y_ref[...], preferred_element_type=jnp.float32)
    o_ref[...] = jnp.maximum(s2 + b2_ref[...], 0.0)


def _layer2(A, y2, gc2_b):
    blk = 512
    return pl.pallas_call(
        _layer2_kernel,
        grid=(N // blk,),
        in_specs=[
            pl.BlockSpec((blk, N), lambda i: (i, 0)),
            pl.BlockSpec((N, HID), lambda i: (0, 0)),
            pl.BlockSpec((1, HID), lambda i: (0, 0)),
        ],
        out_specs=pl.BlockSpec((blk, HID), lambda i: (i, 0)),
        out_shape=jax.ShapeDtypeStruct((N, HID), jnp.float32),
    )(A, y2, gc2_b)


def _gat_mlp_kernel(x2_ref, w3_ref, aa_ref, f1w_ref, f1b_ref, f2w_ref,
                    f2b_ref, o_ref, *, blk):
    i = pl.program_id(0)
    x2f = x2_ref[...]
    x2b = x2_ref[pl.ds(i * blk, blk), :]
    w3 = w3_ref[...]
    aa = aa_ref[...]
    asrc = aa[:, :HID]
    adst = aa[:, HID:]

    dn = (((1,), (1,)), ((), ()))
    acc = jnp.zeros((x2b.shape[0], HID), jnp.float32)
    for h in range(N_HEADS):
        hh = jnp.dot(x2f, w3[h], preferred_element_type=jnp.float32,
                     precision=lax.Precision.DEFAULT)
        hb = jnp.dot(x2b, w3[h], preferred_element_type=jnp.float32,
                     precision=lax.Precision.DEFAULT)
        ed = lax.dot_general(adst[h:h + 1, :], hh, dn,
                             preferred_element_type=jnp.float32)
        es = lax.dot_general(hb, asrc[h:h + 1, :], dn,
                             preferred_element_type=jnp.float32)
        t = es + jnp.max(ed, axis=1, keepdims=True)
        m = jnp.maximum(t, 0.01 * t)
        u = (es - m) + ed
        v = (0.01 * es - m) + 0.01 * ed
        p = jnp.exp(jnp.maximum(u, v))
        den = jnp.sum(p, axis=1, keepdims=True)
        oh = jnp.dot(p, hh, preferred_element_type=jnp.float32,
                     precision=lax.Precision.DEFAULT)
        acc = acc + oh / den
    att = acc * (1.0 / N_HEADS)

    xc = jnp.concatenate([x2b, att], axis=1)
    hdn = jnp.maximum(
        jnp.dot(xc, f1w_ref[...], preferred_element_type=jnp.float32)
        + f1b_ref[...], 0.0)
    lg = (jnp.dot(hdn, f2w_ref[...], preferred_element_type=jnp.float32)
          + f2b_ref[...])
    m2 = jnp.max(lg, axis=1, keepdims=True)
    e2 = jnp.exp(lg - m2)
    o_ref[...] = e2 / jnp.sum(e2, axis=1, keepdims=True)


def _gat_mlp(x2, att_W, att_a2, fc1_w, fc1_b, fc2_w, fc2_b):
    blk = 512
    return pl.pallas_call(
        functools.partial(_gat_mlp_kernel, blk=blk),
        grid=(N // blk,),
        in_specs=[
            pl.BlockSpec((N, HID), lambda i: (0, 0)),
            pl.BlockSpec((N_HEADS, HID, HID), lambda i: (0, 0, 0)),
            pl.BlockSpec((N_HEADS, 2 * HID), lambda i: (0, 0)),
            pl.BlockSpec((2 * HID, HID), lambda i: (0, 0)),
            pl.BlockSpec((1, HID), lambda i: (0, 0)),
            pl.BlockSpec((HID, HID), lambda i: (0, 0)),
            pl.BlockSpec((1, HID), lambda i: (0, 0)),
        ],
        out_specs=pl.BlockSpec((blk, HID), lambda i: (i, 0)),
        out_shape=jax.ShapeDtypeStruct((N, HID), jnp.float32),
    )(x2, att_W, att_a2, fc1_w, fc1_b, fc2_w, fc2_b)


def kernel(state, adj_row, adj_col, adj_val, gc1_w, gc1_b, gc2_w, gc2_b,
           att_W, att_a, fc1_w, fc1_b, fc2_w, fc2_b):
    adj_row = adj_row.astype(jnp.int32)
    adj_col = adj_col.astype(jnp.int32)

    A = _build_adj(adj_row, adj_col, adj_val)

    y1 = _input_proj(state, gc1_w)
    y2 = _layer1(A, y1, gc1_b.reshape(1, HID), gc2_w)
    x2 = _layer2(A, y2, gc2_b.reshape(1, HID))

    return _gat_mlp(x2, att_W, att_a.reshape(N_HEADS, 2 * HID), fc1_w,
                    fc1_b.reshape(1, HID), fc2_w, fc2_b.reshape(1, HID))

# --- scband reference (transcript-rebuilt; emitter-appended) ---
"""Pipeline reference for scband-gnnactor-75436805587298 (READ-ONLY COPY).

The authoritative reference and input builder live on the scoring server;
editing this copy changes nothing except your own understanding.
"""

import jax
import jax.numpy as jnp
import numpy as np

N_NODES = 2048
N_EDGES = 65536
STATE_DIM = 256
HIDDEN = 64
ACTION_DIM = 64
N_HEADS = 4


def setup_inputs(seed: int = 0):
    key = jax.random.key(seed)
    ks = jax.random.split(key, 14)
    inp = {}
    inp["state"] = jax.random.normal(ks[0], (N_NODES, STATE_DIM), dtype=jnp.float32)
    inp["adj_row"] = jax.random.randint(ks[1], (N_EDGES,), 0, N_NODES)
    inp["adj_col"] = jax.random.randint(ks[2], (N_EDGES,), 0, N_NODES)
    inp["adj_val"] = jax.random.uniform(ks[3], (N_EDGES,), dtype=jnp.float32)
    inp["gc1_w"] = jax.random.normal(ks[4], (STATE_DIM, HIDDEN), dtype=jnp.float32) * 0.05
    inp["gc1_b"] = jnp.zeros((HIDDEN,), dtype=jnp.float32)
    inp["gc2_w"] = jax.random.normal(ks[5], (HIDDEN, HIDDEN), dtype=jnp.float32) * 0.05
    inp["gc2_b"] = jnp.zeros((HIDDEN,), dtype=jnp.float32)
    inp["att_W"] = jax.random.normal(ks[6], (N_HEADS, HIDDEN, HIDDEN), dtype=jnp.float32) * 0.05
    inp["att_a"] = jax.random.normal(ks[7], (N_HEADS, 2 * HIDDEN, 1), dtype=jnp.float32) * 0.05
    inp["fc1_w"] = jax.random.normal(ks[8], (2 * HIDDEN, HIDDEN), dtype=jnp.float32) * 0.05
    inp["fc1_b"] = jnp.zeros((HIDDEN,), dtype=jnp.float32)
    inp["fc2_w"] = jax.random.normal(ks[9], (HIDDEN, ACTION_DIM), dtype=jnp.float32) * 0.05
    inp["fc2_b"] = jnp.zeros((ACTION_DIM,), dtype=jnp.float32)
    return inp


def _spmm(adj_row, adj_col, adj_val, dense):
    # torch.sparse.mm(adj, dense): out[r] = sum_{edges (r,c)} val * dense[c]
    gathered = jnp.take(dense, adj_col, axis=0) * adj_val[:, None]
    return jax.ops.segment_sum(gathered, adj_row, num_segments=N_NODES)


def _gat(x, W, a):
    # Multi-head GAT over all node pairs (dense attention), heads averaged
    # so that the output width matches fc1's expected hidden_dim*2 input.
    h = jnp.einsum("nf,hfo->hno", x, W)  # [H, N, F]
    a_src = a[:, :HIDDEN, 0]  # [H, F]
    a_dst = a[:, HIDDEN:, 0]  # [H, F]
    # e_ij = leaky_relu(a^T [h_i || h_j]) = leaky_relu(a_src.h_i + a_dst.h_j)
    e_src = jnp.einsum("hno,ho->hn", h, a_src)
    e_dst = jnp.einsum("hno,ho->hn", h, a_dst)
    e = jax.nn.leaky_relu(e_src[:, :, None] + e_dst[:, None, :], negative_slope=0.01)
    attn = jax.nn.softmax(e, axis=2)
    h_prime = jnp.einsum("hnm,hmo->hno", attn, h)  # [H, N, F]
    return jnp.mean(h_prime, axis=0)  # [N, F]


def reference(state, adj_row, adj_col, adj_val, gc1_w, gc1_b, gc2_w, gc2_b,
              att_W, att_a, fc1_w, fc1_b, fc2_w, fc2_b):
    x = jax.nn.relu(_spmm(adj_row, adj_col, adj_val, state @ gc1_w) + gc1_b)
    x = jax.nn.relu(_spmm(adj_row, adj_col, adj_val, x @ gc2_w) + gc2_b)
    x_att = _gat(x, att_W, att_a)
    x_comb = jnp.concatenate([x, x_att], axis=-1)  # [N, 2*HIDDEN]
    hdn = jax.nn.relu(x_comb @ fc1_w + fc1_b)
    logits = hdn @ fc2_w + fc2_b
    return jax.nn.softmax(logits, axis=-1)

if __name__ == "__main__":
    import jax
    _d = setup_inputs()
    print(jax.jit(kernel)(*tuple(_d.values())))

</pallas_src>

<mosaic_0001>
#map = affine_map<(d0, d1) -> (0)>
#map1 = affine_map<(d0, d1) -> (0, 0)>
module attributes {stable_mosaic.version = 14 : i64} {
  func.func @build(%arg0: i32, %arg1: i32, %arg2: memref<65536xi32, #tpu.memory_space<hbm>>, %arg3: memref<65536xi32, #tpu.memory_space<hbm>>, %arg4: memref<65536xf32, #tpu.memory_space<hbm>>, %arg5: memref<2048x2048xf32, #tpu.memory_space<hbm>>, %arg6: memref<4096xi32, #tpu.memory_space<vmem>>, %arg7: memref<4096xi32, #tpu.memory_space<vmem>>, %arg8: memref<4096xf32, #tpu.memory_space<vmem>>, %arg9: memref<2x32x128xi32, #tpu.memory_space<vmem>>, %arg10: memref<16384xf32, #tpu.memory_space<vmem>>, %arg11: memref<1048592xf32, #tpu.memory_space<vmem_shared>>, %arg12: memref<!tpu.dma_semaphore, #tpu.memory_space<semaphore_mem>>) attributes {dimension_semantics = [#tpu.dimension_semantics<core_parallel>, #tpu.dimension_semantics<subcore_parallel>], iteration_bounds = array<i64: 2, 16>, scalar_prefetch = 0 : i64, scratch_operands = 7 : i64, tpu.core_type = #tpu.core_type<sc_vector_subcore>, window_params = [{transform_indices = #map}, {transform_indices = #map}, {transform_indices = #map}, {transform_indices = #map1}]} {
    %mul3A = arith.constant 4096 : i32
    %mul3A_0 = arith.muli %arg1, %mul3A : i32
    %dma_start3A = tpu.memref_slice %arg2[%mul3A_0] : memref<65536xi32, #tpu.memory_space<hbm>> -> memref<4096xi32, #tpu.memory_space<hbm>>
    %dma_start3A_1 = tpu.memref_slice %arg2[%mul3A_0] : memref<65536xi32, #tpu.memory_space<hbm>> -> memref<4096xi32, #tpu.memory_space<hbm>>
    tpu.enqueue_dma source(%dma_start3A_1 : memref<4096xi32, #tpu.memory_space<hbm>>) target(%arg6 : memref<4096xi32, #tpu.memory_space<vmem>>) target_semaphore(%arg12 : memref<!tpu.dma_semaphore, #tpu.memory_space<semaphore_mem>>)
    %dma_start3A_2 = tpu.memref_slice %arg3[%mul3A_0] : memref<65536xi32, #tpu.memory_space<hbm>> -> memref<4096xi32, #tpu.memory_space<hbm>>
    %dma_start3A_3 = tpu.memref_slice %arg3[%mul3A_0] : memref<65536xi32, #tpu.memory_space<hbm>> -> memref<4096xi32, #tpu.memory_space<hbm>>
    tpu.enqueue_dma source(%dma_start3A_3 : memref<4096xi32, #tpu.memory_space<hbm>>) target(%arg7 : memref<4096xi32, #tpu.memory_space<vmem>>) target_semaphore(%arg12 : memref<!tpu.dma_semaphore, #tpu.memory_space<semaphore_mem>>)
    %dma_start3A_4 = tpu.memref_slice %arg4[%mul3A_0] : memref<65536xf32, #tpu.memory_space<hbm>> -> memref<4096xf32, #tpu.memory_space<hbm>>
    %dma_start3A_5 = tpu.memref_slice %arg4[%mul3A_0] : memref<65536xf32, #tpu.memory_space<hbm>> -> memref<4096xf32, #tpu.memory_space<hbm>>
    tpu.enqueue_dma source(%dma_start3A_5 : memref<4096xf32, #tpu.memory_space<hbm>>) target(%arg8 : memref<4096xf32, #tpu.memory_space<vmem>>) target_semaphore(%arg12 : memref<!tpu.dma_semaphore, #tpu.memory_space<semaphore_mem>>)
    %scan3A = arith.constant 0 : i32
    %scan3A_6 = arith.constant 1024 : i32
    %scan3A_7 = arith.addi %scan3A, %scan3A_6 : i32
    %scan3A_8 = arith.constant 1 : i32
    scf.for %scan3A_2483 = %scan3A to %scan3A_7 step %scan3A_8  : i32 {
      %mul3A_2484 = arith.constant 16 : i32
      %mul3A_2485 = arith.muli %scan3A_2483, %mul3A_2484 : i32
      %add3A_2486 = arith.constant 0 : i32
      %add3A_2487 = arith.addi %add3A_2486, %mul3A_2485 : i32
      %broadcast_in_dim3A = arith.constant 0.000000e+00 : f32
      %broadcast_in_dim3A_2488 = vector.broadcast %broadcast_in_dim3A : f32 to vector<16xf32>
      %swap3A = arith.index_cast %add3A_2487 : i32 to index
      %swap3A_2489 = tpu.vector_load %arg10[%swap3A] {strides = array<i32>} : memref<16384xf32, #tpu.memory_space<vmem>>, vector<16xf32>,
      %swap3A_2490 = vector.shape_cast %swap3A_2489 : vector<16xf32> to vector<16xf32>
      %swap3A_2491 = vector.shape_cast %broadcast_in_dim3A_2488 : vector<16xf32> to vector<16xf32>
      tpu.vector_store %arg10[%swap3A], %swap3A_2491 {strides = array<i32>} : memref<16384xf32, #tpu.memory_space<vmem>>, vector<16xf32>,
    }
    %scan3A_9 = arith.constant 1024 : i32
    %dma_wait3A = tpu.memref_slice %arg2[%mul3A_0] : memref<65536xi32, #tpu.memory_space<hbm>> -> memref<4096xi32, #tpu.memory_space<hbm>>
    %dma_wait3A_10 = tpu.memref_slice %arg2[%mul3A_0] : memref<65536xi32, #tpu.memory_space<hbm>> -> memref<4096xi32, #tpu.memory_space<hbm>>
    tpu.wait_dma2 semaphore(%arg12 : memref<!tpu.dma_semaphore, #tpu.memory_space<semaphore_mem>>) src(%dma_wait3A_10 : memref<4096xi32, #tpu.memory_space<hbm>>) dst(%arg6 : memref<4096xi32, #tpu.memory_space<vmem>>)
    %dma_wait3A_11 = tpu.memref_slice %arg3[%mul3A_0] : memref<65536xi32, #tpu.memory_space<hbm>> -> memref<4096xi32, #tpu.memory_space<hbm>>
    %dma_wait3A_12 = tpu.memref_slice %arg3[%mul3A_0] : memref<65536xi32, #tpu.memory_space<hbm>> -> memref<4096xi32, #tpu.memory_space<hbm>>
    tpu.wait_dma2 semaphore(%arg12 : memref<!tpu.dma_semaphore, #tpu.memory_space<semaphore_mem>>) src(%dma_wait3A_12 : memref<4096xi32, #tpu.memory_space<hbm>>) dst(%arg7 : memref<4096xi32, #tpu.memory_space<vmem>>)
    %dma_wait3A_13 = tpu.memref_slice %arg4[%mul3A_0] : memref<65536xf32, #tpu.memory_space<hbm>> -> memref<4096xf32, #tpu.memory_space<hbm>>
    %dma_wait3A_14 = tpu.memref_slice %arg4[%mul3A_0] : memref<65536xf32, #tpu.memory_space<hbm>> -> memref<4096xf32, #tpu.memory_space<hbm>>
    tpu.wait_dma2 semaphore(%arg12 : memref<!tpu.dma_semaphore, #tpu.memory_space<semaphore_mem>>) src(%dma_wait3A_14 : memref<4096xf32, #tpu.memory_space<hbm>>) dst(%arg8 : memref<4096xf32, #tpu.memory_space<vmem>>)
    %mul3A_15 = arith.constant 65536 : i32
    %mul3A_16 = arith.muli %arg1, %mul3A_15 : i32
    %add3A = arith.constant 0 : i32
    %add3A_17 = arith.addi %mul3A_16, %add3A : i32
    %dma_start3A_18 = tpu.memref_slice %arg11[%add3A_17] : memref<1048592xf32, #tpu.memory_space<vmem_shared>> -> memref<16384xf32, #tpu.memory_space<vmem_shared>>
    %dma_start3A_19 = tpu.memref_slice %arg11[%add3A_17] : memref<1048592xf32, #tpu.memory_space<vmem_shared>> -> memref<16384xf32, #tpu.memory_space<vmem_shared>>
    tpu.enqueue_dma source(%arg10 : memref<16384xf32, #tpu.memory_space<vmem>>) target(%dma_start3A_19 : memref<16384xf32, #tpu.memory_space<vmem_shared>>) target_semaphore(%arg12 : memref<!tpu.dma_semaphore, #tpu.memory_space<semaphore_mem>>)
    %mul3A_20 = arith.constant 65536 : i32
    %mul3A_21 = arith.muli %arg1, %mul3A_20 : i32
    %add3A_22 = arith.constant 16384 : i32
    %add3A_23 = arith.addi %mul3A_21, %add3A_22 : i32
    %dma_start3A_24 = tpu.memref_slice %arg11[%add3A_23] : memref<1048592xf32, #tpu.memory_space<vmem_shared>> -> memref<16384xf32, #tpu.memory_space<vmem_shared>>
    %dma_start3A_25 = tpu.memref_slice %arg11[%add3A_23] : memref<1048592xf32, #tpu.memory_space<vmem_shared>> -> memref<16384xf32, #tpu.memory_space<vmem_shared>>
    tpu.enqueue_dma source(%arg10 : memref<16384xf32, #tpu.memory_space<vmem>>) target(%dma_start3A_25 : memref<16384xf32, #tpu.memory_space<vmem_shared>>) target_semaphore(%arg12 : memref<!tpu.dma_semaphore, #tpu.memory_space<semaphore_mem>>)
    %mul3A_26 = arith.constant 65536 : i32
    %mul3A_27 = arith.muli %arg1, %mul3A_26 : i32
    %add3A_28 = arith.constant 32768 : i32
    %add3A_29 = arith.addi %mul3A_27, %add3A_28 : i32
    %dma_start3A_30 = tpu.memref_slice %arg11[%add3A_29] : memref<1048592xf32, #tpu.memory_space<vmem_shared>> -> memref<16384xf32, #tpu.memory_space<vmem_shared>>
    %dma_start3A_31 = tpu.memref_slice %arg11[%add3A_29] : memref<1048592xf32, #tpu.memory_space<vmem_shared>> -> memref<16384xf32, #tpu.memory_space<vmem_shared>>
    tpu.enqueue_dma source(%arg10 : memref<16384xf32, #tpu.memory_space<vmem>>) target(%dma_start3A_31 : memref<16384xf32, #tpu.memory_space<vmem_shared>>) target_semaphore(%arg12 : memref<!tpu.dma_semaphore, #tpu.memory_space<semaphore_mem>>)
    %mul3A_32 = arith.constant 65536 : i32
    %mul3A_33 = arith.muli %arg1, %mul3A_32 : i32
    %add3A_34 = arith.constant 49152 : i32
    %add3A_35 = arith.addi %mul3A_33, %add3A_34 : i32
    %dma_start3A_36 = tpu.memref_slice %arg11[%add3A_35] : memref<1048592xf32, #tpu.memory_space<vmem_shared>> -> memref<16384xf32, #tpu.memory_space<vmem_shared>>
    %dma_start3A_37 = tpu.memref_slice %arg11[%add3A_35] : memref<1048592xf32, #tpu.memory_space<vmem_shared>> -> memref<16384xf32, #tpu.memory_space<vmem_shared>>
    tpu.enqueue_dma source(%arg10 : memref<16384xf32, #tpu.memory_space<vmem>>) target(%dma_start3A_37 : memref<16384xf32, #tpu.memory_space<vmem_shared>>) target_semaphore(%arg12 : memref<!tpu.dma_semaphore, #tpu.memory_space<semaphore_mem>>)
    %eq3A = arith.constant 0 : i32
    %eq3A_38 = arith.cmpi eq, %arg1, %eq3A : i32
    %convert_element_type3A = arith.extui %eq3A_38 : i1 to i32
    %cond3A = arith.constant 0 : i32
    %cond3A_39 = arith.cmpi ne, %convert_element_type3A, %cond3A : i32
    scf.if %cond3A_39 {
      "tpu.region"() ({
        %run_scoped3A = tpu.sem_alloc : memref<!tpu.dma_semaphore, #tpu.memory_space<semaphore_mem>>
        %dma_start3A_2483 = arith.constant 0 : i32
        %dma_start3A_2484 = tpu.memref_slice %arg10[%dma_start3A_2483] : memref<16384xf32, #tpu.memory_space<vmem>> -> memref<16xf32, #tpu.memory_space<vmem>>
        %dma_start3A_2485 = arith.constant 1048576 : i32
        %dma_start3A_2486 = tpu.memref_slice %arg11[%dma_start3A_2485] : memref<1048592xf32, #tpu.memory_space<vmem_shared>> -> memref<16xf32, #tpu.memory_space<vmem_shared>>
        %dma_start3A_2487 = arith.constant 1048576 : i32
        %dma_start3A_2488 = tpu.memref_slice %arg11[%dma_start3A_2487] : memref<1048592xf32, #tpu.memory_space<vmem_shared>> -> memref<16xf32, #tpu.memory_space<vmem_shared>>
        %dma_start3A_2489 = arith.constant 0 : i32
        %dma_start3A_2490 = tpu.memref_slice %arg10[%dma_start3A_2489] : memref<16384xf32, #tpu.memory_space<vmem>> -> memref<16xf32, #tpu.memory_space<vmem>>
        tpu.enqueue_dma source(%dma_start3A_2490 : memref<16xf32, #tpu.memory_space<vmem>>) target(%dma_start3A_2488 : memref<16xf32, #tpu.memory_space<vmem_shared>>) target_semaphore(%run_scoped3A : memref<!tpu.dma_semaphore, #tpu.memory_space<semaphore_mem>>)
        %dma_wait3A_2491 = arith.constant 0 : i32
        %dma_wait3A_2492 = tpu.memref_slice %arg10[%dma_wait3A_2491] : memref<16384xf32, #tpu.memory_space<vmem>> -> memref<16xf32, #tpu.memory_space<vmem>>
        %dma_wait3A_2493 = arith.constant 1048576 : i32
        %dma_wait3A_2494 = tpu.memref_slice %arg11[%dma_wait3A_2493] : memref<1048592xf32, #tpu.memory_space<vmem_shared>> -> memref<16xf32, #tpu.memory_space<vmem_shared>>
        %dma_wait3A_2495 = arith.constant 1048576 : i32
        %dma_wait3A_2496 = tpu.memref_slice %arg11[%dma_wait3A_2495] : memref<1048592xf32, #tpu.memory_space<vmem_shared>> -> memref<16xf32, #tpu.memory_space<vmem_shared>>
        %dma_wait3A_2497 = arith.constant 0 : i32
        %dma_wait3A_2498 = tpu.memref_slice %arg10[%dma_wait3A_2497] : memref<16384xf32, #tpu.memory_space<vmem>> -> memref<16xf32, #tpu.memory_space<vmem>>
        tpu.wait_dma2 semaphore(%run_scoped3A : memref<!tpu.dma_semaphore, #tpu.memory_space<semaphore_mem>>) src(%dma_wait3A_2498 : memref<16xf32, #tpu.memory_space<vmem>>) dst(%dma_wait3A_2496 : memref<16xf32, #tpu.memory_space<vmem_shared>>)
        tpu.yield
      }) : () -> ()
    } else {
    }
    %mul3A_40 = arith.constant 2 : i32
    %mul3A_41 = arith.muli %mul3A_40, %arg0 : i32
    %add3A_42 = arith.constant 0 : i32
    %add3A_43 = arith.addi %mul3A_41, %add3A_42 : i32
    %mul3A_44 = arith.constant 512 : i32
    %mul3A_45 = arith.muli %add3A_43, %mul3A_44 : i32
    %scan3A_46 = arith.constant 0 : i32
    %scan3A_47 = arith.constant 32 : i32
    %scan3A_48 = arith.addi %scan3A_46, %scan3A_47 : i32
    %scan3A_49 = arith.constant 1 : i32
    scf.for %scan3A_2483 = %scan3A_46 to %scan3A_48 step %scan3A_49  : i32 {
      %mul3A_2484 = arith.constant 1 : i32
      %mul3A_2485 = arith.muli %scan3A_2483, %mul3A_2484 : i32
      %add3A_2486 = arith.constant 0 : i32
      %add3A_2487 = arith.addi %add3A_2486, %mul3A_2485 : i32
      %scan3A_2488 = arith.constant 0 : i32
      %scan3A_2489 = arith.constant 8 : i32
      %scan3A_2490 = arith.addi %scan3A_2488, %scan3A_2489 : i32
      %scan3A_2491 = arith.constant 1 : i32
      scf.for %scan3A_2493 = %scan3A_2488 to %scan3A_2490 step %scan3A_2491  : i32 {
        %mul3A_2494 = arith.constant 16 : i32
        %mul3A_2495 = arith.muli %scan3A_2493, %mul3A_2494 : i32
        %add3A_2496 = arith.constant 0 : i32
        %add3A_2497 = arith.addi %add3A_2496, %mul3A_2495 : i32
        %mul3A_2498 = arith.constant 128 : i32
        %mul3A_2499 = arith.muli %add3A_2487, %mul3A_2498 : i32
        %add3A_2500 = arith.addi %mul3A_2499, %add3A_2497 : i32
        %get3A = arith.index_cast %add3A_2500 : i32 to index
        %get3A_2501 = tpu.vector_load %arg6[%get3A] {strides = array<i32>} : memref<4096xi32, #tpu.memory_space<vmem>>, vector<16xi32>,
        %get3A_2502 = vector.shape_cast %get3A_2501 : vector<16xi32> to vector<16xi32>
        %get3A_2503 = arith.index_cast %add3A_2500 : i32 to index
        %get3A_2504 = tpu.vector_load %arg7[%get3A_2503] {strides = array<i32>} : memref<4096xi32, #tpu.memory_space<vmem>>, vector<16xi32>,
        %get3A_2505 = vector.shape_cast %get3A_2504 : vector<16xi32> to vector<16xi32>
        %sub3A = vector.broadcast %mul3A_45 : i32 to vector<16xi32>
        %sub3A_2506 = arith.subi %get3A_2502, %sub3A : vector<16xi32>
        %ge3A = arith.constant 0 : i32
        %ge3A_2507 = vector.broadcast %ge3A : i32 to vector<16xi32>
        %ge3A_2508 = arith.cmpi sge, %sub3A_2506, %ge3A_2507 : vector<16xi32>
        %lt3A = arith.constant 512 : i32
        %lt3A_2509 = vector.broadcast %lt3A : i32 to vector<16xi32>
        %lt3A_2510 = arith.cmpi slt, %sub3A_2506, %lt3A_2509 : vector<16xi32>
        %and3A = arith.andi %ge3A_2508, %lt3A_2510 : vector<16xi1>
        %mul3A_2511 = arith.constant 2048 : i32
        %mul3A_2512 = vector.broadcast %mul3A_2511 : i32 to vector<16xi32>
        %mul3A_2513 = arith.muli %sub3A_2506, %mul3A_2512 : vector<16xi32>
        %add3A_2514 = arith.addi %mul3A_2513, %get3A_2505 : vector<16xi32>
        %add3A_2515 = arith.constant 1048576 : i32
        %add3A_2516 = arith.addi %add3A_2515, %arg1 : i32
        %broadcast_in_dim3A = vector.broadcast %add3A_2516 : i32 to vector<16xi32>
        %select_n3A = arith.select %and3A, %add3A_2514, %broadcast_in_dim3A : vector<16xi1>, vector<16xi32>
        %swap3A = arith.constant 0 : i32
        %swap3A_2517 = arith.index_cast %swap3A : i32 to index
        %swap3A_2518 = arith.index_cast %add3A_2487 : i32 to index
        %swap3A_2519 = arith.index_cast %add3A_2497 : i32 to index
        %swap3A_2520 = tpu.vector_load %arg9[%swap3A_2517, %swap3A_2518, %swap3A_2519] {strides = array<i32>} : memref<2x32x128xi32, #tpu.memory_space<vmem>>, vector<1x1x16xi32>,
        %swap3A_2521 = vector.shape_cast %swap3A_2520 : vector<1x1x16xi32> to vector<16xi32>
        %swap3A_2522 = vector.shape_cast %select_n3A : vector<16xi32> to vector<1x1x16xi32>
        tpu.vector_store %arg9[%swap3A_2517, %swap3A_2518, %swap3A_2519], %swap3A_2522 {strides = array<i32>} : memref<2x32x128xi32, #tpu.memory_space<vmem>>, vector<1x1x16xi32>,
      }
      %scan3A_2492 = arith.constant 8 : i32
    }
    %scan3A_50 = arith.constant 32 : i32
    %mul3A_51 = arith.constant 2 : i32
    %mul3A_52 = arith.muli %mul3A_51, %arg0 : i32
    %add3A_53 = arith.constant 1 : i32
    %add3A_54 = arith.addi %mul3A_52, %add3A_53 : i32
    %mul3A_55 = arith.constant 512 : i32
    %mul3A_56 = arith.muli %add3A_54, %mul3A_55 : i32
    %scan3A_57 = arith.constant 0 : i32
    %scan3A_58 = arith.constant 32 : i32
    %scan3A_59 = arith.addi %scan3A_57, %scan3A_58 : i32
    %scan3A_60 = arith.constant 1 : i32
    scf.for %scan3A_2483 = %scan3A_57 to %scan3A_59 step %scan3A_60  : i32 {
      %mul3A_2484 = arith.constant 1 : i32
      %mul3A_2485 = arith.muli %scan3A_2483, %mul3A_2484 : i32
      %add3A_2486 = arith.constant 0 : i32
      %add3A_2487 = arith.addi %add3A_2486, %mul3A_2485 : i32
      %scan3A_2488 = arith.constant 0 : i32
      %scan3A_2489 = arith.constant 8 : i32
      %scan3A_2490 = arith.addi %scan3A_2488, %scan3A_2489 : i32
      %scan3A_2491 = arith.constant 1 : i32
      scf.for %scan3A_2493 = %scan3A_2488 to %scan3A_2490 step %scan3A_2491  : i32 {
        %mul3A_2494 = arith.constant 16 : i32
        %mul3A_2495 = arith.muli %scan3A_2493, %mul3A_2494 : i32
        %add3A_2496 = arith.constant 0 : i32
        %add3A_2497 = arith.addi %add3A_2496, %mul3A_2495 : i32
        %mul3A_2498 = arith.constant 128 : i32
        %mul3A_2499 = arith.muli %add3A_2487, %mul3A_2498 : i32
        %add3A_2500 = arith.addi %mul3A_2499, %add3A_2497 : i32
        %get3A = arith.index_cast %add3A_2500 : i32 to index
        %get3A_2501 = tpu.vector_load %arg6[%get3A] {strides = array<i32>} : memref<4096xi32, #tpu.memory_space<vmem>>, vector<16xi32>,
        %get3A_2502 = vector.shape_cast %get3A_2501 : vector<16xi32> to vector<16xi32>
        %get3A_2503 = arith.index_cast %add3A_2500 : i32 to index
        %get3A_2504 = tpu.vector_load %arg7[%get3A_2503] {strides = array<i32>} : memref<4096xi32, #tpu.memory_space<vmem>>, vector<16xi32>,
        %get3A_2505 = vector.shape_cast %get3A_2504 : vector<16xi32> to vector<16xi32>
        %sub3A = vector.broadcast %mul3A_56 : i32 to vector<16xi32>
        %sub3A_2506 = arith.subi %get3A_2502, %sub3A : vector<16xi32>
        %ge3A = arith.constant 0 : i32
        %ge3A_2507 = vector.broadcast %ge3A : i32 to vector<16xi32>
        %ge3A_2508 = arith.cmpi sge, %sub3A_2506, %ge3A_2507 : vector<16xi32>
        %lt3A = arith.constant 512 : i32
        %lt3A_2509 = vector.broadcast %lt3A : i32 to vector<16xi32>
        %lt3A_2510 = arith.cmpi slt, %sub3A_2506, %lt3A_2509 : vector<16xi32>
        %and3A = arith.andi %ge3A_2508, %lt3A_2510 : vector<16xi1>
        %mul3A_2511 = arith.constant 2048 : i32
        %mul3A_2512 = vector.broadcast %mul3A_2511 : i32 to vector<16xi32>
        %mul3A_2513 = arith.muli %sub3A_2506, %mul3A_2512 : vector<16xi32>
        %add3A_2514 = arith.addi %mul3A_2513, %get3A_2505 : vector<16xi32>
        %add3A_2515 = arith.constant 1048576 : i32
        %add3A_2516 = arith.addi %add3A_2515, %arg1 : i32
        %broadcast_in_dim3A = vector.broadcast %add3A_2516 : i32 to vector<16xi32>
        %select_n3A = arith.select %and3A, %add3A_2514, %broadcast_in_dim3A : vector<16xi1>, vector<16xi32>
        %swap3A = arith.constant 1 : i32
        %swap3A_2517 = arith.index_cast %swap3A : i32 to index
        %swap3A_2518 = arith.index_cast %add3A_2487 : i32 to index
        %swap3A_2519 = arith.index_cast %add3A_2497 : i32 to index
        %swap3A_2520 = tpu.vector_load %arg9[%swap3A_2517, %swap3A_2518, %swap3A_2519] {strides = array<i32>} : memref<2x32x128xi32, #tpu.memory_space<vmem>>, vector<1x1x16xi32>,
        %swap3A_2521 = vector.shape_cast %swap3A_2520 : vector<1x1x16xi32> to vector<16xi32>
        %swap3A_2522 = vector.shape_cast %select_n3A : vector<16xi32> to vector<1x1x16xi32>
        tpu.vector_store %arg9[%swap3A_2517, %swap3A_2518, %swap3A_2519], %swap3A_2522 {strides = array<i32>} : memref<2x32x128xi32, #tpu.memory_space<vmem>>, vector<1x1x16xi32>,
      }
      %scan3A_2492 = arith.constant 8 : i32
    }
    %scan3A_61 = arith.constant 32 : i32
    %mul3A_62 = arith.constant 2 : i32
    %mul3A_63 = arith.muli %mul3A_62, %arg0 : i32
    %add3A_64 = arith.constant 0 : i32
    %add3A_65 = arith.addi %mul3A_63, %add3A_64 : i32
    %dma_wait3A_66 = tpu.memref_slice %arg11[%add3A_17] : memref<1048592xf32, #tpu.memory_space<vmem_shared>> -> memref<16384xf32, #tpu.memory_space<vmem_shared>>
    %dma_wait3A_67 = tpu.memref_slice %arg11[%add3A_17] : memref<1048592xf32, #tpu.memory_space<vmem_shared>> -> memref<16384xf32, #tpu.memory_space<vmem_shared>>
    tpu.wait_dma2 semaphore(%arg12 : memref<!tpu.dma_semaphore, #tpu.memory_space<semaphore_mem>>) src(%arg10 : memref<16384xf32, #tpu.memory_space<vmem>>) dst(%dma_wait3A_67 : memref<16384xf32, #tpu.memory_space<vmem_shared>>)
    %dma_wait3A_68 = tpu.memref_slice %arg11[%add3A_23] : memref<1048592xf32, #tpu.memory_space<vmem_shared>> -> memref<16384xf32, #tpu.memory_space<vmem_shared>>
    %dma_wait3A_69 = tpu.memref_slice %arg11[%add3A_23] : memref<1048592xf32, #tpu.memory_space<vmem_shared>> -> memref<16384xf32, #tpu.memory_space<vmem_shared>>
    tpu.wait_dma2 semaphore(%arg12 : memref<!tpu.dma_semaphore, #tpu.memory_space<semaphore_mem>>) src(%arg10 : memref<16384xf32, #tpu.memory_space<vmem>>) dst(%dma_wait3A_69 : memref<16384xf32, #tpu.memory_space<vmem_shared>>)
    %dma_wait3A_70 = tpu.memref_slice %arg11[%add3A_29] : memref<1048592xf32, #tpu.memory_space<vmem_shared>> -> memref<16384xf32, #tpu.memory_space<vmem_shared>>
    %dma_wait3A_71 = tpu.memref_slice %arg11[%add3A_29] : memref<1048592xf32, #tpu.memory_space<vmem_shared>> -> memref<16384xf32, #tpu.memory_space<vmem_shared>>
    tpu.wait_dma2 semaphore(%arg12 : memref<!tpu.dma_semaphore, #tpu.memory_space<semaphore_mem>>) src(%arg10 : memref<16384xf32, #tpu.memory_space<vmem>>) dst(%dma_wait3A_71 : memref<16384xf32, #tpu.memory_space<vmem_shared>>)
    %dma_wait3A_72 = tpu.memref_slice %arg11[%add3A_35] : memref<1048592xf32, #tpu.memory_space<vmem_shared>> -> memref<16384xf32, #tpu.memory_space<vmem_shared>>
    %dma_wait3A_73 = tpu.memref_slice %arg11[%add3A_35] : memref<1048592xf32, #tpu.memory_space<vmem_shared>> -> memref<16384xf32, #tpu.memory_space<vmem_shared>>
    tpu.wait_dma2 semaphore(%arg12 : memref<!tpu.dma_semaphore, #tpu.memory_space<semaphore_mem>>) src(%arg10 : memref<16384xf32, #tpu.memory_space<vmem>>) dst(%dma_wait3A_73 : memref<16384xf32, #tpu.memory_space<vmem_shared>>)
    %barrier3A = arith.constant 0 : index
    tpu.barrier barrier_id(%barrier3A)
    %dma_start3A_74 = arith.constant 0 : i32
    %dma_start3A_75 = arith.constant 0 : i32
    %dma_start3A_76 = arith.constant 0 : i32
    %dma_start3A_77 = tpu.memref_slice %arg8[%dma_start3A_76] : memref<4096xf32, #tpu.memory_space<vmem>> -> memref<128xf32, #tpu.memory_space<vmem>>
    %dma_start3A_78 = arith.constant 0 : i32
    %dma_start3A_79 = tpu.memref_slice %arg9[%dma_start3A_74, %dma_start3A_75, %dma_start3A_78] : memref<2x32x128xi32, #tpu.memory_space<vmem>> -> memref<1x1x128xi32, #tpu.memory_space<vmem>>
    %dma_start3A_80 = tpu.memref_squeeze %dma_start3A_79 : memref<1x1x128xi32, #tpu.memory_space<vmem>> -> memref<128xi32, #tpu.memory_space<vmem>>
    %dma_start3A_81 = arith.constant 0 : i32
    %dma_start3A_82 = tpu.memref_slice %arg11[%dma_start3A_81] : memref<1048592xf32, #tpu.memory_space<vmem_shared>> -> memref<1048592xf32, #tpu.memory_space<vmem_shared>>
    tpu.enqueue_indirect_dma source(%dma_start3A_77 : memref<128xf32, #tpu.memory_space<vmem>>) target(%dma_start3A_82 : memref<1048592xf32, #tpu.memory_space<vmem_shared>>) offsets(%dma_start3A_80 : memref<128xi32, #tpu.memory_space<vmem>>) semaphore(%arg12 : memref<!tpu.dma_semaphore, #tpu.memory_space<semaphore_mem>>) {add = true}
    %dma_start3A_83 = arith.constant 0 : i32
    %dma_start3A_84 = arith.constant 1 : i32
    %dma_start3A_85 = arith.constant 128 : i32
    %dma_start3A_86 = tpu.memref_slice %arg8[%dma_start3A_85] : memref<4096xf32, #tpu.memory_space<vmem>> -> memref<128xf32, #tpu.memory_space<vmem>>
    %dma_start3A_87 = arith.constant 0 : i32
    %dma_start3A_88 = tpu.memref_slice %arg9[%dma_start3A_83, %dma_start3A_84, %dma_start3A_87] : memref<2x32x128xi32, #tpu.memory_space<vmem>> -> memref<1x1x128xi32, #tpu.memory_space<vmem>>
    %dma_start3A_89 = tpu.memref_squeeze %dma_start3A_88 : memref<1x1x128xi32, #tpu.memory_space<vmem>> -> memref<128xi32, #tpu.memory_space<vmem>>
    %dma_start3A_90 = arith.constant 0 : i32
    %dma_start3A_91 = tpu.memref_slice %arg11[%dma_start3A_90] : memref<1048592xf32, #tpu.memory_space<vmem_shared>> -> memref<1048592xf32, #tpu.memory_space<vmem_shared>>
    tpu.enqueue_indirect_dma source(%dma_start3A_86 : memref<128xf32, #tpu.memory_space<vmem>>) target(%dma_start3A_91 : memref<1048592xf32, #tpu.memory_space<vmem_shared>>) offsets(%dma_start3A_89 : memref<128xi32, #tpu.memory_space<vmem>>) semaphore(%arg12 : memref<!tpu.dma_semaphore, #tpu.memory_space<semaphore_mem>>) {add = true}
    %dma_start3A_92 = arith.constant 0 : i32
    %dma_start3A_93 = arith.constant 2 : i32
    %dma_start3A_94 = arith.constant 256 : i32
    %dma_start3A_95 = tpu.memref_slice %arg8[%dma_start3A_94] : memref<4096xf32, #tpu.memory_space<vmem>> -> memref<128xf32, #tpu.memory_space<vmem>>
    %dma_start3A_96 = arith.constant 0 : i32
    %dma_start3A_97 = tpu.memref_slice %arg9[%dma_start3A_92, %dma_start3A_93, %dma_start3A_96] : memref<2x32x128xi32, #tpu.memory_space<vmem>> -> memref<1x1x128xi32, #tpu.memory_space<vmem>>
    %dma_start3A_98 = tpu.memref_squeeze %dma_start3A_97 : memref<1x1x128xi32, #tpu.memory_space<vmem>> -> memref<128xi32, #tpu.memory_space<vmem>>
    %dma_start3A_99 = arith.constant 0 : i32
    %dma_start3A_100 = tpu.memref_slice %arg11[%dma_start3A_99] : memref<1048592xf32, #tpu.memory_space<vmem_shared>> -> memref<1048592xf32, #tpu.memory_space<vmem_shared>>
    tpu.enqueue_indirect_dma source(%dma_start3A_95 : memref<128xf32, #tpu.memory_space<vmem>>) target(%dma_start3A_100 : memref<1048592xf32, #tpu.memory_space<vmem_shared>>) offsets(%dma_start3A_98 : memref<128xi32, #tpu.memory_space<vmem>>) semaphore(%arg12 : memref<!tpu.dma_semaphore, #tpu.memory_space<semaphore_mem>>) {add = true}
    %dma_start3A_101 = arith.constant 0 : i32
    %dma_start3A_102 = arith.constant 3 : i32
    %dma_start3A_103 = arith.constant 384 : i32
    %dma_start3A_104 = tpu.memref_slice %arg8[%dma_start3A_103] : memref<4096xf32, #tpu.memory_space<vmem>> -> memref<128xf32, #tpu.memory_space<vmem>>
    %dma_start3A_105 = arith.constant 0 : i32
    %dma_start3A_106 = tpu.memref_slice %arg9[%dma_start3A_101, %dma_start3A_102, %dma_start3A_105] : memref<2x32x128xi32, #tpu.memory_space<vmem>> -> memref<1x1x128xi32, #tpu.memory_space<vmem>>
    %dma_start3A_107 = tpu.memref_squeeze %dma_start3A_106 : memref<1x1x128xi32, #tpu.memory_space<vmem>> -> memref<128xi32, #tpu.memory_space<vmem>>
    %dma_start3A_108 = arith.constant 0 : i32
    %dma_start3A_109 = tpu.memref_slice %arg11[%dma_start3A_108] : memref<1048592xf32, #tpu.memory_space<vmem_shared>> -> memref<1048592xf32, #tpu.memory_space<vmem_shared>>
    tpu.enqueue_indirect_dma source(%dma_start3A_104 : memref<128xf32, #tpu.memory_space<vmem>>) target(%dma_start3A_109 : memref<1048592xf32, #tpu.memory_space<vmem_shared>>) offsets(%dma_start3A_107 : memref<128xi32, #tpu.memory_space<vmem>>) semaphore(%arg12 : memref<!tpu.dma_semaphore, #tpu.memory_space<semaphore_mem>>) {add = true}
    %dma_start3A_110 = arith.constant 0 : i32
    %dma_start3A_111 = arith.constant 4 : i32
    %dma_start3A_112 = arith.constant 512 : i32
    %dma_start3A_113 = tpu.memref_slice %arg8[%dma_start3A_112] : memref<4096xf32, #tpu.memory_space<vmem>> -> memref<128xf32, #tpu.memory_space<vmem>>
    %dma_start3A_114 = arith.constant 0 : i32
    %dma_start3A_115 = tpu.memref_slice %arg9[%dma_start3A_110, %dma_start3A_111, %dma_start3A_114] : memref<2x32x128xi32, #tpu.memory_space<vmem>> -> memref<1x1x128xi32, #tpu.memory_space<vmem>>
    %dma_start3A_116 = tpu.memref_squeeze %dma_start3A_115 : memref<1x1x128xi32, #tpu.memory_space<vmem>> -> memref<128xi32, #tpu.memory_space<vmem>>
    %dma_start3A_117 = arith.constant 0 : i32
    %dma_start3A_118 = tpu.memref_slice %arg11[%dma_start3A_117] : memref<1048592xf32, #tpu.memory_space<vmem_shared>> -> memref<1048592xf32, #tpu.memory_space<vmem_shared>>
    tpu.enqueue_indirect_dma source(%dma_start3A_113 : memref<128xf32, #tpu.memory_space<vmem>>) target(%dma_start3A_118 : memref<1048592xf32, #tpu.memory_space<vmem_shared>>) offsets(%dma_start3A_116 : memref<128xi32, #tpu.memory_space<vmem>>) semaphore(%arg12 : memref<!tpu.dma_semaphore, #tpu.memory_space<semaphore_mem>>) {add = true}
    %dma_start3A_119 = arith.constant 0 : i32
    %dma_start3A_120 = arith.constant 5 : i32
    %dma_start3A_121 = arith.constant 640 : i32
    %dma_start3A_122 = tpu.memref_slice %arg8[%dma_start3A_121] : memref<4096xf32, #tpu.memory_space<vmem>> -> memref<128xf32, #tpu.memory_space<vmem>>
    %dma_start3A_123 = arith.constant 0 : i32
    %dma_start3A_124 = tpu.memref_slice %arg9[%dma_start3A_119, %dma_start3A_120, %dma_start3A_123] : memref<2x32x128xi32, #tpu.memory_space<vmem>> -> memref<1x1x128xi32, #tpu.memory_space<vmem>>
    %dma_start3A_125 = tpu.memref_squeeze %dma_start3A_124 : memref<1x1x128xi32, #tpu.memory_space<vmem>> -> memref<128xi32, #tpu.memory_space<vmem>>
    %dma_start3A_126 = arith.constant 0 : i32
    %dma_start3A_127 = tpu.memref_slice %arg11[%dma_start3A_126] : memref<1048592xf32, #tpu.memory_space<vmem_shared>> -> memref<1048592xf32, #tpu.memory_space<vmem_shared>>
    tpu.enqueue_indirect_dma source(%dma_start3A_122 : memref<128xf32, #tpu.memory_space<vmem>>) target(%dma_start3A_127 : memref<1048592xf32, #tpu.memory_space<vmem_shared>>) offsets(%dma_start3A_125 : memref<128xi32, #tpu.memory_space<vmem>>) semaphore(%arg12 : memref<!tpu.dma_semaphore, #tpu.memory_space<semaphore_mem>>) {add = true}
    %dma_start3A_128 = arith.constant 0 : i32
    %dma_start3A_129 = arith.constant 6 : i32
    %dma_start3A_130 = arith.constant 768 : i32
    %dma_start3A_131 = tpu.memref_slice %arg8[%dma_start3A_130] : memref<4096xf32, #tpu.memory_space<vmem>> -> memref<128xf32, #tpu.memory_space<vmem>>
    %dma_start3A_132 = arith.constant 0 : i32
    %dma_start3A_133 = tpu.memref_slice %arg9[%dma_start3A_128, %dma_start3A_129, %dma_start3A_132] : memref<2x32x128xi32, #tpu.memory_space<vmem>> -> memref<1x1x128xi32, #tpu.memory_space<vmem>>
    %dma_start3A_134 = tpu.memref_squeeze %dma_start3A_133 : memref<1x1x128xi32, #tpu.memory_space<vmem>> -> memref<128xi32, #tpu.memory_space<vmem>>
    %dma_start3A_135 = arith.constant 0 : i32
    %dma_start3A_136 = tpu.memref_slice %arg11[%dma_start3A_135] : memref<1048592xf32, #tpu.memory_space<vmem_shared>> -> memref<1048592xf32, #tpu.memory_space<vmem_shared>>
    tpu.enqueue_indirect_dma source(%dma_start3A_131 : memref<128xf32, #tpu.memory_space<vmem>>) target(%dma_start3A_136 : memref<1048592xf32, #tpu.memory_space<vmem_shared>>) offsets(%dma_start3A_134 : memref<128xi32, #tpu.memory_space<vmem>>) semaphore(%arg12 : memref<!tpu.dma_semaphore, #tpu.memory_space<semaphore_mem>>) {add = true}
    %dma_start3A_137 = arith.constant 0 : i32
    %dma_start3A_138 = arith.constant 7 : i32
    %dma_start3A_139 = arith.constant 896 : i32
    %dma_start3A_140 = tpu.memref_slice %arg8[%dma_start3A_139] : memref<4096xf32, #tpu.memory_space<vmem>> -> memref<128xf32, #tpu.memory_space<vmem>>
    %dma_start3A_141 = arith.constant 0 : i32
    %dma_start3A_142 = tpu.memref_slice %arg9[%dma_start3A_137, %dma_start3A_138, %dma_start3A_141] : memref<2x32x128xi32, #tpu.memory_space<vmem>> -> memref<1x1x128xi32, #tpu.memory_space<vmem>>
    %dma_start3A_143 = tpu.memref_squeeze %dma_start3A_142 : memref<1x1x128xi32, #tpu.memory_space<vmem>> -> memref<128xi32, #tpu.memory_space<vmem>>
    %dma_start3A_144 = arith.constant 0 : i32
    %dma_start3A_145 = tpu.memref_slice %arg11[%dma_start3A_144] : memref<1048592xf32, #tpu.memory_space<vmem_shared>> -> memref<1048592xf32, #tpu.memory_space<vmem_shared>>
    tpu.enqueue_indirect_dma source(%dma_start3A_140 : memref<128xf32, #tpu.memory_space<vmem>>) target(%dma_start3A_145 : memref<1048592xf32, #tpu.memory_space<vmem_shared>>) offsets(%dma_start3A_143 : memref<128xi32, #tpu.memory_space<vmem>>) semaphore(%arg12 : memref<!tpu.dma_semaphore, #tpu.memory_space<semaphore_mem>>) {add = true}
    %dma_start3A_146 = arith.constant 0 : i32
    %dma_start3A_147 = arith.constant 8 : i32
    %dma_start3A_148 = arith.constant 1024 : i32
    %dma_start3A_149 = tpu.memref_slice %arg8[%dma_start3A_148] : memref<4096xf32, #tpu.memory_space<vmem>> -> memref<128xf32, #tpu.memory_space<vmem>>
    %dma_start3A_150 = arith.constant 0 : i32
    %dma_start3A_151 = tpu.memref_slice %arg9[%dma_start3A_146, %dma_start3A_147, %dma_start3A_150] : memref<2x32x128xi32, #tpu.memory_space<vmem>> -> memref<1x1x128xi32, #tpu.memory_space<vmem>>
    %dma_start3A_152 = tpu.memref_squeeze %dma_start3A_151 : memref<1x1x128xi32, #tpu.memory_space<vmem>> -> memref<128xi32, #tpu.memory_space<vmem>>
    %dma_start3A_153 = arith.constant 0 : i32
    %dma_start3A_154 = tpu.memref_slice %arg11[%dma_start3A_153] : memref<1048592xf32, #tpu.memory_space<vmem_shared>> -> memref<1048592xf32, #tpu.memory_space<vmem_shared>>
    tpu.enqueue_indirect_dma source(%dma_start3A_149 : memref<128xf32, #tpu.memory_space<vmem>>) target(%dma_start3A_154 : memref<1048592xf32, #tpu.memory_space<vmem_shared>>) offsets(%dma_start3A_152 : memref<128xi32, #tpu.memory_space<vmem>>) semaphore(%arg12 : memref<!tpu.dma_semaphore, #tpu.memory_space<semaphore_mem>>) {add = true}
    %dma_start3A_155 = arith.constant 0 : i32
    %dma_start3A_156 = arith.constant 9 : i32
    %dma_start3A_157 = arith.constant 1152 : i32
    %dma_start3A_158 = tpu.memref_slice %arg8[%dma_start3A_157] : memref<4096xf32, #tpu.memory_space<vmem>> -> memref<128xf32, #tpu.memory_space<vmem>>
    %dma_start3A_159 = arith.constant 0 : i32
    %dma_start3A_160 = tpu.memref_slice %arg9[%dma_start3A_155, %dma_start3A_156, %dma_start3A_159] : memref<2x32x128xi32, #tpu.memory_space<vmem>> -> memref<1x1x128xi32, #tpu.memory_space<vmem>>
    %dma_start3A_161 = tpu.memref_squeeze %dma_start3A_160 : memref<1x1x128xi32, #tpu.memory_space<vmem>> -> memref<128xi32, #tpu.memory_space<vmem>>
    %dma_start3A_162 = arith.constant 0 : i32
    %dma_start3A_163 = tpu.memref_slice %arg11[%dma_start3A_162] : memref<1048592xf32, #tpu.memory_space<vmem_shared>> -> memref<1048592xf32, #tpu.memory_space<vmem_shared>>
    tpu.enqueue_indirect_dma source(%dma_start3A_158 : memref<128xf32, #tpu.memory_space<vmem>>) target(%dma_start3A_163 : memref<1048592xf32, #tpu.memory_space<vmem_shared>>) offsets(%dma_start3A_161 : memref<128xi32, #tpu.memory_space<vmem>>) semaphore(%arg12 : memref<!tpu.dma_semaphore, #tpu.memory_space<semaphore_mem>>) {add = true}
    %dma_start3A_164 = arith.constant 0 : i32
    %dma_start3A_165 = arith.constant 10 : i32
    %dma_start3A_166 = arith.constant 1280 : i32
    %dma_start3A_167 = tpu.memref_slice %arg8[%dma_start3A_166] : memref<4096xf32, #tpu.memory_space<vmem>> -> memref<128xf32, #tpu.memory_space<vmem>>
    %dma_start3A_168 = arith.constant 0 : i32
    %dma_start3A_169 = tpu.memref_slice %arg9[%dma_start3A_164, %dma_start3A_165, %dma_start3A_168] : memref<2x32x128xi32, #tpu.memory_space<vmem>> -> memref<1x1x128xi32, #tpu.memory_space<vmem>>
    %dma_start3A_170 = tpu.memref_squeeze %dma_start3A_169 : memref<1x1x128xi32, #tpu.memory_space<vmem>> -> memref<128xi32, #tpu.memory_space<vmem>>
    %dma_start3A_171 = arith.constant 0 : i32
    %dma_start3A_172 = tpu.memref_slice %arg11[%dma_start3A_171] : memref<1048592xf32, #tpu.memory_space<vmem_shared>> -> memref<1048592xf32, #tpu.memory_space<vmem_shared>>
    tpu.enqueue_indirect_dma source(%dma_start3A_167 : memref<128xf32, #tpu.memory_space<vmem>>) target(%dma_start3A_172 : memref<1048592xf32, #tpu.memory_space<vmem_shared>>) offsets(%dma_start3A_170 : memref<128xi32, #tpu.memory_space<vmem>>) semaphore(%arg12 : memref<!tpu.dma_semaphore, #tpu.memory_space<semaphore_mem>>) {add = true}
    %dma_start3A_173 = arith.constant 0 : i32
    %dma_start3A_174 = arith.constant 11 : i32
    %dma_start3A_175 = arith.constant 1408 : i32
    %dma_start3A_176 = tpu.memref_slice %arg8[%dma_start3A_175] : memref<4096xf32, #tpu.memory_space<vmem>> -> memref<128xf32, #tpu.memory_space<vmem>>
    %dma_start3A_177 = arith.constant 0 : i32
    %dma_start3A_178 = tpu.memref_slice %arg9[%dma_start3A_173, %dma_start3A_174, %dma_start3A_177] : memref<2x32x128xi32, #tpu.memory_space<vmem>> -> memref<1x1x128xi32, #tpu.memory_space<vmem>>
    %dma_start3A_179 = tpu.memref_squeeze %dma_start3A_178 : memref<1x1x128xi32, #tpu.memory_space<vmem>> -> memref<128xi32, #tpu.memory_space<vmem>>
    %dma_start3A_180 = arith.constant 0 : i32
    %dma_start3A_181 = tpu.memref_slice %arg11[%dma_start3A_180] : memref<1048592xf32, #tpu.memory_space<vmem_shared>> -> memref<1048592xf32, #tpu.memory_space<vmem_shared>>
    tpu.enqueue_indirect_dma source(%dma_start3A_176 : memref<128xf32, #tpu.memory_space<vmem>>) target(%dma_start3A_181 : memref<1048592xf32, #tpu.memory_space<vmem_shared>>) offsets(%dma_start3A_179 : memref<128xi32, #tpu.memory_space<vmem>>) semaphore(%arg12 : memref<!tpu.dma_semaphore, #tpu.memory_space<semaphore_mem>>) {add = true}
    %dma_start3A_182 = arith.constant 0 : i32
    %dma_start3A_183 = arith.constant 12 : i32
    %dma_start3A_184 = arith.constant 1536 : i32
    %dma_start3A_185 = tpu.memref_slice %arg8[%dma_start3A_184] : memref<4096xf32, #tpu.memory_space<vmem>> -> memref<128xf32, #tpu.memory_space<vmem>>
    %dma_start3A_186 = arith.constant 0 : i32
    %dma_start3A_187 = tpu.memref_slice %arg9[%dma_start3A_182, %dma_start3A_183, %dma_start3A_186] : memref<2x32x128xi32, #tpu.memory_space<vmem>> -> memref<1x1x128xi32, #tpu.memory_space<vmem>>
    %dma_start3A_188 = tpu.memref_squeeze %dma_start3A_187 : memref<1x1x128xi32, #tpu.memory_space<vmem>> -> memref<128xi32, #tpu.memory_space<vmem>>
    %dma_start3A_189 = arith.constant 0 : i32
    %dma_start3A_190 = tpu.memref_slice %arg11[%dma_start3A_189] : memref<1048592xf32, #tpu.memory_space<vmem_shared>> -> memref<1048592xf32, #tpu.memory_space<vmem_shared>>
    tpu.enqueue_indirect_dma source(%dma_start3A_185 : memref<128xf32, #tpu.memory_space<vmem>>) target(%dma_start3A_190 : memref<1048592xf32, #tpu.memory_space<vmem_shared>>) offsets(%dma_start3A_188 : memref<128xi32, #tpu.memory_space<vmem>>) semaphore(%arg12 : memref<!tpu.dma_semaphore, #tpu.memory_space<semaphore_mem>>) {add = true}
    %dma_start3A_191 = arith.constant 0 : i32
    %dma_start3A_192 = arith.constant 13 : i32
    %dma_start3A_193 = arith.constant 1664 : i32
    %dma_start3A_194 = tpu.memref_slice %arg8[%dma_start3A_193] : memref<4096xf32, #tpu.memory_space<vmem>> -> memref<128xf32, #tpu.memory_space<vmem>>
    %dma_start3A_195 = arith.constant 0 : i32
    %dma_start3A_196 = tpu.memref_slice %arg9[%dma_start3A_191, %dma_start3A_192, %dma_start3A_195] : memref<2x32x128xi32, #tpu.memory_space<vmem>> -> memref<1x1x128xi32, #tpu.memory_space<vmem>>
    %dma_start3A_197 = tpu.memref_squeeze %dma_start3A_196 : memref<1x1x128xi32, #tpu.memory_space<vmem>> -> memref<128xi32, #tpu.memory_space<vmem>>
    %dma_start3A_198 = arith.constant 0 : i32
    %dma_start3A_199 = tpu.memref_slice %arg11[%dma_start3A_198] : memref<1048592xf32, #tpu.memory_space<vmem_shared>> -> memref<1048592xf32, #tpu.memory_space<vmem_shared>>
    tpu.enqueue_indirect_dma source(%dma_start3A_194 : memref<128xf32, #tpu.memory_space<vmem>>) target(%dma_start3A_199 : memref<1048592xf32, #tpu.memory_space<vmem_shared>>) offsets(%dma_start3A_197 : memref<128xi32, #tpu.memory_space<vmem>>) semaphore(%arg12 : memref<!tpu.dma_semaphore, #tpu.memory_space<semaphore_mem>>) {add = true}
    %dma_start3A_200 = arith.constant 0 : i32
    %dma_start3A_201 = arith.constant 14 : i32
    %dma_start3A_202 = arith.constant 1792 : i32
    %dma_start3A_203 = tpu.memref_slice %arg8[%dma_start3A_202] : memref<4096xf32, #tpu.memory_space<vmem>> -> memref<128xf32, #tpu.memory_space<vmem>>
    %dma_start3A_204 = arith.constant 0 : i32
    %dma_start3A_205 = tpu.memref_slice %arg9[%dma_start3A_200, %dma_start3A_201, %dma_start3A_204] : memref<2x32x128xi32, #tpu.memory_space<vmem>> -> memref<1x1x128xi32, #tpu.memory_space<vmem>>
    %dma_start3A_206 = tpu.memref_squeeze %dma_start3A_205 : memref<1x1x128xi32, #tpu.memory_space<vmem>> -> memref<128xi32, #tpu.memory_space<vmem>>
    %dma_start3A_207 = arith.constant 0 : i32
    %dma_start3A_208 = tpu.memref_slice %arg11[%dma_start3A_207] : memref<1048592xf32, #tpu.memory_space<vmem_shared>> -> memref<1048592xf32, #tpu.memory_space<vmem_shared>>
    tpu.enqueue_indirect_dma source(%dma_start3A_203 : memref<128xf32, #tpu.memory_space<vmem>>) target(%dma_start3A_208 : memref<1048592xf32, #tpu.memory_space<vmem_shared>>) offsets(%dma_start3A_206 : memref<128xi32, #tpu.memory_space<vmem>>) semaphore(%arg12 : memref<!tpu.dma_semaphore, #tpu.memory_space<semaphore_mem>>) {add = true}
    %dma_start3A_209 = arith.constant 0 : i32
    %dma_start3A_210 = arith.constant 15 : i32
    %dma_start3A_211 = arith.constant 1920 : i32
    %dma_start3A_212 = tpu.memref_slice %arg8[%dma_start3A_211] : memref<4096xf32, #tpu.memory_space<vmem>> -> memref<128xf32, #tpu.memory_space<vmem>>
    %dma_start3A_213 = arith.constant 0 : i32
    %dma_start3A_214 = tpu.memref_slice %arg9[%dma_start3A_209, %dma_start3A_210, %dma_start3A_213] : memref<2x32x128xi32, #tpu.memory_space<vmem>> -> memref<1x1x128xi32, #tpu.memory_space<vmem>>
    %dma_start3A_215 = tpu.memref_squeeze %dma_start3A_214 : memref<1x1x128xi32, #tpu.memory_space<vmem>> -> memref<128xi32, #tpu.memory_space<vmem>>
    %dma_start3A_216 = arith.constant 0 : i32
    %dma_start3A_217 = tpu.memref_slice %arg11[%dma_start3A_216] : memref<1048592xf32, #tpu.memory_space<vmem_shared>> -> memref<1048592xf32, #tpu.memory_space<vmem_shared>>
    tpu.enqueue_indirect_dma source(%dma_start3A_212 : memref<128xf32, #tpu.memory_space<vmem>>) target(%dma_start3A_217 : memref<1048592xf32, #tpu.memory_space<vmem_shared>>) offsets(%dma_start3A_215 : memref<128xi32, #tpu.memory_space<vmem>>) semaphore(%arg12 : memref<!tpu.dma_semaphore, #tpu.memory_space<semaphore_mem>>) {add = true}
    %dma_start3A_218 = arith.constant 0 : i32
    %dma_start3A_219 = arith.constant 16 : i32
    %dma_start3A_220 = arith.constant 2048 : i32
    %dma_start3A_221 = tpu.memref_slice %arg8[%dma_start3A_220] : memref<4096xf32, #tpu.memory_space<vmem>> -> memref<128xf32, #tpu.memory_space<vmem>>
    %dma_start3A_222 = arith.constant 0 : i32
    %dma_start3A_223 = tpu.memref_slice %arg9[%dma_start3A_218, %dma_start3A_219, %dma_start3A_222] : memref<2x32x128xi32, #tpu.memory_space<vmem>> -> memref<1x1x128xi32, #tpu.memory_space<vmem>>
    %dma_start3A_224 = tpu.memref_squeeze %dma_start3A_223 : memref<1x1x128xi32, #tpu.memory_space<vmem>> -> memref<128xi32, #tpu.memory_space<vmem>>
    %dma_start3A_225 = arith.constant 0 : i32
    %dma_start3A_226 = tpu.memref_slice %arg11[%dma_start3A_225] : memref<1048592xf32, #tpu.memory_space<vmem_shared>> -> memref<1048592xf32, #tpu.memory_space<vmem_shared>>
    tpu.enqueue_indirect_dma source(%dma_start3A_221 : memref<128xf32, #tpu.memory_space<vmem>>) target(%dma_start3A_226 : memref<1048592xf32, #tpu.memory_space<vmem_shared>>) offsets(%dma_start3A_224 : memref<128xi32, #tpu.memory_space<vmem>>) semaphore(%arg12 : memref<!tpu.dma_semaphore, #tpu.memory_space<semaphore_mem>>) {add = true}
    %dma_start3A_227 = arith.constant 0 : i32
    %dma_start3A_228 = arith.constant 17 : i32
    %dma_start3A_229 = arith.constant 2176 : i32
    %dma_start3A_230 = tpu.memref_slice %arg8[%dma_start3A_229] : memref<4096xf32, #tpu.memory_space<vmem>> -> memref<128xf32, #tpu.memory_space<vmem>>
    %dma_start3A_231 = arith.constant 0 : i32
    %dma_start3A_232 = tpu.memref_slice %arg9[%dma_start3A_227, %dma_start3A_228, %dma_start3A_231] : memref<2x32x128xi32, #tpu.memory_space<vmem>> -> memref<1x1x128xi32, #tpu.memory_space<vmem>>
    %dma_start3A_233 = tpu.memref_squeeze %dma_start3A_232 : memref<1x1x128xi32, #tpu.memory_space<vmem>> -> memref<128xi32, #tpu.memory_space<vmem>>
    %dma_start3A_234 = arith.constant 0 : i32
    %dma_start3A_235 = tpu.memref_slice %arg11[%dma_start3A_234] : memref<1048592xf32, #tpu.memory_space<vmem_shared>> -> memref<1048592xf32, #tpu.memory_space<vmem_shared>>
    tpu.enqueue_indirect_dma source(%dma_start3A_230 : memref<128xf32, #tpu.memory_space<vmem>>) target(%dma_start3A_235 : memref<1048592xf32, #tpu.memory_space<vmem_shared>>) offsets(%dma_start3A_233 : memref<128xi32, #tpu.memory_space<vmem>>) semaphore(%arg12 : memref<!tpu.dma_semaphore, #tpu.memory_space<semaphore_mem>>) {add = true}
    %dma_start3A_236 = arith.constant 0 : i32
    %dma_start3A_237 = arith.constant 18 : i32
    %dma_start3A_238 = arith.constant 2304 : i32
    %dma_start3A_239 = tpu.memref_slice %arg8[%dma_start3A_238] : memref<4096xf32, #tpu.memory_space<vmem>> -> memref<128xf32, #tpu.memory_space<vmem>>
    %dma_start3A_240 = arith.constant 0 : i32
    %dma_start3A_241 = tpu.memref_slice %arg9[%dma_start3A_236, %dma_start3A_237, %dma_start3A_240] : memref<2x32x128xi32, #tpu.memory_space<vmem>> -> memref<1x1x128xi32, #tpu.memory_space<vmem>>
    %dma_start3A_242 = tpu.memref_squeeze %dma_start3A_241 : memref<1x1x128xi32, #tpu.memory_space<vmem>> -> memref<128xi32, #tpu.memory_space<vmem>>
    %dma_start3A_243 = arith.constant 0 : i32
    %dma_start3A_244 = tpu.memref_slice %arg11[%dma_start3A_243] : memref<1048592xf32, #tpu.memory_space<vmem_shared>> -> memref<1048592xf32, #tpu.memory_space<vmem_shared>>
    tpu.enqueue_indirect_dma source(%dma_start3A_239 : memref<128xf32, #tpu.memory_space<vmem>>) target(%dma_start3A_244 : memref<1048592xf32, #tpu.memory_space<vmem_shared>>) offsets(%dma_start3A_242 : memref<128xi32, #tpu.memory_space<vmem>>) semaphore(%arg12 : memref<!tpu.dma_semaphore, #tpu.memory_space<semaphore_mem>>) {add = true}
    %dma_start3A_245 = arith.constant 0 : i32
    %dma_start3A_246 = arith.constant 19 : i32
    %dma_start3A_247 = arith.constant 2432 : i32
    %dma_start3A_248 = tpu.memref_slice %arg8[%dma_start3A_247] : memref<4096xf32, #tpu.memory_space<vmem>> -> memref<128xf32, #tpu.memory_space<vmem>>
    %dma_start3A_249 = arith.constant 0 : i32
    %dma_start3A_250 = tpu.memref_slice %arg9[%dma_start3A_245, %dma_start3A_246, %dma_start3A_249] : memref<2x32x128xi32, #tpu.memory_space<vmem>> -> memref<1x1x128xi32, #tpu.memory_space<vmem>>
    %dma_start3A_251 = tpu.memref_squeeze %dma_start3A_250 : memref<1x1x128xi32, #tpu.memory_space<vmem>> -> memref<128xi32, #tpu.memory_space<vmem>>
    %dma_start3A_252 = arith.constant 0 : i32
    %dma_start3A_253 = tpu.memref_slice %arg11[%dma_start3A_252] : memref<1048592xf32, #tpu.memory_space<vmem_shared>> -> memref<1048592xf32, #tpu.memory_space<vmem_shared>>
    tpu.enqueue_indirect_dma source(%dma_start3A_248 : memref<128xf32, #tpu.memory_space<vmem>>) target(%dma_start3A_253 : memref<1048592xf32, #tpu.memory_space<vmem_shared>>) offsets(%dma_start3A_251 : memref<128xi32, #tpu.memory_space<vmem>>) semaphore(%arg12 : memref<!tpu.dma_semaphore, #tpu.memory_space<semaphore_mem>>) {add = true}
    %dma_start3A_254 = arith.constant 0 : i32
    %dma_start3A_255 = arith.constant 20 : i32
    %dma_start3A_256 = arith.constant 2560 : i32
    %dma_start3A_257 = tpu.memref_slice %arg8[%dma_start3A_256] : memref<4096xf32, #tpu.memory_space<vmem>> -> memref<128xf32, #tpu.memory_space<vmem>>
    %dma_start3A_258 = arith.constant 0 : i32
    %dma_start3A_259 = tpu.memref_slice %arg9[%dma_start3A_254, %dma_start3A_255, %dma_start3A_258] : memref<2x32x128xi32, #tpu.memory_space<vmem>> -> memref<1x1x128xi32, #tpu.memory_space<vmem>>
    %dma_start3A_260 = tpu.memref_squeeze %dma_start3A_259 : memref<1x1x128xi32, #tpu.memory_space<vmem>> -> memref<128xi32, #tpu.memory_space<vmem>>
    %dma_start3A_261 = arith.constant 0 : i32
    %dma_start3A_262 = tpu.memref_slice %arg11[%dma_start3A_261] : memref<1048592xf32, #tpu.memory_space<vmem_shared>> -> memref<1048592xf32, #tpu.memory_space<vmem_shared>>
    tpu.enqueue_indirect_dma source(%dma_start3A_257 : memref<128xf32, #tpu.memory_space<vmem>>) target(%dma_start3A_262 : memref<1048592xf32, #tpu.memory_space<vmem_shared>>) offsets(%dma_start3A_260 : memref<128xi32, #tpu.memory_space<vmem>>) semaphore(%arg12 : memref<!tpu.dma_semaphore, #tpu.memory_space<semaphore_mem>>) {add = true}
    %dma_start3A_263 = arith.constant 0 : i32
    %dma_start3A_264 = arith.constant 21 : i32
    %dma_start3A_265 = arith.constant 2688 : i32
    %dma_start3A_266 = tpu.memref_slice %arg8[%dma_start3A_265] : memref<4096xf32, #tpu.memory_space<vmem>> -> memref<128xf32, #tpu.memory_space<vmem>>
    %dma_start3A_267 = arith.constant 0 : i32
    %dma_start3A_268 = tpu.memref_slice %arg9[%dma_start3A_263, %dma_start3A_264, %dma_start3A_267] : memref<2x32x128xi32, #tpu.memory_space<vmem>> -> memref<1x1x128xi32, #tpu.memory_space<vmem>>
    %dma_start3A_269 = tpu.memref_squeeze %dma_start3A_268 : memref<1x1x128xi32, #tpu.memory_space<vmem>> -> memref<128xi32, #tpu.memory_space<vmem>>
    %dma_start3A_270 = arith.constant 0 : i32
    %dma_start3A_271 = tpu.memref_slice %arg11[%dma_start3A_270] : memref<1048592xf32, #tpu.memory_space<vmem_shared>> -> memref<1048592xf32, #tpu.memory_space<vmem_shared>>
    tpu.enqueue_indirect_dma source(%dma_start3A_266 : memref<128xf32, #tpu.memory_space<vmem>>) target(%dma_start3A_271 : memref<1048592xf32, #tpu.memory_space<vmem_shared>>) offsets(%dma_start3A_269 : memref<128xi32, #tpu.memory_space<vmem>>) semaphore(%arg12 : memref<!tpu.dma_semaphore, #tpu.memory_space<semaphore_mem>>) {add = true}
    %dma_start3A_272 = arith.constant 0 : i32
    %dma_start3A_273 = arith.constant 22 : i32
    %dma_start3A_274 = arith.constant 2816 : i32
    %dma_start3A_275 = tpu.memref_slice %arg8[%dma_start3A_274] : memref<4096xf32, #tpu.memory_space<vmem>> -> memref<128xf32, #tpu.memory_space<vmem>>
    %dma_start3A_276 = arith.constant 0 : i32
    %dma_start3A_277 = tpu.memref_slice %arg9[%dma_start3A_272, %dma_start3A_273, %dma_start3A_276] : memref<2x32x128xi32, #tpu.memory_space<vmem>> -> memref<1x1x128xi32, #tpu.memory_space<vmem>>
    %dma_start3A_278 = tpu.memref_squeeze %dma_start3A_277 : memref<1x1x128xi32, #tpu.memory_space<vmem>> -> memref<128xi32, #tpu.memory_space<vmem>>
    %dma_start3A_279 = arith.constant 0 : i32
    %dma_start3A_280 = tpu.memref_slice %arg11[%dma_start3A_279] : memref<1048592xf32, #tpu.memory_space<vmem_shared>> -> memref<1048592xf32, #tpu.memory_space<vmem_shared>>
    tpu.enqueue_indirect_dma source(%dma_start3A_275 : memref<128xf32, #tpu.memory_space<vmem>>) target(%dma_start3A_280 : memref<1048592xf32, #tpu.memory_space<vmem_shared>>) offsets(%dma_start3A_278 : memref<128xi32, #tpu.memory_space<vmem>>) semaphore(%arg12 : memref<!tpu.dma_semaphore, #tpu.memory_space<semaphore_mem>>) {add = true}
    %dma_start3A_281 = arith.constant 0 : i32
    %dma_start3A_282 = arith.constant 23 : i32
    %dma_start3A_283 = arith.constant 2944 : i32
    %dma_start3A_284 = tpu.memref_slice %arg8[%dma_start3A_283] : memref<4096xf32, #tpu.memory_space<vmem>> -> memref<128xf32, #tpu.memory_space<vmem>>
    %dma_start3A_285 = arith.constant 0 : i32
    %dma_start3A_286 = tpu.memref_slice %arg9[%dma_start3A_281, %dma_start3A_282, %dma_start3A_285] : memref<2x32x128xi32, #tpu.memory_space<vmem>> -> memref<1x1x128xi32, #tpu.memory_space<vmem>>
    %dma_start3A_287 = tpu.memref_squeeze %dma_start3A_286 : memref<1x1x128xi32, #tpu.memory_space<vmem>> -> memref<128xi32, #tpu.memory_space<vmem>>
    %dma_start3A_288 = arith.constant 0 : i32
    %dma_start3A_289 = tpu.memref_slice %arg11[%dma_start3A_288] : memref<1048592xf32, #tpu.memory_space<vmem_shared>> -> memref<1048592xf32, #tpu.memory_space<vmem_shared>>
    tpu.enqueue_indirect_dma source(%dma_start3A_284 : memref<128xf32, #tpu.memory_space<vmem>>) target(%dma_start3A_289 : memref<1048592xf32, #tpu.memory_space<vmem_shared>>) offsets(%dma_start3A_287 : memref<128xi32, #tpu.memory_space<vmem>>) semaphore(%arg12 : memref<!tpu.dma_semaphore, #tpu.memory_space<semaphore_mem>>) {add = true}
    %dma_start3A_290 = arith.constant 0 : i32
    %dma_start3A_291 = arith.constant 24 : i32
    %dma_start3A_292 = arith.constant 3072 : i32
    %dma_start3A_293 = tpu.memref_slice %arg8[%dma_start3A_292] : memref<4096xf32, #tpu.memory_space<vmem>> -> memref<128xf32, #tpu.memory_space<vmem>>
    %dma_start3A_294 = arith.constant 0 : i32
    %dma_start3A_295 = tpu.memref_slice %arg9[%dma_start3A_290, %dma_start3A_291, %dma_start3A_294] : memref<2x32x128xi32, #tpu.memory_space<vmem>> -> memref<1x1x128xi32, #tpu.memory_space<vmem>>
    %dma_start3A_296 = tpu.memref_squeeze %dma_start3A_295 : memref<1x1x128xi32, #tpu.memory_space<vmem>> -> memref<128xi32, #tpu.memory_space<vmem>>
    %dma_start3A_297 = arith.constant 0 : i32
    %dma_start3A_298 = tpu.memref_slice %arg11[%dma_start3A_297] : memref<1048592xf32, #tpu.memory_space<vmem_shared>> -> memref<1048592xf32, #tpu.memory_space<vmem_shared>>
    tpu.enqueue_indirect_dma source(%dma_start3A_293 : memref<128xf32, #tpu.memory_space<vmem>>) target(%dma_start3A_298 : memref<1048592xf32, #tpu.memory_space<vmem_shared>>) offsets(%dma_start3A_296 : memref<128xi32, #tpu.memory_space<vmem>>) semaphore(%arg12 : memref<!tpu.dma_semaphore, #tpu.memory_space<semaphore_mem>>) {add = true}
    %dma_start3A_299 = arith.constant 0 : i32
    %dma_start3A_300 = arith.constant 25 : i32
    %dma_start3A_301 = arith.constant 3200 : i32
    %dma_start3A_302 = tpu.memref_slice %arg8[%dma_start3A_301] : memref<4096xf32, #tpu.memory_space<vmem>> -> memref<128xf32, #tpu.memory_space<vmem>>
    %dma_start3A_303 = arith.constant 0 : i32
    %dma_start3A_304 = tpu.memref_slice %arg9[%dma_start3A_299, %dma_start3A_300, %dma_start3A_303] : memref<2x32x128xi32, #tpu.memory_space<vmem>> -> memref<1x1x128xi32, #tpu.memory_space<vmem>>
    %dma_start3A_305 = tpu.memref_squeeze %dma_start3A_304 : memref<1x1x128xi32, #tpu.memory_space<vmem>> -> memref<128xi32, #tpu.memory_space<vmem>>
    %dma_start3A_306 = arith.constant 0 : i32
    %dma_start3A_307 = tpu.memref_slice %arg11[%dma_start3A_306] : memref<1048592xf32, #tpu.memory_space<vmem_shared>> -> memref<1048592xf32, #tpu.memory_space<vmem_shared>>
    tpu.enqueue_indirect_dma source(%dma_start3A_302 : memref<128xf32, #tpu.memory_space<vmem>>) target(%dma_start3A_307 : memref<1048592xf32, #tpu.memory_space<vmem_shared>>) offsets(%dma_start3A_305 : memref<128xi32, #tpu.memory_space<vmem>>) semaphore(%arg12 : memref<!tpu.dma_semaphore, #tpu.memory_space<semaphore_mem>>) {add = true}
    %dma_start3A_308 = arith.constant 0 : i32
    %dma_start3A_309 = arith.constant 26 : i32
    %dma_start3A_310 = arith.constant 3328 : i32
    %dma_start3A_311 = tpu.memref_slice %arg8[%dma_start3A_310] : memref<4096xf32, #tpu.memory_space<vmem>> -> memref<128xf32, #tpu.memory_space<vmem>>
    %dma_start3A_312 = arith.constant 0 : i32
    %dma_start3A_313 = tpu.memref_slice %arg9[%dma_start3A_308, %dma_start3A_309, %dma_start3A_312] : memref<2x32x128xi32, #tpu.memory_space<vmem>> -> memref<1x1x128xi32, #tpu.memory_space<vmem>>
    %dma_start3A_314 = tpu.memref_squeeze %dma_start3A_313 : memref<1x1x128xi32, #tpu.memory_space<vmem>> -> memref<128xi32, #tpu.memory_space<vmem>>
    %dma_start3A_315 = arith.constant 0 : i32
    %dma_start3A_316 = tpu.memref_slice %arg11[%dma_start3A_315] : memref<1048592xf32, #tpu.memory_space<vmem_shared>> -> memref<1048592xf32, #tpu.memory_space<vmem_shared>>
    tpu.enqueue_indirect_dma source(%dma_start3A_311 : memref<128xf32, #tpu.memory_space<vmem>>) target(%dma_start3A_316 : memref<1048592xf32, #tpu.memory_space<vmem_shared>>) offsets(%dma_start3A_314 : memref<128xi32, #tpu.memory_space<vmem>>) semaphore(%arg12 : memref<!tpu.dma_semaphore, #tpu.memory_space<semaphore_mem>>) {add = true}
    %dma_start3A_317 = arith.constant 0 : i32
    %dma_start3A_318 = arith.constant 27 : i32
    %dma_start3A_319 = arith.constant 3456 : i32
    %dma_start3A_320 = tpu.memref_slice %arg8[%dma_start3A_319] : memref<4096xf32, #tpu.memory_space<vmem>> -> memref<128xf32, #tpu.memory_space<vmem>>
    %dma_start3A_321 = arith.constant 0 : i32
    %dma_start3A_322 = tpu.memref_slice %arg9[%dma_start3A_317, %dma_start3A_318, %dma_start3A_321] : memref<2x32x128xi32, #tpu.memory_space<vmem>> -> memref<1x1x128xi32, #tpu.memory_space<vmem>>
    %dma_start3A_323 = tpu.memref_squeeze %dma_start3A_322 : memref<1x1x128xi32, #tpu.memory_space<vmem>> -> memref<128xi32, #tpu.memory_space<vmem>>
    %dma_start3A_324 = arith.constant 0 : i32
    %dma_start3A_325 = tpu.memref_slice %arg11[%dma_start3A_324] : memref<1048592xf32, #tpu.memory_space<vmem_shared>> -> memref<1048592xf32, #tpu.memory_space<vmem_shared>>
    tpu.enqueue_indirect_dma source(%dma_start3A_320 : memref<128xf32, #tpu.memory_space<vmem>>) target(%dma_start3A_325 : memref<1048592xf32, #tpu.memory_space<vmem_shared>>) offsets(%dma_start3A_323 : memref<128xi32, #tpu.memory_space<vmem>>) semaphore(%arg12 : memref<!tpu.dma_semaphore, #tpu.memory_space<semaphore_mem>>) {add = true}
    %dma_start3A_326 = arith.constant 0 : i32
    %dma_start3A_327 = arith.constant 28 : i32
    %dma_start3A_328 = arith.constant 3584 : i32
    %dma_start3A_329 = tpu.memref_slice %arg8[%dma_start3A_328] : memref<4096xf32, #tpu.memory_space<vmem>> -> memref<128xf32, #tpu.memory_space<vmem>>
    %dma_start3A_330 = arith.constant 0 : i32
    %dma_start3A_331 = tpu.memref_slice %arg9[%dma_start3A_326, %dma_start3A_327, %dma_start3A_330] : memref<2x32x128xi32, #tpu.memory_space<vmem>> -> memref<1x1x128xi32, #tpu.memory_space<vmem>>
    %dma_start3A_332 = tpu.memref_squeeze %dma_start3A_331 : memref<1x1x128xi32, #tpu.memory_space<vmem>> -> memref<128xi32, #tpu.memory_space<vmem>>
    %dma_start3A_333 = arith.constant 0 : i32
    %dma_start3A_334 = tpu.memref_slice %arg11[%dma_start3A_333] : memref<1048592xf32, #tpu.memory_space<vmem_shared>> -> memref<1048592xf32, #tpu.memory_space<vmem_shared>>
    tpu.enqueue_indirect_dma source(%dma_start3A_329 : memref<128xf32, #tpu.memory_space<vmem>>) target(%dma_start3A_334 : memref<1048592xf32, #tpu.memory_space<vmem_shared>>) offsets(%dma_start3A_332 : memref<128xi32, #tpu.memory_space<vmem>>) semaphore(%arg12 : memref<!tpu.dma_semaphore, #tpu.memory_space<semaphore_mem>>) {add = true}
    %dma_start3A_335 = arith.constant 0 : i32
    %dma_start3A_336 = arith.constant 29 : i32
    %dma_start3A_337 = arith.constant 3712 : i32
    %dma_start3A_338 = tpu.memref_slice %arg8[%dma_start3A_337] : memref<4096xf32, #tpu.memory_space<vmem>> -> memref<128xf32, #tpu.memory_space<vmem>>
    %dma_start3A_339 = arith.constant 0 : i32
    %dma_start3A_340 = tpu.memref_slice %arg9[%dma_start3A_335, %dma_start3A_336, %dma_start3A_339] : memref<2x32x128xi32, #tpu.memory_space<vmem>> -> memref<1x1x128xi32, #tpu.memory_space<vmem>>
    %dma_start3A_341 = tpu.memref_squeeze %dma_start3A_340 : memref<1x1x128xi32, #tpu.memory_space<vmem>> -> memref<128xi32, #tpu.memory_space<vmem>>
    %dma_start3A_342 = arith.constant 0 : i32
    %dma_start3A_343 = tpu.memref_slice %arg11[%dma_start3A_342] : memref<1048592xf32, #tpu.memory_space<vmem_shared>> -> memref<1048592xf32, #tpu.memory_space<vmem_shared>>
    tpu.enqueue_indirect_dma source(%dma_start3A_338 : memref<128xf32, #tpu.memory_space<vmem>>) target(%dma_start3A_343 : memref<1048592xf32, #tpu.memory_space<vmem_shared>>) offsets(%dma_start3A_341 : memref<128xi32, #tpu.memory_space<vmem>>) semaphore(%arg12 : memref<!tpu.dma_semaphore, #tpu.memory_space<semaphore_mem>>) {add = true}
    %dma_start3A_344 = arith.constant 0 : i32
    %dma_start3A_345 = arith.constant 30 : i32
    %dma_start3A_346 = arith.constant 3840 : i32
    %dma_start3A_347 = tpu.memref_slice %arg8[%dma_start3A_346] : memref<4096xf32, #tpu.memory_space<vmem>> -> memref<128xf32, #tpu.memory_space<vmem>>
    %dma_start3A_348 = arith.constant 0 : i32
    %dma_start3A_349 = tpu.memref_slice %arg9[%dma_start3A_344, %dma_start3A_345, %dma_start3A_348] : memref<2x32x128xi32, #tpu.memory_space<vmem>> -> memref<1x1x128xi32, #tpu.memory_space<vmem>>
    %dma_start3A_350 = tpu.memref_squeeze %dma_start3A_349 : memref<1x1x128xi32, #tpu.memory_space<vmem>> -> memref<128xi32, #tpu.memory_space<vmem>>
    %dma_start3A_351 = arith.constant 0 : i32
    %dma_start3A_352 = tpu.memref_slice %arg11[%dma_start3A_351] : memref<1048592xf32, #tpu.memory_space<vmem_shared>> -> memref<1048592xf32, #tpu.memory_space<vmem_shared>>
    tpu.enqueue_indirect_dma source(%dma_start3A_347 : memref<128xf32, #tpu.memory_space<vmem>>) target(%dma_start3A_352 : memref<1048592xf32, #tpu.memory_space<vmem_shared>>) offsets(%dma_start3A_350 : memref<128xi32, #tpu.memory_space<vmem>>) semaphore(%arg12 : memref<!tpu.dma_semaphore, #tpu.memory_space<semaphore_mem>>) {add = true}
    %dma_start3A_353 = arith.constant 0 : i32
    %dma_start3A_354 = arith.constant 31 : i32
    %dma_start3A_355 = arith.constant 3968 : i32
    %dma_start3A_356 = tpu.memref_slice %arg8[%dma_start3A_355] : memref<4096xf32, #tpu.memory_space<vmem>> -> memref<128xf32, #tpu.memory_space<vmem>>
    %dma_start3A_357 = arith.constant 0 : i32
    %dma_start3A_358 = tpu.memref_slice %arg9[%dma_start3A_353, %dma_start3A_354, %dma_start3A_357] : memref<2x32x128xi32, #tpu.memory_space<vmem>> -> memref<1x1x128xi32, #tpu.memory_space<vmem>>
    %dma_start3A_359 = tpu.memref_squeeze %dma_start3A_358 : memref<1x1x128xi32, #tpu.memory_space<vmem>> -> memref<128xi32, #tpu.memory_space<vmem>>
    %dma_start3A_360 = arith.constant 0 : i32
    %dma_start3A_361 = tpu.memref_slice %arg11[%dma_start3A_360] : memref<1048592xf32, #tpu.memory_space<vmem_shared>> -> memref<1048592xf32, #tpu.memory_space<vmem_shared>>
    tpu.enqueue_indirect_dma source(%dma_start3A_356 : memref<128xf32, #tpu.memory_space<vmem>>) target(%dma_start3A_361 : memref<1048592xf32, #tpu.memory_space<vmem_shared>>) offsets(%dma_start3A_359 : memref<128xi32, #tpu.memory_space<vmem>>) semaphore(%arg12 : memref<!tpu.dma_semaphore, #tpu.memory_space<semaphore_mem>>) {add = true}
    %dma_wait3A_362 = arith.constant 0 : i32
    %dma_wait3A_363 = arith.constant 0 : i32
    %dma_wait3A_364 = arith.constant 0 : i32
    %dma_wait3A_365 = tpu.memref_slice %arg8[%dma_wait3A_364] : memref<4096xf32, #tpu.memory_space<vmem>> -> memref<128xf32, #tpu.memory_space<vmem>>
    %dma_wait3A_366 = arith.constant 0 : i32
    %dma_wait3A_367 = tpu.memref_slice %arg9[%dma_wait3A_362, %dma_wait3A_363, %dma_wait3A_366] : memref<2x32x128xi32, #tpu.memory_space<vmem>> -> memref<1x1x128xi32, #tpu.memory_space<vmem>>
    %dma_wait3A_368 = tpu.memref_squeeze %dma_wait3A_367 : memref<1x1x128xi32, #tpu.memory_space<vmem>> -> memref<128xi32, #tpu.memory_space<vmem>>
    %dma_wait3A_369 = arith.constant 0 : i32
    %dma_wait3A_370 = tpu.memref_slice %arg11[%dma_wait3A_369] : memref<1048592xf32, #tpu.memory_space<vmem_shared>> -> memref<1048592xf32, #tpu.memory_space<vmem_shared>>
    tpu.wait_indirect_dma semaphore(%arg12 : memref<!tpu.dma_semaphore, #tpu.memory_space<semaphore_mem>>) src(%dma_wait3A_365 : memref<128xf32, #tpu.memory_space<vmem>>) dst(%dma_wait3A_370 : memref<1048592xf32, #tpu.memory_space<vmem_shared>>)
    %dma_wait3A_371 = arith.constant 0 : i32
    %dma_wait3A_372 = arith.constant 1 : i32
    %dma_wait3A_373 = arith.constant 128 : i32
    %dma_wait3A_374 = tpu.memref_slice %arg8[%dma_wait3A_373] : memref<4096xf32, #tpu.memory_space<vmem>> -> memref<128xf32, #tpu.memory_space<vmem>>
    %dma_wait3A_375 = arith.constant 0 : i32
    %dma_wait3A_376 = tpu.memref_slice %arg9[%dma_wait3A_371, %dma_wait3A_372, %dma_wait3A_375] : memref<2x32x128xi32, #tpu.memory_space<vmem>> -> memref<1x1x128xi32, #tpu.memory_space<vmem>>
    %dma_wait3A_377 = tpu.memref_squeeze %dma_wait3A_376 : memref<1x1x128xi32, #tpu.memory_space<vmem>> -> memref<128xi32, #tpu.memory_space<vmem>>
    %dma_wait3A_378 = arith.constant 0 : i32
    %dma_wait3A_379 = tpu.memref_slice %arg11[%dma_wait3A_378] : memref<1048592xf32, #tpu.memory_space<vmem_shared>> -> memref<1048592xf32, #tpu.memory_space<vmem_shared>>
    tpu.wait_indirect_dma semaphore(%arg12 : memref<!tpu.dma_semaphore, #tpu.memory_space<semaphore_mem>>) src(%dma_wait3A_374 : memref<128xf32, #tpu.memory_space<vmem>>) dst(%dma_wait3A_379 : memref<1048592xf32, #tpu.memory_space<vmem_shared>>)
    %dma_wait3A_380 = arith.constant 0 : i32
    %dma_wait3A_381 = arith.constant 2 : i32
    %dma_wait3A_382 = arith.constant 256 : i32
    %dma_wait3A_383 = tpu.memref_slice %arg8[%dma_wait3A_382] : memref<4096xf32, #tpu.memory_space<vmem>> -> memref<128xf32, #tpu.memory_space<vmem>>
    %dma_wait3A_384 = arith.constant 0 : i32
    %dma_wait3A_385 = tpu.memref_slice %arg9[%dma_wait3A_380, %dma_wait3A_381, %dma_wait3A_384] : memref<2x32x128xi32, #tpu.memory_space<vmem>> -> memref<1x1x128xi32, #tpu.memory_space<vmem>>
    %dma_wait3A_386 = tpu.memref_squeeze %dma_wait3A_385 : memref<1x1x128xi32, #tpu.memory_space<vmem>> -> memref<128xi32, #tpu.memory_space<vmem>>
    %dma_wait3A_387 = arith.constant 0 : i32
    %dma_wait3A_388 = tpu.memref_slice %arg11[%dma_wait3A_387] : memref<1048592xf32, #tpu.memory_space<vmem_shared>> -> memref<1048592xf32, #tpu.memory_space<vmem_shared>>
    tpu.wait_indirect_dma semaphore(%arg12 : memref<!tpu.dma_semaphore, #tpu.memory_space<semaphore_mem>>) src(%dma_wait3A_383 : memref<128xf32, #tpu.memory_space<vmem>>) dst(%dma_wait3A_388 : memref<1048592xf32, #tpu.memory_space<vmem_shared>>)
    %dma_wait3A_389 = arith.constant 0 : i32
    %dma_wait3A_390 = arith.constant 3 : i32
    %dma_wait3A_391 = arith.constant 384 : i32
    %dma_wait3A_392 = tpu.memref_slice %arg8[%dma_wait3A_391] : memref<4096xf32, #tpu.memory_space<vmem>> -> memref<128xf32, #tpu.memory_space<vmem>>
    %dma_wait3A_393 = arith.constant 0 : i32
    %dma_wait3A_394 = tpu.memref_slice %arg9[%dma_wait3A_389, %dma_wait3A_390, %dma_wait3A_393] : memref<2x32x128xi32, #tpu.memory_space<vmem>> -> memref<1x1x128xi32, #tpu.memory_space<vmem>>
    %dma_wait3A_395 = tpu.memref_squeeze %dma_wait3A_394 : memref<1x1x128xi32, #tpu.memory_space<vmem>> -> memref<128xi32, #tpu.memory_space<vmem>>
    %dma_wait3A_396 = arith.constant 0 : i32
    %dma_wait3A_397 = tpu.memref_slice %arg11[%dma_wait3A_396] : memref<1048592xf32, #tpu.memory_space<vmem_shared>> -> memref<1048592xf32, #tpu.memory_space<vmem_shared>>
    tpu.wait_indirect_dma semaphore(%arg12 : memref<!tpu.dma_semaphore, #tpu.memory_space<semaphore_mem>>) src(%dma_wait3A_392 : memref<128xf32, #tpu.memory_space<vmem>>) dst(%dma_wait3A_397 : memref<1048592xf32, #tpu.memory_space<vmem_shared>>)
    %dma_wait3A_398 = arith.constant 0 : i32
    %dma_wait3A_399 = arith.constant 4 : i32
    %dma_wait3A_400 = arith.constant 512 : i32
    %dma_wait3A_401 = tpu.memref_slice %arg8[%dma_wait3A_400] : memref<4096xf32, #tpu.memory_space<vmem>> -> memref<128xf32, #tpu.memory_space<vmem>>
    %dma_wait3A_402 = arith.constant 0 : i32
    %dma_wait3A_403 = tpu.memref_slice %arg9[%dma_wait3A_398, %dma_wait3A_399, %dma_wait3A_402] : memref<2x32x128xi32, #tpu.memory_space<vmem>> -> memref<1x1x128xi32, #tpu.memory_space<vmem>>
    %dma_wait3A_404 = tpu.memref_squeeze %dma_wait3A_403 : memref<1x1x128xi32, #tpu.memory_space<vmem>> -> memref<128xi32, #tpu.memory_space<vmem>>
    %dma_wait3A_405 = arith.constant 0 : i32
    %dma_wait3A_406 = tpu.memref_slice %arg11[%dma_wait3A_405] : memref<1048592xf32, #tpu.memory_space<vmem_shared>> -> memref<1048592xf32, #tpu.memory_space<vmem_shared>>
    tpu.wait_indirect_dma semaphore(%arg12 : memref<!tpu.dma_semaphore, #tpu.memory_space<semaphore_mem>>) src(%dma_wait3A_401 : memref<128xf32, #tpu.memory_space<vmem>>) dst(%dma_wait3A_406 : memref<1048592xf32, #tpu.memory_space<vmem_shared>>)
    %dma_wait3A_407 = arith.constant 0 : i32
    %dma_wait3A_408 = arith.constant 5 : i32
    %dma_wait3A_409 = arith.constant 640 : i32
    %dma_wait3A_410 = tpu.memref_slice %arg8[%dma_wait3A_409] : memref<4096xf32, #tpu.memory_space<vmem>> -> memref<128xf32, #tpu.memory_space<vmem>>
    %dma_wait3A_411 = arith.constant 0 : i32
    %dma_wait3A_412 = tpu.memref_slice %arg9[%dma_wait3A_407, %dma_wait3A_408, %dma_wait3A_411] : memref<2x32x128xi32, #tpu.memory_space<vmem>> -> memref<1x1x128xi32, #tpu.memory_space<vmem>>
    %dma_wait3A_413 = tpu.memref_squeeze %dma_wait3A_412 : memref<1x1x128xi32, #tpu.memory_space<vmem>> -> memref<128xi32, #tpu.memory_space<vmem>>
    %dma_wait3A_414 = arith.constant 0 : i32
    %dma_wait3A_415 = tpu.memref_slice %arg11[%dma_wait3A_414] : memref<1048592xf32, #tpu.memory_space<vmem_shared>> -> memref<1048592xf32, #tpu.memory_space<vmem_shared>>
    tpu.wait_indirect_dma semaphore(%arg12 : memref<!tpu.dma_semaphore, #tpu.memory_space<semaphore_mem>>) src(%dma_wait3A_410 : memref<128xf32, #tpu.memory_space<vmem>>) dst(%dma_wait3A_415 : memref<1048592xf32, #tpu.memory_space<vmem_shared>>)
    %dma_wait3A_416 = arith.constant 0 : i32
    %dma_wait3A_417 = arith.constant 6 : i32
    %dma_wait3A_418 = arith.constant 768 : i32
    %dma_wait3A_419 = tpu.memref_slice %arg8[%dma_wait3A_418] : memref<4096xf32, #tpu.memory_space<vmem>> -> memref<128xf32, #tpu.memory_space<vmem>>
    %dma_wait3A_420 = arith.constant 0 : i32
    %dma_wait3A_421 = tpu.memref_slice %arg9[%dma_wait3A_416, %dma_wait3A_417, %dma_wait3A_420] : memref<2x32x128xi32, #tpu.memory_space<vmem>> -> memref<1x1x128xi32, #tpu.memory_space<vmem>>
    %dma_wait3A_422 = tpu.memref_squeeze %dma_wait3A_421 : memref<1x1x128xi32, #tpu.memory_space<vmem>> -> memref<128xi32, #tpu.memory_space<vmem>>
    %dma_wait3A_423 = arith.constant 0 : i32
    %dma_wait3A_424 = tpu.memref_slice %arg11[%dma_wait3A_423] : memref<1048592xf32, #tpu.memory_space<vmem_shared>> -> memref<1048592xf32, #tpu.memory_space<vmem_shared>>
    tpu.wait_indirect_dma semaphore(%arg12 : memref<!tpu.dma_semaphore, #tpu.memory_space<semaphore_mem>>) src(%dma_wait3A_419 : memref<128xf32, #tpu.memory_space<vmem>>) dst(%dma_wait3A_424 : memref<1048592xf32, #tpu.memory_space<vmem_shared>>)
    %dma_wait3A_425 = arith.constant 0 : i32
    %dma_wait3A_426 = arith.constant 7 : i32
    %dma_wait3A_427 = arith.constant 896 : i32
    %dma_wait3A_428 = tpu.memref_slice %arg8[%dma_wait3A_427] : memref<4096xf32, #tpu.memory_space<vmem>> -> memref<128xf32, #tpu.memory_space<vmem>>
    %dma_wait3A_429 = arith.constant 0 : i32
    %dma_wait3A_430 = tpu.memref_slice %arg9[%dma_wait3A_425, %dma_wait3A_426, %dma_wait3A_429] : memref<2x32x128xi32, #tpu.memory_space<vmem>> -> memref<1x1x128xi32, #tpu.memory_space<vmem>>
    %dma_wait3A_431 = tpu.memref_squeeze %dma_wait3A_430 : memref<1x1x128xi32, #tpu.memory_space<vmem>> -> memref<128xi32, #tpu.memory_space<vmem>>
    %dma_wait3A_432 = arith.constant 0 : i32
    %dma_wait3A_433 = tpu.memref_slice %arg11[%dma_wait3A_432] : memref<1048592xf32, #tpu.memory_space<vmem_shared>> -> memref<1048592xf32, #tpu.memory_space<vmem_shared>>
    tpu.wait_indirect_dma semaphore(%arg12 : memref<!tpu.dma_semaphore, #tpu.memory_space<semaphore_mem>>) src(%dma_wait3A_428 : memref<128xf32, #tpu.memory_space<vmem>>) dst(%dma_wait3A_433 : memref<1048592xf32, #tpu.memory_space<vmem_shared>>)
    %dma_wait3A_434 = arith.constant 0 : i32
    %dma_wait3A_435 = arith.constant 8 : i32
    %dma_wait3A_436 = arith.constant 1024 : i32
    %dma_wait3A_437 = tpu.memref_slice %arg8[%dma_wait3A_436] : memref<4096xf32, #tpu.memory_space<vmem>> -> memref<128xf32, #tpu.memory_space<vmem>>
    %dma_wait3A_438 = arith.constant 0 : i32
    %dma_wait3A_439 = tpu.memref_slice %arg9[%dma_wait3A_434, %dma_wait3A_435, %dma_wait3A_438] : memref<2x32x128xi32, #tpu.memory_space<vmem>> -> memref<1x1x128xi32, #tpu.memory_space<vmem>>
    %dma_wait3A_440 = tpu.memref_squeeze %dma_wait3A_439 : memref<1x1x128xi32, #tpu.memory_space<vmem>> -> memref<128xi32, #tpu.memory_space<vmem>>
    %dma_wait3A_441 = arith.constant 0 : i32
    %dma_wait3A_442 = tpu.memref_slice %arg11[%dma_wait3A_441] : memref<1048592xf32, #tpu.memory_space<vmem_shared>> -> memref<1048592xf32, #tpu.memory_space<vmem_shared>>
    tpu.wait_indirect_dma semaphore(%arg12 : memref<!tpu.dma_semaphore, #tpu.memory_space<semaphore_mem>>) src(%dma_wait3A_437 : memref<128xf32, #tpu.memory_space<vmem>>) dst(%dma_wait3A_442 : memref<1048592xf32, #tpu.memory_space<vmem_shared>>)
    %dma_wait3A_443 = arith.constant 0 : i32
    %dma_wait3A_444 = arith.constant 9 : i32
    %dma_wait3A_445 = arith.constant 1152 : i32
    %dma_wait3A_446 = tpu.memref_slice %arg8[%dma_wait3A_445] : memref<4096xf32, #tpu.memory_space<vmem>> -> memref<128xf32, #tpu.memory_space<vmem>>
    %dma_wait3A_447 = arith.constant 0 : i32
    %dma_wait3A_448 = tpu.memref_slice %arg9[%dma_wait3A_443, %dma_wait3A_444, %dma_wait3A_447] : memref<2x32x128xi32, #tpu.memory_space<vmem>> -> memref<1x1x128xi32, #tpu.memory_space<vmem>>
    %dma_wait3A_449 = tpu.memref_squeeze %dma_wait3A_448 : memref<1x1x128xi32, #tpu.memory_space<vmem>> -> memref<128xi32, #tpu.memory_space<vmem>>
    %dma_wait3A_450 = arith.constant 0 : i32
    %dma_wait3A_451 = tpu.memref_slice %arg11[%dma_wait3A_450] : memref<1048592xf32, #tpu.memory_space<vmem_shared>> -> memref<1048592xf32, #tpu.memory_space<vmem_shared>>
    tpu.wait_indirect_dma semaphore(%arg12 : memref<!tpu.dma_semaphore, #tpu.memory_space<semaphore_mem>>) src(%dma_wait3A_446 : memref<128xf32, #tpu.memory_space<vmem>>) dst(%dma_wait3A_451 : memref<1048592xf32, #tpu.memory_space<vmem_shared>>)
    %dma_wait3A_452 = arith.constant 0 : i32
    %dma_wait3A_453 = arith.constant 10 : i32
    %dma_wait3A_454 = arith.constant 1280 : i32
    %dma_wait3A_455 = tpu.memref_slice %arg8[%dma_wait3A_454] : memref<4096xf32, #tpu.memory_space<vmem>> -> memref<128xf32, #tpu.memory_space<vmem>>
    %dma_wait3A_456 = arith.constant 0 : i32
    %dma_wait3A_457 = tpu.memref_slice %arg9[%dma_wait3A_452, %dma_wait3A_453, %dma_wait3A_456] : memref<2x32x128xi32, #tpu.memory_space<vmem>> -> memref<1x1x128xi32, #tpu.memory_space<vmem>>
    %dma_wait3A_458 = tpu.memref_squeeze %dma_wait3A_457 : memref<1x1x128xi32, #tpu.memory_space<vmem>> -> memref<128xi32, #tpu.memory_space<vmem>>
    %dma_wait3A_459 = arith.constant 0 : i32
    %dma_wait3A_460 = tpu.memref_slice %arg11[%dma_wait3A_459] : memref<1048592xf32, #tpu.memory_space<vmem_shared>> -> memref<1048592xf32, #tpu.memory_space<vmem_shared>>
    tpu.wait_indirect_dma semaphore(%arg12 : memref<!tpu.dma_semaphore, #tpu.memory_space<semaphore_mem>>) src(%dma_wait3A_455 : memref<128xf32, #tpu.memory_space<vmem>>) dst(%dma_wait3A_460 : memref<1048592xf32, #tpu.memory_space<vmem_shared>>)
    %dma_wait3A_461 = arith.constant 0 : i32
    %dma_wait3A_462 = arith.constant 11 : i32
    %dma_wait3A_463 = arith.constant 1408 : i32
    %dma_wait3A_464 = tpu.memref_slice %arg8[%dma_wait3A_463] : memref<4096xf32, #tpu.memory_space<vmem>> -> memref<128xf32, #tpu.memory_space<vmem>>
    %dma_wait3A_465 = arith.constant 0 : i32
    %dma_wait3A_466 = tpu.memref_slice %arg9[%dma_wait3A_461, %dma_wait3A_462, %dma_wait3A_465] : memref<2x32x128xi32, #tpu.memory_space<vmem>> -> memref<1x1x128xi32, #tpu.memory_space<vmem>>
    %dma_wait3A_467 = tpu.memref_squeeze %dma_wait3A_466 : memref<1x1x128xi32, #tpu.memory_space<vmem>> -> memref<128xi32, #tpu.memory_space<vmem>>
    %dma_wait3A_468 = arith.constant 0 : i32
    %dma_wait3A_469 = tpu.memref_slice %arg11[%dma_wait3A_468] : memref<1048592xf32, #tpu.memory_space<vmem_shared>> -> memref<1048592xf32, #tpu.memory_space<vmem_shared>>
    tpu.wait_indirect_dma semaphore(%arg12 : memref<!tpu.dma_semaphore, #tpu.memory_space<semaphore_mem>>) src(%dma_wait3A_464 : memref<128xf32, #tpu.memory_space<vmem>>) dst(%dma_wait3A_469 : memref<1048592xf32, #tpu.memory_space<vmem_shared>>)
    %dma_wait3A_470 = arith.constant 0 : i32
    %dma_wait3A_471 = arith.constant 12 : i32
    %dma_wait3A_472 = arith.constant 1536 : i32
    %dma_wait3A_473 = tpu.memref_slice %arg8[%dma_wait3A_472] : memref<4096xf32, #tpu.memory_space<vmem>> -> memref<128xf32, #tpu.memory_space<vmem>>
    %dma_wait3A_474 = arith.constant 0 : i32
    %dma_wait3A_475 = tpu.memref_slice %arg9[%dma_wait3A_470, %dma_wait3A_471, %dma_wait3A_474] : memref<2x32x128xi32, #tpu.memory_space<vmem>> -> memref<1x1x128xi32, #tpu.memory_space<vmem>>
    %dma_wait3A_476 = tpu.memref_squeeze %dma_wait3A_475 : memref<1x1x128xi32, #tpu.memory_space<vmem>> -> memref<128xi32, #tpu.memory_space<vmem>>
    %dma_wait3A_477 = arith.constant 0 : i32
    %dma_wait3A_478 = tpu.memref_slice %arg11[%dma_wait3A_477] : memref<1048592xf32, #tpu.memory_space<vmem_shared>> -> memref<1048592xf32, #tpu.memory_space<vmem_shared>>
    tpu.wait_indirect_dma semaphore(%arg12 : memref<!tpu.dma_semaphore, #tpu.memory_space<semaphore_mem>>) src(%dma_wait3A_473 : memref<128xf32, #tpu.memory_space<vmem>>) dst(%dma_wait3A_478 : memref<1048592xf32, #tpu.memory_space<vmem_shared>>)
    %dma_wait3A_479 = arith.constant 0 : i32
    %dma_wait3A_480 = arith.constant 13 : i32
    %dma_wait3A_481 = arith.constant 1664 : i32
    %dma_wait3A_482 = tpu.memref_slice %arg8[%dma_wait3A_481] : memref<4096xf32, #tpu.memory_space<vmem>> -> memref<128xf32, #tpu.memory_space<vmem>>
    %dma_wait3A_483 = arith.constant 0 : i32
    %dma_wait3A_484 = tpu.memref_slice %arg9[%dma_wait3A_479, %dma_wait3A_480, %dma_wait3A_483] : memref<2x32x128xi32, #tpu.memory_space<vmem>> -> memref<1x1x128xi32, #tpu.memory_space<vmem>>
    %dma_wait3A_485 = tpu.memref_squeeze %dma_wait3A_484 : memref<1x1x128xi32, #tpu.memory_space<vmem>> -> memref<128xi32, #tpu.memory_space<vmem>>
    %dma_wait3A_486 = arith.constant 0 : i32
    %dma_wait3A_487 = tpu.memref_slice %arg11[%dma_wait3A_486] : memref<1048592xf32, #tpu.memory_space<vmem_shared>> -> memref<1048592xf32, #tpu.memory_space<vmem_shared>>
    tpu.wait_indirect_dma semaphore(%arg12 : memref<!tpu.dma_semaphore, #tpu.memory_space<semaphore_mem>>) src(%dma_wait3A_482 : memref<128xf32, #tpu.memory_space<vmem>>) dst(%dma_wait3A_487 : memref<1048592xf32, #tpu.memory_space<vmem_shared>>)
    %dma_wait3A_488 = arith.constant 0 : i32
    %dma_wait3A_489 = arith.constant 14 : i32
    %dma_wait3A_490 = arith.constant 1792 : i32
    %dma_wait3A_491 = tpu.memref_slice %arg8[%dma_wait3A_490] : memref<4096xf32, #tpu.memory_space<vmem>> -> memref<128xf32, #tpu.memory_space<vmem>>
    %dma_wait3A_492 = arith.constant 0 : i32
    %dma_wait3A_493 = tpu.memref_slice %arg9[%dma_wait3A_488, %dma_wait3A_489, %dma_wait3A_492] : memref<2x32x128xi32, #tpu.memory_space<vmem>> -> memref<1x1x128xi32, #tpu.memory_space<vmem>>
    %dma_wait3A_494 = tpu.memref_squeeze %dma_wait3A_493 : memref<1x1x128xi32, #tpu.memory_space<vmem>> -> memref<128xi32, #tpu.memory_space<vmem>>
    %dma_wait3A_495 = arith.constant 0 : i32
    %dma_wait3A_496 = tpu.memref_slice %arg11[%dma_wait3A_495] : memref<1048592xf32, #tpu.memory_space<vmem_shared>> -> memref<1048592xf32, #tpu.memory_space<vmem_shared>>
    tpu.wait_indirect_dma semaphore(%arg12 : memref<!tpu.dma_semaphore, #tpu.memory_space<semaphore_mem>>) src(%dma_wait3A_491 : memref<128xf32, #tpu.memory_space<vmem>>) dst(%dma_wait3A_496 : memref<1048592xf32, #tpu.memory_space<vmem_shared>>)
    %dma_wait3A_497 = arith.constant 0 : i32
    %dma_wait3A_498 = arith.constant 15 : i32
    %dma_wait3A_499 = arith.constant 1920 : i32
    %dma_wait3A_500 = tpu.memref_slice %arg8[%dma_wait3A_499] : memref<4096xf32, #tpu.memory_space<vmem>> -> memref<128xf32, #tpu.memory_space<vmem>>
    %dma_wait3A_501 = arith.constant 0 : i32
    %dma_wait3A_502 = tpu.memref_slice %arg9[%dma_wait3A_497, %dma_wait3A_498, %dma_wait3A_501] : memref<2x32x128xi32, #tpu.memory_space<vmem>> -> memref<1x1x128xi32, #tpu.memory_space<vmem>>
    %dma_wait3A_503 = tpu.memref_squeeze %dma_wait3A_502 : memref<1x1x128xi32, #tpu.memory_space<vmem>> -> memref<128xi32, #tpu.memory_space<vmem>>
    %dma_wait3A_504 = arith.constant 0 : i32
    %dma_wait3A_505 = tpu.memref_slice %arg11[%dma_wait3A_504] : memref<1048592xf32, #tpu.memory_space<vmem_shared>> -> memref<1048592xf32, #tpu.memory_space<vmem_shared>>
    tpu.wait_indirect_dma semaphore(%arg12 : memref<!tpu.dma_semaphore, #tpu.memory_space<semaphore_mem>>) src(%dma_wait3A_500 : memref<128xf32, #tpu.memory_space<vmem>>) dst(%dma_wait3A_505 : memref<1048592xf32, #tpu.memory_space<vmem_shared>>)
    %dma_wait3A_506 = arith.constant 0 : i32
    %dma_wait3A_507 = arith.constant 16 : i32
    %dma_wait3A_508 = arith.constant 2048 : i32
    %dma_wait3A_509 = tpu.memref_slice %arg8[%dma_wait3A_508] : memref<4096xf32, #tpu.memory_space<vmem>> -> memref<128xf32, #tpu.memory_space<vmem>>
    %dma_wait3A_510 = arith.constant 0 : i32
    %dma_wait3A_511 = tpu.memref_slice %arg9[%dma_wait3A_506, %dma_wait3A_507, %dma_wait3A_510] : memref<2x32x128xi32, #tpu.memory_space<vmem>> -> memref<1x1x128xi32, #tpu.memory_space<vmem>>
    %dma_wait3A_512 = tpu.memref_squeeze %dma_wait3A_511 : memref<1x1x128xi32, #tpu.memory_space<vmem>> -> memref<128xi32, #tpu.memory_space<vmem>>
    %dma_wait3A_513 = arith.constant 0 : i32
    %dma_wait3A_514 = tpu.memref_slice %arg11[%dma_wait3A_513] : memref<1048592xf32, #tpu.memory_space<vmem_shared>> -> memref<1048592xf32, #tpu.memory_space<vmem_shared>>
    tpu.wait_indirect_dma semaphore(%arg12 : memref<!tpu.dma_semaphore, #tpu.memory_space<semaphore_mem>>) src(%dma_wait3A_509 : memref<128xf32, #tpu.memory_space<vmem>>) dst(%dma_wait3A_514 : memref<1048592xf32, #tpu.memory_space<vmem_shared>>)
    %dma_wait3A_515 = arith.constant 0 : i32
    %dma_wait3A_516 = arith.constant 17 : i32
    %dma_wait3A_517 = arith.constant 2176 : i32
    %dma_wait3A_518 = tpu.memref_slice %arg8[%dma_wait3A_517] : memref<4096xf32, #tpu.memory_space<vmem>> -> memref<128xf32, #tpu.memory_space<vmem>>
    %dma_wait3A_519 = arith.constant 0 : i32
    %dma_wait3A_520 = tpu.memref_slice %arg9[%dma_wait3A_515, %dma_wait3A_516, %dma_wait3A_519] : memref<2x32x128xi32, #tpu.memory_space<vmem>> -> memref<1x1x128xi32, #tpu.memory_space<vmem>>
    %dma_wait3A_521 = tpu.memref_squeeze %dma_wait3A_520 : memref<1x1x128xi32, #tpu.memory_space<vmem>> -> memref<128xi32, #tpu.memory_space<vmem>>
    %dma_wait3A_522 = arith.constant 0 : i32
    %dma_wait3A_523 = tpu.memref_slice %arg11[%dma_wait3A_522] : memref<1048592xf32, #tpu.memory_space<vmem_shared>> -> memref<1048592xf32, #tpu.memory_space<vmem_shared>>
    tpu.wait_indirect_dma semaphore(%arg12 : memref<!tpu.dma_semaphore, #tpu.memory_space<semaphore_mem>>) src(%dma_wait3A_518 : memref<128xf32, #tpu.memory_space<vmem>>) dst(%dma_wait3A_523 : memref<1048592xf32, #tpu.memory_space<vmem_shared>>)
    %dma_wait3A_524 = arith.constant 0 : i32
    %dma_wait3A_525 = arith.constant 18 : i32
    %dma_wait3A_526 = arith.constant 2304 : i32
    %dma_wait3A_527 = tpu.memref_slice %arg8[%dma_wait3A_526] : memref<4096xf32, #tpu.memory_space<vmem>> -> memref<128xf32, #tpu.memory_space<vmem>>
    %dma_wait3A_528 = arith.constant 0 : i32
    %dma_wait3A_529 = tpu.memref_slice %arg9[%dma_wait3A_524, %dma_wait3A_525, %dma_wait3A_528] : memref<2x32x128xi32, #tpu.memory_space<vmem>> -> memref<1x1x128xi32, #tpu.memory_space<vmem>>
    %dma_wait3A_530 = tpu.memref_squeeze %dma_wait3A_529 : memref<1x1x128xi32, #tpu.memory_space<vmem>> -> memref<128xi32, #tpu.memory_space<vmem>>
    %dma_wait3A_531 = arith.constant 0 : i32
    %dma_wait3A_532 = tpu.memref_slice %arg11[%dma_wait3A_531] : memref<1048592xf32, #tpu.memory_space<vmem_shared>> -> memref<1048592xf32, #tpu.memory_space<vmem_shared>>
    tpu.wait_indirect_dma semaphore(%arg12 : memref<!tpu.dma_semaphore, #tpu.memory_space<semaphore_mem>>) src(%dma_wait3A_527 : memref<128xf32, #tpu.memory_space<vmem>>) dst(%dma_wait3A_532 : memref<1048592xf32, #tpu.memory_space<vmem_shared>>)
    %dma_wait3A_533 = arith.constant 0 : i32
    %dma_wait3A_534 = arith.constant 19 : i32
    %dma_wait3A_535 = arith.constant 2432 : i32
    %dma_wait3A_536 = tpu.memref_slice %arg8[%dma_wait3A_535] : memref<4096xf32, #tpu.memory_space<vmem>> -> memref<128xf32, #tpu.memory_space<vmem>>
    %dma_wait3A_537 = arith.constant 0 : i32
    %dma_wait3A_538 = tpu.memref_slice %arg9[%dma_wait3A_533, %dma_wait3A_534, %dma_wait3A_537] : memref<2x32x128xi32, #tpu.memory_space<vmem>> -> memref<1x1x128xi32, #tpu.memory_space<vmem>>
    %dma_wait3A_539 = tpu.memref_squeeze %dma_wait3A_538 : memref<1x1x128xi32, #tpu.memory_space<vmem>> -> memref<128xi32, #tpu.memory_space<vmem>>
    %dma_wait3A_540 = arith.constant 0 : i32
    %dma_wait3A_541 = tpu.memref_slice %arg11[%dma_wait3A_540] : memref<1048592xf32, #tpu.memory_space<vmem_shared>> -> memref<1048592xf32, #tpu.memory_space<vmem_shared>>
    tpu.wait_indirect_dma semaphore(%arg12 : memref<!tpu.dma_semaphore, #tpu.memory_space<semaphore_mem>>) src(%dma_wait3A_536 : memref<128xf32, #tpu.memory_space<vmem>>) dst(%dma_wait3A_541 : memref<1048592xf32, #tpu.memory_space<vmem_shared>>)
    %dma_wait3A_542 = arith.constant 0 : i32
    %dma_wait3A_543 = arith.constant 20 : i32
    %dma_wait3A_544 = arith.constant 2560 : i32
    %dma_wait3A_545 = tpu.memref_slice %arg8[%dma_wait3A_544] : memref<4096xf32, #tpu.memory_space<vmem>> -> memref<128xf32, #tpu.memory_space<vmem>>
    %dma_wait3A_546 = arith.constant 0 : i32
    %dma_wait3A_547 = tpu.memref_slice %arg9[%dma_wait3A_542, %dma_wait3A_543, %dma_wait3A_546] : memref<2x32x128xi32, #tpu.memory_space<vmem>> -> memref<1x1x128xi32, #tpu.memory_space<vmem>>
    %dma_wait3A_548 = tpu.memref_squeeze %dma_wait3A_547 : memref<1x1x128xi32, #tpu.memory_space<vmem>> -> memref<128xi32, #tpu.memory_space<vmem>>
    %dma_wait3A_549 = arith.constant 0 : i32
    %dma_wait3A_550 = tpu.memref_slice %arg11[%dma_wait3A_549] : memref<1048592xf32, #tpu.memory_space<vmem_shared>> -> memref<1048592xf32, #tpu.memory_space<vmem_shared>>
    tpu.wait_indirect_dma semaphore(%arg12 : memref<!tpu.dma_semaphore, #tpu.memory_space<semaphore_mem>>) src(%dma_wait3A_545 : memref<128xf32, #tpu.memory_space<vmem>>) dst(%dma_wait3A_550 : memref<1048592xf32, #tpu.memory_space<vmem_shared>>)
    %dma_wait3A_551 = arith.constant 0 : i32
    %dma_wait3A_552 = arith.constant 21 : i32
    %dma_wait3A_553 = arith.constant 2688 : i32
    %dma_wait3A_554 = tpu.memref_slice %arg8[%dma_wait3A_553] : memref<4096xf32, #tpu.memory_space<vmem>> -> memref<128xf32, #tpu.memory_space<vmem>>
    %dma_wait3A_555 = arith.constant 0 : i32
    %dma_wait3A_556 = tpu.memref_slice %arg9[%dma_wait3A_551, %dma_wait3A_552, %dma_wait3A_555] : memref<2x32x128xi32, #tpu.memory_space<vmem>> -> memref<1x1x128xi32, #tpu.memory_space<vmem>>
    %dma_wait3A_557 = tpu.memref_squeeze %dma_wait3A_556 : memref<1x1x128xi32, #tpu.memory_space<vmem>> -> memref<128xi32, #tpu.memory_space<vmem>>
    %dma_wait3A_558 = arith.constant 0 : i32
    %dma_wait3A_559 = tpu.memref_slice %arg11[%dma_wait3A_558] : memref<1048592xf32, #tpu.memory_space<vmem_shared>> -> memref<1048592xf32, #tpu.memory_space<vmem_shared>>
    tpu.wait_indirect_dma semaphore(%arg12 : memref<!tpu.dma_semaphore, #tpu.memory_space<semaphore_mem>>) src(%dma_wait3A_554 : memref<128xf32, #tpu.memory_space<vmem>>) dst(%dma_wait3A_559 : memref<1048592xf32, #tpu.memory_space<vmem_shared>>)
    %dma_wait3A_560 = arith.constant 0 : i32
    %dma_wait3A_561 = arith.constant 22 : i32
    %dma_wait3A_562 = arith.constant 2816 : i32
    %dma_wait3A_563 = tpu.memref_slice %arg8[%dma_wait3A_562] : memref<4096xf32, #tpu.memory_space<vmem>> -> memref<128xf32, #tpu.memory_space<vmem>>
    %dma_wait3A_564 = arith.constant 0 : i32
    %dma_wait3A_565 = tpu.memref_slice %arg9[%dma_wait3A_560, %dma_wait3A_561, %dma_wait3A_564] : memref<2x32x128xi32, #tpu.memory_space<vmem>> -> memref<1x1x128xi32, #tpu.memory_space<vmem>>
    %dma_wait3A_566 = tpu.memref_squeeze %dma_wait3A_565 : memref<1x1x128xi32, #tpu.memory_space<vmem>> -> memref<128xi32, #tpu.memory_space<vmem>>
    %dma_wait3A_567 = arith.constant 0 : i32
    %dma_wait3A_568 = tpu.memref_slice %arg11[%dma_wait3A_567] : memref<1048592xf32, #tpu.memory_space<vmem_shared>> -> memref<1048592xf32, #tpu.memory_space<vmem_shared>>
    tpu.wait_indirect_dma semaphore(%arg12 : memref<!tpu.dma_semaphore, #tpu.memory_space<semaphore_mem>>) src(%dma_wait3A_563 : memref<128xf32, #tpu.memory_space<vmem>>) dst(%dma_wait3A_568 : memref<1048592xf32, #tpu.memory_space<vmem_shared>>)
    %dma_wait3A_569 = arith.constant 0 : i32
    %dma_wait3A_570 = arith.constant 23 : i32
    %dma_wait3A_571 = arith.constant 2944 : i32
    %dma_wait3A_572 = tpu.memref_slice %arg8[%dma_wait3A_571] : memref<4096xf32, #tpu.memory_space<vmem>> -> memref<128xf32, #tpu.memory_space<vmem>>
    %dma_wait3A_573 = arith.constant 0 : i32
    %dma_wait3A_574 = tpu.memref_slice %arg9[%dma_wait3A_569, %dma_wait3A_570, %dma_wait3A_573] : memref<2x32x128xi32, #tpu.memory_space<vmem>> -> memref<1x1x128xi32, #tpu.memory_space<vmem>>
    %dma_wait3A_575 = tpu.memref_squeeze %dma_wait3A_574 : memref<1x1x128xi32, #tpu.memory_space<vmem>> -> memref<128xi32, #tpu.memory_space<vmem>>
    %dma_wait3A_576 = arith.constant 0 : i32
    %dma_wait3A_577 = tpu.memref_slice %arg11[%dma_wait3A_576] : memref<1048592xf32, #tpu.memory_space<vmem_shared>> -> memref<1048592xf32, #tpu.memory_space<vmem_shared>>
    tpu.wait_indirect_dma semaphore(%arg12 : memref<!tpu.dma_semaphore, #tpu.memory_space<semaphore_mem>>) src(%dma_wait3A_572 : memref<128xf32, #tpu.memory_space<vmem>>) dst(%dma_wait3A_577 : memref<1048592xf32, #tpu.memory_space<vmem_shared>>)
    %dma_wait3A_578 = arith.constant 0 : i32
    %dma_wait3A_579 = arith.constant 24 : i32
    %dma_wait3A_580 = arith.constant 3072 : i32
    %dma_wait3A_581 = tpu.memref_slice %arg8[%dma_wait3A_580] : memref<4096xf32, #tpu.memory_space<vmem>> -> memref<128xf32, #tpu.memory_space<vmem>>
    %dma_wait3A_582 = arith.constant 0 : i32
    %dma_wait3A_583 = tpu.memref_slice %arg9[%dma_wait3A_578, %dma_wait3A_579, %dma_wait3A_582] : memref<2x32x128xi32, #tpu.memory_space<vmem>> -> memref<1x1x128xi32, #tpu.memory_space<vmem>>
    %dma_wait3A_584 = tpu.memref_squeeze %dma_wait3A_583 : memref<1x1x128xi32, #tpu.memory_space<vmem>> -> memref<128xi32, #tpu.memory_space<vmem>>
    %dma_wait3A_585 = arith.constant 0 : i32
    %dma_wait3A_586 = tpu.memref_slice %arg11[%dma_wait3A_585] : memref<1048592xf32, #tpu.memory_space<vmem_shared>> -> memref<1048592xf32, #tpu.memory_space<vmem_shared>>
    tpu.wait_indirect_dma semaphore(%arg12 : memref<!tpu.dma_semaphore, #tpu.memory_space<semaphore_mem>>) src(%dma_wait3A_581 : memref<128xf32, #tpu.memory_space<vmem>>) dst(%dma_wait3A_586 : memref<1048592xf32, #tpu.memory_space<vmem_shared>>)
    %dma_wait3A_587 = arith.constant 0 : i32
    %dma_wait3A_588 = arith.constant 25 : i32
    %dma_wait3A_589 = arith.constant 3200 : i32
    %dma_wait3A_590 = tpu.memref_slice %arg8[%dma_wait3A_589] : memref<4096xf32, #tpu.memory_space<vmem>> -> memref<128xf32, #tpu.memory_space<vmem>>
    %dma_wait3A_591 = arith.constant 0 : i32
    %dma_wait3A_592 = tpu.memref_slice %arg9[%dma_wait3A_587, %dma_wait3A_588, %dma_wait3A_591] : memref<2x32x128xi32, #tpu.memory_space<vmem>> -> memref<1x1x128xi32, #tpu.memory_space<vmem>>
    %dma_wait3A_593 = tpu.memref_squeeze %dma_wait3A_592 : memref<1x1x128xi32, #tpu.memory_space<vmem>> -> memref<128xi32, #tpu.memory_space<vmem>>
    %dma_wait3A_594 = arith.constant 0 : i32
    %dma_wait3A_595 = tpu.memref_slice %arg11[%dma_wait3A_594] : memref<1048592xf32, #tpu.memory_space<vmem_shared>> -> memref<1048592xf32, #tpu.memory_space<vmem_shared>>
    tpu.wait_indirect_dma semaphore(%arg12 : memref<!tpu.dma_semaphore, #tpu.memory_space<semaphore_mem>>) src(%dma_wait3A_590 : memref<128xf32, #tpu.memory_space<vmem>>) dst(%dma_wait3A_595 : memref<1048592xf32, #tpu.memory_space<vmem_shared>>)
    %dma_wait3A_596 = arith.constant 0 : i32
    %dma_wait3A_597 = arith.constant 26 : i32
    %dma_wait3A_598 = arith.constant 3328 : i32
    %dma_wait3A_599 = tpu.memref_slice %arg8[%dma_wait3A_598] : memref<4096xf32, #tpu.memory_space<vmem>> -> memref<128xf32, #tpu.memory_space<vmem>>
    %dma_wait3A_600 = arith.constant 0 : i32
    %dma_wait3A_601 = tpu.memref_slice %arg9[%dma_wait3A_596, %dma_wait3A_597, %dma_wait3A_600] : memref<2x32x128xi32, #tpu.memory_space<vmem>> -> memref<1x1x128xi32, #tpu.memory_space<vmem>>
    %dma_wait3A_602 = tpu.memref_squeeze %dma_wait3A_601 : memref<1x1x128xi32, #tpu.memory_space<vmem>> -> memref<128xi32, #tpu.memory_space<vmem>>
    %dma_wait3A_603 = arith.constant 0 : i32
    %dma_wait3A_604 = tpu.memref_slice %arg11[%dma_wait3A_603] : memref<1048592xf32, #tpu.memory_space<vmem_shared>> -> memref<1048592xf32, #tpu.memory_space<vmem_shared>>
    tpu.wait_indirect_dma semaphore(%arg12 : memref<!tpu.dma_semaphore, #tpu.memory_space<semaphore_mem>>) src(%dma_wait3A_599 : memref<128xf32, #tpu.memory_space<vmem>>) dst(%dma_wait3A_604 : memref<1048592xf32, #tpu.memory_space<vmem_shared>>)
    %dma_wait3A_605 = arith.constant 0 : i32
    %dma_wait3A_606 = arith.constant 27 : i32
    %dma_wait3A_607 = arith.constant 3456 : i32
    %dma_wait3A_608 = tpu.memref_slice %arg8[%dma_wait3A_607] : memref<4096xf32, #tpu.memory_space<vmem>> -> memref<128xf32, #tpu.memory_space<vmem>>
    %dma_wait3A_609 = arith.constant 0 : i32
    %dma_wait3A_610 = tpu.memref_slice %arg9[%dma_wait3A_605, %dma_wait3A_606, %dma_wait3A_609] : memref<2x32x128xi32, #tpu.memory_space<vmem>> -> memref<1x1x128xi32, #tpu.memory_space<vmem>>
    %dma_wait3A_611 = tpu.memref_squeeze %dma_wait3A_610 : memref<1x1x128xi32, #tpu.memory_space<vmem>> -> memref<128xi32, #tpu.memory_space<vmem>>
    %dma_wait3A_612 = arith.constant 0 : i32
    %dma_wait3A_613 = tpu.memref_slice %arg11[%dma_wait3A_612] : memref<1048592xf32, #tpu.memory_space<vmem_shared>> -> memref<1048592xf32, #tpu.memory_space<vmem_shared>>
    tpu.wait_indirect_dma semaphore(%arg12 : memref<!tpu.dma_semaphore, #tpu.memory_space<semaphore_mem>>) src(%dma_wait3A_608 : memref<128xf32, #tpu.memory_space<vmem>>) dst(%dma_wait3A_613 : memref<1048592xf32, #tpu.memory_space<vmem_shared>>)
    %dma_wait3A_614 = arith.constant 0 : i32
    %dma_wait3A_615 = arith.constant 28 : i32
    %dma_wait3A_616 = arith.constant 3584 : i32
    %dma_wait3A_617 = tpu.memref_slice %arg8[%dma_wait3A_616] : memref<4096xf32, #tpu.memory_space<vmem>> -> memref<128xf32, #tpu.memory_space<vmem>>
    %dma_wait3A_618 = arith.constant 0 : i32
    %dma_wait3A_619 = tpu.memref_slice %arg9[%dma_wait3A_614, %dma_wait3A_615, %dma_wait3A_618] : memref<2x32x128xi32, #tpu.memory_space<vmem>> -> memref<1x1x128xi32, #tpu.memory_space<vmem>>
    %dma_wait3A_620 = tpu.memref_squeeze %dma_wait3A_619 : memref<1x1x128xi32, #tpu.memory_space<vmem>> -> memref<128xi32, #tpu.memory_space<vmem>>
    %dma_wait3A_621 = arith.constant 0 : i32
    %dma_wait3A_622 = tpu.memref_slice %arg11[%dma_wait3A_621] : memref<1048592xf32, #tpu.memory_space<vmem_shared>> -> memref<1048592xf32, #tpu.memory_space<vmem_shared>>
    tpu.wait_indirect_dma semaphore(%arg12 : memref<!tpu.dma_semaphore, #tpu.memory_space<semaphore_mem>>) src(%dma_wait3A_617 : memref<128xf32, #tpu.memory_space<vmem>>) dst(%dma_wait3A_622 : memref<1048592xf32, #tpu.memory_space<vmem_shared>>)
    %dma_wait3A_623 = arith.constant 0 : i32
    %dma_wait3A_624 = arith.constant 29 : i32
    %dma_wait3A_625 = arith.constant 3712 : i32
    %dma_wait3A_626 = tpu.memref_slice %arg8[%dma_wait3A_625] : memref<4096xf32, #tpu.memory_space<vmem>> -> memref<128xf32, #tpu.memory_space<vmem>>
    %dma_wait3A_627 = arith.constant 0 : i32
    %dma_wait3A_628 = tpu.memref_slice %arg9[%dma_wait3A_623, %dma_wait3A_624, %dma_wait3A_627] : memref<2x32x128xi32, #tpu.memory_space<vmem>> -> memref<1x1x128xi32, #tpu.memory_space<vmem>>
    %dma_wait3A_629 = tpu.memref_squeeze %dma_wait3A_628 : memref<1x1x128xi32, #tpu.memory_space<vmem>> -> memref<128xi32, #tpu.memory_space<vmem>>
    %dma_wait3A_630 = arith.constant 0 : i32
    %dma_wait3A_631 = tpu.memref_slice %arg11[%dma_wait3A_630] : memref<1048592xf32, #tpu.memory_space<vmem_shared>> -> memref<1048592xf32, #tpu.memory_space<vmem_shared>>
    tpu.wait_indirect_dma semaphore(%arg12 : memref<!tpu.dma_semaphore, #tpu.memory_space<semaphore_mem>>) src(%dma_wait3A_626 : memref<128xf32, #tpu.memory_space<vmem>>) dst(%dma_wait3A_631 : memref<1048592xf32, #tpu.memory_space<vmem_shared>>)
    %dma_wait3A_632 = arith.constant 0 : i32
    %dma_wait3A_633 = arith.constant 30 : i32
    %dma_wait3A_634 = arith.constant 3840 : i32
    %dma_wait3A_635 = tpu.memref_slice %arg8[%dma_wait3A_634] : memref<4096xf32, #tpu.memory_space<vmem>> -> memref<128xf32, #tpu.memory_space<vmem>>
    %dma_wait3A_636 = arith.constant 0 : i32
    %dma_wait3A_637 = tpu.memref_slice %arg9[%dma_wait3A_632, %dma_wait3A_633, %dma_wait3A_636] : memref<2x32x128xi32, #tpu.memory_space<vmem>> -> memref<1x1x128xi32, #tpu.memory_space<vmem>>
    %dma_wait3A_638 = tpu.memref_squeeze %dma_wait3A_637 : memref<1x1x128xi32, #tpu.memory_space<vmem>> -> memref<128xi32, #tpu.memory_space<vmem>>
    %dma_wait3A_639 = arith.constant 0 : i32
    %dma_wait3A_640 = tpu.memref_slice %arg11[%dma_wait3A_639] : memref<1048592xf32, #tpu.memory_space<vmem_shared>> -> memref<1048592xf32, #tpu.memory_space<vmem_shared>>
    tpu.wait_indirect_dma semaphore(%arg12 : memref<!tpu.dma_semaphore, #tpu.memory_space<semaphore_mem>>) src(%dma_wait3A_635 : memref<128xf32, #tpu.memory_space<vmem>>) dst(%dma_wait3A_640 : memref<1048592xf32, #tpu.memory_space<vmem_shared>>)
    %dma_wait3A_641 = arith.constant 0 : i32
    %dma_wait3A_642 = arith.constant 31 : i32
    %dma_wait3A_643 = arith.constant 3968 : i32
    %dma_wait3A_644 = tpu.memref_slice %arg8[%dma_wait3A_643] : memref<4096xf32, #tpu.memory_space<vmem>> -> memref<128xf32, #tpu.memory_space<vmem>>
    %dma_wait3A_645 = arith.constant 0 : i32
    %dma_wait3A_646 = tpu.memref_slice %arg9[%dma_wait3A_641, %dma_wait3A_642, %dma_wait3A_645] : memref<2x32x128xi32, #tpu.memory_space<vmem>> -> memref<1x1x128xi32, #tpu.memory_space<vmem>>
    %dma_wait3A_647 = tpu.memref_squeeze %dma_wait3A_646 : memref<1x1x128xi32, #tpu.memory_space<vmem>> -> memref<128xi32, #tpu.memory_space<vmem>>
    %dma_wait3A_648 = arith.constant 0 : i32
    %dma_wait3A_649 = tpu.memref_slice %arg11[%dma_wait3A_648] : memref<1048592xf32, #tpu.memory_space<vmem_shared>> -> memref<1048592xf32, #tpu.memory_space<vmem_shared>>
    tpu.wait_indirect_dma semaphore(%arg12 : memref<!tpu.dma_semaphore, #tpu.memory_space<semaphore_mem>>) src(%dma_wait3A_644 : memref<128xf32, #tpu.memory_space<vmem>>) dst(%dma_wait3A_649 : memref<1048592xf32, #tpu.memory_space<vmem_shared>>)
    %barrier3A_650 = arith.constant 0 : index
    tpu.barrier barrier_id(%barrier3A_650)
    %mul3A_651 = arith.constant 65536 : i32
    %mul3A_652 = arith.muli %arg1, %mul3A_651 : i32
    %add3A_653 = arith.constant 0 : i32
    %add3A_654 = arith.addi %mul3A_652, %add3A_653 : i32
    %mul3A_655 = arith.constant 512 : i32
    %mul3A_656 = arith.muli %add3A_65, %mul3A_655 : i32
    %mul3A_657 = arith.constant 32 : i32
    %mul3A_658 = arith.muli %arg1, %mul3A_657 : i32
    %add3A_659 = arith.addi %mul3A_656, %mul3A_658 : i32
    %add3A_660 = arith.constant 0 : i32
    %add3A_661 = arith.addi %add3A_659, %add3A_660 : i32
    %dma_start3A_662 = arith.constant 0 : i32
    %dma_start3A_663 = tpu.memref_slice %arg5[%add3A_661, %dma_start3A_662] : memref<2048x2048xf32, #tpu.memory_space<hbm>> -> memref<1x2048xf32, #tpu.memory_space<hbm>>
    %dma_start3A_664 = tpu.memref_squeeze %dma_start3A_663 : memref<1x2048xf32, #tpu.memory_space<hbm>> -> memref<2048xf32, #tpu.memory_space<hbm>>
    %dma_start3A_665 = tpu.memref_slice %arg11[%add3A_654] : memref<1048592xf32, #tpu.memory_space<vmem_shared>> -> memref<2048xf32, #tpu.memory_space<vmem_shared>>
    tpu.enqueue_dma source(%dma_start3A_665 : memref<2048xf32, #tpu.memory_space<vmem_shared>>) target(%dma_start3A_664 : memref<2048xf32, #tpu.memory_space<hbm>>) target_semaphore(%arg12 : memref<!tpu.dma_semaphore, #tpu.memory_space<semaphore_mem>>)
    %mul3A_666 = arith.constant 65536 : i32
    %mul3A_667 = arith.muli %arg1, %mul3A_666 : i32
    %add3A_668 = arith.constant 2048 : i32
    %add3A_669 = arith.addi %mul3A_667, %add3A_668 : i32
    %mul3A_670 = arith.constant 512 : i32
    %mul3A_671 = arith.muli %add3A_65, %mul3A_670 : i32
    %mul3A_672 = arith.constant 32 : i32
    %mul3A_673 = arith.muli %arg1, %mul3A_672 : i32
    %add3A_674 = arith.addi %mul3A_671, %mul3A_673 : i32
    %add3A_675 = arith.constant 1 : i32
    %add3A_676 = arith.addi %add3A_674, %add3A_675 : i32
    %dma_start3A_677 = arith.constant 0 : i32
    %dma_start3A_678 = tpu.memref_slice %arg5[%add3A_676, %dma_start3A_677] : memref<2048x2048xf32, #tpu.memory_space<hbm>> -> memref<1x2048xf32, #tpu.memory_space<hbm>>
    %dma_start3A_679 = tpu.memref_squeeze %dma_start3A_678 : memref<1x2048xf32, #tpu.memory_space<hbm>> -> memref<2048xf32, #tpu.memory_space<hbm>>
    %dma_start3A_680 = tpu.memref_slice %arg11[%add3A_669] : memref<1048592xf32, #tpu.memory_space<vmem_shared>> -> memref<2048xf32, #tpu.memory_space<vmem_shared>>
    tpu.enqueue_dma source(%dma_start3A_680 : memref<2048xf32, #tpu.memory_space<vmem_shared>>) target(%dma_start3A_679 : memref<2048xf32, #tpu.memory_space<hbm>>) target_semaphore(%arg12 : memref<!tpu.dma_semaphore, #tpu.memory_space<semaphore_mem>>)
    %mul3A_681 = arith.constant 65536 : i32
    %mul3A_682 = arith.muli %arg1, %mul3A_681 : i32
    %add3A_683 = arith.constant 4096 : i32
    %add3A_684 = arith.addi %mul3A_682, %add3A_683 : i32
    %mul3A_685 = arith.constant 512 : i32
    %mul3A_686 = arith.muli %add3A_65, %mul3A_685 : i32
    %mul3A_687 = arith.constant 32 : i32
    %mul3A_688 = arith.muli %arg1, %mul3A_687 : i32
    %add3A_689 = arith.addi %mul3A_686, %mul3A_688 : i32
    %add3A_690 = arith.constant 2 : i32
    %add3A_691 = arith.addi %add3A_689, %add3A_690 : i32
    %dma_start3A_692 = arith.constant 0 : i32
    %dma_start3A_693 = tpu.memref_slice %arg5[%add3A_691, %dma_start3A_692] : memref<2048x2048xf32, #tpu.memory_space<hbm>> -> memref<1x2048xf32, #tpu.memory_space<hbm>>
    %dma_start3A_694 = tpu.memref_squeeze %dma_start3A_693 : memref<1x2048xf32, #tpu.memory_space<hbm>> -> memref<2048xf32, #tpu.memory_space<hbm>>
    %dma_start3A_695 = tpu.memref_slice %arg11[%add3A_684] : memref<1048592xf32, #tpu.memory_space<vmem_shared>> -> memref<2048xf32, #tpu.memory_space<vmem_shared>>
    tpu.enqueue_dma source(%dma_start3A_695 : memref<2048xf32, #tpu.memory_space<vmem_shared>>) target(%dma_start3A_694 : memref<2048xf32, #tpu.memory_space<hbm>>) target_semaphore(%arg12 : memref<!tpu.dma_semaphore, #tpu.memory_space<semaphore_mem>>)
    %mul3A_696 = arith.constant 65536 : i32
    %mul3A_697 = arith.muli %arg1, %mul3A_696 : i32
    %add3A_698 = arith.constant 6144 : i32
    %add3A_699 = arith.addi %mul3A_697, %add3A_698 : i32
    %mul3A_700 = arith.constant 512 : i32
    %mul3A_701 = arith.muli %add3A_65, %mul3A_700 : i32
    %mul3A_702 = arith.constant 32 : i32
    %mul3A_703 = arith.muli %arg1, %mul3A_702 : i32
    %add3A_704 = arith.addi %mul3A_701, %mul3A_703 : i32
    %add3A_705 = arith.constant 3 : i32
    %add3A_706 = arith.addi %add3A_704, %add3A_705 : i32
    %dma_start3A_707 = arith.constant 0 : i32
    %dma_start3A_708 = tpu.memref_slice %arg5[%add3A_706, %dma_start3A_707] : memref<2048x2048xf32, #tpu.memory_space<hbm>> -> memref<1x2048xf32, #tpu.memory_space<hbm>>
    %dma_start3A_709 = tpu.memref_squeeze %dma_start3A_708 : memref<1x2048xf32, #tpu.memory_space<hbm>> -> memref<2048xf32, #tpu.memory_space<hbm>>
    %dma_start3A_710 = tpu.memref_slice %arg11[%add3A_699] : memref<1048592xf32, #tpu.memory_space<vmem_shared>> -> memref<2048xf32, #tpu.memory_space<vmem_shared>>
    tpu.enqueue_dma source(%dma_start3A_710 : memref<2048xf32, #tpu.memory_space<vmem_shared>>) target(%dma_start3A_709 : memref<2048xf32, #tpu.memory_space<hbm>>) target_semaphore(%arg12 : memref<!tpu.dma_semaphore, #tpu.memory_space<semaphore_mem>>)
    %mul3A_711 = arith.constant 65536 : i32
    %mul3A_712 = arith.muli %arg1, %mul3A_711 : i32
    %add3A_713 = arith.constant 8192 : i32
    %add3A_714 = arith.addi %mul3A_712, %add3A_713 : i32
    %mul3A_715 = arith.constant 512 : i32
    %mul3A_716 = arith.muli %add3A_65, %mul3A_715 : i32
    %mul3A_717 = arith.constant 32 : i32
    %mul3A_718 = arith.muli %arg1, %mul3A_717 : i32
    %add3A_719 = arith.addi %mul3A_716, %mul3A_718 : i32
    %add3A_720 = arith.constant 4 : i32
    %add3A_721 = arith.addi %add3A_719, %add3A_720 : i32
    %dma_start3A_722 = arith.constant 0 : i32
    %dma_start3A_723 = tpu.memref_slice %arg5[%add3A_721, %dma_start3A_722] : memref<2048x2048xf32, #tpu.memory_space<hbm>> -> memref<1x2048xf32, #tpu.memory_space<hbm>>
    %dma_start3A_724 = tpu.memref_squeeze %dma_start3A_723 : memref<1x2048xf32, #tpu.memory_space<hbm>> -> memref<2048xf32, #tpu.memory_space<hbm>>
    %dma_start3A_725 = tpu.memref_slice %arg11[%add3A_714] : memref<1048592xf32, #tpu.memory_space<vmem_shared>> -> memref<2048xf32, #tpu.memory_space<vmem_shared>>
    tpu.enqueue_dma source(%dma_start3A_725 : memref<2048xf32, #tpu.memory_space<vmem_shared>>) target(%dma_start3A_724 : memref<2048xf32, #tpu.memory_space<hbm>>) target_semaphore(%arg12 : memref<!tpu.dma_semaphore, #tpu.memory_space<semaphore_mem>>)
    %mul3A_726 = arith.constant 65536 : i32
    %mul3A_727 = arith.muli %arg1, %mul3A_726 : i32
    %add3A_728 = arith.constant 10240 : i32
    %add3A_729 = arith.addi %mul3A_727, %add3A_728 : i32
    %mul3A_730 = arith.constant 512 : i32
    %mul3A_731 = arith.muli %add3A_65, %mul3A_730 : i32
    %mul3A_732 = arith.constant 32 : i32
    %mul3A_733 = arith.muli %arg1, %mul3A_732 : i32
    %add3A_734 = arith.addi %mul3A_731, %mul3A_733 : i32
    %add3A_735 = arith.constant 5 : i32
    %add3A_736 = arith.addi %add3A_734, %add3A_735 : i32
    %dma_start3A_737 = arith.constant 0 : i32
    %dma_start3A_738 = tpu.memref_slice %arg5[%add3A_736, %dma_start3A_737] : memref<2048x2048xf32, #tpu.memory_space<hbm>> -> memref<1x2048xf32, #tpu.memory_space<hbm>>
    %dma_start3A_739 = tpu.memref_squeeze %dma_start3A_738 : memref<1x2048xf32, #tpu.memory_space<hbm>> -> memref<2048xf32, #tpu.memory_space<hbm>>
    %dma_start3A_740 = tpu.memref_slice %arg11[%add3A_729] : memref<1048592xf32, #tpu.memory_space<vmem_shared>> -> memref<2048xf32, #tpu.memory_space<vmem_shared>>
    tpu.enqueue_dma source(%dma_start3A_740 : memref<2048xf32, #tpu.memory_space<vmem_shared>>) target(%dma_start3A_739 : memref<2048xf32, #tpu.memory_space<hbm>>) target_semaphore(%arg12 : memref<!tpu.dma_semaphore, #tpu.memory_space<semaphore_mem>>)
    %mul3A_741 = arith.constant 65536 : i32
    %mul3A_742 = arith.muli %arg1, %mul3A_741 : i32
    %add3A_743 = arith.constant 12288 : i32
    %add3A_744 = arith.addi %mul3A_742, %add3A_743 : i32
    %mul3A_745 = arith.constant 512 : i32
    %mul3A_746 = arith.muli %add3A_65, %mul3A_745 : i32
    %mul3A_747 = arith.constant 32 : i32
    %mul3A_748 = arith.muli %arg1, %mul3A_747 : i32
    %add3A_749 = arith.addi %mul3A_746, %mul3A_748 : i32
    %add3A_750 = arith.constant 6 : i32
    %add3A_751 = arith.addi %add3A_749, %add3A_750 : i32
    %dma_start3A_752 = arith.constant 0 : i32
    %dma_start3A_753 = tpu.memref_slice %arg5[%add3A_751, %dma_start3A_752] : memref<2048x2048xf32, #tpu.memory_space<hbm>> -> memref<1x2048xf32, #tpu.memory_space<hbm>>
    %dma_start3A_754 = tpu.memref_squeeze %dma_start3A_753 : memref<1x2048xf32, #tpu.memory_space<hbm>> -> memref<2048xf32, #tpu.memory_space<hbm>>
    %dma_start3A_755 = tpu.memref_slice %arg11[%add3A_744] : memref<1048592xf32, #tpu.memory_space<vmem_shared>> -> memref<2048xf32, #tpu.memory_space<vmem_shared>>
    tpu.enqueue_dma source(%dma_start3A_755 : memref<2048xf32, #tpu.memory_space<vmem_shared>>) target(%dma_start3A_754 : memref<2048xf32, #tpu.memory_space<hbm>>) target_semaphore(%arg12 : memref<!tpu.dma_semaphore, #tpu.memory_space<semaphore_mem>>)
    %mul3A_756 = arith.constant 65536 : i32
    %mul3A_757 = arith.muli %arg1, %mul3A_756 : i32
    %add3A_758 = arith.constant 14336 : i32
    %add3A_759 = arith.addi %mul3A_757, %add3A_758 : i32
    %mul3A_760 = arith.constant 512 : i32
    %mul3A_761 = arith.muli %add3A_65, %mul3A_760 : i32
    %mul3A_762 = arith.constant 32 : i32
    %mul3A_763 = arith.muli %arg1, %mul3A_762 : i32
    %add3A_764 = arith.addi %mul3A_761, %mul3A_763 : i32
    %add3A_765 = arith.constant 7 : i32
    %add3A_766 = arith.addi %add3A_764, %add3A_765 : i32
    %dma_start3A_767 = arith.constant 0 : i32
    %dma_start3A_768 = tpu.memref_slice %arg5[%add3A_766, %dma_start3A_767] : memref<2048x2048xf32, #tpu.memory_space<hbm>> -> memref<1x2048xf32, #tpu.memory_space<hbm>>
    %dma_start3A_769 = tpu.memref_squeeze %dma_start3A_768 : memref<1x2048xf32, #tpu.memory_space<hbm>> -> memref<2048xf32, #tpu.memory_space<hbm>>
    %dma_start3A_770 = tpu.memref_slice %arg11[%add3A_759] : memref<1048592xf32, #tpu.memory_space<vmem_shared>> -> memref<2048xf32, #tpu.memory_space<vmem_shared>>
    tpu.enqueue_dma source(%dma_start3A_770 : memref<2048xf32, #tpu.memory_space<vmem_shared>>) target(%dma_start3A_769 : memref<2048xf32, #tpu.memory_space<hbm>>) target_semaphore(%arg12 : memref<!tpu.dma_semaphore, #tpu.memory_space<semaphore_mem>>)
    %mul3A_771 = arith.constant 65536 : i32
    %mul3A_772 = arith.muli %arg1, %mul3A_771 : i32
    %add3A_773 = arith.constant 16384 : i32
    %add3A_774 = arith.addi %mul3A_772, %add3A_773 : i32
    %mul3A_775 = arith.constant 512 : i32
    %mul3A_776 = arith.muli %add3A_65, %mul3A_775 : i32
    %mul3A_777 = arith.constant 32 : i32
    %mul3A_778 = arith.muli %arg1, %mul3A_777 : i32
    %add3A_779 = arith.addi %mul3A_776, %mul3A_778 : i32
    %add3A_780 = arith.constant 8 : i32
    %add3A_781 = arith.addi %add3A_779, %add3A_780 : i32
    %dma_start3A_782 = arith.constant 0 : i32
    %dma_start3A_783 = tpu.memref_slice %arg5[%add3A_781, %dma_start3A_782] : memref<2048x2048xf32, #tpu.memory_space<hbm>> -> memref<1x2048xf32, #tpu.memory_space<hbm>>
    %dma_start3A_784 = tpu.memref_squeeze %dma_start3A_783 : memref<1x2048xf32, #tpu.memory_space<hbm>> -> memref<2048xf32, #tpu.memory_space<hbm>>
    %dma_start3A_785 = tpu.memref_slice %arg11[%add3A_774] : memref<1048592xf32, #tpu.memory_space<vmem_shared>> -> memref<2048xf32, #tpu.memory_space<vmem_shared>>
    tpu.enqueue_dma source(%dma_start3A_785 : memref<2048xf32, #tpu.memory_space<vmem_shared>>) target(%dma_start3A_784 : memref<2048xf32, #tpu.memory_space<hbm>>) target_semaphore(%arg12 : memref<!tpu.dma_semaphore, #tpu.memory_space<semaphore_mem>>)
    %mul3A_786 = arith.constant 65536 : i32
    %mul3A_787 = arith.muli %arg1, %mul3A_786 : i32
    %add3A_788 = arith.constant 18432 : i32
    %add3A_789 = arith.addi %mul3A_787, %add3A_788 : i32
    %mul3A_790 = arith.constant 512 : i32
    %mul3A_791 = arith.muli %add3A_65, %mul3A_790 : i32
    %mul3A_792 = arith.constant 32 : i32
    %mul3A_793 = arith.muli %arg1, %mul3A_792 : i32
    %add3A_794 = arith.addi %mul3A_791, %mul3A_793 : i32
    %add3A_795 = arith.constant 9 : i32
    %add3A_796 = arith.addi %add3A_794, %add3A_795 : i32
    %dma_start3A_797 = arith.constant 0 : i32
    %dma_start3A_798 = tpu.memref_slice %arg5[%add3A_796, %dma_start3A_797] : memref<2048x2048xf32, #tpu.memory_space<hbm>> -> memref<1x2048xf32, #tpu.memory_space<hbm>>
    %dma_start3A_799 = tpu.memref_squeeze %dma_start3A_798 : memref<1x2048xf32, #tpu.memory_space<hbm>> -> memref<2048xf32, #tpu.memory_space<hbm>>
    %dma_start3A_800 = tpu.memref_slice %arg11[%add3A_789] : memref<1048592xf32, #tpu.memory_space<vmem_shared>> -> memref<2048xf32, #tpu.memory_space<vmem_shared>>
    tpu.enqueue_dma source(%dma_start3A_800 : memref<2048xf32, #tpu.memory_space<vmem_shared>>) target(%dma_start3A_799 : memref<2048xf32, #tpu.memory_space<hbm>>) target_semaphore(%arg12 : memref<!tpu.dma_semaphore, #tpu.memory_space<semaphore_mem>>)
    %mul3A_801 = arith.constant 65536 : i32
    %mul3A_802 = arith.muli %arg1, %mul3A_801 : i32
    %add3A_803 = arith.constant 20480 : i32
    %add3A_804 = arith.addi %mul3A_802, %add3A_803 : i32
    %mul3A_805 = arith.constant 512 : i32
    %mul3A_806 = arith.muli %add3A_65, %mul3A_805 : i32
    %mul3A_807 = arith.constant 32 : i32
    %mul3A_808 = arith.muli %arg1, %mul3A_807 : i32
    %add3A_809 = arith.addi %mul3A_806, %mul3A_808 : i32
    %add3A_810 = arith.constant 10 : i32
    %add3A_811 = arith.addi %add3A_809, %add3A_810 : i32
    %dma_start3A_812 = arith.constant 0 : i32
    %dma_start3A_813 = tpu.memref_slice %arg5[%add3A_811, %dma_start3A_812] : memref<2048x2048xf32, #tpu.memory_space<hbm>> -> memref<1x2048xf32, #tpu.memory_space<hbm>>
    %dma_start3A_814 = tpu.memref_squeeze %dma_start3A_813 : memref<1x2048xf32, #tpu.memory_space<hbm>> -> memref<2048xf32, #tpu.memory_space<hbm>>
    %dma_start3A_815 = tpu.memref_slice %arg11[%add3A_804] : memref<1048592xf32, #tpu.memory_space<vmem_shared>> -> memref<2048xf32, #tpu.memory_space<vmem_shared>>
    tpu.enqueue_dma source(%dma_start3A_815 : memref<2048xf32, #tpu.memory_space<vmem_shared>>) target(%dma_start3A_814 : memref<2048xf32, #tpu.memory_space<hbm>>) target_semaphore(%arg12 : memref<!tpu.dma_semaphore, #tpu.memory_space<semaphore_mem>>)
    %mul3A_816 = arith.constant 65536 : i32
    %mul3A_817 = arith.muli %arg1, %mul3A_816 : i32
    %add3A_818 = arith.constant 22528 : i32
    %add3A_819 = arith.addi %mul3A_817, %add3A_818 : i32
    %mul3A_820 = arith.constant 512 : i32
    %mul3A_821 = arith.muli %add3A_65, %mul3A_820 : i32
    %mul3A_822 = arith.constant 32 : i32
    %mul3A_823 = arith.muli %arg1, %mul3A_822 : i32
    %add3A_824 = arith.addi %mul3A_821, %mul3A_823 : i32
    %add3A_825 = arith.constant 11 : i32
    %add3A_826 = arith.addi %add3A_824, %add3A_825 : i32
    %dma_start3A_827 = arith.constant 0 : i32
    %dma_start3A_828 = tpu.memref_slice %arg5[%add3A_826, %dma_start3A_827] : memref<2048x2048xf32, #tpu.memory_space<hbm>> -> memref<1x2048xf32, #tpu.memory_space<hbm>>
    %dma_start3A_829 = tpu.memref_squeeze %dma_start3A_828 : memref<1x2048xf32, #tpu.memory_space<hbm>> -> memref<2048xf32, #tpu.memory_space<hbm>>
    %dma_start3A_830 = tpu.memref_slice %arg11[%add3A_819] : memref<1048592xf32, #tpu.memory_space<vmem_shared>> -> memref<2048xf32, #tpu.memory_space<vmem_shared>>
    tpu.enqueue_dma source(%dma_start3A_830 : memref<2048xf32, #tpu.memory_space<vmem_shared>>) target(%dma_start3A_829 : memref<2048xf32, #tpu.memory_space<hbm>>) target_semaphore(%arg12 : memref<!tpu.dma_semaphore, #tpu.memory_space<semaphore_mem>>)
    %mul3A_831 = arith.constant 65536 : i32
    %mul3A_832 = arith.muli %arg1, %mul3A_831 : i32
    %add3A_833 = arith.constant 24576 : i32
    %add3A_834 = arith.addi %mul3A_832, %add3A_833 : i32
    %mul3A_835 = arith.constant 512 : i32
    %mul3A_836 = arith.muli %add3A_65, %mul3A_835 : i32
    %mul3A_837 = arith.constant 32 : i32
    %mul3A_838 = arith.muli %arg1, %mul3A_837 : i32
    %add3A_839 = arith.addi %mul3A_836, %mul3A_838 : i32
    %add3A_840 = arith.constant 12 : i32
    %add3A_841 = arith.addi %add3A_839, %add3A_840 : i32
    %dma_start3A_842 = arith.constant 0 : i32
    %dma_start3A_843 = tpu.memref_slice %arg5[%add3A_841, %dma_start3A_842] : memref<2048x2048xf32, #tpu.memory_space<hbm>> -> memref<1x2048xf32, #tpu.memory_space<hbm>>
    %dma_start3A_844 = tpu.memref_squeeze %dma_start3A_843 : memref<1x2048xf32, #tpu.memory_space<hbm>> -> memref<2048xf32, #tpu.memory_space<hbm>>
    %dma_start3A_845 = tpu.memref_slice %arg11[%add3A_834] : memref<1048592xf32, #tpu.memory_space<vmem_shared>> -> memref<2048xf32, #tpu.memory_space<vmem_shared>>
    tpu.enqueue_dma source(%dma_start3A_845 : memref<2048xf32, #tpu.memory_space<vmem_shared>>) target(%dma_start3A_844 : memref<2048xf32, #tpu.memory_space<hbm>>) target_semaphore(%arg12 : memref<!tpu.dma_semaphore, #tpu.memory_space<semaphore_mem>>)
    %mul3A_846 = arith.constant 65536 : i32
    %mul3A_847 = arith.muli %arg1, %mul3A_846 : i32
    %add3A_848 = arith.constant 26624 : i32
    %add3A_849 = arith.addi %mul3A_847, %add3A_848 : i32
    %mul3A_850 = arith.constant 512 : i32
    %mul3A_851 = arith.muli %add3A_65, %mul3A_850 : i32
    %mul3A_852 = arith.constant 32 : i32
    %mul3A_853 = arith.muli %arg1, %mul3A_852 : i32
    %add3A_854 = arith.addi %mul3A_851, %mul3A_853 : i32
    %add3A_855 = arith.constant 13 : i32
    %add3A_856 = arith.addi %add3A_854, %add3A_855 : i32
    %dma_start3A_857 = arith.constant 0 : i32
    %dma_start3A_858 = tpu.memref_slice %arg5[%add3A_856, %dma_start3A_857] : memref<2048x2048xf32, #tpu.memory_space<hbm>> -> memref<1x2048xf32, #tpu.memory_space<hbm>>
    %dma_start3A_859 = tpu.memref_squeeze %dma_start3A_858 : memref<1x2048xf32, #tpu.memory_space<hbm>> -> memref<2048xf32, #tpu.memory_space<hbm>>
    %dma_start3A_860 = tpu.memref_slice %arg11[%add3A_849] : memref<1048592xf32, #tpu.memory_space<vmem_shared>> -> memref<2048xf32, #tpu.memory_space<vmem_shared>>
    tpu.enqueue_dma source(%dma_start3A_860 : memref<2048xf32, #tpu.memory_space<vmem_shared>>) target(%dma_start3A_859 : memref<2048xf32, #tpu.memory_space<hbm>>) target_semaphore(%arg12 : memref<!tpu.dma_semaphore, #tpu.memory_space<semaphore_mem>>)
    %mul3A_861 = arith.constant 65536 : i32
    %mul3A_862 = arith.muli %arg1, %mul3A_861 : i32
    %add3A_863 = arith.constant 28672 : i32
    %add3A_864 = arith.addi %mul3A_862, %add3A_863 : i32
    %mul3A_865 = arith.constant 512 : i32
    %mul3A_866 = arith.muli %add3A_65, %mul3A_865 : i32
    %mul3A_867 = arith.constant 32 : i32
    %mul3A_868 = arith.muli %arg1, %mul3A_867 : i32
    %add3A_869 = arith.addi %mul3A_866, %mul3A_868 : i32
    %add3A_870 = arith.constant 14 : i32
    %add3A_871 = arith.addi %add3A_869, %add3A_870 : i32
    %dma_start3A_872 = arith.constant 0 : i32
    %dma_start3A_873 = tpu.memref_slice %arg5[%add3A_871, %dma_start3A_872] : memref<2048x2048xf32, #tpu.memory_space<hbm>> -> memref<1x2048xf32, #tpu.memory_space<hbm>>
    %dma_start3A_874 = tpu.memref_squeeze %dma_start3A_873 : memref<1x2048xf32, #tpu.memory_space<hbm>> -> memref<2048xf32, #tpu.memory_space<hbm>>
    %dma_start3A_875 = tpu.memref_slice %arg11[%add3A_864] : memref<1048592xf32, #tpu.memory_space<vmem_shared>> -> memref<2048xf32, #tpu.memory_space<vmem_shared>>
    tpu.enqueue_dma source(%dma_start3A_875 : memref<2048xf32, #tpu.memory_space<vmem_shared>>) target(%dma_start3A_874 : memref<2048xf32, #tpu.memory_space<hbm>>) target_semaphore(%arg12 : memref<!tpu.dma_semaphore, #tpu.memory_space<semaphore_mem>>)
    %mul3A_876 = arith.constant 65536 : i32
    %mul3A_877 = arith.muli %arg1, %mul3A_876 : i32
    %add3A_878 = arith.constant 30720 : i32
    %add3A_879 = arith.addi %mul3A_877, %add3A_878 : i32
    %mul3A_880 = arith.constant 512 : i32
    %mul3A_881 = arith.muli %add3A_65, %mul3A_880 : i32
    %mul3A_882 = arith.constant 32 : i32
    %mul3A_883 = arith.muli %arg1, %mul3A_882 : i32
    %add3A_884 = arith.addi %mul3A_881, %mul3A_883 : i32
    %add3A_885 = arith.constant 15 : i32
    %add3A_886 = arith.addi %add3A_884, %add3A_885 : i32
    %dma_start3A_887 = arith.constant 0 : i32
    %dma_start3A_888 = tpu.memref_slice %arg5[%add3A_886, %dma_start3A_887] : memref<2048x2048xf32, #tpu.memory_space<hbm>> -> memref<1x2048xf32, #tpu.memory_space<hbm>>
    %dma_start3A_889 = tpu.memref_squeeze %dma_start3A_888 : memref<1x2048xf32, #tpu.memory_space<hbm>> -> memref<2048xf32, #tpu.memory_space<hbm>>
    %dma_start3A_890 = tpu.memref_slice %arg11[%add3A_879] : memref<1048592xf32, #tpu.memory_space<vmem_shared>> -> memref<2048xf32, #tpu.memory_space<vmem_shared>>
    tpu.enqueue_dma source(%dma_start3A_890 : memref<2048xf32, #tpu.memory_space<vmem_shared>>) target(%dma_start3A_889 : memref<2048xf32, #tpu.memory_space<hbm>>) target_semaphore(%arg12 : memref<!tpu.dma_semaphore, #tpu.memory_space<semaphore_mem>>)
    %mul3A_891 = arith.constant 65536 : i32
    %mul3A_892 = arith.muli %arg1, %mul3A_891 : i32
    %add3A_893 = arith.constant 32768 : i32
    %add3A_894 = arith.addi %mul3A_892, %add3A_893 : i32
    %mul3A_895 = arith.constant 512 : i32
    %mul3A_896 = arith.muli %add3A_65, %mul3A_895 : i32
    %mul3A_897 = arith.constant 32 : i32
    %mul3A_898 = arith.muli %arg1, %mul3A_897 : i32
    %add3A_899 = arith.addi %mul3A_896, %mul3A_898 : i32
    %add3A_900 = arith.constant 16 : i32
    %add3A_901 = arith.addi %add3A_899, %add3A_900 : i32
    %dma_start3A_902 = arith.constant 0 : i32
    %dma_start3A_903 = tpu.memref_slice %arg5[%add3A_901, %dma_start3A_902] : memref<2048x2048xf32, #tpu.memory_space<hbm>> -> memref<1x2048xf32, #tpu.memory_space<hbm>>
    %dma_start3A_904 = tpu.memref_squeeze %dma_start3A_903 : memref<1x2048xf32, #tpu.memory_space<hbm>> -> memref<2048xf32, #tpu.memory_space<hbm>>
    %dma_start3A_905 = tpu.memref_slice %arg11[%add3A_894] : memref<1048592xf32, #tpu.memory_space<vmem_shared>> -> memref<2048xf32, #tpu.memory_space<vmem_shared>>
    tpu.enqueue_dma source(%dma_start3A_905 : memref<2048xf32, #tpu.memory_space<vmem_shared>>) target(%dma_start3A_904 : memref<2048xf32, #tpu.memory_space<hbm>>) target_semaphore(%arg12 : memref<!tpu.dma_semaphore, #tpu.memory_space<semaphore_mem>>)
    %mul3A_906 = arith.constant 65536 : i32
    %mul3A_907 = arith.muli %arg1, %mul3A_906 : i32
    %add3A_908 = arith.constant 34816 : i32
    %add3A_909 = arith.addi %mul3A_907, %add3A_908 : i32
    %mul3A_910 = arith.constant 512 : i32
    %mul3A_911 = arith.muli %add3A_65, %mul3A_910 : i32
    %mul3A_912 = arith.constant 32 : i32
    %mul3A_913 = arith.muli %arg1, %mul3A_912 : i32
    %add3A_914 = arith.addi %mul3A_911, %mul3A_913 : i32
    %add3A_915 = arith.constant 17 : i32
    %add3A_916 = arith.addi %add3A_914, %add3A_915 : i32
    %dma_start3A_917 = arith.constant 0 : i32
    %dma_start3A_918 = tpu.memref_slice %arg5[%add3A_916, %dma_start3A_917] : memref<2048x2048xf32, #tpu.memory_space<hbm>> -> memref<1x2048xf32, #tpu.memory_space<hbm>>
    %dma_start3A_919 = tpu.memref_squeeze %dma_start3A_918 : memref<1x2048xf32, #tpu.memory_space<hbm>> -> memref<2048xf32, #tpu.memory_space<hbm>>
    %dma_start3A_920 = tpu.memref_slice %arg11[%add3A_909] : memref<1048592xf32, #tpu.memory_space<vmem_shared>> -> memref<2048xf32, #tpu.memory_space<vmem_shared>>
    tpu.enqueue_dma source(%dma_start3A_920 : memref<2048xf32, #tpu.memory_space<vmem_shared>>) target(%dma_start3A_919 : memref<2048xf32, #tpu.memory_space<hbm>>) target_semaphore(%arg12 : memref<!tpu.dma_semaphore, #tpu.memory_space<semaphore_mem>>)
    %mul3A_921 = arith.constant 65536 : i32
    %mul3A_922 = arith.muli %arg1, %mul3A_921 : i32
    %add3A_923 = arith.constant 36864 : i32
    %add3A_924 = arith.addi %mul3A_922, %add3A_923 : i32
    %mul3A_925 = arith.constant 512 : i32
    %mul3A_926 = arith.muli %add3A_65, %mul3A_925 : i32
    %mul3A_927 = arith.constant 32 : i32
    %mul3A_928 = arith.muli %arg1, %mul3A_927 : i32
    %add3A_929 = arith.addi %mul3A_926, %mul3A_928 : i32
    %add3A_930 = arith.constant 18 : i32
    %add3A_931 = arith.addi %add3A_929, %add3A_930 : i32
    %dma_start3A_932 = arith.constant 0 : i32
    %dma_start3A_933 = tpu.memref_slice %arg5[%add3A_931, %dma_start3A_932] : memref<2048x2048xf32, #tpu.memory_space<hbm>> -> memref<1x2048xf32, #tpu.memory_space<hbm>>
    %dma_start3A_934 = tpu.memref_squeeze %dma_start3A_933 : memref<1x2048xf32, #tpu.memory_space<hbm>> -> memref<2048xf32, #tpu.memory_space<hbm>>
    %dma_start3A_935 = tpu.memref_slice %arg11[%add3A_924] : memref<1048592xf32, #tpu.memory_space<vmem_shared>> -> memref<2048xf32, #tpu.memory_space<vmem_shared>>
    tpu.enqueue_dma source(%dma_start3A_935 : memref<2048xf32, #tpu.memory_space<vmem_shared>>) target(%dma_start3A_934 : memref<2048xf32, #tpu.memory_space<hbm>>) target_semaphore(%arg12 : memref<!tpu.dma_semaphore, #tpu.memory_space<semaphore_mem>>)
    %mul3A_936 = arith.constant 65536 : i32
    %mul3A_937 = arith.muli %arg1, %mul3A_936 : i32
    %add3A_938 = arith.constant 38912 : i32
    %add3A_939 = arith.addi %mul3A_937, %add3A_938 : i32
    %mul3A_940 = arith.constant 512 : i32
    %mul3A_941 = arith.muli %add3A_65, %mul3A_940 : i32
    %mul3A_942 = arith.constant 32 : i32
    %mul3A_943 = arith.muli %arg1, %mul3A_942 : i32
    %add3A_944 = arith.addi %mul3A_941, %mul3A_943 : i32
    %add3A_945 = arith.constant 19 : i32
    %add3A_946 = arith.addi %add3A_944, %add3A_945 : i32
    %dma_start3A_947 = arith.constant 0 : i32
    %dma_start3A_948 = tpu.memref_slice %arg5[%add3A_946, %dma_start3A_947] : memref<2048x2048xf32, #tpu.memory_space<hbm>> -> memref<1x2048xf32, #tpu.memory_space<hbm>>
    %dma_start3A_949 = tpu.memref_squeeze %dma_start3A_948 : memref<1x2048xf32, #tpu.memory_space<hbm>> -> memref<2048xf32, #tpu.memory_space<hbm>>
    %dma_start3A_950 = tpu.memref_slice %arg11[%add3A_939] : memref<1048592xf32, #tpu.memory_space<vmem_shared>> -> memref<2048xf32, #tpu.memory_space<vmem_shared>>
    tpu.enqueue_dma source(%dma_start3A_950 : memref<2048xf32, #tpu.memory_space<vmem_shared>>) target(%dma_start3A_949 : memref<2048xf32, #tpu.memory_space<hbm>>) target_semaphore(%arg12 : memref<!tpu.dma_semaphore, #tpu.memory_space<semaphore_mem>>)
    %mul3A_951 = arith.constant 65536 : i32
    %mul3A_952 = arith.muli %arg1, %mul3A_951 : i32
    %add3A_953 = arith.constant 40960 : i32
    %add3A_954 = arith.addi %mul3A_952, %add3A_953 : i32
    %mul3A_955 = arith.constant 512 : i32
    %mul3A_956 = arith.muli %add3A_65, %mul3A_955 : i32
    %mul3A_957 = arith.constant 32 : i32
    %mul3A_958 = arith.muli %arg1, %mul3A_957 : i32
    %add3A_959 = arith.addi %mul3A_956, %mul3A_958 : i32
    %add3A_960 = arith.constant 20 : i32
    %add3A_961 = arith.addi %add3A_959, %add3A_960 : i32
    %dma_start3A_962 = arith.constant 0 : i32
    %dma_start3A_963 = tpu.memref_slice %arg5[%add3A_961, %dma_start3A_962] : memref<2048x2048xf32, #tpu.memory_space<hbm>> -> memref<1x2048xf32, #tpu.memory_space<hbm>>
    %dma_start3A_964 = tpu.memref_squeeze %dma_start3A_963 : memref<1x2048xf32, #tpu.memory_space<hbm>> -> memref<2048xf32, #tpu.memory_space<hbm>>
    %dma_start3A_965 = tpu.memref_slice %arg11[%add3A_954] : memref<1048592xf32, #tpu.memory_space<vmem_shared>> -> memref<2048xf32, #tpu.memory_space<vmem_shared>>
    tpu.enqueue_dma source(%dma_start3A_965 : memref<2048xf32, #tpu.memory_space<vmem_shared>>) target(%dma_start3A_964 : memref<2048xf32, #tpu.memory_space<hbm>>) target_semaphore(%arg12 : memref<!tpu.dma_semaphore, #tpu.memory_space<semaphore_mem>>)
    %mul3A_966 = arith.constant 65536 : i32
    %mul3A_967 = arith.muli %arg1, %mul3A_966 : i32
    %add3A_968 = arith.constant 43008 : i32
    %add3A_969 = arith.addi %mul3A_967, %add3A_968 : i32
    %mul3A_970 = arith.constant 512 : i32
    %mul3A_971 = arith.muli %add3A_65, %mul3A_970 : i32
    %mul3A_972 = arith.constant 32 : i32
    %mul3A_973 = arith.muli %arg1, %mul3A_972 : i32
    %add3A_974 = arith.addi %mul3A_971, %mul3A_973 : i32
    %add3A_975 = arith.constant 21 : i32
    %add3A_976 = arith.addi %add3A_974, %add3A_975 : i32
    %dma_start3A_977 = arith.constant 0 : i32
    %dma_start3A_978 = tpu.memref_slice %arg5[%add3A_976, %dma_start3A_977] : memref<2048x2048xf32, #tpu.memory_space<hbm>> -> memref<1x2048xf32, #tpu.memory_space<hbm>>
    %dma_start3A_979 = tpu.memref_squeeze %dma_start3A_978 : memref<1x2048xf32, #tpu.memory_space<hbm>> -> memref<2048xf32, #tpu.memory_space<hbm>>
    %dma_start3A_980 = tpu.memref_slice %arg11[%add3A_969] : memref<1048592xf32, #tpu.memory_space<vmem_shared>> -> memref<2048xf32, #tpu.memory_space<vmem_shared>>
    tpu.enqueue_dma source(%dma_start3A_980 : memref<2048xf32, #tpu.memory_space<vmem_shared>>) target(%dma_start3A_979 : memref<2048xf32, #tpu.memory_space<hbm>>) target_semaphore(%arg12 : memref<!tpu.dma_semaphore, #tpu.memory_space<semaphore_mem>>)
    %mul3A_981 = arith.constant 65536 : i32
    %mul3A_982 = arith.muli %arg1, %mul3A_981 : i32
    %add3A_983 = arith.constant 45056 : i32
    %add3A_984 = arith.addi %mul3A_982, %add3A_983 : i32
    %mul3A_985 = arith.constant 512 : i32
    %mul3A_986 = arith.muli %add3A_65, %mul3A_985 : i32
    %mul3A_987 = arith.constant 32 : i32
    %mul3A_988 = arith.muli %arg1, %mul3A_987 : i32
    %add3A_989 = arith.addi %mul3A_986, %mul3A_988 : i32
    %add3A_990 = arith.constant 22 : i32
    %add3A_991 = arith.addi %add3A_989, %add3A_990 : i32
    %dma_start3A_992 = arith.constant 0 : i32
    %dma_start3A_993 = tpu.memref_slice %arg5[%add3A_991, %dma_start3A_992] : memref<2048x2048xf32, #tpu.memory_space<hbm>> -> memref<1x2048xf32, #tpu.memory_space<hbm>>
    %dma_start3A_994 = tpu.memref_squeeze %dma_start3A_993 : memref<1x2048xf32, #tpu.memory_space<hbm>> -> memref<2048xf32, #tpu.memory_space<hbm>>
    %dma_start3A_995 = tpu.memref_slice %arg11[%add3A_984] : memref<1048592xf32, #tpu.memory_space<vmem_shared>> -> memref<2048xf32, #tpu.memory_space<vmem_shared>>
    tpu.enqueue_dma source(%dma_start3A_995 : memref<2048xf32, #tpu.memory_space<vmem_shared>>) target(%dma_start3A_994 : memref<2048xf32, #tpu.memory_space<hbm>>) target_semaphore(%arg12 : memref<!tpu.dma_semaphore, #tpu.memory_space<semaphore_mem>>)
    %mul3A_996 = arith.constant 65536 : i32
    %mul3A_997 = arith.muli %arg1, %mul3A_996 : i32
    %add3A_998 = arith.constant 47104 : i32
    %add3A_999 = arith.addi %mul3A_997, %add3A_998 : i32
    %mul3A_1000 = arith.constant 512 : i32
    %mul3A_1001 = arith.muli %add3A_65, %mul3A_1000 : i32
    %mul3A_1002 = arith.constant 32 : i32
    %mul3A_1003 = arith.muli %arg1, %mul3A_1002 : i32
    %add3A_1004 = arith.addi %mul3A_1001, %mul3A_1003 : i32
    %add3A_1005 = arith.constant 23 : i32
    %add3A_1006 = arith.addi %add3A_1004, %add3A_1005 : i32
    %dma_start3A_1007 = arith.constant 0 : i32
    %dma_start3A_1008 = tpu.memref_slice %arg5[%add3A_1006, %dma_start3A_1007] : memref<2048x2048xf32, #tpu.memory_space<hbm>> -> memref<1x2048xf32, #tpu.memory_space<hbm>>
    %dma_start3A_1009 = tpu.memref_squeeze %dma_start3A_1008 : memref<1x2048xf32, #tpu.memory_space<hbm>> -> memref<2048xf32, #tpu.memory_space<hbm>>
    %dma_start3A_1010 = tpu.memref_slice %arg11[%add3A_999] : memref<1048592xf32, #tpu.memory_space<vmem_shared>> -> memref<2048xf32, #tpu.memory_space<vmem_shared>>
    tpu.enqueue_dma source(%dma_start3A_1010 : memref<2048xf32, #tpu.memory_space<vmem_shared>>) target(%dma_start3A_1009 : memref<2048xf32, #tpu.memory_space<hbm>>) target_semaphore(%arg12 : memref<!tpu.dma_semaphore, #tpu.memory_space<semaphore_mem>>)
    %mul3A_1011 = arith.constant 65536 : i32
    %mul3A_1012 = arith.muli %arg1, %mul3A_1011 : i32
    %add3A_1013 = arith.constant 49152 : i32
    %add3A_1014 = arith.addi %mul3A_1012, %add3A_1013 : i32
    %mul3A_1015 = arith.constant 512 : i32
    %mul3A_1016 = arith.muli %add3A_65, %mul3A_1015 : i32
    %mul3A_1017 = arith.constant 32 : i32
    %mul3A_1018 = arith.muli %arg1, %mul3A_1017 : i32
    %add3A_1019 = arith.addi %mul3A_1016, %mul3A_1018 : i32
    %add3A_1020 = arith.constant 24 : i32
    %add3A_1021 = arith.addi %add3A_1019, %add3A_1020 : i32
    %dma_start3A_1022 = arith.constant 0 : i32
    %dma_start3A_1023 = tpu.memref_slice %arg5[%add3A_1021, %dma_start3A_1022] : memref<2048x2048xf32, #tpu.memory_space<hbm>> -> memref<1x2048xf32, #tpu.memory_space<hbm>>
    %dma_start3A_1024 = tpu.memref_squeeze %dma_start3A_1023 : memref<1x2048xf32, #tpu.memory_space<hbm>> -> memref<2048xf32, #tpu.memory_space<hbm>>
    %dma_start3A_1025 = tpu.memref_slice %arg11[%add3A_1014] : memref<1048592xf32, #tpu.memory_space<vmem_shared>> -> memref<2048xf32, #tpu.memory_space<vmem_shared>>
    tpu.enqueue_dma source(%dma_start3A_1025 : memref<2048xf32, #tpu.memory_space<vmem_shared>>) target(%dma_start3A_1024 : memref<2048xf32, #tpu.memory_space<hbm>>) target_semaphore(%arg12 : memref<!tpu.dma_semaphore, #tpu.memory_space<semaphore_mem>>)
    %mul3A_1026 = arith.constant 65536 : i32
    %mul3A_1027 = arith.muli %arg1, %mul3A_1026 : i32
    %add3A_1028 = arith.constant 51200 : i32
    %add3A_1029 = arith.addi %mul3A_1027, %add3A_1028 : i32
    %mul3A_1030 = arith.constant 512 : i32
    %mul3A_1031 = arith.muli %add3A_65, %mul3A_1030 : i32
    %mul3A_1032 = arith.constant 32 : i32
    %mul3A_1033 = arith.muli %arg1, %mul3A_1032 : i32
    %add3A_1034 = arith.addi %mul3A_1031, %mul3A_1033 : i32
    %add3A_1035 = arith.constant 25 : i32
    %add3A_1036 = arith.addi %add3A_1034, %add3A_1035 : i32
    %dma_start3A_1037 = arith.constant 0 : i32
    %dma_start3A_1038 = tpu.memref_slice %arg5[%add3A_1036, %dma_start3A_1037] : memref<2048x2048xf32, #tpu.memory_space<hbm>> -> memref<1x2048xf32, #tpu.memory_space<hbm>>
    %dma_start3A_1039 = tpu.memref_squeeze %dma_start3A_1038 : memref<1x2048xf32, #tpu.memory_space<hbm>> -> memref<2048xf32, #tpu.memory_space<hbm>>
    %dma_start3A_1040 = tpu.memref_slice %arg11[%add3A_1029] : memref<1048592xf32, #tpu.memory_space<vmem_shared>> -> memref<2048xf32, #tpu.memory_space<vmem_shared>>
    tpu.enqueue_dma source(%dma_start3A_1040 : memref<2048xf32, #tpu.memory_space<vmem_shared>>) target(%dma_start3A_1039 : memref<2048xf32, #tpu.memory_space<hbm>>) target_semaphore(%arg12 : memref<!tpu.dma_semaphore, #tpu.memory_space<semaphore_mem>>)
    %mul3A_1041 = arith.constant 65536 : i32
    %mul3A_1042 = arith.muli %arg1, %mul3A_1041 : i32
    %add3A_1043 = arith.constant 53248 : i32
    %add3A_1044 = arith.addi %mul3A_1042, %add3A_1043 : i32
    %mul3A_1045 = arith.constant 512 : i32
    %mul3A_1046 = arith.muli %add3A_65, %mul3A_1045 : i32
    %mul3A_1047 = arith.constant 32 : i32
    %mul3A_1048 = arith.muli %arg1, %mul3A_1047 : i32
    %add3A_1049 = arith.addi %mul3A_1046, %mul3A_1048 : i32
    %add3A_1050 = arith.constant 26 : i32
    %add3A_1051 = arith.addi %add3A_1049, %add3A_1050 : i32
    %dma_start3A_1052 = arith.constant 0 : i32
    %dma_start3A_1053 = tpu.memref_slice %arg5[%add3A_1051, %dma_start3A_1052] : memref<2048x2048xf32, #tpu.memory_space<hbm>> -> memref<1x2048xf32, #tpu.memory_space<hbm>>
    %dma_start3A_1054 = tpu.memref_squeeze %dma_start3A_1053 : memref<1x2048xf32, #tpu.memory_space<hbm>> -> memref<2048xf32, #tpu.memory_space<hbm>>
    %dma_start3A_1055 = tpu.memref_slice %arg11[%add3A_1044] : memref<1048592xf32, #tpu.memory_space<vmem_shared>> -> memref<2048xf32, #tpu.memory_space<vmem_shared>>
    tpu.enqueue_dma source(%dma_start3A_1055 : memref<2048xf32, #tpu.memory_space<vmem_shared>>) target(%dma_start3A_1054 : memref<2048xf32, #tpu.memory_space<hbm>>) target_semaphore(%arg12 : memref<!tpu.dma_semaphore, #tpu.memory_space<semaphore_mem>>)
    %mul3A_1056 = arith.constant 65536 : i32
    %mul3A_1057 = arith.muli %arg1, %mul3A_1056 : i32
    %add3A_1058 = arith.constant 55296 : i32
    %add3A_1059 = arith.addi %mul3A_1057, %add3A_1058 : i32
    %mul3A_1060 = arith.constant 512 : i32
    %mul3A_1061 = arith.muli %add3A_65, %mul3A_1060 : i32
    %mul3A_1062 = arith.constant 32 : i32
    %mul3A_1063 = arith.muli %arg1, %mul3A_1062 : i32
    %add3A_1064 = arith.addi %mul3A_1061, %mul3A_1063 : i32
    %add3A_1065 = arith.constant 27 : i32
    %add3A_1066 = arith.addi %add3A_1064, %add3A_1065 : i32
    %dma_start3A_1067 = arith.constant 0 : i32
    %dma_start3A_1068 = tpu.memref_slice %arg5[%add3A_1066, %dma_start3A_1067] : memref<2048x2048xf32, #tpu.memory_space<hbm>> -> memref<1x2048xf32, #tpu.memory_space<hbm>>
    %dma_start3A_1069 = tpu.memref_squeeze %dma_start3A_1068 : memref<1x2048xf32, #tpu.memory_space<hbm>> -> memref<2048xf32, #tpu.memory_space<hbm>>
    %dma_start3A_1070 = tpu.memref_slice %arg11[%add3A_1059] : memref<1048592xf32, #tpu.memory_space<vmem_shared>> -> memref<2048xf32, #tpu.memory_space<vmem_shared>>
    tpu.enqueue_dma source(%dma_start3A_1070 : memref<2048xf32, #tpu.memory_space<vmem_shared>>) target(%dma_start3A_1069 : memref<2048xf32, #tpu.memory_space<hbm>>) target_semaphore(%arg12 : memref<!tpu.dma_semaphore, #tpu.memory_space<semaphore_mem>>)
    %mul3A_1071 = arith.constant 65536 : i32
    %mul3A_1072 = arith.muli %arg1, %mul3A_1071 : i32
    %add3A_1073 = arith.constant 57344 : i32
    %add3A_1074 = arith.addi %mul3A_1072, %add3A_1073 : i32
    %mul3A_1075 = arith.constant 512 : i32
    %mul3A_1076 = arith.muli %add3A_65, %mul3A_1075 : i32
    %mul3A_1077 = arith.constant 32 : i32
    %mul3A_1078 = arith.muli %arg1, %mul3A_1077 : i32
    %add3A_1079 = arith.addi %mul3A_1076, %mul3A_1078 : i32
    %add3A_1080 = arith.constant 28 : i32
    %add3A_1081 = arith.addi %add3A_1079, %add3A_1080 : i32
    %dma_start3A_1082 = arith.constant 0 : i32
    %dma_start3A_1083 = tpu.memref_slice %arg5[%add3A_1081, %dma_start3A_1082] : memref<2048x2048xf32, #tpu.memory_space<hbm>> -> memref<1x2048xf32, #tpu.memory_space<hbm>>
    %dma_start3A_1084 = tpu.memref_squeeze %dma_start3A_1083 : memref<1x2048xf32, #tpu.memory_space<hbm>> -> memref<2048xf32, #tpu.memory_space<hbm>>
    %dma_start3A_1085 = tpu.memref_slice %arg11[%add3A_1074] : memref<1048592xf32, #tpu.memory_space<vmem_shared>> -> memref<2048xf32, #tpu.memory_space<vmem_shared>>
    tpu.enqueue_dma source(%dma_start3A_1085 : memref<2048xf32, #tpu.memory_space<vmem_shared>>) target(%dma_start3A_1084 : memref<2048xf32, #tpu.memory_space<hbm>>) target_semaphore(%arg12 : memref<!tpu.dma_semaphore, #tpu.memory_space<semaphore_mem>>)
    %mul3A_1086 = arith.constant 65536 : i32
    %mul3A_1087 = arith.muli %arg1, %mul3A_1086 : i32
    %add3A_1088 = arith.constant 59392 : i32
    %add3A_1089 = arith.addi %mul3A_1087, %add3A_1088 : i32
    %mul3A_1090 = arith.constant 512 : i32
    %mul3A_1091 = arith.muli %add3A_65, %mul3A_1090 : i32
    %mul3A_1092 = arith.constant 32 : i32
    %mul3A_1093 = arith.muli %arg1, %mul3A_1092 : i32
    %add3A_1094 = arith.addi %mul3A_1091, %mul3A_1093 : i32
    %add3A_1095 = arith.constant 29 : i32
    %add3A_1096 = arith.addi %add3A_1094, %add3A_1095 : i32
    %dma_start3A_1097 = arith.constant 0 : i32
    %dma_start3A_1098 = tpu.memref_slice %arg5[%add3A_1096, %dma_start3A_1097] : memref<2048x2048xf32, #tpu.memory_space<hbm>> -> memref<1x2048xf32, #tpu.memory_space<hbm>>
    %dma_start3A_1099 = tpu.memref_squeeze %dma_start3A_1098 : memref<1x2048xf32, #tpu.memory_space<hbm>> -> memref<2048xf32, #tpu.memory_space<hbm>>
    %dma_start3A_1100 = tpu.memref_slice %arg11[%add3A_1089] : memref<1048592xf32, #tpu.memory_space<vmem_shared>> -> memref<2048xf32, #tpu.memory_space<vmem_shared>>
    tpu.enqueue_dma source(%dma_start3A_1100 : memref<2048xf32, #tpu.memory_space<vmem_shared>>) target(%dma_start3A_1099 : memref<2048xf32, #tpu.memory_space<hbm>>) target_semaphore(%arg12 : memref<!tpu.dma_semaphore, #tpu.memory_space<semaphore_mem>>)
    %mul3A_1101 = arith.constant 65536 : i32
    %mul3A_1102 = arith.muli %arg1, %mul3A_1101 : i32
    %add3A_1103 = arith.constant 61440 : i32
    %add3A_1104 = arith.addi %mul3A_1102, %add3A_1103 : i32
    %mul3A_1105 = arith.constant 512 : i32
    %mul3A_1106 = arith.muli %add3A_65, %mul3A_1105 : i32
    %mul3A_1107 = arith.constant 32 : i32
    %mul3A_1108 = arith.muli %arg1, %mul3A_1107 : i32
    %add3A_1109 = arith.addi %mul3A_1106, %mul3A_1108 : i32
    %add3A_1110 = arith.constant 30 : i32
    %add3A_1111 = arith.addi %add3A_1109, %add3A_1110 : i32
    %dma_start3A_1112 = arith.constant 0 : i32
    %dma_start3A_1113 = tpu.memref_slice %arg5[%add3A_1111, %dma_start3A_1112] : memref<2048x2048xf32, #tpu.memory_space<hbm>> -> memref<1x2048xf32, #tpu.memory_space<hbm>>
    %dma_start3A_1114 = tpu.memref_squeeze %dma_start3A_1113 : memref<1x2048xf32, #tpu.memory_space<hbm>> -> memref<2048xf32, #tpu.memory_space<hbm>>
    %dma_start3A_1115 = tpu.memref_slice %arg11[%add3A_1104] : memref<1048592xf32, #tpu.memory_space<vmem_shared>> -> memref<2048xf32, #tpu.memory_space<vmem_shared>>
    tpu.enqueue_dma source(%dma_start3A_1115 : memref<2048xf32, #tpu.memory_space<vmem_shared>>) target(%dma_start3A_1114 : memref<2048xf32, #tpu.memory_space<hbm>>) target_semaphore(%arg12 : memref<!tpu.dma_semaphore, #tpu.memory_space<semaphore_mem>>)
    %mul3A_1116 = arith.constant 65536 : i32
    %mul3A_1117 = arith.muli %arg1, %mul3A_1116 : i32
    %add3A_1118 = arith.constant 63488 : i32
    %add3A_1119 = arith.addi %mul3A_1117, %add3A_1118 : i32
    %mul3A_1120 = arith.constant 512 : i32
    %mul3A_1121 = arith.muli %add3A_65, %mul3A_1120 : i32
    %mul3A_1122 = arith.constant 32 : i32
    %mul3A_1123 = arith.muli %arg1, %mul3A_1122 : i32
    %add3A_1124 = arith.addi %mul3A_1121, %mul3A_1123 : i32
    %add3A_1125 = arith.constant 31 : i32
    %add3A_1126 = arith.addi %add3A_1124, %add3A_1125 : i32
    %dma_start3A_1127 = arith.constant 0 : i32
    %dma_start3A_1128 = tpu.memref_slice %arg5[%add3A_1126, %dma_start3A_1127] : memref<2048x2048xf32, #tpu.memory_space<hbm>> -> memref<1x2048xf32, #tpu.memory_space<hbm>>
    %dma_start3A_1129 = tpu.memref_squeeze %dma_start3A_1128 : memref<1x2048xf32, #tpu.memory_space<hbm>> -> memref<2048xf32, #tpu.memory_space<hbm>>
    %dma_start3A_1130 = tpu.memref_slice %arg11[%add3A_1119] : memref<1048592xf32, #tpu.memory_space<vmem_shared>> -> memref<2048xf32, #tpu.memory_space<vmem_shared>>
    tpu.enqueue_dma source(%dma_start3A_1130 : memref<2048xf32, #tpu.memory_space<vmem_shared>>) target(%dma_start3A_1129 : memref<2048xf32, #tpu.memory_space<hbm>>) target_semaphore(%arg12 : memref<!tpu.dma_semaphore, #tpu.memory_space<semaphore_mem>>)
    %dma_wait3A_1131 = arith.constant 0 : i32
    %dma_wait3A_1132 = tpu.memref_slice %arg5[%add3A_661, %dma_wait3A_1131] : memref<2048x2048xf32, #tpu.memory_space<hbm>> -> memref<1x2048xf32, #tpu.memory_space<hbm>>
    %dma_wait3A_1133 = tpu.memref_squeeze %dma_wait3A_1132 : memref<1x2048xf32, #tpu.memory_space<hbm>> -> memref<2048xf32, #tpu.memory_space<hbm>>
    %dma_wait3A_1134 = tpu.memref_slice %arg11[%add3A_654] : memref<1048592xf32, #tpu.memory_space<vmem_shared>> -> memref<2048xf32, #tpu.memory_space<vmem_shared>>
    tpu.wait_dma2 semaphore(%arg12 : memref<!tpu.dma_semaphore, #tpu.memory_space<semaphore_mem>>) src(%dma_wait3A_1134 : memref<2048xf32, #tpu.memory_space<vmem_shared>>) dst(%dma_wait3A_1133 : memref<2048xf32, #tpu.memory_space<hbm>>)
    %dma_wait3A_1135 = arith.constant 0 : i32
    %dma_wait3A_1136 = tpu.memref_slice %arg5[%add3A_676, %dma_wait3A_1135] : memref<2048x2048xf32, #tpu.memory_space<hbm>> -> memref<1x2048xf32, #tpu.memory_space<hbm>>
    %dma_wait3A_1137 = tpu.memref_squeeze %dma_wait3A_1136 : memref<1x2048xf32, #tpu.memory_space<hbm>> -> memref<2048xf32, #tpu.memory_space<hbm>>
    %dma_wait3A_1138 = tpu.memref_slice %arg11[%add3A_669] : memref<1048592xf32, #tpu.memory_space<vmem_shared>> -> memref<2048xf32, #tpu.memory_space<vmem_shared>>
    tpu.wait_dma2 semaphore(%arg12 : memref<!tpu.dma_semaphore, #tpu.memory_space<semaphore_mem>>) src(%dma_wait3A_1138 : memref<2048xf32, #tpu.memory_space<vmem_shared>>) dst(%dma_wait3A_1137 : memref<2048xf32, #tpu.memory_space<hbm>>)
    %dma_wait3A_1139 = arith.constant 0 : i32
    %dma_wait3A_1140 = tpu.memref_slice %arg5[%add3A_691, %dma_wait3A_1139] : memref<2048x2048xf32, #tpu.memory_space<hbm>> -> memref<1x2048xf32, #tpu.memory_space<hbm>>
    %dma_wait3A_1141 = tpu.memref_squeeze %dma_wait3A_1140 : memref<1x2048xf32, #tpu.memory_space<hbm>> -> memref<2048xf32, #tpu.memory_space<hbm>>
    %dma_wait3A_1142 = tpu.memref_slice %arg11[%add3A_684] : memref<1048592xf32, #tpu.memory_space<vmem_shared>> -> memref<2048xf32, #tpu.memory_space<vmem_shared>>
    tpu.wait_dma2 semaphore(%arg12 : memref<!tpu.dma_semaphore, #tpu.memory_space<semaphore_mem>>) src(%dma_wait3A_1142 : memref<2048xf32, #tpu.memory_space<vmem_shared>>) dst(%dma_wait3A_1141 : memref<2048xf32, #tpu.memory_space<hbm>>)
    %dma_wait3A_1143 = arith.constant 0 : i32
    %dma_wait3A_1144 = tpu.memref_slice %arg5[%add3A_706, %dma_wait3A_1143] : memref<2048x2048xf32, #tpu.memory_space<hbm>> -> memref<1x2048xf32, #tpu.memory_space<hbm>>
    %dma_wait3A_1145 = tpu.memref_squeeze %dma_wait3A_1144 : memref<1x2048xf32, #tpu.memory_space<hbm>> -> memref<2048xf32, #tpu.memory_space<hbm>>
    %dma_wait3A_1146 = tpu.memref_slice %arg11[%add3A_699] : memref<1048592xf32, #tpu.memory_space<vmem_shared>> -> memref<2048xf32, #tpu.memory_space<vmem_shared>>
    tpu.wait_dma2 semaphore(%arg12 : memref<!tpu.dma_semaphore, #tpu.memory_space<semaphore_mem>>) src(%dma_wait3A_1146 : memref<2048xf32, #tpu.memory_space<vmem_shared>>) dst(%dma_wait3A_1145 : memref<2048xf32, #tpu.memory_space<hbm>>)
    %dma_wait3A_1147 = arith.constant 0 : i32
    %dma_wait3A_1148 = tpu.memref_slice %arg5[%add3A_721, %dma_wait3A_1147] : memref<2048x2048xf32, #tpu.memory_space<hbm>> -> memref<1x2048xf32, #tpu.memory_space<hbm>>
    %dma_wait3A_1149 = tpu.memref_squeeze %dma_wait3A_1148 : memref<1x2048xf32, #tpu.memory_space<hbm>> -> memref<2048xf32, #tpu.memory_space<hbm>>
    %dma_wait3A_1150 = tpu.memref_slice %arg11[%add3A_714] : memref<1048592xf32, #tpu.memory_space<vmem_shared>> -> memref<2048xf32, #tpu.memory_space<vmem_shared>>
    tpu.wait_dma2 semaphore(%arg12 : memref<!tpu.dma_semaphore, #tpu.memory_space<semaphore_mem>>) src(%dma_wait3A_1150 : memref<2048xf32, #tpu.memory_space<vmem_shared>>) dst(%dma_wait3A_1149 : memref<2048xf32, #tpu.memory_space<hbm>>)
    %dma_wait3A_1151 = arith.constant 0 : i32
    %dma_wait3A_1152 = tpu.memref_slice %arg5[%add3A_736, %dma_wait3A_1151] : memref<2048x2048xf32, #tpu.memory_space<hbm>> -> memref<1x2048xf32, #tpu.memory_space<hbm>>
    %dma_wait3A_1153 = tpu.memref_squeeze %dma_wait3A_1152 : memref<1x2048xf32, #tpu.memory_space<hbm>> -> memref<2048xf32, #tpu.memory_space<hbm>>
    %dma_wait3A_1154 = tpu.memref_slice %arg11[%add3A_729] : memref<1048592xf32, #tpu.memory_space<vmem_shared>> -> memref<2048xf32, #tpu.memory_space<vmem_shared>>
    tpu.wait_dma2 semaphore(%arg12 : memref<!tpu.dma_semaphore, #tpu.memory_space<semaphore_mem>>) src(%dma_wait3A_1154 : memref<2048xf32, #tpu.memory_space<vmem_shared>>) dst(%dma_wait3A_1153 : memref<2048xf32, #tpu.memory_space<hbm>>)
    %dma_wait3A_1155 = arith.constant 0 : i32
    %dma_wait3A_1156 = tpu.memref_slice %arg5[%add3A_751, %dma_wait3A_1155] : memref<2048x2048xf32, #tpu.memory_space<hbm>> -> memref<1x2048xf32, #tpu.memory_space<hbm>>
    %dma_wait3A_1157 = tpu.memref_squeeze %dma_wait3A_1156 : memref<1x2048xf32, #tpu.memory_space<hbm>> -> memref<2048xf32, #tpu.memory_space<hbm>>
    %dma_wait3A_1158 = tpu.memref_slice %arg11[%add3A_744] : memref<1048592xf32, #tpu.memory_space<vmem_shared>> -> memref<2048xf32, #tpu.memory_space<vmem_shared>>
    tpu.wait_dma2 semaphore(%arg12 : memref<!tpu.dma_semaphore, #tpu.memory_space<semaphore_mem>>) src(%dma_wait3A_1158 : memref<2048xf32, #tpu.memory_space<vmem_shared>>) dst(%dma_wait3A_1157 : memref<2048xf32, #tpu.memory_space<hbm>>)
    %dma_wait3A_1159 = arith.constant 0 : i32
    %dma_wait3A_1160 = tpu.memref_slice %arg5[%add3A_766, %dma_wait3A_1159] : memref<2048x2048xf32, #tpu.memory_space<hbm>> -> memref<1x2048xf32, #tpu.memory_space<hbm>>
    %dma_wait3A_1161 = tpu.memref_squeeze %dma_wait3A_1160 : memref<1x2048xf32, #tpu.memory_space<hbm>> -> memref<2048xf32, #tpu.memory_space<hbm>>
    %dma_wait3A_1162 = tpu.memref_slice %arg11[%add3A_759] : memref<1048592xf32, #tpu.memory_space<vmem_shared>> -> memref<2048xf32, #tpu.memory_space<vmem_shared>>
    tpu.wait_dma2 semaphore(%arg12 : memref<!tpu.dma_semaphore, #tpu.memory_space<semaphore_mem>>) src(%dma_wait3A_1162 : memref<2048xf32, #tpu.memory_space<vmem_shared>>) dst(%dma_wait3A_1161 : memref<2048xf32, #tpu.memory_space<hbm>>)
    %dma_wait3A_1163 = arith.constant 0 : i32
    %dma_wait3A_1164 = tpu.memref_slice %arg5[%add3A_781, %dma_wait3A_1163] : memref<2048x2048xf32, #tpu.memory_space<hbm>> -> memref<1x2048xf32, #tpu.memory_space<hbm>>
    %dma_wait3A_1165 = tpu.memref_squeeze %dma_wait3A_1164 : memref<1x2048xf32, #tpu.memory_space<hbm>> -> memref<2048xf32, #tpu.memory_space<hbm>>
    %dma_wait3A_1166 = tpu.memref_slice %arg11[%add3A_774] : memref<1048592xf32, #tpu.memory_space<vmem_shared>> -> memref<2048xf32, #tpu.memory_space<vmem_shared>>
    tpu.wait_dma2 semaphore(%arg12 : memref<!tpu.dma_semaphore, #tpu.memory_space<semaphore_mem>>) src(%dma_wait3A_1166 : memref<2048xf32, #tpu.memory_space<vmem_shared>>) dst(%dma_wait3A_1165 : memref<2048xf32, #tpu.memory_space<hbm>>)
    %dma_wait3A_1167 = arith.constant 0 : i32
    %dma_wait3A_1168 = tpu.memref_slice %arg5[%add3A_796, %dma_wait3A_1167] : memref<2048x2048xf32, #tpu.memory_space<hbm>> -> memref<1x2048xf32, #tpu.memory_space<hbm>>
    %dma_wait3A_1169 = tpu.memref_squeeze %dma_wait3A_1168 : memref<1x2048xf32, #tpu.memory_space<hbm>> -> memref<2048xf32, #tpu.memory_space<hbm>>
    %dma_wait3A_1170 = tpu.memref_slice %arg11[%add3A_789] : memref<1048592xf32, #tpu.memory_space<vmem_shared>> -> memref<2048xf32, #tpu.memory_space<vmem_shared>>
    tpu.wait_dma2 semaphore(%arg12 : memref<!tpu.dma_semaphore, #tpu.memory_space<semaphore_mem>>) src(%dma_wait3A_1170 : memref<2048xf32, #tpu.memory_space<vmem_shared>>) dst(%dma_wait3A_1169 : memref<2048xf32, #tpu.memory_space<hbm>>)
    %dma_wait3A_1171 = arith.constant 0 : i32
    %dma_wait3A_1172 = tpu.memref_slice %arg5[%add3A_811, %dma_wait3A_1171] : memref<2048x2048xf32, #tpu.memory_space<hbm>> -> memref<1x2048xf32, #tpu.memory_space<hbm>>
    %dma_wait3A_1173 = tpu.memref_squeeze %dma_wait3A_1172 : memref<1x2048xf32, #tpu.memory_space<hbm>> -> memref<2048xf32, #tpu.memory_space<hbm>>
    %dma_wait3A_1174 = tpu.memref_slice %arg11[%add3A_804] : memref<1048592xf32, #tpu.memory_space<vmem_shared>> -> memref<2048xf32, #tpu.memory_space<vmem_shared>>
    tpu.wait_dma2 semaphore(%arg12 : memref<!tpu.dma_semaphore, #tpu.memory_space<semaphore_mem>>) src(%dma_wait3A_1174 : memref<2048xf32, #tpu.memory_space<vmem_shared>>) dst(%dma_wait3A_1173 : memref<2048xf32, #tpu.memory_space<hbm>>)
    %dma_wait3A_1175 = arith.constant 0 : i32
    %dma_wait3A_1176 = tpu.memref_slice %arg5[%add3A_826, %dma_wait3A_1175] : memref<2048x2048xf32, #tpu.memory_space<hbm>> -> memref<1x2048xf32, #tpu.memory_space<hbm>>
    %dma_wait3A_1177 = tpu.memref_squeeze %dma_wait3A_1176 : memref<1x2048xf32, #tpu.memory_space<hbm>> -> memref<2048xf32, #tpu.memory_space<hbm>>
    %dma_wait3A_1178 = tpu.memref_slice %arg11[%add3A_819] : memref<1048592xf32, #tpu.memory_space<vmem_shared>> -> memref<2048xf32, #tpu.memory_space<vmem_shared>>
    tpu.wait_dma2 semaphore(%arg12 : memref<!tpu.dma_semaphore, #tpu.memory_space<semaphore_mem>>) src(%dma_wait3A_1178 : memref<2048xf32, #tpu.memory_space<vmem_shared>>) dst(%dma_wait3A_1177 : memref<2048xf32, #tpu.memory_space<hbm>>)
    %dma_wait3A_1179 = arith.constant 0 : i32
    %dma_wait3A_1180 = tpu.memref_slice %arg5[%add3A_841, %dma_wait3A_1179] : memref<2048x2048xf32, #tpu.memory_space<hbm>> -> memref<1x2048xf32, #tpu.memory_space<hbm>>
    %dma_wait3A_1181 = tpu.memref_squeeze %dma_wait3A_1180 : memref<1x2048xf32, #tpu.memory_space<hbm>> -> memref<2048xf32, #tpu.memory_space<hbm>>
    %dma_wait3A_1182 = tpu.memref_slice %arg11[%add3A_834] : memref<1048592xf32, #tpu.memory_space<vmem_shared>> -> memref<2048xf32, #tpu.memory_space<vmem_shared>>
    tpu.wait_dma2 semaphore(%arg12 : memref<!tpu.dma_semaphore, #tpu.memory_space<semaphore_mem>>) src(%dma_wait3A_1182 : memref<2048xf32, #tpu.memory_space<vmem_shared>>) dst(%dma_wait3A_1181 : memref<2048xf32, #tpu.memory_space<hbm>>)
    %dma_wait3A_1183 = arith.constant 0 : i32
    %dma_wait3A_1184 = tpu.memref_slice %arg5[%add3A_856, %dma_wait3A_1183] : memref<2048x2048xf32, #tpu.memory_space<hbm>> -> memref<1x2048xf32, #tpu.memory_space<hbm>>
    %dma_wait3A_1185 = tpu.memref_squeeze %dma_wait3A_1184 : memref<1x2048xf32, #tpu.memory_space<hbm>> -> memref<2048xf32, #tpu.memory_space<hbm>>
    %dma_wait3A_1186 = tpu.memref_slice %arg11[%add3A_849] : memref<1048592xf32, #tpu.memory_space<vmem_shared>> -> memref<2048xf32, #tpu.memory_space<vmem_shared>>
    tpu.wait_dma2 semaphore(%arg12 : memref<!tpu.dma_semaphore, #tpu.memory_space<semaphore_mem>>) src(%dma_wait3A_1186 : memref<2048xf32, #tpu.memory_space<vmem_shared>>) dst(%dma_wait3A_1185 : memref<2048xf32, #tpu.memory_space<hbm>>)
    %dma_wait3A_1187 = arith.constant 0 : i32
    %dma_wait3A_1188 = tpu.memref_slice %arg5[%add3A_871, %dma_wait3A_1187] : memref<2048x2048xf32, #tpu.memory_space<hbm>> -> memref<1x2048xf32, #tpu.memory_space<hbm>>
    %dma_wait3A_1189 = tpu.memref_squeeze %dma_wait3A_1188 : memref<1x2048xf32, #tpu.memory_space<hbm>> -> memref<2048xf32, #tpu.memory_space<hbm>>
    %dma_wait3A_1190 = tpu.memref_slice %arg11[%add3A_864] : memref<1048592xf32, #tpu.memory_space<vmem_shared>> -> memref<2048xf32, #tpu.memory_space<vmem_shared>>
    tpu.wait_dma2 semaphore(%arg12 : memref<!tpu.dma_semaphore, #tpu.memory_space<semaphore_mem>>) src(%dma_wait3A_1190 : memref<2048xf32, #tpu.memory_space<vmem_shared>>) dst(%dma_wait3A_1189 : memref<2048xf32, #tpu.memory_space<hbm>>)
    %dma_wait3A_1191 = arith.constant 0 : i32
    %dma_wait3A_1192 = tpu.memref_slice %arg5[%add3A_886, %dma_wait3A_1191] : memref<2048x2048xf32, #tpu.memory_space<hbm>> -> memref<1x2048xf32, #tpu.memory_space<hbm>>
    %dma_wait3A_1193 = tpu.memref_squeeze %dma_wait3A_1192 : memref<1x2048xf32, #tpu.memory_space<hbm>> -> memref<2048xf32, #tpu.memory_space<hbm>>
    %dma_wait3A_1194 = tpu.memref_slice %arg11[%add3A_879] : memref<1048592xf32, #tpu.memory_space<vmem_shared>> -> memref<2048xf32, #tpu.memory_space<vmem_shared>>
    tpu.wait_dma2 semaphore(%arg12 : memref<!tpu.dma_semaphore, #tpu.memory_space<semaphore_mem>>) src(%dma_wait3A_1194 : memref<2048xf32, #tpu.memory_space<vmem_shared>>) dst(%dma_wait3A_1193 : memref<2048xf32, #tpu.memory_space<hbm>>)
    %dma_wait3A_1195 = arith.constant 0 : i32
    %dma_wait3A_1196 = tpu.memref_slice %arg5[%add3A_901, %dma_wait3A_1195] : memref<2048x2048xf32, #tpu.memory_space<hbm>> -> memref<1x2048xf32, #tpu.memory_space<hbm>>
    %dma_wait3A_1197 = tpu.memref_squeeze %dma_wait3A_1196 : memref<1x2048xf32, #tpu.memory_space<hbm>> -> memref<2048xf32, #tpu.memory_space<hbm>>
    %dma_wait3A_1198 = tpu.memref_slice %arg11[%add3A_894] : memref<1048592xf32, #tpu.memory_space<vmem_shared>> -> memref<2048xf32, #tpu.memory_space<vmem_shared>>
    tpu.wait_dma2 semaphore(%arg12 : memref<!tpu.dma_semaphore, #tpu.memory_space<semaphore_mem>>) src(%dma_wait3A_1198 : memref<2048xf32, #tpu.memory_space<vmem_shared>>) dst(%dma_wait3A_1197 : memref<2048xf32, #tpu.memory_space<hbm>>)
    %dma_wait3A_1199 = arith.constant 0 : i32
    %dma_wait3A_1200 = tpu.memref_slice %arg5[%add3A_916, %dma_wait3A_1199] : memref<2048x2048xf32, #tpu.memory_space<hbm>> -> memref<1x2048xf32, #tpu.memory_space<hbm>>
    %dma_wait3A_1201 = tpu.memref_squeeze %dma_wait3A_1200 : memref<1x2048xf32, #tpu.memory_space<hbm>> -> memref<2048xf32, #tpu.memory_space<hbm>>
    %dma_wait3A_1202 = tpu.memref_slice %arg11[%add3A_909] : memref<1048592xf32, #tpu.memory_space<vmem_shared>> -> memref<2048xf32, #tpu.memory_space<vmem_shared>>
    tpu.wait_dma2 semaphore(%arg12 : memref<!tpu.dma_semaphore, #tpu.memory_space<semaphore_mem>>) src(%dma_wait3A_1202 : memref<2048xf32, #tpu.memory_space<vmem_shared>>) dst(%dma_wait3A_1201 : memref<2048xf32, #tpu.memory_space<hbm>>)
    %dma_wait3A_1203 = arith.constant 0 : i32
    %dma_wait3A_1204 = tpu.memref_slice %arg5[%add3A_931, %dma_wait3A_1203] : memref<2048x2048xf32, #tpu.memory_space<hbm>> -> memref<1x2048xf32, #tpu.memory_space<hbm>>
    %dma_wait3A_1205 = tpu.memref_squeeze %dma_wait3A_1204 : memref<1x2048xf32, #tpu.memory_space<hbm>> -> memref<2048xf32, #tpu.memory_space<hbm>>
    %dma_wait3A_1206 = tpu.memref_slice %arg11[%add3A_924] : memref<1048592xf32, #tpu.memory_space<vmem_shared>> -> memref<2048xf32, #tpu.memory_space<vmem_shared>>
    tpu.wait_dma2 semaphore(%arg12 : memref<!tpu.dma_semaphore, #tpu.memory_space<semaphore_mem>>) src(%dma_wait3A_1206 : memref<2048xf32, #tpu.memory_space<vmem_shared>>) dst(%dma_wait3A_1205 : memref<2048xf32, #tpu.memory_space<hbm>>)
    %dma_wait3A_1207 = arith.constant 0 : i32
    %dma_wait3A_1208 = tpu.memref_slice %arg5[%add3A_946, %dma_wait3A_1207] : memref<2048x2048xf32, #tpu.memory_space<hbm>> -> memref<1x2048xf32, #tpu.memory_space<hbm>>
    %dma_wait3A_1209 = tpu.memref_squeeze %dma_wait3A_1208 : memref<1x2048xf32, #tpu.memory_space<hbm>> -> memref<2048xf32, #tpu.memory_space<hbm>>
    %dma_wait3A_1210 = tpu.memref_slice %arg11[%add3A_939] : memref<1048592xf32, #tpu.memory_space<vmem_shared>> -> memref<2048xf32, #tpu.memory_space<vmem_shared>>
    tpu.wait_dma2 semaphore(%arg12 : memref<!tpu.dma_semaphore, #tpu.memory_space<semaphore_mem>>) src(%dma_wait3A_1210 : memref<2048xf32, #tpu.memory_space<vmem_shared>>) dst(%dma_wait3A_1209 : memref<2048xf32, #tpu.memory_space<hbm>>)
    %dma_wait3A_1211 = arith.constant 0 : i32
    %dma_wait3A_1212 = tpu.memref_slice %arg5[%add3A_961, %dma_wait3A_1211] : memref<2048x2048xf32, #tpu.memory_space<hbm>> -> memref<1x2048xf32, #tpu.memory_space<hbm>>
    %dma_wait3A_1213 = tpu.memref_squeeze %dma_wait3A_1212 : memref<1x2048xf32, #tpu.memory_space<hbm>> -> memref<2048xf32, #tpu.memory_space<hbm>>
    %dma_wait3A_1214 = tpu.memref_slice %arg11[%add3A_954] : memref<1048592xf32, #tpu.memory_space<vmem_shared>> -> memref<2048xf32, #tpu.memory_space<vmem_shared>>
    tpu.wait_dma2 semaphore(%arg12 : memref<!tpu.dma_semaphore, #tpu.memory_space<semaphore_mem>>) src(%dma_wait3A_1214 : memref<2048xf32, #tpu.memory_space<vmem_shared>>) dst(%dma_wait3A_1213 : memref<2048xf32, #tpu.memory_space<hbm>>)
    %dma_wait3A_1215 = arith.constant 0 : i32
    %dma_wait3A_1216 = tpu.memref_slice %arg5[%add3A_976, %dma_wait3A_1215] : memref<2048x2048xf32, #tpu.memory_space<hbm>> -> memref<1x2048xf32, #tpu.memory_space<hbm>>
    %dma_wait3A_1217 = tpu.memref_squeeze %dma_wait3A_1216 : memref<1x2048xf32, #tpu.memory_space<hbm>> -> memref<2048xf32, #tpu.memory_space<hbm>>
    %dma_wait3A_1218 = tpu.memref_slice %arg11[%add3A_969] : memref<1048592xf32, #tpu.memory_space<vmem_shared>> -> memref<2048xf32, #tpu.memory_space<vmem_shared>>
    tpu.wait_dma2 semaphore(%arg12 : memref<!tpu.dma_semaphore, #tpu.memory_space<semaphore_mem>>) src(%dma_wait3A_1218 : memref<2048xf32, #tpu.memory_space<vmem_shared>>) dst(%dma_wait3A_1217 : memref<2048xf32, #tpu.memory_space<hbm>>)
    %dma_wait3A_1219 = arith.constant 0 : i32
    %dma_wait3A_1220 = tpu.memref_slice %arg5[%add3A_991, %dma_wait3A_1219] : memref<2048x2048xf32, #tpu.memory_space<hbm>> -> memref<1x2048xf32, #tpu.memory_space<hbm>>
    %dma_wait3A_1221 = tpu.memref_squeeze %dma_wait3A_1220 : memref<1x2048xf32, #tpu.memory_space<hbm>> -> memref<2048xf32, #tpu.memory_space<hbm>>
    %dma_wait3A_1222 = tpu.memref_slice %arg11[%add3A_984] : memref<1048592xf32, #tpu.memory_space<vmem_shared>> -> memref<2048xf32, #tpu.memory_space<vmem_shared>>
    tpu.wait_dma2 semaphore(%arg12 : memref<!tpu.dma_semaphore, #tpu.memory_space<semaphore_mem>>) src(%dma_wait3A_1222 : memref<2048xf32, #tpu.memory_space<vmem_shared>>) dst(%dma_wait3A_1221 : memref<2048xf32, #tpu.memory_space<hbm>>)
    %dma_wait3A_1223 = arith.constant 0 : i32
    %dma_wait3A_1224 = tpu.memref_slice %arg5[%add3A_1006, %dma_wait3A_1223] : memref<2048x2048xf32, #tpu.memory_space<hbm>> -> memref<1x2048xf32, #tpu.memory_space<hbm>>
    %dma_wait3A_1225 = tpu.memref_squeeze %dma_wait3A_1224 : memref<1x2048xf32, #tpu.memory_space<hbm>> -> memref<2048xf32, #tpu.memory_space<hbm>>
    %dma_wait3A_1226 = tpu.memref_slice %arg11[%add3A_999] : memref<1048592xf32, #tpu.memory_space<vmem_shared>> -> memref<2048xf32, #tpu.memory_space<vmem_shared>>
    tpu.wait_dma2 semaphore(%arg12 : memref<!tpu.dma_semaphore, #tpu.memory_space<semaphore_mem>>) src(%dma_wait3A_1226 : memref<2048xf32, #tpu.memory_space<vmem_shared>>) dst(%dma_wait3A_1225 : memref<2048xf32, #tpu.memory_space<hbm>>)
    %dma_wait3A_1227 = arith.constant 0 : i32
    %dma_wait3A_1228 = tpu.memref_slice %arg5[%add3A_1021, %dma_wait3A_1227] : memref<2048x2048xf32, #tpu.memory_space<hbm>> -> memref<1x2048xf32, #tpu.memory_space<hbm>>
    %dma_wait3A_1229 = tpu.memref_squeeze %dma_wait3A_1228 : memref<1x2048xf32, #tpu.memory_space<hbm>> -> memref<2048xf32, #tpu.memory_space<hbm>>
    %dma_wait3A_1230 = tpu.memref_slice %arg11[%add3A_1014] : memref<1048592xf32, #tpu.memory_space<vmem_shared>> -> memref<2048xf32, #tpu.memory_space<vmem_shared>>
    tpu.wait_dma2 semaphore(%arg12 : memref<!tpu.dma_semaphore, #tpu.memory_space<semaphore_mem>>) src(%dma_wait3A_1230 : memref<2048xf32, #tpu.memory_space<vmem_shared>>) dst(%dma_wait3A_1229 : memref<2048xf32, #tpu.memory_space<hbm>>)
    %dma_wait3A_1231 = arith.constant 0 : i32
    %dma_wait3A_1232 = tpu.memref_slice %arg5[%add3A_1036, %dma_wait3A_1231] : memref<2048x2048xf32, #tpu.memory_space<hbm>> -> memref<1x2048xf32, #tpu.memory_space<hbm>>
    %dma_wait3A_1233 = tpu.memref_squeeze %dma_wait3A_1232 : memref<1x2048xf32, #tpu.memory_space<hbm>> -> memref<2048xf32, #tpu.memory_space<hbm>>
    %dma_wait3A_1234 = tpu.memref_slice %arg11[%add3A_1029] : memref<1048592xf32, #tpu.memory_space<vmem_shared>> -> memref<2048xf32, #tpu.memory_space<vmem_shared>>
    tpu.wait_dma2 semaphore(%arg12 : memref<!tpu.dma_semaphore, #tpu.memory_space<semaphore_mem>>) src(%dma_wait3A_1234 : memref<2048xf32, #tpu.memory_space<vmem_shared>>) dst(%dma_wait3A_1233 : memref<2048xf32, #tpu.memory_space<hbm>>)
    %dma_wait3A_1235 = arith.constant 0 : i32
    %dma_wait3A_1236 = tpu.memref_slice %arg5[%add3A_1051, %dma_wait3A_1235] : memref<2048x2048xf32, #tpu.memory_space<hbm>> -> memref<1x2048xf32, #tpu.memory_space<hbm>>
    %dma_wait3A_1237 = tpu.memref_squeeze %dma_wait3A_1236 : memref<1x2048xf32, #tpu.memory_space<hbm>> -> memref<2048xf32, #tpu.memory_space<hbm>>
    %dma_wait3A_1238 = tpu.memref_slice %arg11[%add3A_1044] : memref<1048592xf32, #tpu.memory_space<vmem_shared>> -> memref<2048xf32, #tpu.memory_space<vmem_shared>>
    tpu.wait_dma2 semaphore(%arg12 : memref<!tpu.dma_semaphore, #tpu.memory_space<semaphore_mem>>) src(%dma_wait3A_1238 : memref<2048xf32, #tpu.memory_space<vmem_shared>>) dst(%dma_wait3A_1237 : memref<2048xf32, #tpu.memory_space<hbm>>)
    %dma_wait3A_1239 = arith.constant 0 : i32
    %dma_wait3A_1240 = tpu.memref_slice %arg5[%add3A_1066, %dma_wait3A_1239] : memref<2048x2048xf32, #tpu.memory_space<hbm>> -> memref<1x2048xf32, #tpu.memory_space<hbm>>
    %dma_wait3A_1241 = tpu.memref_squeeze %dma_wait3A_1240 : memref<1x2048xf32, #tpu.memory_space<hbm>> -> memref<2048xf32, #tpu.memory_space<hbm>>
    %dma_wait3A_1242 = tpu.memref_slice %arg11[%add3A_1059] : memref<1048592xf32, #tpu.memory_space<vmem_shared>> -> memref<2048xf32, #tpu.memory_space<vmem_shared>>
    tpu.wait_dma2 semaphore(%arg12 : memref<!tpu.dma_semaphore, #tpu.memory_space<semaphore_mem>>) src(%dma_wait3A_1242 : memref<2048xf32, #tpu.memory_space<vmem_shared>>) dst(%dma_wait3A_1241 : memref<2048xf32, #tpu.memory_space<hbm>>)
    %dma_wait3A_1243 = arith.constant 0 : i32
    %dma_wait3A_1244 = tpu.memref_slice %arg5[%add3A_1081, %dma_wait3A_1243] : memref<2048x2048xf32, #tpu.memory_space<hbm>> -> memref<1x2048xf32, #tpu.memory_space<hbm>>
    %dma_wait3A_1245 = tpu.memref_squeeze %dma_wait3A_1244 : memref<1x2048xf32, #tpu.memory_space<hbm>> -> memref<2048xf32, #tpu.memory_space<hbm>>
    %dma_wait3A_1246 = tpu.memref_slice %arg11[%add3A_1074] : memref<1048592xf32, #tpu.memory_space<vmem_shared>> -> memref<2048xf32, #tpu.memory_space<vmem_shared>>
    tpu.wait_dma2 semaphore(%arg12 : memref<!tpu.dma_semaphore, #tpu.memory_space<semaphore_mem>>) src(%dma_wait3A_1246 : memref<2048xf32, #tpu.memory_space<vmem_shared>>) dst(%dma_wait3A_1245 : memref<2048xf32, #tpu.memory_space<hbm>>)
    %dma_wait3A_1247 = arith.constant 0 : i32
    %dma_wait3A_1248 = tpu.memref_slice %arg5[%add3A_1096, %dma_wait3A_1247] : memref<2048x2048xf32, #tpu.memory_space<hbm>> -> memref<1x2048xf32, #tpu.memory_space<hbm>>
    %dma_wait3A_1249 = tpu.memref_squeeze %dma_wait3A_1248 : memref<1x2048xf32, #tpu.memory_space<hbm>> -> memref<2048xf32, #tpu.memory_space<hbm>>
    %dma_wait3A_1250 = tpu.memref_slice %arg11[%add3A_1089] : memref<1048592xf32, #tpu.memory_space<vmem_shared>> -> memref<2048xf32, #tpu.memory_space<vmem_shared>>
    tpu.wait_dma2 semaphore(%arg12 : memref<!tpu.dma_semaphore, #tpu.memory_space<semaphore_mem>>) src(%dma_wait3A_1250 : memref<2048xf32, #tpu.memory_space<vmem_shared>>) dst(%dma_wait3A_1249 : memref<2048xf32, #tpu.memory_space<hbm>>)
    %dma_wait3A_1251 = arith.constant 0 : i32
    %dma_wait3A_1252 = tpu.memref_slice %arg5[%add3A_1111, %dma_wait3A_1251] : memref<2048x2048xf32, #tpu.memory_space<hbm>> -> memref<1x2048xf32, #tpu.memory_space<hbm>>
    %dma_wait3A_1253 = tpu.memref_squeeze %dma_wait3A_1252 : memref<1x2048xf32, #tpu.memory_space<hbm>> -> memref<2048xf32, #tpu.memory_space<hbm>>
    %dma_wait3A_1254 = tpu.memref_slice %arg11[%add3A_1104] : memref<1048592xf32, #tpu.memory_space<vmem_shared>> -> memref<2048xf32, #tpu.memory_space<vmem_shared>>
    tpu.wait_dma2 semaphore(%arg12 : memref<!tpu.dma_semaphore, #tpu.memory_space<semaphore_mem>>) src(%dma_wait3A_1254 : memref<2048xf32, #tpu.memory_space<vmem_shared>>) dst(%dma_wait3A_1253 : memref<2048xf32, #tpu.memory_space<hbm>>)
    %dma_wait3A_1255 = arith.constant 0 : i32
    %dma_wait3A_1256 = tpu.memref_slice %arg5[%add3A_1126, %dma_wait3A_1255] : memref<2048x2048xf32, #tpu.memory_space<hbm>> -> memref<1x2048xf32, #tpu.memory_space<hbm>>
    %dma_wait3A_1257 = tpu.memref_squeeze %dma_wait3A_1256 : memref<1x2048xf32, #tpu.memory_space<hbm>> -> memref<2048xf32, #tpu.memory_space<hbm>>
    %dma_wait3A_1258 = tpu.memref_slice %arg11[%add3A_1119] : memref<1048592xf32, #tpu.memory_space<vmem_shared>> -> memref<2048xf32, #tpu.memory_space<vmem_shared>>
    tpu.wait_dma2 semaphore(%arg12 : memref<!tpu.dma_semaphore, #tpu.memory_space<semaphore_mem>>) src(%dma_wait3A_1258 : memref<2048xf32, #tpu.memory_space<vmem_shared>>) dst(%dma_wait3A_1257 : memref<2048xf32, #tpu.memory_space<hbm>>)
    %mul3A_1259 = arith.constant 65536 : i32
    %mul3A_1260 = arith.muli %arg1, %mul3A_1259 : i32
    %add3A_1261 = arith.constant 0 : i32
    %add3A_1262 = arith.addi %mul3A_1260, %add3A_1261 : i32
    %dma_start3A_1263 = tpu.memref_slice %arg11[%add3A_1262] : memref<1048592xf32, #tpu.memory_space<vmem_shared>> -> memref<16384xf32, #tpu.memory_space<vmem_shared>>
    %dma_start3A_1264 = tpu.memref_slice %arg11[%add3A_1262] : memref<1048592xf32, #tpu.memory_space<vmem_shared>> -> memref<16384xf32, #tpu.memory_space<vmem_shared>>
    tpu.enqueue_dma source(%arg10 : memref<16384xf32, #tpu.memory_space<vmem>>) target(%dma_start3A_1264 : memref<16384xf32, #tpu.memory_space<vmem_shared>>) target_semaphore(%arg12 : memref<!tpu.dma_semaphore, #tpu.memory_space<semaphore_mem>>)
    %mul3A_1265 = arith.constant 65536 : i32
    %mul3A_1266 = arith.muli %arg1, %mul3A_1265 : i32
    %add3A_1267 = arith.constant 16384 : i32
    %add3A_1268 = arith.addi %mul3A_1266, %add3A_1267 : i32
    %dma_start3A_1269 = tpu.memref_slice %arg11[%add3A_1268] : memref<1048592xf32, #tpu.memory_space<vmem_shared>> -> memref<16384xf32, #tpu.memory_space<vmem_shared>>
    %dma_start3A_1270 = tpu.memref_slice %arg11[%add3A_1268] : memref<1048592xf32, #tpu.memory_space<vmem_shared>> -> memref<16384xf32, #tpu.memory_space<vmem_shared>>
    tpu.enqueue_dma source(%arg10 : memref<16384xf32, #tpu.memory_space<vmem>>) target(%dma_start3A_1270 : memref<16384xf32, #tpu.memory_space<vmem_shared>>) target_semaphore(%arg12 : memref<!tpu.dma_semaphore, #tpu.memory_space<semaphore_mem>>)
    %mul3A_1271 = arith.constant 65536 : i32
    %mul3A_1272 = arith.muli %arg1, %mul3A_1271 : i32
    %add3A_1273 = arith.constant 32768 : i32
    %add3A_1274 = arith.addi %mul3A_1272, %add3A_1273 : i32
    %dma_start3A_1275 = tpu.memref_slice %arg11[%add3A_1274] : memref<1048592xf32, #tpu.memory_space<vmem_shared>> -> memref<16384xf32, #tpu.memory_space<vmem_shared>>
    %dma_start3A_1276 = tpu.memref_slice %arg11[%add3A_1274] : memref<1048592xf32, #tpu.memory_space<vmem_shared>> -> memref<16384xf32, #tpu.memory_space<vmem_shared>>
    tpu.enqueue_dma source(%arg10 : memref<16384xf32, #tpu.memory_space<vmem>>) target(%dma_start3A_1276 : memref<16384xf32, #tpu.memory_space<vmem_shared>>) target_semaphore(%arg12 : memref<!tpu.dma_semaphore, #tpu.memory_space<semaphore_mem>>)
    %mul3A_1277 = arith.constant 65536 : i32
    %mul3A_1278 = arith.muli %arg1, %mul3A_1277 : i32
    %add3A_1279 = arith.constant 49152 : i32
    %add3A_1280 = arith.addi %mul3A_1278, %add3A_1279 : i32
    %dma_start3A_1281 = tpu.memref_slice %arg11[%add3A_1280] : memref<1048592xf32, #tpu.memory_space<vmem_shared>> -> memref<16384xf32, #tpu.memory_space<vmem_shared>>
    %dma_start3A_1282 = tpu.memref_slice %arg11[%add3A_1280] : memref<1048592xf32, #tpu.memory_space<vmem_shared>> -> memref<16384xf32, #tpu.memory_space<vmem_shared>>
    tpu.enqueue_dma source(%arg10 : memref<16384xf32, #tpu.memory_space<vmem>>) target(%dma_start3A_1282 : memref<16384xf32, #tpu.memory_space<vmem_shared>>) target_semaphore(%arg12 : memref<!tpu.dma_semaphore, #tpu.memory_space<semaphore_mem>>)
    %barrier3A_1283 = arith.constant 0 : index
    tpu.barrier barrier_id(%barrier3A_1283)
    %mul3A_1284 = arith.constant 2 : i32
    %mul3A_1285 = arith.muli %mul3A_1284, %arg0 : i32
    %add3A_1286 = arith.constant 1 : i32
    %add3A_1287 = arith.addi %mul3A_1285, %add3A_1286 : i32
    %dma_wait3A_1288 = tpu.memref_slice %arg11[%add3A_1262] : memref<1048592xf32, #tpu.memory_space<vmem_shared>> -> memref<16384xf32, #tpu.memory_space<vmem_shared>>
    %dma_wait3A_1289 = tpu.memref_slice %arg11[%add3A_1262] : memref<1048592xf32, #tpu.memory_space<vmem_shared>> -> memref<16384xf32, #tpu.memory_space<vmem_shared>>
    tpu.wait_dma2 semaphore(%arg12 : memref<!tpu.dma_semaphore, #tpu.memory_space<semaphore_mem>>) src(%arg10 : memref<16384xf32, #tpu.memory_space<vmem>>) dst(%dma_wait3A_1289 : memref<16384xf32, #tpu.memory_space<vmem_shared>>)
    %dma_wait3A_1290 = tpu.memref_slice %arg11[%add3A_1268] : memref<1048592xf32, #tpu.memory_space<vmem_shared>> -> memref<16384xf32, #tpu.memory_space<vmem_shared>>
    %dma_wait3A_1291 = tpu.memref_slice %arg11[%add3A_1268] : memref<1048592xf32, #tpu.memory_space<vmem_shared>> -> memref<16384xf32, #tpu.memory_space<vmem_shared>>
    tpu.wait_dma2 semaphore(%arg12 : memref<!tpu.dma_semaphore, #tpu.memory_space<semaphore_mem>>) src(%arg10 : memref<16384xf32, #tpu.memory_space<vmem>>) dst(%dma_wait3A_1291 : memref<16384xf32, #tpu.memory_space<vmem_shared>>)
    %dma_wait3A_1292 = tpu.memref_slice %arg11[%add3A_1274] : memref<1048592xf32, #tpu.memory_space<vmem_shared>> -> memref<16384xf32, #tpu.memory_space<vmem_shared>>
    %dma_wait3A_1293 = tpu.memref_slice %arg11[%add3A_1274] : memref<1048592xf32, #tpu.memory_space<vmem_shared>> -> memref<16384xf32, #tpu.memory_space<vmem_shared>>
    tpu.wait_dma2 semaphore(%arg12 : memref<!tpu.dma_semaphore, #tpu.memory_space<semaphore_mem>>) src(%arg10 : memref<16384xf32, #tpu.memory_space<vmem>>) dst(%dma_wait3A_1293 : memref<16384xf32, #tpu.memory_space<vmem_shared>>)
    %dma_wait3A_1294 = tpu.memref_slice %arg11[%add3A_1280] : memref<1048592xf32, #tpu.memory_space<vmem_shared>> -> memref<16384xf32, #tpu.memory_space<vmem_shared>>
    %dma_wait3A_1295 = tpu.memref_slice %arg11[%add3A_1280] : memref<1048592xf32, #tpu.memory_space<vmem_shared>> -> memref<16384xf32, #tpu.memory_space<vmem_shared>>
    tpu.wait_dma2 semaphore(%arg12 : memref<!tpu.dma_semaphore, #tpu.memory_space<semaphore_mem>>) src(%arg10 : memref<16384xf32, #tpu.memory_space<vmem>>) dst(%dma_wait3A_1295 : memref<16384xf32, #tpu.memory_space<vmem_shared>>)
    %barrier3A_1296 = arith.constant 0 : index
    tpu.barrier barrier_id(%barrier3A_1296)
    %dma_start3A_1297 = arith.constant 1 : i32
    %dma_start3A_1298 = arith.constant 0 : i32
    %dma_start3A_1299 = arith.constant 0 : i32
    %dma_start3A_1300 = tpu.memref_slice %arg8[%dma_start3A_1299] : memref<4096xf32, #tpu.memory_space<vmem>> -> memref<128xf32, #tpu.memory_space<vmem>>
    %dma_start3A_1301 = arith.constant 0 : i32
    %dma_start3A_1302 = tpu.memref_slice %arg9[%dma_start3A_1297, %dma_start3A_1298, %dma_start3A_1301] : memref<2x32x128xi32, #tpu.memory_space<vmem>> -> memref<1x1x128xi32, #tpu.memory_space<vmem>>
    %dma_start3A_1303 = tpu.memref_squeeze %dma_start3A_1302 : memref<1x1x128xi32, #tpu.memory_space<vmem>> -> memref<128xi32, #tpu.memory_space<vmem>>
    %dma_start3A_1304 = arith.constant 0 : i32
    %dma_start3A_1305 = tpu.memref_slice %arg11[%dma_start3A_1304] : memref<1048592xf32, #tpu.memory_space<vmem_shared>> -> memref<1048592xf32, #tpu.memory_space<vmem_shared>>
    tpu.enqueue_indirect_dma source(%dma_start3A_1300 : memref<128xf32, #tpu.memory_space<vmem>>) target(%dma_start3A_1305 : memref<1048592xf32, #tpu.memory_space<vmem_shared>>) offsets(%dma_start3A_1303 : memref<128xi32, #tpu.memory_space<vmem>>) semaphore(%arg12 : memref<!tpu.dma_semaphore, #tpu.memory_space<semaphore_mem>>) {add = true}
    %dma_start3A_1306 = arith.constant 1 : i32
    %dma_start3A_1307 = arith.constant 1 : i32
    %dma_start3A_1308 = arith.constant 128 : i32
    %dma_start3A_1309 = tpu.memref_slice %arg8[%dma_start3A_1308] : memref<4096xf32, #tpu.memory_space<vmem>> -> memref<128xf32, #tpu.memory_space<vmem>>
    %dma_start3A_1310 = arith.constant 0 : i32
    %dma_start3A_1311 = tpu.memref_slice %arg9[%dma_start3A_1306, %dma_start3A_1307, %dma_start3A_1310] : memref<2x32x128xi32, #tpu.memory_space<vmem>> -> memref<1x1x128xi32, #tpu.memory_space<vmem>>
    %dma_start3A_1312 = tpu.memref_squeeze %dma_start3A_1311 : memref<1x1x128xi32, #tpu.memory_space<vmem>> -> memref<128xi32, #tpu.memory_space<vmem>>
    %dma_start3A_1313 = arith.constant 0 : i32
    %dma_start3A_1314 = tpu.memref_slice %arg11[%dma_start3A_1313] : memref<1048592xf32, #tpu.memory_space<vmem_shared>> -> memref<1048592xf32, #tpu.memory_space<vmem_shared>>
    tpu.enqueue_indirect_dma source(%dma_start3A_1309 : memref<128xf32, #tpu.memory_space<vmem>>) target(%dma_start3A_1314 : memref<1048592xf32, #tpu.memory_space<vmem_shared>>) offsets(%dma_start3A_1312 : memref<128xi32, #tpu.memory_space<vmem>>) semaphore(%arg12 : memref<!tpu.dma_semaphore, #tpu.memory_space<semaphore_mem>>) {add = true}
    %dma_start3A_1315 = arith.constant 1 : i32
    %dma_start3A_1316 = arith.constant 2 : i32
    %dma_start3A_1317 = arith.constant 256 : i32
    %dma_start3A_1318 = tpu.memref_slice %arg8[%dma_start3A_1317] : memref<4096xf32, #tpu.memory_space<vmem>> -> memref<128xf32, #tpu.memory_space<vmem>>
    %dma_start3A_1319 = arith.constant 0 : i32
    %dma_start3A_1320 = tpu.memref_slice %arg9[%dma_start3A_1315, %dma_start3A_1316, %dma_start3A_1319] : memref<2x32x128xi32, #tpu.memory_space<vmem>> -> memref<1x1x128xi32, #tpu.memory_space<vmem>>
    %dma_start3A_1321 = tpu.memref_squeeze %dma_start3A_1320 : memref<1x1x128xi32, #tpu.memory_space<vmem>> -> memref<128xi32, #tpu.memory_space<vmem>>
    %dma_start3A_1322 = arith.constant 0 : i32
    %dma_start3A_1323 = tpu.memref_slice %arg11[%dma_start3A_1322] : memref<1048592xf32, #tpu.memory_space<vmem_shared>> -> memref<1048592xf32, #tpu.memory_space<vmem_shared>>
    tpu.enqueue_indirect_dma source(%dma_start3A_1318 : memref<128xf32, #tpu.memory_space<vmem>>) target(%dma_start3A_1323 : memref<1048592xf32, #tpu.memory_space<vmem_shared>>) offsets(%dma_start3A_1321 : memref<128xi32, #tpu.memory_space<vmem>>) semaphore(%arg12 : memref<!tpu.dma_semaphore, #tpu.memory_space<semaphore_mem>>) {add = true}
    %dma_start3A_1324 = arith.constant 1 : i32
    %dma_start3A_1325 = arith.constant 3 : i32
    %dma_start3A_1326 = arith.constant 384 : i32
    %dma_start3A_1327 = tpu.memref_slice %arg8[%dma_start3A_1326] : memref<4096xf32, #tpu.memory_space<vmem>> -> memref<128xf32, #tpu.memory_space<vmem>>
    %dma_start3A_1328 = arith.constant 0 : i32
    %dma_start3A_1329 = tpu.memref_slice %arg9[%dma_start3A_1324, %dma_start3A_1325, %dma_start3A_1328] : memref<2x32x128xi32, #tpu.memory_space<vmem>> -> memref<1x1x128xi32, #tpu.memory_space<vmem>>
    %dma_start3A_1330 = tpu.memref_squeeze %dma_start3A_1329 : memref<1x1x128xi32, #tpu.memory_space<vmem>> -> memref<128xi32, #tpu.memory_space<vmem>>
    %dma_start3A_1331 = arith.constant 0 : i32
    %dma_start3A_1332 = tpu.memref_slice %arg11[%dma_start3A_1331] : memref<1048592xf32, #tpu.memory_space<vmem_shared>> -> memref<1048592xf32, #tpu.memory_space<vmem_shared>>
    tpu.enqueue_indirect_dma source(%dma_start3A_1327 : memref<128xf32, #tpu.memory_space<vmem>>) target(%dma_start3A_1332 : memref<1048592xf32, #tpu.memory_space<vmem_shared>>) offsets(%dma_start3A_1330 : memref<128xi32, #tpu.memory_space<vmem>>) semaphore(%arg12 : memref<!tpu.dma_semaphore, #tpu.memory_space<semaphore_mem>>) {add = true}
    %dma_start3A_1333 = arith.constant 1 : i32
    %dma_start3A_1334 = arith.constant 4 : i32
    %dma_start3A_1335 = arith.constant 512 : i32
    %dma_start3A_1336 = tpu.memref_slice %arg8[%dma_start3A_1335] : memref<4096xf32, #tpu.memory_space<vmem>> -> memref<128xf32, #tpu.memory_space<vmem>>
    %dma_start3A_1337 = arith.constant 0 : i32
    %dma_start3A_1338 = tpu.memref_slice %arg9[%dma_start3A_1333, %dma_start3A_1334, %dma_start3A_1337] : memref<2x32x128xi32, #tpu.memory_space<vmem>> -> memref<1x1x128xi32, #tpu.memory_space<vmem>>
    %dma_start3A_1339 = tpu.memref_squeeze %dma_start3A_1338 : memref<1x1x128xi32, #tpu.memory_space<vmem>> -> memref<128xi32, #tpu.memory_space<vmem>>
    %dma_start3A_1340 = arith.constant 0 : i32
    %dma_start3A_1341 = tpu.memref_slice %arg11[%dma_start3A_1340] : memref<1048592xf32, #tpu.memory_space<vmem_shared>> -> memref<1048592xf32, #tpu.memory_space<vmem_shared>>
    tpu.enqueue_indirect_dma source(%dma_start3A_1336 : memref<128xf32, #tpu.memory_space<vmem>>) target(%dma_start3A_1341 : memref<1048592xf32, #tpu.memory_space<vmem_shared>>) offsets(%dma_start3A_1339 : memref<128xi32, #tpu.memory_space<vmem>>) semaphore(%arg12 : memref<!tpu.dma_semaphore, #tpu.memory_space<semaphore_mem>>) {add = true}
    %dma_start3A_1342 = arith.constant 1 : i32
    %dma_start3A_1343 = arith.constant 5 : i32
    %dma_start3A_1344 = arith.constant 640 : i32
    %dma_start3A_1345 = tpu.memref_slice %arg8[%dma_start3A_1344] : memref<4096xf32, #tpu.memory_space<vmem>> -> memref<128xf32, #tpu.memory_space<vmem>>
    %dma_start3A_1346 = arith.constant 0 : i32
    %dma_start3A_1347 = tpu.memref_slice %arg9[%dma_start3A_1342, %dma_start3A_1343, %dma_start3A_1346] : memref<2x32x128xi32, #tpu.memory_space<vmem>> -> memref<1x1x128xi32, #tpu.memory_space<vmem>>
    %dma_start3A_1348 = tpu.memref_squeeze %dma_start3A_1347 : memref<1x1x128xi32, #tpu.memory_space<vmem>> -> memref<128xi32, #tpu.memory_space<vmem>>
    %dma_start3A_1349 = arith.constant 0 : i32
    %dma_start3A_1350 = tpu.memref_slice %arg11[%dma_start3A_1349] : memref<1048592xf32, #tpu.memory_space<vmem_shared>> -> memref<1048592xf32, #tpu.memory_space<vmem_shared>>
    tpu.enqueue_indirect_dma source(%dma_start3A_1345 : memref<128xf32, #tpu.memory_space<vmem>>) target(%dma_start3A_1350 : memref<1048592xf32, #tpu.memory_space<vmem_shared>>) offsets(%dma_start3A_1348 : memref<128xi32, #tpu.memory_space<vmem>>) semaphore(%arg12 : memref<!tpu.dma_semaphore, #tpu.memory_space<semaphore_mem>>) {add = true}
    %dma_start3A_1351 = arith.constant 1 : i32
    %dma_start3A_1352 = arith.constant 6 : i32
    %dma_start3A_1353 = arith.constant 768 : i32
    %dma_start3A_1354 = tpu.memref_slice %arg8[%dma_start3A_1353] : memref<4096xf32, #tpu.memory_space<vmem>> -> memref<128xf32, #tpu.memory_space<vmem>>
    %dma_start3A_1355 = arith.constant 0 : i32
    %dma_start3A_1356 = tpu.memref_slice %arg9[%dma_start3A_1351, %dma_start3A_1352, %dma_start3A_1355] : memref<2x32x128xi32, #tpu.memory_space<vmem>> -> memref<1x1x128xi32, #tpu.memory_space<vmem>>
    %dma_start3A_1357 = tpu.memref_squeeze %dma_start3A_1356 : memref<1x1x128xi32, #tpu.memory_space<vmem>> -> memref<128xi32, #tpu.memory_space<vmem>>
    %dma_start3A_1358 = arith.constant 0 : i32
    %dma_start3A_1359 = tpu.memref_slice %arg11[%dma_start3A_1358] : memref<1048592xf32, #tpu.memory_space<vmem_shared>> -> memref<1048592xf32, #tpu.memory_space<vmem_shared>>
    tpu.enqueue_indirect_dma source(%dma_start3A_1354 : memref<128xf32, #tpu.memory_space<vmem>>) target(%dma_start3A_1359 : memref<1048592xf32, #tpu.memory_space<vmem_shared>>) offsets(%dma_start3A_1357 : memref<128xi32, #tpu.memory_space<vmem>>) semaphore(%arg12 : memref<!tpu.dma_semaphore, #tpu.memory_space<semaphore_mem>>) {add = true}
    %dma_start3A_1360 = arith.constant 1 : i32
    %dma_start3A_1361 = arith.constant 7 : i32
    %dma_start3A_1362 = arith.constant 896 : i32
    %dma_start3A_1363 = tpu.memref_slice %arg8[%dma_start3A_1362] : memref<4096xf32, #tpu.memory_space<vmem>> -> memref<128xf32, #tpu.memory_space<vmem>>
    %dma_start3A_1364 = arith.constant 0 : i32
    %dma_start3A_1365 = tpu.memref_slice %arg9[%dma_start3A_1360, %dma_start3A_1361, %dma_start3A_1364] : memref<2x32x128xi32, #tpu.memory_space<vmem>> -> memref<1x1x128xi32, #tpu.memory_space<vmem>>
    %dma_start3A_1366 = tpu.memref_squeeze %dma_start3A_1365 : memref<1x1x128xi32, #tpu.memory_space<vmem>> -> memref<128xi32, #tpu.memory_space<vmem>>
    %dma_start3A_1367 = arith.constant 0 : i32
    %dma_start3A_1368 = tpu.memref_slice %arg11[%dma_start3A_1367] : memref<1048592xf32, #tpu.memory_space<vmem_shared>> -> memref<1048592xf32, #tpu.memory_space<vmem_shared>>
    tpu.enqueue_indirect_dma source(%dma_start3A_1363 : memref<128xf32, #tpu.memory_space<vmem>>) target(%dma_start3A_1368 : memref<1048592xf32, #tpu.memory_space<vmem_shared>>) offsets(%dma_start3A_1366 : memref<128xi32, #tpu.memory_space<vmem>>) semaphore(%arg12 : memref<!tpu.dma_semaphore, #tpu.memory_space<semaphore_mem>>) {add = true}
    %dma_start3A_1369 = arith.constant 1 : i32
    %dma_start3A_1370 = arith.constant 8 : i32
    %dma_start3A_1371 = arith.constant 1024 : i32
    %dma_start3A_1372 = tpu.memref_slice %arg8[%dma_start3A_1371] : memref<4096xf32, #tpu.memory_space<vmem>> -> memref<128xf32, #tpu.memory_space<vmem>>
    %dma_start3A_1373 = arith.constant 0 : i32
    %dma_start3A_1374 = tpu.memref_slice %arg9[%dma_start3A_1369, %dma_start3A_1370, %dma_start3A_1373] : memref<2x32x128xi32, #tpu.memory_space<vmem>> -> memref<1x1x128xi32, #tpu.memory_space<vmem>>
    %dma_start3A_1375 = tpu.memref_squeeze %dma_start3A_1374 : memref<1x1x128xi32, #tpu.memory_space<vmem>> -> memref<128xi32, #tpu.memory_space<vmem>>
    %dma_start3A_1376 = arith.constant 0 : i32
    %dma_start3A_1377 = tpu.memref_slice %arg11[%dma_start3A_1376] : memref<1048592xf32, #tpu.memory_space<vmem_shared>> -> memref<1048592xf32, #tpu.memory_space<vmem_shared>>
    tpu.enqueue_indirect_dma source(%dma_start3A_1372 : memref<128xf32, #tpu.memory_space<vmem>>) target(%dma_start3A_1377 : memref<1048592xf32, #tpu.memory_space<vmem_shared>>) offsets(%dma_start3A_1375 : memref<128xi32, #tpu.memory_space<vmem>>) semaphore(%arg12 : memref<!tpu.dma_semaphore, #tpu.memory_space<semaphore_mem>>) {add = true}
    %dma_start3A_1378 = arith.constant 1 : i32
    %dma_start3A_1379 = arith.constant 9 : i32
    %dma_start3A_1380 = arith.constant 1152 : i32
    %dma_start3A_1381 = tpu.memref_slice %arg8[%dma_start3A_1380] : memref<4096xf32, #tpu.memory_space<vmem>> -> memref<128xf32, #tpu.memory_space<vmem>>
    %dma_start3A_1382 = arith.constant 0 : i32
    %dma_start3A_1383 = tpu.memref_slice %arg9[%dma_start3A_1378, %dma_start3A_1379, %dma_start3A_1382] : memref<2x32x128xi32, #tpu.memory_space<vmem>> -> memref<1x1x128xi32, #tpu.memory_space<vmem>>
    %dma_start3A_1384 = tpu.memref_squeeze %dma_start3A_1383 : memref<1x1x128xi32, #tpu.memory_space<vmem>> -> memref<128xi32, #tpu.memory_space<vmem>>
    %dma_start3A_1385 = arith.constant 0 : i32
    %dma_start3A_1386 = tpu.memref_slice %arg11[%dma_start3A_1385] : memref<1048592xf32, #tpu.memory_space<vmem_shared>> -> memref<1048592xf32, #tpu.memory_space<vmem_shared>>
    tpu.enqueue_indirect_dma source(%dma_start3A_1381 : memref<128xf32, #tpu.memory_space<vmem>>) target(%dma_start3A_1386 : memref<1048592xf32, #tpu.memory_space<vmem_shared>>) offsets(%dma_start3A_1384 : memref<128xi32, #tpu.memory_space<vmem>>) semaphore(%arg12 : memref<!tpu.dma_semaphore, #tpu.memory_space<semaphore_mem>>) {add = true}
    %dma_start3A_1387 = arith.constant 1 : i32
    %dma_start3A_1388 = arith.constant 10 : i32
    %dma_start3A_1389 = arith.constant 1280 : i32
    %dma_start3A_1390 = tpu.memref_slice %arg8[%dma_start3A_1389] : memref<4096xf32, #tpu.memory_space<vmem>> -> memref<128xf32, #tpu.memory_space<vmem>>
    %dma_start3A_1391 = arith.constant 0 : i32
    %dma_start3A_1392 = tpu.memref_slice %arg9[%dma_start3A_1387, %dma_start3A_1388, %dma_start3A_1391] : memref<2x32x128xi32, #tpu.memory_space<vmem>> -> memref<1x1x128xi32, #tpu.memory_space<vmem>>
    %dma_start3A_1393 = tpu.memref_squeeze %dma_start3A_1392 : memref<1x1x128xi32, #tpu.memory_space<vmem>> -> memref<128xi32, #tpu.memory_space<vmem>>
    %dma_start3A_1394 = arith.constant 0 : i32
    %dma_start3A_1395 = tpu.memref_slice %arg11[%dma_start3A_1394] : memref<1048592xf32, #tpu.memory_space<vmem_shared>> -> memref<1048592xf32, #tpu.memory_space<vmem_shared>>
    tpu.enqueue_indirect_dma source(%dma_start3A_1390 : memref<128xf32, #tpu.memory_space<vmem>>) target(%dma_start3A_1395 : memref<1048592xf32, #tpu.memory_space<vmem_shared>>) offsets(%dma_start3A_1393 : memref<128xi32, #tpu.memory_space<vmem>>) semaphore(%arg12 : memref<!tpu.dma_semaphore, #tpu.memory_space<semaphore_mem>>) {add = true}
    %dma_start3A_1396 = arith.constant 1 : i32
    %dma_start3A_1397 = arith.constant 11 : i32
    %dma_start3A_1398 = arith.constant 1408 : i32
    %dma_start3A_1399 = tpu.memref_slice %arg8[%dma_start3A_1398] : memref<4096xf32, #tpu.memory_space<vmem>> -> memref<128xf32, #tpu.memory_space<vmem>>
    %dma_start3A_1400 = arith.constant 0 : i32
    %dma_start3A_1401 = tpu.memref_slice %arg9[%dma_start3A_1396, %dma_start3A_1397, %dma_start3A_1400] : memref<2x32x128xi32, #tpu.memory_space<vmem>> -> memref<1x1x128xi32, #tpu.memory_space<vmem>>
    %dma_start3A_1402 = tpu.memref_squeeze %dma_start3A_1401 : memref<1x1x128xi32, #tpu.memory_space<vmem>> -> memref<128xi32, #tpu.memory_space<vmem>>
    %dma_start3A_1403 = arith.constant 0 : i32
    %dma_start3A_1404 = tpu.memref_slice %arg11[%dma_start3A_1403] : memref<1048592xf32, #tpu.memory_space<vmem_shared>> -> memref<1048592xf32, #tpu.memory_space<vmem_shared>>
    tpu.enqueue_indirect_dma source(%dma_start3A_1399 : memref<128xf32, #tpu.memory_space<vmem>>) target(%dma_start3A_1404 : memref<1048592xf32, #tpu.memory_space<vmem_shared>>) offsets(%dma_start3A_1402 : memref<128xi32, #tpu.memory_space<vmem>>) semaphore(%arg12 : memref<!tpu.dma_semaphore, #tpu.memory_space<semaphore_mem>>) {add = true}
    %dma_start3A_1405 = arith.constant 1 : i32
    %dma_start3A_1406 = arith.constant 12 : i32
    %dma_start3A_1407 = arith.constant 1536 : i32
    %dma_start3A_1408 = tpu.memref_slice %arg8[%dma_start3A_1407] : memref<4096xf32, #tpu.memory_space<vmem>> -> memref<128xf32, #tpu.memory_space<vmem>>
    %dma_start3A_1409 = arith.constant 0 : i32
    %dma_start3A_1410 = tpu.memref_slice %arg9[%dma_start3A_1405, %dma_start3A_1406, %dma_start3A_1409] : memref<2x32x128xi32, #tpu.memory_space<vmem>> -> memref<1x1x128xi32, #tpu.memory_space<vmem>>
    %dma_start3A_1411 = tpu.memref_squeeze %dma_start3A_1410 : memref<1x1x128xi32, #tpu.memory_space<vmem>> -> memref<128xi32, #tpu.memory_space<vmem>>
    %dma_start3A_1412 = arith.constant 0 : i32
    %dma_start3A_1413 = tpu.memref_slice %arg11[%dma_start3A_1412] : memref<1048592xf32, #tpu.memory_space<vmem_shared>> -> memref<1048592xf32, #tpu.memory_space<vmem_shared>>
    tpu.enqueue_indirect_dma source(%dma_start3A_1408 : memref<128xf32, #tpu.memory_space<vmem>>) target(%dma_start3A_1413 : memref<1048592xf32, #tpu.memory_space<vmem_shared>>) offsets(%dma_start3A_1411 : memref<128xi32, #tpu.memory_space<vmem>>) semaphore(%arg12 : memref<!tpu.dma_semaphore, #tpu.memory_space<semaphore_mem>>) {add = true}
    %dma_start3A_1414 = arith.constant 1 : i32
    %dma_start3A_1415 = arith.constant 13 : i32
    %dma_start3A_1416 = arith.constant 1664 : i32
    %dma_start3A_1417 = tpu.memref_slice %arg8[%dma_start3A_1416] : memref<4096xf32, #tpu.memory_space<vmem>> -> memref<128xf32, #tpu.memory_space<vmem>>
    %dma_start3A_1418 = arith.constant 0 : i32
    %dma_start3A_1419 = tpu.memref_slice %arg9[%dma_start3A_1414, %dma_start3A_1415, %dma_start3A_1418] : memref<2x32x128xi32, #tpu.memory_space<vmem>> -> memref<1x1x128xi32, #tpu.memory_space<vmem>>
    %dma_start3A_1420 = tpu.memref_squeeze %dma_start3A_1419 : memref<1x1x128xi32, #tpu.memory_space<vmem>> -> memref<128xi32, #tpu.memory_space<vmem>>
    %dma_start3A_1421 = arith.constant 0 : i32
    %dma_start3A_1422 = tpu.memref_slice %arg11[%dma_start3A_1421] : memref<1048592xf32, #tpu.memory_space<vmem_shared>> -> memref<1048592xf32, #tpu.memory_space<vmem_shared>>
    tpu.enqueue_indirect_dma source(%dma_start3A_1417 : memref<128xf32, #tpu.memory_space<vmem>>) target(%dma_start3A_1422 : memref<1048592xf32, #tpu.memory_space<vmem_shared>>) offsets(%dma_start3A_1420 : memref<128xi32, #tpu.memory_space<vmem>>) semaphore(%arg12 : memref<!tpu.dma_semaphore, #tpu.memory_space<semaphore_mem>>) {add = true}
    %dma_start3A_1423 = arith.constant 1 : i32
    %dma_start3A_1424 = arith.constant 14 : i32
    %dma_start3A_1425 = arith.constant 1792 : i32
    %dma_start3A_1426 = tpu.memref_slice %arg8[%dma_start3A_1425] : memref<4096xf32, #tpu.memory_space<vmem>> -> memref<128xf32, #tpu.memory_space<vmem>>
    %dma_start3A_1427 = arith.constant 0 : i32
    %dma_start3A_1428 = tpu.memref_slice %arg9[%dma_start3A_1423, %dma_start3A_1424, %dma_start3A_1427] : memref<2x32x128xi32, #tpu.memory_space<vmem>> -> memref<1x1x128xi32, #tpu.memory_space<vmem>>
    %dma_start3A_1429 = tpu.memref_squeeze %dma_start3A_1428 : memref<1x1x128xi32, #tpu.memory_space<vmem>> -> memref<128xi32, #tpu.memory_space<vmem>>
    %dma_start3A_1430 = arith.constant 0 : i32
    %dma_start3A_1431 = tpu.memref_slice %arg11[%dma_start3A_1430] : memref<1048592xf32, #tpu.memory_space<vmem_shared>> -> memref<1048592xf32, #tpu.memory_space<vmem_shared>>
    tpu.enqueue_indirect_dma source(%dma_start3A_1426 : memref<128xf32, #tpu.memory_space<vmem>>) target(%dma_start3A_1431 : memref<1048592xf32, #tpu.memory_space<vmem_shared>>) offsets(%dma_start3A_1429 : memref<128xi32, #tpu.memory_space<vmem>>) semaphore(%arg12 : memref<!tpu.dma_semaphore, #tpu.memory_space<semaphore_mem>>) {add = true}
    %dma_start3A_1432 = arith.constant 1 : i32
    %dma_start3A_1433 = arith.constant 15 : i32
    %dma_start3A_1434 = arith.constant 1920 : i32
    %dma_start3A_1435 = tpu.memref_slice %arg8[%dma_start3A_1434] : memref<4096xf32, #tpu.memory_space<vmem>> -> memref<128xf32, #tpu.memory_space<vmem>>
    %dma_start3A_1436 = arith.constant 0 : i32
    %dma_start3A_1437 = tpu.memref_slice %arg9[%dma_start3A_1432, %dma_start3A_1433, %dma_start3A_1436] : memref<2x32x128xi32, #tpu.memory_space<vmem>> -> memref<1x1x128xi32, #tpu.memory_space<vmem>>
    %dma_start3A_1438 = tpu.memref_squeeze %dma_start3A_1437 : memref<1x1x128xi32, #tpu.memory_space<vmem>> -> memref<128xi32, #tpu.memory_space<vmem>>
    %dma_start3A_1439 = arith.constant 0 : i32
    %dma_start3A_1440 = tpu.memref_slice %arg11[%dma_start3A_1439] : memref<1048592xf32, #tpu.memory_space<vmem_shared>> -> memref<1048592xf32, #tpu.memory_space<vmem_shared>>
    tpu.enqueue_indirect_dma source(%dma_start3A_1435 : memref<128xf32, #tpu.memory_space<vmem>>) target(%dma_start3A_1440 : memref<1048592xf32, #tpu.memory_space<vmem_shared>>) offsets(%dma_start3A_1438 : memref<128xi32, #tpu.memory_space<vmem>>) semaphore(%arg12 : memref<!tpu.dma_semaphore, #tpu.memory_space<semaphore_mem>>) {add = true}
    %dma_start3A_1441 = arith.constant 1 : i32
    %dma_start3A_1442 = arith.constant 16 : i32
    %dma_start3A_1443 = arith.constant 2048 : i32
    %dma_start3A_1444 = tpu.memref_slice %arg8[%dma_start3A_1443] : memref<4096xf32, #tpu.memory_space<vmem>> -> memref<128xf32, #tpu.memory_space<vmem>>
    %dma_start3A_1445 = arith.constant 0 : i32
    %dma_start3A_1446 = tpu.memref_slice %arg9[%dma_start3A_1441, %dma_start3A_1442, %dma_start3A_1445] : memref<2x32x128xi32, #tpu.memory_space<vmem>> -> memref<1x1x128xi32, #tpu.memory_space<vmem>>
    %dma_start3A_1447 = tpu.memref_squeeze %dma_start3A_1446 : memref<1x1x128xi32, #tpu.memory_space<vmem>> -> memref<128xi32, #tpu.memory_space<vmem>>
    %dma_start3A_1448 = arith.constant 0 : i32
    %dma_start3A_1449 = tpu.memref_slice %arg11[%dma_start3A_1448] : memref<1048592xf32, #tpu.memory_space<vmem_shared>> -> memref<1048592xf32, #tpu.memory_space<vmem_shared>>
    tpu.enqueue_indirect_dma source(%dma_start3A_1444 : memref<128xf32, #tpu.memory_space<vmem>>) target(%dma_start3A_1449 : memref<1048592xf32, #tpu.memory_space<vmem_shared>>) offsets(%dma_start3A_1447 : memref<128xi32, #tpu.memory_space<vmem>>) semaphore(%arg12 : memref<!tpu.dma_semaphore, #tpu.memory_space<semaphore_mem>>) {add = true}
    %dma_start3A_1450 = arith.constant 1 : i32
    %dma_start3A_1451 = arith.constant 17 : i32
    %dma_start3A_1452 = arith.constant 2176 : i32
    %dma_start3A_1453 = tpu.memref_slice %arg8[%dma_start3A_1452] : memref<4096xf32, #tpu.memory_space<vmem>> -> memref<128xf32, #tpu.memory_space<vmem>>
    %dma_start3A_1454 = arith.constant 0 : i32
    %dma_start3A_1455 = tpu.memref_slice %arg9[%dma_start3A_1450, %dma_start3A_1451, %dma_start3A_1454] : memref<2x32x128xi32, #tpu.memory_space<vmem>> -> memref<1x1x128xi32, #tpu.memory_space<vmem>>
    %dma_start3A_1456 = tpu.memref_squeeze %dma_start3A_1455 : memref<1x1x128xi32, #tpu.memory_space<vmem>> -> memref<128xi32, #tpu.memory_space<vmem>>
    %dma_start3A_1457 = arith.constant 0 : i32
    %dma_start3A_1458 = tpu.memref_slice %arg11[%dma_start3A_1457] : memref<1048592xf32, #tpu.memory_space<vmem_shared>> -> memref<1048592xf32, #tpu.memory_space<vmem_shared>>
    tpu.enqueue_indirect_dma source(%dma_start3A_1453 : memref<128xf32, #tpu.memory_space<vmem>>) target(%dma_start3A_1458 : memref<1048592xf32, #tpu.memory_space<vmem_shared>>) offsets(%dma_start3A_1456 : memref<128xi32, #tpu.memory_space<vmem>>) semaphore(%arg12 : memref<!tpu.dma_semaphore, #tpu.memory_space<semaphore_mem>>) {add = true}
    %dma_start3A_1459 = arith.constant 1 : i32
    %dma_start3A_1460 = arith.constant 18 : i32
    %dma_start3A_1461 = arith.constant 2304 : i32
    %dma_start3A_1462 = tpu.memref_slice %arg8[%dma_start3A_1461] : memref<4096xf32, #tpu.memory_space<vmem>> -> memref<128xf32, #tpu.memory_space<vmem>>
    %dma_start3A_1463 = arith.constant 0 : i32
    %dma_start3A_1464 = tpu.memref_slice %arg9[%dma_start3A_1459, %dma_start3A_1460, %dma_start3A_1463] : memref<2x32x128xi32, #tpu.memory_space<vmem>> -> memref<1x1x128xi32, #tpu.memory_space<vmem>>
    %dma_start3A_1465 = tpu.memref_squeeze %dma_start3A_1464 : memref<1x1x128xi32, #tpu.memory_space<vmem>> -> memref<128xi32, #tpu.memory_space<vmem>>
    %dma_start3A_1466 = arith.constant 0 : i32
    %dma_start3A_1467 = tpu.memref_slice %arg11[%dma_start3A_1466] : memref<1048592xf32, #tpu.memory_space<vmem_shared>> -> memref<1048592xf32, #tpu.memory_space<vmem_shared>>
    tpu.enqueue_indirect_dma source(%dma_start3A_1462 : memref<128xf32, #tpu.memory_space<vmem>>) target(%dma_start3A_1467 : memref<1048592xf32, #tpu.memory_space<vmem_shared>>) offsets(%dma_start3A_1465 : memref<128xi32, #tpu.memory_space<vmem>>) semaphore(%arg12 : memref<!tpu.dma_semaphore, #tpu.memory_space<semaphore_mem>>) {add = true}
    %dma_start3A_1468 = arith.constant 1 : i32
    %dma_start3A_1469 = arith.constant 19 : i32
    %dma_start3A_1470 = arith.constant 2432 : i32
    %dma_start3A_1471 = tpu.memref_slice %arg8[%dma_start3A_1470] : memref<4096xf32, #tpu.memory_space<vmem>> -> memref<128xf32, #tpu.memory_space<vmem>>
    %dma_start3A_1472 = arith.constant 0 : i32
    %dma_start3A_1473 = tpu.memref_slice %arg9[%dma_start3A_1468, %dma_start3A_1469, %dma_start3A_1472] : memref<2x32x128xi32, #tpu.memory_space<vmem>> -> memref<1x1x128xi32, #tpu.memory_space<vmem>>
    %dma_start3A_1474 = tpu.memref_squeeze %dma_start3A_1473 : memref<1x1x128xi32, #tpu.memory_space<vmem>> -> memref<128xi32, #tpu.memory_space<vmem>>
    %dma_start3A_1475 = arith.constant 0 : i32
    %dma_start3A_1476 = tpu.memref_slice %arg11[%dma_start3A_1475] : memref<1048592xf32, #tpu.memory_space<vmem_shared>> -> memref<1048592xf32, #tpu.memory_space<vmem_shared>>
    tpu.enqueue_indirect_dma source(%dma_start3A_1471 : memref<128xf32, #tpu.memory_space<vmem>>) target(%dma_start3A_1476 : memref<1048592xf32, #tpu.memory_space<vmem_shared>>) offsets(%dma_start3A_1474 : memref<128xi32, #tpu.memory_space<vmem>>) semaphore(%arg12 : memref<!tpu.dma_semaphore, #tpu.memory_space<semaphore_mem>>) {add = true}
    %dma_start3A_1477 = arith.constant 1 : i32
    %dma_start3A_1478 = arith.constant 20 : i32
    %dma_start3A_1479 = arith.constant 2560 : i32
    %dma_start3A_1480 = tpu.memref_slice %arg8[%dma_start3A_1479] : memref<4096xf32, #tpu.memory_space<vmem>> -> memref<128xf32, #tpu.memory_space<vmem>>
    %dma_start3A_1481 = arith.constant 0 : i32
    %dma_start3A_1482 = tpu.memref_slice %arg9[%dma_start3A_1477, %dma_start3A_1478, %dma_start3A_1481] : memref<2x32x128xi32, #tpu.memory_space<vmem>> -> memref<1x1x128xi32, #tpu.memory_space<vmem>>
    %dma_start3A_1483 = tpu.memref_squeeze %dma_start3A_1482 : memref<1x1x128xi32, #tpu.memory_space<vmem>> -> memref<128xi32, #tpu.memory_space<vmem>>
    %dma_start3A_1484 = arith.constant 0 : i32
    %dma_start3A_1485 = tpu.memref_slice %arg11[%dma_start3A_1484] : memref<1048592xf32, #tpu.memory_space<vmem_shared>> -> memref<1048592xf32, #tpu.memory_space<vmem_shared>>
    tpu.enqueue_indirect_dma source(%dma_start3A_1480 : memref<128xf32, #tpu.memory_space<vmem>>) target(%dma_start3A_1485 : memref<1048592xf32, #tpu.memory_space<vmem_shared>>) offsets(%dma_start3A_1483 : memref<128xi32, #tpu.memory_space<vmem>>) semaphore(%arg12 : memref<!tpu.dma_semaphore, #tpu.memory_space<semaphore_mem>>) {add = true}
    %dma_start3A_1486 = arith.constant 1 : i32
    %dma_start3A_1487 = arith.constant 21 : i32
    %dma_start3A_1488 = arith.constant 2688 : i32
    %dma_start3A_1489 = tpu.memref_slice %arg8[%dma_start3A_1488] : memref<4096xf32, #tpu.memory_space<vmem>> -> memref<128xf32, #tpu.memory_space<vmem>>
    %dma_start3A_1490 = arith.constant 0 : i32
    %dma_start3A_1491 = tpu.memref_slice %arg9[%dma_start3A_1486, %dma_start3A_1487, %dma_start3A_1490] : memref<2x32x128xi32, #tpu.memory_space<vmem>> -> memref<1x1x128xi32, #tpu.memory_space<vmem>>
    %dma_start3A_1492 = tpu.memref_squeeze %dma_start3A_1491 : memref<1x1x128xi32, #tpu.memory_space<vmem>> -> memref<128xi32, #tpu.memory_space<vmem>>
    %dma_start3A_1493 = arith.constant 0 : i32
    %dma_start3A_1494 = tpu.memref_slice %arg11[%dma_start3A_1493] : memref<1048592xf32, #tpu.memory_space<vmem_shared>> -> memref<1048592xf32, #tpu.memory_space<vmem_shared>>
    tpu.enqueue_indirect_dma source(%dma_start3A_1489 : memref<128xf32, #tpu.memory_space<vmem>>) target(%dma_start3A_1494 : memref<1048592xf32, #tpu.memory_space<vmem_shared>>) offsets(%dma_start3A_1492 : memref<128xi32, #tpu.memory_space<vmem>>) semaphore(%arg12 : memref<!tpu.dma_semaphore, #tpu.memory_space<semaphore_mem>>) {add = true}
    %dma_start3A_1495 = arith.constant 1 : i32
    %dma_start3A_1496 = arith.constant 22 : i32
    %dma_start3A_1497 = arith.constant 2816 : i32
    %dma_start3A_1498 = tpu.memref_slice %arg8[%dma_start3A_1497] : memref<4096xf32, #tpu.memory_space<vmem>> -> memref<128xf32, #tpu.memory_space<vmem>>
    %dma_start3A_1499 = arith.constant 0 : i32
    %dma_start3A_1500 = tpu.memref_slice %arg9[%dma_start3A_1495, %dma_start3A_1496, %dma_start3A_1499] : memref<2x32x128xi32, #tpu.memory_space<vmem>> -> memref<1x1x128xi32, #tpu.memory_space<vmem>>
    %dma_start3A_1501 = tpu.memref_squeeze %dma_start3A_1500 : memref<1x1x128xi32, #tpu.memory_space<vmem>> -> memref<128xi32, #tpu.memory_space<vmem>>
    %dma_start3A_1502 = arith.constant 0 : i32
    %dma_start3A_1503 = tpu.memref_slice %arg11[%dma_start3A_1502] : memref<1048592xf32, #tpu.memory_space<vmem_shared>> -> memref<1048592xf32, #tpu.memory_space<vmem_shared>>
    tpu.enqueue_indirect_dma source(%dma_start3A_1498 : memref<128xf32, #tpu.memory_space<vmem>>) target(%dma_start3A_1503 : memref<1048592xf32, #tpu.memory_space<vmem_shared>>) offsets(%dma_start3A_1501 : memref<128xi32, #tpu.memory_space<vmem>>) semaphore(%arg12 : memref<!tpu.dma_semaphore, #tpu.memory_space<semaphore_mem>>) {add = true}
    %dma_start3A_1504 = arith.constant 1 : i32
    %dma_start3A_1505 = arith.constant 23 : i32
    %dma_start3A_1506 = arith.constant 2944 : i32
    %dma_start3A_1507 = tpu.memref_slice %arg8[%dma_start3A_1506] : memref<4096xf32, #tpu.memory_space<vmem>> -> memref<128xf32, #tpu.memory_space<vmem>>
    %dma_start3A_1508 = arith.constant 0 : i32
    %dma_start3A_1509 = tpu.memref_slice %arg9[%dma_start3A_1504, %dma_start3A_1505, %dma_start3A_1508] : memref<2x32x128xi32, #tpu.memory_space<vmem>> -> memref<1x1x128xi32, #tpu.memory_space<vmem>>
    %dma_start3A_1510 = tpu.memref_squeeze %dma_start3A_1509 : memref<1x1x128xi32, #tpu.memory_space<vmem>> -> memref<128xi32, #tpu.memory_space<vmem>>
    %dma_start3A_1511 = arith.constant 0 : i32
    %dma_start3A_1512 = tpu.memref_slice %arg11[%dma_start3A_1511] : memref<1048592xf32, #tpu.memory_space<vmem_shared>> -> memref<1048592xf32, #tpu.memory_space<vmem_shared>>
    tpu.enqueue_indirect_dma source(%dma_start3A_1507 : memref<128xf32, #tpu.memory_space<vmem>>) target(%dma_start3A_1512 : memref<1048592xf32, #tpu.memory_space<vmem_shared>>) offsets(%dma_start3A_1510 : memref<128xi32, #tpu.memory_space<vmem>>) semaphore(%arg12 : memref<!tpu.dma_semaphore, #tpu.memory_space<semaphore_mem>>) {add = true}
    %dma_start3A_1513 = arith.constant 1 : i32
    %dma_start3A_1514 = arith.constant 24 : i32
    %dma_start3A_1515 = arith.constant 3072 : i32
    %dma_start3A_1516 = tpu.memref_slice %arg8[%dma_start3A_1515] : memref<4096xf32, #tpu.memory_space<vmem>> -> memref<128xf32, #tpu.memory_space<vmem>>
    %dma_start3A_1517 = arith.constant 0 : i32
    %dma_start3A_1518 = tpu.memref_slice %arg9[%dma_start3A_1513, %dma_start3A_1514, %dma_start3A_1517] : memref<2x32x128xi32, #tpu.memory_space<vmem>> -> memref<1x1x128xi32, #tpu.memory_space<vmem>>
    %dma_start3A_1519 = tpu.memref_squeeze %dma_start3A_1518 : memref<1x1x128xi32, #tpu.memory_space<vmem>> -> memref<128xi32, #tpu.memory_space<vmem>>
    %dma_start3A_1520 = arith.constant 0 : i32
    %dma_start3A_1521 = tpu.memref_slice %arg11[%dma_start3A_1520] : memref<1048592xf32, #tpu.memory_space<vmem_shared>> -> memref<1048592xf32, #tpu.memory_space<vmem_shared>>
    tpu.enqueue_indirect_dma source(%dma_start3A_1516 : memref<128xf32, #tpu.memory_space<vmem>>) target(%dma_start3A_1521 : memref<1048592xf32, #tpu.memory_space<vmem_shared>>) offsets(%dma_start3A_1519 : memref<128xi32, #tpu.memory_space<vmem>>) semaphore(%arg12 : memref<!tpu.dma_semaphore, #tpu.memory_space<semaphore_mem>>) {add = true}
    %dma_start3A_1522 = arith.constant 1 : i32
    %dma_start3A_1523 = arith.constant 25 : i32
    %dma_start3A_1524 = arith.constant 3200 : i32
    %dma_start3A_1525 = tpu.memref_slice %arg8[%dma_start3A_1524] : memref<4096xf32, #tpu.memory_space<vmem>> -> memref<128xf32, #tpu.memory_space<vmem>>
    %dma_start3A_1526 = arith.constant 0 : i32
    %dma_start3A_1527 = tpu.memref_slice %arg9[%dma_start3A_1522, %dma_start3A_1523, %dma_start3A_1526] : memref<2x32x128xi32, #tpu.memory_space<vmem>> -> memref<1x1x128xi32, #tpu.memory_space<vmem>>
    %dma_start3A_1528 = tpu.memref_squeeze %dma_start3A_1527 : memref<1x1x128xi32, #tpu.memory_space<vmem>> -> memref<128xi32, #tpu.memory_space<vmem>>
    %dma_start3A_1529 = arith.constant 0 : i32
    %dma_start3A_1530 = tpu.memref_slice %arg11[%dma_start3A_1529] : memref<1048592xf32, #tpu.memory_space<vmem_shared>> -> memref<1048592xf32, #tpu.memory_space<vmem_shared>>
    tpu.enqueue_indirect_dma source(%dma_start3A_1525 : memref<128xf32, #tpu.memory_space<vmem>>) target(%dma_start3A_1530 : memref<1048592xf32, #tpu.memory_space<vmem_shared>>) offsets(%dma_start3A_1528 : memref<128xi32, #tpu.memory_space<vmem>>) semaphore(%arg12 : memref<!tpu.dma_semaphore, #tpu.memory_space<semaphore_mem>>) {add = true}
    %dma_start3A_1531 = arith.constant 1 : i32
    %dma_start3A_1532 = arith.constant 26 : i32
    %dma_start3A_1533 = arith.constant 3328 : i32
    %dma_start3A_1534 = tpu.memref_slice %arg8[%dma_start3A_1533] : memref<4096xf32, #tpu.memory_space<vmem>> -> memref<128xf32, #tpu.memory_space<vmem>>
    %dma_start3A_1535 = arith.constant 0 : i32
    %dma_start3A_1536 = tpu.memref_slice %arg9[%dma_start3A_1531, %dma_start3A_1532, %dma_start3A_1535] : memref<2x32x128xi32, #tpu.memory_space<vmem>> -> memref<1x1x128xi32, #tpu.memory_space<vmem>>
    %dma_start3A_1537 = tpu.memref_squeeze %dma_start3A_1536 : memref<1x1x128xi32, #tpu.memory_space<vmem>> -> memref<128xi32, #tpu.memory_space<vmem>>
    %dma_start3A_1538 = arith.constant 0 : i32
    %dma_start3A_1539 = tpu.memref_slice %arg11[%dma_start3A_1538] : memref<1048592xf32, #tpu.memory_space<vmem_shared>> -> memref<1048592xf32, #tpu.memory_space<vmem_shared>>
    tpu.enqueue_indirect_dma source(%dma_start3A_1534 : memref<128xf32, #tpu.memory_space<vmem>>) target(%dma_start3A_1539 : memref<1048592xf32, #tpu.memory_space<vmem_shared>>) offsets(%dma_start3A_1537 : memref<128xi32, #tpu.memory_space<vmem>>) semaphore(%arg12 : memref<!tpu.dma_semaphore, #tpu.memory_space<semaphore_mem>>) {add = true}
    %dma_start3A_1540 = arith.constant 1 : i32
    %dma_start3A_1541 = arith.constant 27 : i32
    %dma_start3A_1542 = arith.constant 3456 : i32
    %dma_start3A_1543 = tpu.memref_slice %arg8[%dma_start3A_1542] : memref<4096xf32, #tpu.memory_space<vmem>> -> memref<128xf32, #tpu.memory_space<vmem>>
    %dma_start3A_1544 = arith.constant 0 : i32
    %dma_start3A_1545 = tpu.memref_slice %arg9[%dma_start3A_1540, %dma_start3A_1541, %dma_start3A_1544] : memref<2x32x128xi32, #tpu.memory_space<vmem>> -> memref<1x1x128xi32, #tpu.memory_space<vmem>>
    %dma_start3A_1546 = tpu.memref_squeeze %dma_start3A_1545 : memref<1x1x128xi32, #tpu.memory_space<vmem>> -> memref<128xi32, #tpu.memory_space<vmem>>
    %dma_start3A_1547 = arith.constant 0 : i32
    %dma_start3A_1548 = tpu.memref_slice %arg11[%dma_start3A_1547] : memref<1048592xf32, #tpu.memory_space<vmem_shared>> -> memref<1048592xf32, #tpu.memory_space<vmem_shared>>
    tpu.enqueue_indirect_dma source(%dma_start3A_1543 : memref<128xf32, #tpu.memory_space<vmem>>) target(%dma_start3A_1548 : memref<1048592xf32, #tpu.memory_space<vmem_shared>>) offsets(%dma_start3A_1546 : memref<128xi32, #tpu.memory_space<vmem>>) semaphore(%arg12 : memref<!tpu.dma_semaphore, #tpu.memory_space<semaphore_mem>>) {add = true}
    %dma_start3A_1549 = arith.constant 1 : i32
    %dma_start3A_1550 = arith.constant 28 : i32
    %dma_start3A_1551 = arith.constant 3584 : i32
    %dma_start3A_1552 = tpu.memref_slice %arg8[%dma_start3A_1551] : memref<4096xf32, #tpu.memory_space<vmem>> -> memref<128xf32, #tpu.memory_space<vmem>>
    %dma_start3A_1553 = arith.constant 0 : i32
    %dma_start3A_1554 = tpu.memref_slice %arg9[%dma_start3A_1549, %dma_start3A_1550, %dma_start3A_1553] : memref<2x32x128xi32, #tpu.memory_space<vmem>> -> memref<1x1x128xi32, #tpu.memory_space<vmem>>
    %dma_start3A_1555 = tpu.memref_squeeze %dma_start3A_1554 : memref<1x1x128xi32, #tpu.memory_space<vmem>> -> memref<128xi32, #tpu.memory_space<vmem>>
    %dma_start3A_1556 = arith.constant 0 : i32
    %dma_start3A_1557 = tpu.memref_slice %arg11[%dma_start3A_1556] : memref<1048592xf32, #tpu.memory_space<vmem_shared>> -> memref<1048592xf32, #tpu.memory_space<vmem_shared>>
    tpu.enqueue_indirect_dma source(%dma_start3A_1552 : memref<128xf32, #tpu.memory_space<vmem>>) target(%dma_start3A_1557 : memref<1048592xf32, #tpu.memory_space<vmem_shared>>) offsets(%dma_start3A_1555 : memref<128xi32, #tpu.memory_space<vmem>>) semaphore(%arg12 : memref<!tpu.dma_semaphore, #tpu.memory_space<semaphore_mem>>) {add = true}
    %dma_start3A_1558 = arith.constant 1 : i32
    %dma_start3A_1559 = arith.constant 29 : i32
    %dma_start3A_1560 = arith.constant 3712 : i32
    %dma_start3A_1561 = tpu.memref_slice %arg8[%dma_start3A_1560] : memref<4096xf32, #tpu.memory_space<vmem>> -> memref<128xf32, #tpu.memory_space<vmem>>
    %dma_start3A_1562 = arith.constant 0 : i32
    %dma_start3A_1563 = tpu.memref_slice %arg9[%dma_start3A_1558, %dma_start3A_1559, %dma_start3A_1562] : memref<2x32x128xi32, #tpu.memory_space<vmem>> -> memref<1x1x128xi32, #tpu.memory_space<vmem>>
    %dma_start3A_1564 = tpu.memref_squeeze %dma_start3A_1563 : memref<1x1x128xi32, #tpu.memory_space<vmem>> -> memref<128xi32, #tpu.memory_space<vmem>>
    %dma_start3A_1565 = arith.constant 0 : i32
    %dma_start3A_1566 = tpu.memref_slice %arg11[%dma_start3A_1565] : memref<1048592xf32, #tpu.memory_space<vmem_shared>> -> memref<1048592xf32, #tpu.memory_space<vmem_shared>>
    tpu.enqueue_indirect_dma source(%dma_start3A_1561 : memref<128xf32, #tpu.memory_space<vmem>>) target(%dma_start3A_1566 : memref<1048592xf32, #tpu.memory_space<vmem_shared>>) offsets(%dma_start3A_1564 : memref<128xi32, #tpu.memory_space<vmem>>) semaphore(%arg12 : memref<!tpu.dma_semaphore, #tpu.memory_space<semaphore_mem>>) {add = true}
    %dma_start3A_1567 = arith.constant 1 : i32
    %dma_start3A_1568 = arith.constant 30 : i32
    %dma_start3A_1569 = arith.constant 3840 : i32
    %dma_start3A_1570 = tpu.memref_slice %arg8[%dma_start3A_1569] : memref<4096xf32, #tpu.memory_space<vmem>> -> memref<128xf32, #tpu.memory_space<vmem>>
    %dma_start3A_1571 = arith.constant 0 : i32
    %dma_start3A_1572 = tpu.memref_slice %arg9[%dma_start3A_1567, %dma_start3A_1568, %dma_start3A_1571] : memref<2x32x128xi32, #tpu.memory_space<vmem>> -> memref<1x1x128xi32, #tpu.memory_space<vmem>>
    %dma_start3A_1573 = tpu.memref_squeeze %dma_start3A_1572 : memref<1x1x128xi32, #tpu.memory_space<vmem>> -> memref<128xi32, #tpu.memory_space<vmem>>
    %dma_start3A_1574 = arith.constant 0 : i32
    %dma_start3A_1575 = tpu.memref_slice %arg11[%dma_start3A_1574] : memref<1048592xf32, #tpu.memory_space<vmem_shared>> -> memref<1048592xf32, #tpu.memory_space<vmem_shared>>
    tpu.enqueue_indirect_dma source(%dma_start3A_1570 : memref<128xf32, #tpu.memory_space<vmem>>) target(%dma_start3A_1575 : memref<1048592xf32, #tpu.memory_space<vmem_shared>>) offsets(%dma_start3A_1573 : memref<128xi32, #tpu.memory_space<vmem>>) semaphore(%arg12 : memref<!tpu.dma_semaphore, #tpu.memory_space<semaphore_mem>>) {add = true}
    %dma_start3A_1576 = arith.constant 1 : i32
    %dma_start3A_1577 = arith.constant 31 : i32
    %dma_start3A_1578 = arith.constant 3968 : i32
    %dma_start3A_1579 = tpu.memref_slice %arg8[%dma_start3A_1578] : memref<4096xf32, #tpu.memory_space<vmem>> -> memref<128xf32, #tpu.memory_space<vmem>>
    %dma_start3A_1580 = arith.constant 0 : i32
    %dma_start3A_1581 = tpu.memref_slice %arg9[%dma_start3A_1576, %dma_start3A_1577, %dma_start3A_1580] : memref<2x32x128xi32, #tpu.memory_space<vmem>> -> memref<1x1x128xi32, #tpu.memory_space<vmem>>
    %dma_start3A_1582 = tpu.memref_squeeze %dma_start3A_1581 : memref<1x1x128xi32, #tpu.memory_space<vmem>> -> memref<128xi32, #tpu.memory_space<vmem>>
    %dma_start3A_1583 = arith.constant 0 : i32
    %dma_start3A_1584 = tpu.memref_slice %arg11[%dma_start3A_1583] : memref<1048592xf32, #tpu.memory_space<vmem_shared>> -> memref<1048592xf32, #tpu.memory_space<vmem_shared>>
    tpu.enqueue_indirect_dma source(%dma_start3A_1579 : memref<128xf32, #tpu.memory_space<vmem>>) target(%dma_start3A_1584 : memref<1048592xf32, #tpu.memory_space<vmem_shared>>) offsets(%dma_start3A_1582 : memref<128xi32, #tpu.memory_space<vmem>>) semaphore(%arg12 : memref<!tpu.dma_semaphore, #tpu.memory_space<semaphore_mem>>) {add = true}
    %dma_wait3A_1585 = arith.constant 1 : i32
    %dma_wait3A_1586 = arith.constant 0 : i32
    %dma_wait3A_1587 = arith.constant 0 : i32
    %dma_wait3A_1588 = tpu.memref_slice %arg8[%dma_wait3A_1587] : memref<4096xf32, #tpu.memory_space<vmem>> -> memref<128xf32, #tpu.memory_space<vmem>>
    %dma_wait3A_1589 = arith.constant 0 : i32
    %dma_wait3A_1590 = tpu.memref_slice %arg9[%dma_wait3A_1585, %dma_wait3A_1586, %dma_wait3A_1589] : memref<2x32x128xi32, #tpu.memory_space<vmem>> -> memref<1x1x128xi32, #tpu.memory_space<vmem>>
    %dma_wait3A_1591 = tpu.memref_squeeze %dma_wait3A_1590 : memref<1x1x128xi32, #tpu.memory_space<vmem>> -> memref<128xi32, #tpu.memory_space<vmem>>
    %dma_wait3A_1592 = arith.constant 0 : i32
    %dma_wait3A_1593 = tpu.memref_slice %arg11[%dma_wait3A_1592] : memref<1048592xf32, #tpu.memory_space<vmem_shared>> -> memref<1048592xf32, #tpu.memory_space<vmem_shared>>
    tpu.wait_indirect_dma semaphore(%arg12 : memref<!tpu.dma_semaphore, #tpu.memory_space<semaphore_mem>>) src(%dma_wait3A_1588 : memref<128xf32, #tpu.memory_space<vmem>>) dst(%dma_wait3A_1593 : memref<1048592xf32, #tpu.memory_space<vmem_shared>>)
    %dma_wait3A_1594 = arith.constant 1 : i32
    %dma_wait3A_1595 = arith.constant 1 : i32
    %dma_wait3A_1596 = arith.constant 128 : i32
    %dma_wait3A_1597 = tpu.memref_slice %arg8[%dma_wait3A_1596] : memref<4096xf32, #tpu.memory_space<vmem>> -> memref<128xf32, #tpu.memory_space<vmem>>
    %dma_wait3A_1598 = arith.constant 0 : i32
    %dma_wait3A_1599 = tpu.memref_slice %arg9[%dma_wait3A_1594, %dma_wait3A_1595, %dma_wait3A_1598] : memref<2x32x128xi32, #tpu.memory_space<vmem>> -> memref<1x1x128xi32, #tpu.memory_space<vmem>>
    %dma_wait3A_1600 = tpu.memref_squeeze %dma_wait3A_1599 : memref<1x1x128xi32, #tpu.memory_space<vmem>> -> memref<128xi32, #tpu.memory_space<vmem>>
    %dma_wait3A_1601 = arith.constant 0 : i32
    %dma_wait3A_1602 = tpu.memref_slice %arg11[%dma_wait3A_1601] : memref<1048592xf32, #tpu.memory_space<vmem_shared>> -> memref<1048592xf32, #tpu.memory_space<vmem_shared>>
    tpu.wait_indirect_dma semaphore(%arg12 : memref<!tpu.dma_semaphore, #tpu.memory_space<semaphore_mem>>) src(%dma_wait3A_1597 : memref<128xf32, #tpu.memory_space<vmem>>) dst(%dma_wait3A_1602 : memref<1048592xf32, #tpu.memory_space<vmem_shared>>)
    %dma_wait3A_1603 = arith.constant 1 : i32
    %dma_wait3A_1604 = arith.constant 2 : i32
    %dma_wait3A_1605 = arith.constant 256 : i32
    %dma_wait3A_1606 = tpu.memref_slice %arg8[%dma_wait3A_1605] : memref<4096xf32, #tpu.memory_space<vmem>> -> memref<128xf32, #tpu.memory_space<vmem>>
    %dma_wait3A_1607 = arith.constant 0 : i32
    %dma_wait3A_1608 = tpu.memref_slice %arg9[%dma_wait3A_1603, %dma_wait3A_1604, %dma_wait3A_1607] : memref<2x32x128xi32, #tpu.memory_space<vmem>> -> memref<1x1x128xi32, #tpu.memory_space<vmem>>
    %dma_wait3A_1609 = tpu.memref_squeeze %dma_wait3A_1608 : memref<1x1x128xi32, #tpu.memory_space<vmem>> -> memref<128xi32, #tpu.memory_space<vmem>>
    %dma_wait3A_1610 = arith.constant 0 : i32
    %dma_wait3A_1611 = tpu.memref_slice %arg11[%dma_wait3A_1610] : memref<1048592xf32, #tpu.memory_space<vmem_shared>> -> memref<1048592xf32, #tpu.memory_space<vmem_shared>>
    tpu.wait_indirect_dma semaphore(%arg12 : memref<!tpu.dma_semaphore, #tpu.memory_space<semaphore_mem>>) src(%dma_wait3A_1606 : memref<128xf32, #tpu.memory_space<vmem>>) dst(%dma_wait3A_1611 : memref<1048592xf32, #tpu.memory_space<vmem_shared>>)
    %dma_wait3A_1612 = arith.constant 1 : i32
    %dma_wait3A_1613 = arith.constant 3 : i32
    %dma_wait3A_1614 = arith.constant 384 : i32
    %dma_wait3A_1615 = tpu.memref_slice %arg8[%dma_wait3A_1614] : memref<4096xf32, #tpu.memory_space<vmem>> -> memref<128xf32, #tpu.memory_space<vmem>>
    %dma_wait3A_1616 = arith.constant 0 : i32
    %dma_wait3A_1617 = tpu.memref_slice %arg9[%dma_wait3A_1612, %dma_wait3A_1613, %dma_wait3A_1616] : memref<2x32x128xi32, #tpu.memory_space<vmem>> -> memref<1x1x128xi32, #tpu.memory_space<vmem>>
    %dma_wait3A_1618 = tpu.memref_squeeze %dma_wait3A_1617 : memref<1x1x128xi32, #tpu.memory_space<vmem>> -> memref<128xi32, #tpu.memory_space<vmem>>
    %dma_wait3A_1619 = arith.constant 0 : i32
    %dma_wait3A_1620 = tpu.memref_slice %arg11[%dma_wait3A_1619] : memref<1048592xf32, #tpu.memory_space<vmem_shared>> -> memref<1048592xf32, #tpu.memory_space<vmem_shared>>
    tpu.wait_indirect_dma semaphore(%arg12 : memref<!tpu.dma_semaphore, #tpu.memory_space<semaphore_mem>>) src(%dma_wait3A_1615 : memref<128xf32, #tpu.memory_space<vmem>>) dst(%dma_wait3A_1620 : memref<1048592xf32, #tpu.memory_space<vmem_shared>>)
    %dma_wait3A_1621 = arith.constant 1 : i32
    %dma_wait3A_1622 = arith.constant 4 : i32
    %dma_wait3A_1623 = arith.constant 512 : i32
    %dma_wait3A_1624 = tpu.memref_slice %arg8[%dma_wait3A_1623] : memref<4096xf32, #tpu.memory_space<vmem>> -> memref<128xf32, #tpu.memory_space<vmem>>
    %dma_wait3A_1625 = arith.constant 0 : i32
    %dma_wait3A_1626 = tpu.memref_slice %arg9[%dma_wait3A_1621, %dma_wait3A_1622, %dma_wait3A_1625] : memref<2x32x128xi32, #tpu.memory_space<vmem>> -> memref<1x1x128xi32, #tpu.memory_space<vmem>>
    %dma_wait3A_1627 = tpu.memref_squeeze %dma_wait3A_1626 : memref<1x1x128xi32, #tpu.memory_space<vmem>> -> memref<128xi32, #tpu.memory_space<vmem>>
    %dma_wait3A_1628 = arith.constant 0 : i32
    %dma_wait3A_1629 = tpu.memref_slice %arg11[%dma_wait3A_1628] : memref<1048592xf32, #tpu.memory_space<vmem_shared>> -> memref<1048592xf32, #tpu.memory_space<vmem_shared>>
    tpu.wait_indirect_dma semaphore(%arg12 : memref<!tpu.dma_semaphore, #tpu.memory_space<semaphore_mem>>) src(%dma_wait3A_1624 : memref<128xf32, #tpu.memory_space<vmem>>) dst(%dma_wait3A_1629 : memref<1048592xf32, #tpu.memory_space<vmem_shared>>)
    %dma_wait3A_1630 = arith.constant 1 : i32
    %dma_wait3A_1631 = arith.constant 5 : i32
    %dma_wait3A_1632 = arith.constant 640 : i32
    %dma_wait3A_1633 = tpu.memref_slice %arg8[%dma_wait3A_1632] : memref<4096xf32, #tpu.memory_space<vmem>> -> memref<128xf32, #tpu.memory_space<vmem>>
    %dma_wait3A_1634 = arith.constant 0 : i32
    %dma_wait3A_1635 = tpu.memref_slice %arg9[%dma_wait3A_1630, %dma_wait3A_1631, %dma_wait3A_1634] : memref<2x32x128xi32, #tpu.memory_space<vmem>> -> memref<1x1x128xi32, #tpu.memory_space<vmem>>
    %dma_wait3A_1636 = tpu.memref_squeeze %dma_wait3A_1635 : memref<1x1x128xi32, #tpu.memory_space<vmem>> -> memref<128xi32, #tpu.memory_space<vmem>>
    %dma_wait3A_1637 = arith.constant 0 : i32
    %dma_wait3A_1638 = tpu.memref_slice %arg11[%dma_wait3A_1637] : memref<1048592xf32, #tpu.memory_space<vmem_shared>> -> memref<1048592xf32, #tpu.memory_space<vmem_shared>>
    tpu.wait_indirect_dma semaphore(%arg12 : memref<!tpu.dma_semaphore, #tpu.memory_space<semaphore_mem>>) src(%dma_wait3A_1633 : memref<128xf32, #tpu.memory_space<vmem>>) dst(%dma_wait3A_1638 : memref<1048592xf32, #tpu.memory_space<vmem_shared>>)
    %dma_wait3A_1639 = arith.constant 1 : i32
    %dma_wait3A_1640 = arith.constant 6 : i32
    %dma_wait3A_1641 = arith.constant 768 : i32
    %dma_wait3A_1642 = tpu.memref_slice %arg8[%dma_wait3A_1641] : memref<4096xf32, #tpu.memory_space<vmem>> -> memref<128xf32, #tpu.memory_space<vmem>>
    %dma_wait3A_1643 = arith.constant 0 : i32
    %dma_wait3A_1644 = tpu.memref_slice %arg9[%dma_wait3A_1639, %dma_wait3A_1640, %dma_wait3A_1643] : memref<2x32x128xi32, #tpu.memory_space<vmem>> -> memref<1x1x128xi32, #tpu.memory_space<vmem>>
    %dma_wait3A_1645 = tpu.memref_squeeze %dma_wait3A_1644 : memref<1x1x128xi32, #tpu.memory_space<vmem>> -> memref<128xi32, #tpu.memory_space<vmem>>
    %dma_wait3A_1646 = arith.constant 0 : i32
    %dma_wait3A_1647 = tpu.memref_slice %arg11[%dma_wait3A_1646] : memref<1048592xf32, #tpu.memory_space<vmem_shared>> -> memref<1048592xf32, #tpu.memory_space<vmem_shared>>
    tpu.wait_indirect_dma semaphore(%arg12 : memref<!tpu.dma_semaphore, #tpu.memory_space<semaphore_mem>>) src(%dma_wait3A_1642 : memref<128xf32, #tpu.memory_space<vmem>>) dst(%dma_wait3A_1647 : memref<1048592xf32, #tpu.memory_space<vmem_shared>>)
    %dma_wait3A_1648 = arith.constant 1 : i32
    %dma_wait3A_1649 = arith.constant 7 : i32
    %dma_wait3A_1650 = arith.constant 896 : i32
    %dma_wait3A_1651 = tpu.memref_slice %arg8[%dma_wait3A_1650] : memref<4096xf32, #tpu.memory_space<vmem>> -> memref<128xf32, #tpu.memory_space<vmem>>
    %dma_wait3A_1652 = arith.constant 0 : i32
    %dma_wait3A_1653 = tpu.memref_slice %arg9[%dma_wait3A_1648, %dma_wait3A_1649, %dma_wait3A_1652] : memref<2x32x128xi32, #tpu.memory_space<vmem>> -> memref<1x1x128xi32, #tpu.memory_space<vmem>>
    %dma_wait3A_1654 = tpu.memref_squeeze %dma_wait3A_1653 : memref<1x1x128xi32, #tpu.memory_space<vmem>> -> memref<128xi32, #tpu.memory_space<vmem>>
    %dma_wait3A_1655 = arith.constant 0 : i32
    %dma_wait3A_1656 = tpu.memref_slice %arg11[%dma_wait3A_1655] : memref<1048592xf32, #tpu.memory_space<vmem_shared>> -> memref<1048592xf32, #tpu.memory_space<vmem_shared>>
    tpu.wait_indirect_dma semaphore(%arg12 : memref<!tpu.dma_semaphore, #tpu.memory_space<semaphore_mem>>) src(%dma_wait3A_1651 : memref<128xf32, #tpu.memory_space<vmem>>) dst(%dma_wait3A_1656 : memref<1048592xf32, #tpu.memory_space<vmem_shared>>)
    %dma_wait3A_1657 = arith.constant 1 : i32
    %dma_wait3A_1658 = arith.constant 8 : i32
    %dma_wait3A_1659 = arith.constant 1024 : i32
    %dma_wait3A_1660 = tpu.memref_slice %arg8[%dma_wait3A_1659] : memref<4096xf32, #tpu.memory_space<vmem>> -> memref<128xf32, #tpu.memory_space<vmem>>
    %dma_wait3A_1661 = arith.constant 0 : i32
    %dma_wait3A_1662 = tpu.memref_slice %arg9[%dma_wait3A_1657, %dma_wait3A_1658, %dma_wait3A_1661] : memref<2x32x128xi32, #tpu.memory_space<vmem>> -> memref<1x1x128xi32, #tpu.memory_space<vmem>>
    %dma_wait3A_1663 = tpu.memref_squeeze %dma_wait3A_1662 : memref<1x1x128xi32, #tpu.memory_space<vmem>> -> memref<128xi32, #tpu.memory_space<vmem>>
    %dma_wait3A_1664 = arith.constant 0 : i32
    %dma_wait3A_1665 = tpu.memref_slice %arg11[%dma_wait3A_1664] : memref<1048592xf32, #tpu.memory_space<vmem_shared>> -> memref<1048592xf32, #tpu.memory_space<vmem_shared>>
    tpu.wait_indirect_dma semaphore(%arg12 : memref<!tpu.dma_semaphore, #tpu.memory_space<semaphore_mem>>) src(%dma_wait3A_1660 : memref<128xf32, #tpu.memory_space<vmem>>) dst(%dma_wait3A_1665 : memref<1048592xf32, #tpu.memory_space<vmem_shared>>)
    %dma_wait3A_1666 = arith.constant 1 : i32
    %dma_wait3A_1667 = arith.constant 9 : i32
    %dma_wait3A_1668 = arith.constant 1152 : i32
    %dma_wait3A_1669 = tpu.memref_slice %arg8[%dma_wait3A_1668] : memref<4096xf32, #tpu.memory_space<vmem>> -> memref<128xf32, #tpu.memory_space<vmem>>
    %dma_wait3A_1670 = arith.constant 0 : i32
    %dma_wait3A_1671 = tpu.memref_slice %arg9[%dma_wait3A_1666, %dma_wait3A_1667, %dma_wait3A_1670] : memref<2x32x128xi32, #tpu.memory_space<vmem>> -> memref<1x1x128xi32, #tpu.memory_space<vmem>>
    %dma_wait3A_1672 = tpu.memref_squeeze %dma_wait3A_1671 : memref<1x1x128xi32, #tpu.memory_space<vmem>> -> memref<128xi32, #tpu.memory_space<vmem>>
    %dma_wait3A_1673 = arith.constant 0 : i32
    %dma_wait3A_1674 = tpu.memref_slice %arg11[%dma_wait3A_1673] : memref<1048592xf32, #tpu.memory_space<vmem_shared>> -> memref<1048592xf32, #tpu.memory_space<vmem_shared>>
    tpu.wait_indirect_dma semaphore(%arg12 : memref<!tpu.dma_semaphore, #tpu.memory_space<semaphore_mem>>) src(%dma_wait3A_1669 : memref<128xf32, #tpu.memory_space<vmem>>) dst(%dma_wait3A_1674 : memref<1048592xf32, #tpu.memory_space<vmem_shared>>)
    %dma_wait3A_1675 = arith.constant 1 : i32
    %dma_wait3A_1676 = arith.constant 10 : i32
    %dma_wait3A_1677 = arith.constant 1280 : i32
    %dma_wait3A_1678 = tpu.memref_slice %arg8[%dma_wait3A_1677] : memref<4096xf32, #tpu.memory_space<vmem>> -> memref<128xf32, #tpu.memory_space<vmem>>
    %dma_wait3A_1679 = arith.constant 0 : i32
    %dma_wait3A_1680 = tpu.memref_slice %arg9[%dma_wait3A_1675, %dma_wait3A_1676, %dma_wait3A_1679] : memref<2x32x128xi32, #tpu.memory_space<vmem>> -> memref<1x1x128xi32, #tpu.memory_space<vmem>>
    %dma_wait3A_1681 = tpu.memref_squeeze %dma_wait3A_1680 : memref<1x1x128xi32, #tpu.memory_space<vmem>> -> memref<128xi32, #tpu.memory_space<vmem>>
    %dma_wait3A_1682 = arith.constant 0 : i32
    %dma_wait3A_1683 = tpu.memref_slice %arg11[%dma_wait3A_1682] : memref<1048592xf32, #tpu.memory_space<vmem_shared>> -> memref<1048592xf32, #tpu.memory_space<vmem_shared>>
    tpu.wait_indirect_dma semaphore(%arg12 : memref<!tpu.dma_semaphore, #tpu.memory_space<semaphore_mem>>) src(%dma_wait3A_1678 : memref<128xf32, #tpu.memory_space<vmem>>) dst(%dma_wait3A_1683 : memref<1048592xf32, #tpu.memory_space<vmem_shared>>)
    %dma_wait3A_1684 = arith.constant 1 : i32
    %dma_wait3A_1685 = arith.constant 11 : i32
    %dma_wait3A_1686 = arith.constant 1408 : i32
    %dma_wait3A_1687 = tpu.memref_slice %arg8[%dma_wait3A_1686] : memref<4096xf32, #tpu.memory_space<vmem>> -> memref<128xf32, #tpu.memory_space<vmem>>
    %dma_wait3A_1688 = arith.constant 0 : i32
    %dma_wait3A_1689 = tpu.memref_slice %arg9[%dma_wait3A_1684, %dma_wait3A_1685, %dma_wait3A_1688] : memref<2x32x128xi32, #tpu.memory_space<vmem>> -> memref<1x1x128xi32, #tpu.memory_space<vmem>>
    %dma_wait3A_1690 = tpu.memref_squeeze %dma_wait3A_1689 : memref<1x1x128xi32, #tpu.memory_space<vmem>> -> memref<128xi32, #tpu.memory_space<vmem>>
    %dma_wait3A_1691 = arith.constant 0 : i32
    %dma_wait3A_1692 = tpu.memref_slice %arg11[%dma_wait3A_1691] : memref<1048592xf32, #tpu.memory_space<vmem_shared>> -> memref<1048592xf32, #tpu.memory_space<vmem_shared>>
    tpu.wait_indirect_dma semaphore(%arg12 : memref<!tpu.dma_semaphore, #tpu.memory_space<semaphore_mem>>) src(%dma_wait3A_1687 : memref<128xf32, #tpu.memory_space<vmem>>) dst(%dma_wait3A_1692 : memref<1048592xf32, #tpu.memory_space<vmem_shared>>)
    %dma_wait3A_1693 = arith.constant 1 : i32
    %dma_wait3A_1694 = arith.constant 12 : i32
    %dma_wait3A_1695 = arith.constant 1536 : i32
    %dma_wait3A_1696 = tpu.memref_slice %arg8[%dma_wait3A_1695] : memref<4096xf32, #tpu.memory_space<vmem>> -> memref<128xf32, #tpu.memory_space<vmem>>
    %dma_wait3A_1697 = arith.constant 0 : i32
    %dma_wait3A_1698 = tpu.memref_slice %arg9[%dma_wait3A_1693, %dma_wait3A_1694, %dma_wait3A_1697] : memref<2x32x128xi32, #tpu.memory_space<vmem>> -> memref<1x1x128xi32, #tpu.memory_space<vmem>>
    %dma_wait3A_1699 = tpu.memref_squeeze %dma_wait3A_1698 : memref<1x1x128xi32, #tpu.memory_space<vmem>> -> memref<128xi32, #tpu.memory_space<vmem>>
    %dma_wait3A_1700 = arith.constant 0 : i32
    %dma_wait3A_1701 = tpu.memref_slice %arg11[%dma_wait3A_1700] : memref<1048592xf32, #tpu.memory_space<vmem_shared>> -> memref<1048592xf32, #tpu.memory_space<vmem_shared>>
    tpu.wait_indirect_dma semaphore(%arg12 : memref<!tpu.dma_semaphore, #tpu.memory_space<semaphore_mem>>) src(%dma_wait3A_1696 : memref<128xf32, #tpu.memory_space<vmem>>) dst(%dma_wait3A_1701 : memref<1048592xf32, #tpu.memory_space<vmem_shared>>)
    %dma_wait3A_1702 = arith.constant 1 : i32
    %dma_wait3A_1703 = arith.constant 13 : i32
    %dma_wait3A_1704 = arith.constant 1664 : i32
    %dma_wait3A_1705 = tpu.memref_slice %arg8[%dma_wait3A_1704] : memref<4096xf32, #tpu.memory_space<vmem>> -> memref<128xf32, #tpu.memory_space<vmem>>
    %dma_wait3A_1706 = arith.constant 0 : i32
    %dma_wait3A_1707 = tpu.memref_slice %arg9[%dma_wait3A_1702, %dma_wait3A_1703, %dma_wait3A_1706] : memref<2x32x128xi32, #tpu.memory_space<vmem>> -> memref<1x1x128xi32, #tpu.memory_space<vmem>>
    %dma_wait3A_1708 = tpu.memref_squeeze %dma_wait3A_1707 : memref<1x1x128xi32, #tpu.memory_space<vmem>> -> memref<128xi32, #tpu.memory_space<vmem>>
    %dma_wait3A_1709 = arith.constant 0 : i32
    %dma_wait3A_1710 = tpu.memref_slice %arg11[%dma_wait3A_1709] : memref<1048592xf32, #tpu.memory_space<vmem_shared>> -> memref<1048592xf32, #tpu.memory_space<vmem_shared>>
    tpu.wait_indirect_dma semaphore(%arg12 : memref<!tpu.dma_semaphore, #tpu.memory_space<semaphore_mem>>) src(%dma_wait3A_1705 : memref<128xf32, #tpu.memory_space<vmem>>) dst(%dma_wait3A_1710 : memref<1048592xf32, #tpu.memory_space<vmem_shared>>)
    %dma_wait3A_1711 = arith.constant 1 : i32
    %dma_wait3A_1712 = arith.constant 14 : i32
    %dma_wait3A_1713 = arith.constant 1792 : i32
    %dma_wait3A_1714 = tpu.memref_slice %arg8[%dma_wait3A_1713] : memref<4096xf32, #tpu.memory_space<vmem>> -> memref<128xf32, #tpu.memory_space<vmem>>
    %dma_wait3A_1715 = arith.constant 0 : i32
    %dma_wait3A_1716 = tpu.memref_slice %arg9[%dma_wait3A_1711, %dma_wait3A_1712, %dma_wait3A_1715] : memref<2x32x128xi32, #tpu.memory_space<vmem>> -> memref<1x1x128xi32, #tpu.memory_space<vmem>>
    %dma_wait3A_1717 = tpu.memref_squeeze %dma_wait3A_1716 : memref<1x1x128xi32, #tpu.memory_space<vmem>> -> memref<128xi32, #tpu.memory_space<vmem>>
    %dma_wait3A_1718 = arith.constant 0 : i32
    %dma_wait3A_1719 = tpu.memref_slice %arg11[%dma_wait3A_1718] : memref<1048592xf32, #tpu.memory_space<vmem_shared>> -> memref<1048592xf32, #tpu.memory_space<vmem_shared>>
    tpu.wait_indirect_dma semaphore(%arg12 : memref<!tpu.dma_semaphore, #tpu.memory_space<semaphore_mem>>) src(%dma_wait3A_1714 : memref<128xf32, #tpu.memory_space<vmem>>) dst(%dma_wait3A_1719 : memref<1048592xf32, #tpu.memory_space<vmem_shared>>)
    %dma_wait3A_1720 = arith.constant 1 : i32
    %dma_wait3A_1721 = arith.constant 15 : i32
    %dma_wait3A_1722 = arith.constant 1920 : i32
    %dma_wait3A_1723 = tpu.memref_slice %arg8[%dma_wait3A_1722] : memref<4096xf32, #tpu.memory_space<vmem>> -> memref<128xf32, #tpu.memory_space<vmem>>
    %dma_wait3A_1724 = arith.constant 0 : i32
    %dma_wait3A_1725 = tpu.memref_slice %arg9[%dma_wait3A_1720, %dma_wait3A_1721, %dma_wait3A_1724] : memref<2x32x128xi32, #tpu.memory_space<vmem>> -> memref<1x1x128xi32, #tpu.memory_space<vmem>>
    %dma_wait3A_1726 = tpu.memref_squeeze %dma_wait3A_1725 : memref<1x1x128xi32, #tpu.memory_space<vmem>> -> memref<128xi32, #tpu.memory_space<vmem>>
    %dma_wait3A_1727 = arith.constant 0 : i32
    %dma_wait3A_1728 = tpu.memref_slice %arg11[%dma_wait3A_1727] : memref<1048592xf32, #tpu.memory_space<vmem_shared>> -> memref<1048592xf32, #tpu.memory_space<vmem_shared>>
    tpu.wait_indirect_dma semaphore(%arg12 : memref<!tpu.dma_semaphore, #tpu.memory_space<semaphore_mem>>) src(%dma_wait3A_1723 : memref<128xf32, #tpu.memory_space<vmem>>) dst(%dma_wait3A_1728 : memref<1048592xf32, #tpu.memory_space<vmem_shared>>)
    %dma_wait3A_1729 = arith.constant 1 : i32
    %dma_wait3A_1730 = arith.constant 16 : i32
    %dma_wait3A_1731 = arith.constant 2048 : i32
    %dma_wait3A_1732 = tpu.memref_slice %arg8[%dma_wait3A_1731] : memref<4096xf32, #tpu.memory_space<vmem>> -> memref<128xf32, #tpu.memory_space<vmem>>
    %dma_wait3A_1733 = arith.constant 0 : i32
    %dma_wait3A_1734 = tpu.memref_slice %arg9[%dma_wait3A_1729, %dma_wait3A_1730, %dma_wait3A_1733] : memref<2x32x128xi32, #tpu.memory_space<vmem>> -> memref<1x1x128xi32, #tpu.memory_space<vmem>>
    %dma_wait3A_1735 = tpu.memref_squeeze %dma_wait3A_1734 : memref<1x1x128xi32, #tpu.memory_space<vmem>> -> memref<128xi32, #tpu.memory_space<vmem>>
    %dma_wait3A_1736 = arith.constant 0 : i32
    %dma_wait3A_1737 = tpu.memref_slice %arg11[%dma_wait3A_1736] : memref<1048592xf32, #tpu.memory_space<vmem_shared>> -> memref<1048592xf32, #tpu.memory_space<vmem_shared>>
    tpu.wait_indirect_dma semaphore(%arg12 : memref<!tpu.dma_semaphore, #tpu.memory_space<semaphore_mem>>) src(%dma_wait3A_1732 : memref<128xf32, #tpu.memory_space<vmem>>) dst(%dma_wait3A_1737 : memref<1048592xf32, #tpu.memory_space<vmem_shared>>)
    %dma_wait3A_1738 = arith.constant 1 : i32
    %dma_wait3A_1739 = arith.constant 17 : i32
    %dma_wait3A_1740 = arith.constant 2176 : i32
    %dma_wait3A_1741 = tpu.memref_slice %arg8[%dma_wait3A_1740] : memref<4096xf32, #tpu.memory_space<vmem>> -> memref<128xf32, #tpu.memory_space<vmem>>
    %dma_wait3A_1742 = arith.constant 0 : i32
    %dma_wait3A_1743 = tpu.memref_slice %arg9[%dma_wait3A_1738, %dma_wait3A_1739, %dma_wait3A_1742] : memref<2x32x128xi32, #tpu.memory_space<vmem>> -> memref<1x1x128xi32, #tpu.memory_space<vmem>>
    %dma_wait3A_1744 = tpu.memref_squeeze %dma_wait3A_1743 : memref<1x1x128xi32, #tpu.memory_space<vmem>> -> memref<128xi32, #tpu.memory_space<vmem>>
    %dma_wait3A_1745 = arith.constant 0 : i32
    %dma_wait3A_1746 = tpu.memref_slice %arg11[%dma_wait3A_1745] : memref<1048592xf32, #tpu.memory_space<vmem_shared>> -> memref<1048592xf32, #tpu.memory_space<vmem_shared>>
    tpu.wait_indirect_dma semaphore(%arg12 : memref<!tpu.dma_semaphore, #tpu.memory_space<semaphore_mem>>) src(%dma_wait3A_1741 : memref<128xf32, #tpu.memory_space<vmem>>) dst(%dma_wait3A_1746 : memref<1048592xf32, #tpu.memory_space<vmem_shared>>)
    %dma_wait3A_1747 = arith.constant 1 : i32
    %dma_wait3A_1748 = arith.constant 18 : i32
    %dma_wait3A_1749 = arith.constant 2304 : i32
    %dma_wait3A_1750 = tpu.memref_slice %arg8[%dma_wait3A_1749] : memref<4096xf32, #tpu.memory_space<vmem>> -> memref<128xf32, #tpu.memory_space<vmem>>
    %dma_wait3A_1751 = arith.constant 0 : i32
    %dma_wait3A_1752 = tpu.memref_slice %arg9[%dma_wait3A_1747, %dma_wait3A_1748, %dma_wait3A_1751] : memref<2x32x128xi32, #tpu.memory_space<vmem>> -> memref<1x1x128xi32, #tpu.memory_space<vmem>>
    %dma_wait3A_1753 = tpu.memref_squeeze %dma_wait3A_1752 : memref<1x1x128xi32, #tpu.memory_space<vmem>> -> memref<128xi32, #tpu.memory_space<vmem>>
    %dma_wait3A_1754 = arith.constant 0 : i32
    %dma_wait3A_1755 = tpu.memref_slice %arg11[%dma_wait3A_1754] : memref<1048592xf32, #tpu.memory_space<vmem_shared>> -> memref<1048592xf32, #tpu.memory_space<vmem_shared>>
    tpu.wait_indirect_dma semaphore(%arg12 : memref<!tpu.dma_semaphore, #tpu.memory_space<semaphore_mem>>) src(%dma_wait3A_1750 : memref<128xf32, #tpu.memory_space<vmem>>) dst(%dma_wait3A_1755 : memref<1048592xf32, #tpu.memory_space<vmem_shared>>)
    %dma_wait3A_1756 = arith.constant 1 : i32
    %dma_wait3A_1757 = arith.constant 19 : i32
    %dma_wait3A_1758 = arith.constant 2432 : i32
    %dma_wait3A_1759 = tpu.memref_slice %arg8[%dma_wait3A_1758] : memref<4096xf32, #tpu.memory_space<vmem>> -> memref<128xf32, #tpu.memory_space<vmem>>
    %dma_wait3A_1760 = arith.constant 0 : i32
    %dma_wait3A_1761 = tpu.memref_slice %arg9[%dma_wait3A_1756, %dma_wait3A_1757, %dma_wait3A_1760] : memref<2x32x128xi32, #tpu.memory_space<vmem>> -> memref<1x1x128xi32, #tpu.memory_space<vmem>>
    %dma_wait3A_1762 = tpu.memref_squeeze %dma_wait3A_1761 : memref<1x1x128xi32, #tpu.memory_space<vmem>> -> memref<128xi32, #tpu.memory_space<vmem>>
    %dma_wait3A_1763 = arith.constant 0 : i32
    %dma_wait3A_1764 = tpu.memref_slice %arg11[%dma_wait3A_1763] : memref<1048592xf32, #tpu.memory_space<vmem_shared>> -> memref<1048592xf32, #tpu.memory_space<vmem_shared>>
    tpu.wait_indirect_dma semaphore(%arg12 : memref<!tpu.dma_semaphore, #tpu.memory_space<semaphore_mem>>) src(%dma_wait3A_1759 : memref<128xf32, #tpu.memory_space<vmem>>) dst(%dma_wait3A_1764 : memref<1048592xf32, #tpu.memory_space<vmem_shared>>)
    %dma_wait3A_1765 = arith.constant 1 : i32
    %dma_wait3A_1766 = arith.constant 20 : i32
    %dma_wait3A_1767 = arith.constant 2560 : i32
    %dma_wait3A_1768 = tpu.memref_slice %arg8[%dma_wait3A_1767] : memref<4096xf32, #tpu.memory_space<vmem>> -> memref<128xf32, #tpu.memory_space<vmem>>
    %dma_wait3A_1769 = arith.constant 0 : i32
    %dma_wait3A_1770 = tpu.memref_slice %arg9[%dma_wait3A_1765, %dma_wait3A_1766, %dma_wait3A_1769] : memref<2x32x128xi32, #tpu.memory_space<vmem>> -> memref<1x1x128xi32, #tpu.memory_space<vmem>>
    %dma_wait3A_1771 = tpu.memref_squeeze %dma_wait3A_1770 : memref<1x1x128xi32, #tpu.memory_space<vmem>> -> memref<128xi32, #tpu.memory_space<vmem>>
    %dma_wait3A_1772 = arith.constant 0 : i32
    %dma_wait3A_1773 = tpu.memref_slice %arg11[%dma_wait3A_1772] : memref<1048592xf32, #tpu.memory_space<vmem_shared>> -> memref<1048592xf32, #tpu.memory_space<vmem_shared>>
    tpu.wait_indirect_dma semaphore(%arg12 : memref<!tpu.dma_semaphore, #tpu.memory_space<semaphore_mem>>) src(%dma_wait3A_1768 : memref<128xf32, #tpu.memory_space<vmem>>) dst(%dma_wait3A_1773 : memref<1048592xf32, #tpu.memory_space<vmem_shared>>)
    %dma_wait3A_1774 = arith.constant 1 : i32
    %dma_wait3A_1775 = arith.constant 21 : i32
    %dma_wait3A_1776 = arith.constant 2688 : i32
    %dma_wait3A_1777 = tpu.memref_slice %arg8[%dma_wait3A_1776] : memref<4096xf32, #tpu.memory_space<vmem>> -> memref<128xf32, #tpu.memory_space<vmem>>
    %dma_wait3A_1778 = arith.constant 0 : i32
    %dma_wait3A_1779 = tpu.memref_slice %arg9[%dma_wait3A_1774, %dma_wait3A_1775, %dma_wait3A_1778] : memref<2x32x128xi32, #tpu.memory_space<vmem>> -> memref<1x1x128xi32, #tpu.memory_space<vmem>>
    %dma_wait3A_1780 = tpu.memref_squeeze %dma_wait3A_1779 : memref<1x1x128xi32, #tpu.memory_space<vmem>> -> memref<128xi32, #tpu.memory_space<vmem>>
    %dma_wait3A_1781 = arith.constant 0 : i32
    %dma_wait3A_1782 = tpu.memref_slice %arg11[%dma_wait3A_1781] : memref<1048592xf32, #tpu.memory_space<vmem_shared>> -> memref<1048592xf32, #tpu.memory_space<vmem_shared>>
    tpu.wait_indirect_dma semaphore(%arg12 : memref<!tpu.dma_semaphore, #tpu.memory_space<semaphore_mem>>) src(%dma_wait3A_1777 : memref<128xf32, #tpu.memory_space<vmem>>) dst(%dma_wait3A_1782 : memref<1048592xf32, #tpu.memory_space<vmem_shared>>)
    %dma_wait3A_1783 = arith.constant 1 : i32
    %dma_wait3A_1784 = arith.constant 22 : i32
    %dma_wait3A_1785 = arith.constant 2816 : i32
    %dma_wait3A_1786 = tpu.memref_slice %arg8[%dma_wait3A_1785] : memref<4096xf32, #tpu.memory_space<vmem>> -> memref<128xf32, #tpu.memory_space<vmem>>
    %dma_wait3A_1787 = arith.constant 0 : i32
    %dma_wait3A_1788 = tpu.memref_slice %arg9[%dma_wait3A_1783, %dma_wait3A_1784, %dma_wait3A_1787] : memref<2x32x128xi32, #tpu.memory_space<vmem>> -> memref<1x1x128xi32, #tpu.memory_space<vmem>>
    %dma_wait3A_1789 = tpu.memref_squeeze %dma_wait3A_1788 : memref<1x1x128xi32, #tpu.memory_space<vmem>> -> memref<128xi32, #tpu.memory_space<vmem>>
    %dma_wait3A_1790 = arith.constant 0 : i32
    %dma_wait3A_1791 = tpu.memref_slice %arg11[%dma_wait3A_1790] : memref<1048592xf32, #tpu.memory_space<vmem_shared>> -> memref<1048592xf32, #tpu.memory_space<vmem_shared>>
    tpu.wait_indirect_dma semaphore(%arg12 : memref<!tpu.dma_semaphore, #tpu.memory_space<semaphore_mem>>) src(%dma_wait3A_1786 : memref<128xf32, #tpu.memory_space<vmem>>) dst(%dma_wait3A_1791 : memref<1048592xf32, #tpu.memory_space<vmem_shared>>)
    %dma_wait3A_1792 = arith.constant 1 : i32
    %dma_wait3A_1793 = arith.constant 23 : i32
    %dma_wait3A_1794 = arith.constant 2944 : i32
    %dma_wait3A_1795 = tpu.memref_slice %arg8[%dma_wait3A_1794] : memref<4096xf32, #tpu.memory_space<vmem>> -> memref<128xf32, #tpu.memory_space<vmem>>
    %dma_wait3A_1796 = arith.constant 0 : i32
    %dma_wait3A_1797 = tpu.memref_slice %arg9[%dma_wait3A_1792, %dma_wait3A_1793, %dma_wait3A_1796] : memref<2x32x128xi32, #tpu.memory_space<vmem>> -> memref<1x1x128xi32, #tpu.memory_space<vmem>>
    %dma_wait3A_1798 = tpu.memref_squeeze %dma_wait3A_1797 : memref<1x1x128xi32, #tpu.memory_space<vmem>> -> memref<128xi32, #tpu.memory_space<vmem>>
    %dma_wait3A_1799 = arith.constant 0 : i32
    %dma_wait3A_1800 = tpu.memref_slice %arg11[%dma_wait3A_1799] : memref<1048592xf32, #tpu.memory_space<vmem_shared>> -> memref<1048592xf32, #tpu.memory_space<vmem_shared>>
    tpu.wait_indirect_dma semaphore(%arg12 : memref<!tpu.dma_semaphore, #tpu.memory_space<semaphore_mem>>) src(%dma_wait3A_1795 : memref<128xf32, #tpu.memory_space<vmem>>) dst(%dma_wait3A_1800 : memref<1048592xf32, #tpu.memory_space<vmem_shared>>)
    %dma_wait3A_1801 = arith.constant 1 : i32
    %dma_wait3A_1802 = arith.constant 24 : i32
    %dma_wait3A_1803 = arith.constant 3072 : i32
    %dma_wait3A_1804 = tpu.memref_slice %arg8[%dma_wait3A_1803] : memref<4096xf32, #tpu.memory_space<vmem>> -> memref<128xf32, #tpu.memory_space<vmem>>
    %dma_wait3A_1805 = arith.constant 0 : i32
    %dma_wait3A_1806 = tpu.memref_slice %arg9[%dma_wait3A_1801, %dma_wait3A_1802, %dma_wait3A_1805] : memref<2x32x128xi32, #tpu.memory_space<vmem>> -> memref<1x1x128xi32, #tpu.memory_space<vmem>>
    %dma_wait3A_1807 = tpu.memref_squeeze %dma_wait3A_1806 : memref<1x1x128xi32, #tpu.memory_space<vmem>> -> memref<128xi32, #tpu.memory_space<vmem>>
    %dma_wait3A_1808 = arith.constant 0 : i32
    %dma_wait3A_1809 = tpu.memref_slice %arg11[%dma_wait3A_1808] : memref<1048592xf32, #tpu.memory_space<vmem_shared>> -> memref<1048592xf32, #tpu.memory_space<vmem_shared>>
    tpu.wait_indirect_dma semaphore(%arg12 : memref<!tpu.dma_semaphore, #tpu.memory_space<semaphore_mem>>) src(%dma_wait3A_1804 : memref<128xf32, #tpu.memory_space<vmem>>) dst(%dma_wait3A_1809 : memref<1048592xf32, #tpu.memory_space<vmem_shared>>)
    %dma_wait3A_1810 = arith.constant 1 : i32
    %dma_wait3A_1811 = arith.constant 25 : i32
    %dma_wait3A_1812 = arith.constant 3200 : i32
    %dma_wait3A_1813 = tpu.memref_slice %arg8[%dma_wait3A_1812] : memref<4096xf32, #tpu.memory_space<vmem>> -> memref<128xf32, #tpu.memory_space<vmem>>
    %dma_wait3A_1814 = arith.constant 0 : i32
    %dma_wait3A_1815 = tpu.memref_slice %arg9[%dma_wait3A_1810, %dma_wait3A_1811, %dma_wait3A_1814] : memref<2x32x128xi32, #tpu.memory_space<vmem>> -> memref<1x1x128xi32, #tpu.memory_space<vmem>>
    %dma_wait3A_1816 = tpu.memref_squeeze %dma_wait3A_1815 : memref<1x1x128xi32, #tpu.memory_space<vmem>> -> memref<128xi32, #tpu.memory_space<vmem>>
    %dma_wait3A_1817 = arith.constant 0 : i32
    %dma_wait3A_1818 = tpu.memref_slice %arg11[%dma_wait3A_1817] : memref<1048592xf32, #tpu.memory_space<vmem_shared>> -> memref<1048592xf32, #tpu.memory_space<vmem_shared>>
    tpu.wait_indirect_dma semaphore(%arg12 : memref<!tpu.dma_semaphore, #tpu.memory_space<semaphore_mem>>) src(%dma_wait3A_1813 : memref<128xf32, #tpu.memory_space<vmem>>) dst(%dma_wait3A_1818 : memref<1048592xf32, #tpu.memory_space<vmem_shared>>)
    %dma_wait3A_1819 = arith.constant 1 : i32
    %dma_wait3A_1820 = arith.constant 26 : i32
    %dma_wait3A_1821 = arith.constant 3328 : i32
    %dma_wait3A_1822 = tpu.memref_slice %arg8[%dma_wait3A_1821] : memref<4096xf32, #tpu.memory_space<vmem>> -> memref<128xf32, #tpu.memory_space<vmem>>
    %dma_wait3A_1823 = arith.constant 0 : i32
    %dma_wait3A_1824 = tpu.memref_slice %arg9[%dma_wait3A_1819, %dma_wait3A_1820, %dma_wait3A_1823] : memref<2x32x128xi32, #tpu.memory_space<vmem>> -> memref<1x1x128xi32, #tpu.memory_space<vmem>>
    %dma_wait3A_1825 = tpu.memref_squeeze %dma_wait3A_1824 : memref<1x1x128xi32, #tpu.memory_space<vmem>> -> memref<128xi32, #tpu.memory_space<vmem>>
    %dma_wait3A_1826 = arith.constant 0 : i32
    %dma_wait3A_1827 = tpu.memref_slice %arg11[%dma_wait3A_1826] : memref<1048592xf32, #tpu.memory_space<vmem_shared>> -> memref<1048592xf32, #tpu.memory_space<vmem_shared>>
    tpu.wait_indirect_dma semaphore(%arg12 : memref<!tpu.dma_semaphore, #tpu.memory_space<semaphore_mem>>) src(%dma_wait3A_1822 : memref<128xf32, #tpu.memory_space<vmem>>) dst(%dma_wait3A_1827 : memref<1048592xf32, #tpu.memory_space<vmem_shared>>)
    %dma_wait3A_1828 = arith.constant 1 : i32
    %dma_wait3A_1829 = arith.constant 27 : i32
    %dma_wait3A_1830 = arith.constant 3456 : i32
    %dma_wait3A_1831 = tpu.memref_slice %arg8[%dma_wait3A_1830] : memref<4096xf32, #tpu.memory_space<vmem>> -> memref<128xf32, #tpu.memory_space<vmem>>
    %dma_wait3A_1832 = arith.constant 0 : i32
    %dma_wait3A_1833 = tpu.memref_slice %arg9[%dma_wait3A_1828, %dma_wait3A_1829, %dma_wait3A_1832] : memref<2x32x128xi32, #tpu.memory_space<vmem>> -> memref<1x1x128xi32, #tpu.memory_space<vmem>>
    %dma_wait3A_1834 = tpu.memref_squeeze %dma_wait3A_1833 : memref<1x1x128xi32, #tpu.memory_space<vmem>> -> memref<128xi32, #tpu.memory_space<vmem>>
    %dma_wait3A_1835 = arith.constant 0 : i32
    %dma_wait3A_1836 = tpu.memref_slice %arg11[%dma_wait3A_1835] : memref<1048592xf32, #tpu.memory_space<vmem_shared>> -> memref<1048592xf32, #tpu.memory_space<vmem_shared>>
    tpu.wait_indirect_dma semaphore(%arg12 : memref<!tpu.dma_semaphore, #tpu.memory_space<semaphore_mem>>) src(%dma_wait3A_1831 : memref<128xf32, #tpu.memory_space<vmem>>) dst(%dma_wait3A_1836 : memref<1048592xf32, #tpu.memory_space<vmem_shared>>)
    %dma_wait3A_1837 = arith.constant 1 : i32
    %dma_wait3A_1838 = arith.constant 28 : i32
    %dma_wait3A_1839 = arith.constant 3584 : i32
    %dma_wait3A_1840 = tpu.memref_slice %arg8[%dma_wait3A_1839] : memref<4096xf32, #tpu.memory_space<vmem>> -> memref<128xf32, #tpu.memory_space<vmem>>
    %dma_wait3A_1841 = arith.constant 0 : i32
    %dma_wait3A_1842 = tpu.memref_slice %arg9[%dma_wait3A_1837, %dma_wait3A_1838, %dma_wait3A_1841] : memref<2x32x128xi32, #tpu.memory_space<vmem>> -> memref<1x1x128xi32, #tpu.memory_space<vmem>>
    %dma_wait3A_1843 = tpu.memref_squeeze %dma_wait3A_1842 : memref<1x1x128xi32, #tpu.memory_space<vmem>> -> memref<128xi32, #tpu.memory_space<vmem>>
    %dma_wait3A_1844 = arith.constant 0 : i32
    %dma_wait3A_1845 = tpu.memref_slice %arg11[%dma_wait3A_1844] : memref<1048592xf32, #tpu.memory_space<vmem_shared>> -> memref<1048592xf32, #tpu.memory_space<vmem_shared>>
    tpu.wait_indirect_dma semaphore(%arg12 : memref<!tpu.dma_semaphore, #tpu.memory_space<semaphore_mem>>) src(%dma_wait3A_1840 : memref<128xf32, #tpu.memory_space<vmem>>) dst(%dma_wait3A_1845 : memref<1048592xf32, #tpu.memory_space<vmem_shared>>)
    %dma_wait3A_1846 = arith.constant 1 : i32
    %dma_wait3A_1847 = arith.constant 29 : i32
    %dma_wait3A_1848 = arith.constant 3712 : i32
    %dma_wait3A_1849 = tpu.memref_slice %arg8[%dma_wait3A_1848] : memref<4096xf32, #tpu.memory_space<vmem>> -> memref<128xf32, #tpu.memory_space<vmem>>
    %dma_wait3A_1850 = arith.constant 0 : i32
    %dma_wait3A_1851 = tpu.memref_slice %arg9[%dma_wait3A_1846, %dma_wait3A_1847, %dma_wait3A_1850] : memref<2x32x128xi32, #tpu.memory_space<vmem>> -> memref<1x1x128xi32, #tpu.memory_space<vmem>>
    %dma_wait3A_1852 = tpu.memref_squeeze %dma_wait3A_1851 : memref<1x1x128xi32, #tpu.memory_space<vmem>> -> memref<128xi32, #tpu.memory_space<vmem>>
    %dma_wait3A_1853 = arith.constant 0 : i32
    %dma_wait3A_1854 = tpu.memref_slice %arg11[%dma_wait3A_1853] : memref<1048592xf32, #tpu.memory_space<vmem_shared>> -> memref<1048592xf32, #tpu.memory_space<vmem_shared>>
    tpu.wait_indirect_dma semaphore(%arg12 : memref<!tpu.dma_semaphore, #tpu.memory_space<semaphore_mem>>) src(%dma_wait3A_1849 : memref<128xf32, #tpu.memory_space<vmem>>) dst(%dma_wait3A_1854 : memref<1048592xf32, #tpu.memory_space<vmem_shared>>)
    %dma_wait3A_1855 = arith.constant 1 : i32
    %dma_wait3A_1856 = arith.constant 30 : i32
    %dma_wait3A_1857 = arith.constant 3840 : i32
    %dma_wait3A_1858 = tpu.memref_slice %arg8[%dma_wait3A_1857] : memref<4096xf32, #tpu.memory_space<vmem>> -> memref<128xf32, #tpu.memory_space<vmem>>
    %dma_wait3A_1859 = arith.constant 0 : i32
    %dma_wait3A_1860 = tpu.memref_slice %arg9[%dma_wait3A_1855, %dma_wait3A_1856, %dma_wait3A_1859] : memref<2x32x128xi32, #tpu.memory_space<vmem>> -> memref<1x1x128xi32, #tpu.memory_space<vmem>>
    %dma_wait3A_1861 = tpu.memref_squeeze %dma_wait3A_1860 : memref<1x1x128xi32, #tpu.memory_space<vmem>> -> memref<128xi32, #tpu.memory_space<vmem>>
    %dma_wait3A_1862 = arith.constant 0 : i32
    %dma_wait3A_1863 = tpu.memref_slice %arg11[%dma_wait3A_1862] : memref<1048592xf32, #tpu.memory_space<vmem_shared>> -> memref<1048592xf32, #tpu.memory_space<vmem_shared>>
    tpu.wait_indirect_dma semaphore(%arg12 : memref<!tpu.dma_semaphore, #tpu.memory_space<semaphore_mem>>) src(%dma_wait3A_1858 : memref<128xf32, #tpu.memory_space<vmem>>) dst(%dma_wait3A_1863 : memref<1048592xf32, #tpu.memory_space<vmem_shared>>)
    %dma_wait3A_1864 = arith.constant 1 : i32
    %dma_wait3A_1865 = arith.constant 31 : i32
    %dma_wait3A_1866 = arith.constant 3968 : i32
    %dma_wait3A_1867 = tpu.memref_slice %arg8[%dma_wait3A_1866] : memref<4096xf32, #tpu.memory_space<vmem>> -> memref<128xf32, #tpu.memory_space<vmem>>
    %dma_wait3A_1868 = arith.constant 0 : i32
    %dma_wait3A_1869 = tpu.memref_slice %arg9[%dma_wait3A_1864, %dma_wait3A_1865, %dma_wait3A_1868] : memref<2x32x128xi32, #tpu.memory_space<vmem>> -> memref<1x1x128xi32, #tpu.memory_space<vmem>>
    %dma_wait3A_1870 = tpu.memref_squeeze %dma_wait3A_1869 : memref<1x1x128xi32, #tpu.memory_space<vmem>> -> memref<128xi32, #tpu.memory_space<vmem>>
    %dma_wait3A_1871 = arith.constant 0 : i32
    %dma_wait3A_1872 = tpu.memref_slice %arg11[%dma_wait3A_1871] : memref<1048592xf32, #tpu.memory_space<vmem_shared>> -> memref<1048592xf32, #tpu.memory_space<vmem_shared>>
    tpu.wait_indirect_dma semaphore(%arg12 : memref<!tpu.dma_semaphore, #tpu.memory_space<semaphore_mem>>) src(%dma_wait3A_1867 : memref<128xf32, #tpu.memory_space<vmem>>) dst(%dma_wait3A_1872 : memref<1048592xf32, #tpu.memory_space<vmem_shared>>)
    %barrier3A_1873 = arith.constant 0 : index
    tpu.barrier barrier_id(%barrier3A_1873)
    %mul3A_1874 = arith.constant 65536 : i32
    %mul3A_1875 = arith.muli %arg1, %mul3A_1874 : i32
    %add3A_1876 = arith.constant 0 : i32
    %add3A_1877 = arith.addi %mul3A_1875, %add3A_1876 : i32
    %mul3A_1878 = arith.constant 512 : i32
    %mul3A_1879 = arith.muli %add3A_1287, %mul3A_1878 : i32
    %mul3A_1880 = arith.constant 32 : i32
    %mul3A_1881 = arith.muli %arg1, %mul3A_1880 : i32
    %add3A_1882 = arith.addi %mul3A_1879, %mul3A_1881 : i32
    %add3A_1883 = arith.constant 0 : i32
    %add3A_1884 = arith.addi %add3A_1882, %add3A_1883 : i32
    %dma_start3A_1885 = arith.constant 0 : i32
    %dma_start3A_1886 = tpu.memref_slice %arg5[%add3A_1884, %dma_start3A_1885] : memref<2048x2048xf32, #tpu.memory_space<hbm>> -> memref<1x2048xf32, #tpu.memory_space<hbm>>
    %dma_start3A_1887 = tpu.memref_squeeze %dma_start3A_1886 : memref<1x2048xf32, #tpu.memory_space<hbm>> -> memref<2048xf32, #tpu.memory_space<hbm>>
    %dma_start3A_1888 = tpu.memref_slice %arg11[%add3A_1877] : memref<1048592xf32, #tpu.memory_space<vmem_shared>> -> memref<2048xf32, #tpu.memory_space<vmem_shared>>
    tpu.enqueue_dma source(%dma_start3A_1888 : memref<2048xf32, #tpu.memory_space<vmem_shared>>) target(%dma_start3A_1887 : memref<2048xf32, #tpu.memory_space<hbm>>) target_semaphore(%arg12 : memref<!tpu.dma_semaphore, #tpu.memory_space<semaphore_mem>>)
    %mul3A_1889 = arith.constant 65536 : i32
    %mul3A_1890 = arith.muli %arg1, %mul3A_1889 : i32
    %add3A_1891 = arith.constant 2048 : i32
    %add3A_1892 = arith.addi %mul3A_1890, %add3A_1891 : i32
    %mul3A_1893 = arith.constant 512 : i32
    %mul3A_1894 = arith.muli %add3A_1287, %mul3A_1893 : i32
    %mul3A_1895 = arith.constant 32 : i32
    %mul3A_1896 = arith.muli %arg1, %mul3A_1895 : i32
    %add3A_1897 = arith.addi %mul3A_1894, %mul3A_1896 : i32
    %add3A_1898 = arith.constant 1 : i32
    %add3A_1899 = arith.addi %add3A_1897, %add3A_1898 : i32
    %dma_start3A_1900 = arith.constant 0 : i32
    %dma_start3A_1901 = tpu.memref_slice %arg5[%add3A_1899, %dma_start3A_1900] : memref<2048x2048xf32, #tpu.memory_space<hbm>> -> memref<1x2048xf32, #tpu.memory_space<hbm>>
    %dma_start3A_1902 = tpu.memref_squeeze %dma_start3A_1901 : memref<1x2048xf32, #tpu.memory_space<hbm>> -> memref<2048xf32, #tpu.memory_space<hbm>>
    %dma_start3A_1903 = tpu.memref_slice %arg11[%add3A_1892] : memref<1048592xf32, #tpu.memory_space<vmem_shared>> -> memref<2048xf32, #tpu.memory_space<vmem_shared>>
    tpu.enqueue_dma source(%dma_start3A_1903 : memref<2048xf32, #tpu.memory_space<vmem_shared>>) target(%dma_start3A_1902 : memref<2048xf32, #tpu.memory_space<hbm>>) target_semaphore(%arg12 : memref<!tpu.dma_semaphore, #tpu.memory_space<semaphore_mem>>)
    %mul3A_1904 = arith.constant 65536 : i32
    %mul3A_1905 = arith.muli %arg1, %mul3A_1904 : i32
    %add3A_1906 = arith.constant 4096 : i32
    %add3A_1907 = arith.addi %mul3A_1905, %add3A_1906 : i32
    %mul3A_1908 = arith.constant 512 : i32
    %mul3A_1909 = arith.muli %add3A_1287, %mul3A_1908 : i32
    %mul3A_1910 = arith.constant 32 : i32
    %mul3A_1911 = arith.muli %arg1, %mul3A_1910 : i32
    %add3A_1912 = arith.addi %mul3A_1909, %mul3A_1911 : i32
    %add3A_1913 = arith.constant 2 : i32
    %add3A_1914 = arith.addi %add3A_1912, %add3A_1913 : i32
    %dma_start3A_1915 = arith.constant 0 : i32
    %dma_start3A_1916 = tpu.memref_slice %arg5[%add3A_1914, %dma_start3A_1915] : memref<2048x2048xf32, #tpu.memory_space<hbm>> -> memref<1x2048xf32, #tpu.memory_space<hbm>>
    %dma_start3A_1917 = tpu.memref_squeeze %dma_start3A_1916 : memref<1x2048xf32, #tpu.memory_space<hbm>> -> memref<2048xf32, #tpu.memory_space<hbm>>
    %dma_start3A_1918 = tpu.memref_slice %arg11[%add3A_1907] : memref<1048592xf32, #tpu.memory_space<vmem_shared>> -> memref<2048xf32, #tpu.memory_space<vmem_shared>>
    tpu.enqueue_dma source(%dma_start3A_1918 : memref<2048xf32, #tpu.memory_space<vmem_shared>>) target(%dma_start3A_1917 : memref<2048xf32, #tpu.memory_space<hbm>>) target_semaphore(%arg12 : memref<!tpu.dma_semaphore, #tpu.memory_space<semaphore_mem>>)
    %mul3A_1919 = arith.constant 65536 : i32
    %mul3A_1920 = arith.muli %arg1, %mul3A_1919 : i32
    %add3A_1921 = arith.constant 6144 : i32
    %add3A_1922 = arith.addi %mul3A_1920, %add3A_1921 : i32
    %mul3A_1923 = arith.constant 512 : i32
    %mul3A_1924 = arith.muli %add3A_1287, %mul3A_1923 : i32
    %mul3A_1925 = arith.constant 32 : i32
    %mul3A_1926 = arith.muli %arg1, %mul3A_1925 : i32
    %add3A_1927 = arith.addi %mul3A_1924, %mul3A_1926 : i32
    %add3A_1928 = arith.constant 3 : i32
    %add3A_1929 = arith.addi %add3A_1927, %add3A_1928 : i32
    %dma_start3A_1930 = arith.constant 0 : i32
    %dma_start3A_1931 = tpu.memref_slice %arg5[%add3A_1929, %dma_start3A_1930] : memref<2048x2048xf32, #tpu.memory_space<hbm>> -> memref<1x2048xf32, #tpu.memory_space<hbm>>
    %dma_start3A_1932 = tpu.memref_squeeze %dma_start3A_1931 : memref<1x2048xf32, #tpu.memory_space<hbm>> -> memref<2048xf32, #tpu.memory_space<hbm>>
    %dma_start3A_1933 = tpu.memref_slice %arg11[%add3A_1922] : memref<1048592xf32, #tpu.memory_space<vmem_shared>> -> memref<2048xf32, #tpu.memory_space<vmem_shared>>
    tpu.enqueue_dma source(%dma_start3A_1933 : memref<2048xf32, #tpu.memory_space<vmem_shared>>) target(%dma_start3A_1932 : memref<2048xf32, #tpu.memory_space<hbm>>) target_semaphore(%arg12 : memref<!tpu.dma_semaphore, #tpu.memory_space<semaphore_mem>>)
    %mul3A_1934 = arith.constant 65536 : i32
    %mul3A_1935 = arith.muli %arg1, %mul3A_1934 : i32
    %add3A_1936 = arith.constant 8192 : i32
    %add3A_1937 = arith.addi %mul3A_1935, %add3A_1936 : i32
    %mul3A_1938 = arith.constant 512 : i32
    %mul3A_1939 = arith.muli %add3A_1287, %mul3A_1938 : i32
    %mul3A_1940 = arith.constant 32 : i32
    %mul3A_1941 = arith.muli %arg1, %mul3A_1940 : i32
    %add3A_1942 = arith.addi %mul3A_1939, %mul3A_1941 : i32
    %add3A_1943 = arith.constant 4 : i32
    %add3A_1944 = arith.addi %add3A_1942, %add3A_1943 : i32
    %dma_start3A_1945 = arith.constant 0 : i32
    %dma_start3A_1946 = tpu.memref_slice %arg5[%add3A_1944, %dma_start3A_1945] : memref<2048x2048xf32, #tpu.memory_space<hbm>> -> memref<1x2048xf32, #tpu.memory_space<hbm>>
    %dma_start3A_1947 = tpu.memref_squeeze %dma_start3A_1946 : memref<1x2048xf32, #tpu.memory_space<hbm>> -> memref<2048xf32, #tpu.memory_space<hbm>>
    %dma_start3A_1948 = tpu.memref_slice %arg11[%add3A_1937] : memref<1048592xf32, #tpu.memory_space<vmem_shared>> -> memref<2048xf32, #tpu.memory_space<vmem_shared>>
    tpu.enqueue_dma source(%dma_start3A_1948 : memref<2048xf32, #tpu.memory_space<vmem_shared>>) target(%dma_start3A_1947 : memref<2048xf32, #tpu.memory_space<hbm>>) target_semaphore(%arg12 : memref<!tpu.dma_semaphore, #tpu.memory_space<semaphore_mem>>)
    %mul3A_1949 = arith.constant 65536 : i32
    %mul3A_1950 = arith.muli %arg1, %mul3A_1949 : i32
    %add3A_1951 = arith.constant 10240 : i32
    %add3A_1952 = arith.addi %mul3A_1950, %add3A_1951 : i32
    %mul3A_1953 = arith.constant 512 : i32
    %mul3A_1954 = arith.muli %add3A_1287, %mul3A_1953 : i32
    %mul3A_1955 = arith.constant 32 : i32
    %mul3A_1956 = arith.muli %arg1, %mul3A_1955 : i32
    %add3A_1957 = arith.addi %mul3A_1954, %mul3A_1956 : i32
    %add3A_1958 = arith.constant 5 : i32
    %add3A_1959 = arith.addi %add3A_1957, %add3A_1958 : i32
    %dma_start3A_1960 = arith.constant 0 : i32
    %dma_start3A_1961 = tpu.memref_slice %arg5[%add3A_1959, %dma_start3A_1960] : memref<2048x2048xf32, #tpu.memory_space<hbm>> -> memref<1x2048xf32, #tpu.memory_space<hbm>>
    %dma_start3A_1962 = tpu.memref_squeeze %dma_start3A_1961 : memref<1x2048xf32, #tpu.memory_space<hbm>> -> memref<2048xf32, #tpu.memory_space<hbm>>
    %dma_start3A_1963 = tpu.memref_slice %arg11[%add3A_1952] : memref<1048592xf32, #tpu.memory_space<vmem_shared>> -> memref<2048xf32, #tpu.memory_space<vmem_shared>>
    tpu.enqueue_dma source(%dma_start3A_1963 : memref<2048xf32, #tpu.memory_space<vmem_shared>>) target(%dma_start3A_1962 : memref<2048xf32, #tpu.memory_space<hbm>>) target_semaphore(%arg12 : memref<!tpu.dma_semaphore, #tpu.memory_space<semaphore_mem>>)
    %mul3A_1964 = arith.constant 65536 : i32
    %mul3A_1965 = arith.muli %arg1, %mul3A_1964 : i32
    %add3A_1966 = arith.constant 12288 : i32
    %add3A_1967 = arith.addi %mul3A_1965, %add3A_1966 : i32
    %mul3A_1968 = arith.constant 512 : i32
    %mul3A_1969 = arith.muli %add3A_1287, %mul3A_1968 : i32
    %mul3A_1970 = arith.constant 32 : i32
    %mul3A_1971 = arith.muli %arg1, %mul3A_1970 : i32
    %add3A_1972 = arith.addi %mul3A_1969, %mul3A_1971 : i32
    %add3A_1973 = arith.constant 6 : i32
    %add3A_1974 = arith.addi %add3A_1972, %add3A_1973 : i32
    %dma_start3A_1975 = arith.constant 0 : i32
    %dma_start3A_1976 = tpu.memref_slice %arg5[%add3A_1974, %dma_start3A_1975] : memref<2048x2048xf32, #tpu.memory_space<hbm>> -> memref<1x2048xf32, #tpu.memory_space<hbm>>
    %dma_start3A_1977 = tpu.memref_squeeze %dma_start3A_1976 : memref<1x2048xf32, #tpu.memory_space<hbm>> -> memref<2048xf32, #tpu.memory_space<hbm>>
    %dma_start3A_1978 = tpu.memref_slice %arg11[%add3A_1967] : memref<1048592xf32, #tpu.memory_space<vmem_shared>> -> memref<2048xf32, #tpu.memory_space<vmem_shared>>
    tpu.enqueue_dma source(%dma_start3A_1978 : memref<2048xf32, #tpu.memory_space<vmem_shared>>) target(%dma_start3A_1977 : memref<2048xf32, #tpu.memory_space<hbm>>) target_semaphore(%arg12 : memref<!tpu.dma_semaphore, #tpu.memory_space<semaphore_mem>>)
    %mul3A_1979 = arith.constant 65536 : i32
    %mul3A_1980 = arith.muli %arg1, %mul3A_1979 : i32
    %add3A_1981 = arith.constant 14336 : i32
    %add3A_1982 = arith.addi %mul3A_1980, %add3A_1981 : i32
    %mul3A_1983 = arith.constant 512 : i32
    %mul3A_1984 = arith.muli %add3A_1287, %mul3A_1983 : i32
    %mul3A_1985 = arith.constant 32 : i32
    %mul3A_1986 = arith.muli %arg1, %mul3A_1985 : i32
    %add3A_1987 = arith.addi %mul3A_1984, %mul3A_1986 : i32
    %add3A_1988 = arith.constant 7 : i32
    %add3A_1989 = arith.addi %add3A_1987, %add3A_1988 : i32
    %dma_start3A_1990 = arith.constant 0 : i32
    %dma_start3A_1991 = tpu.memref_slice %arg5[%add3A_1989, %dma_start3A_1990] : memref<2048x2048xf32, #tpu.memory_space<hbm>> -> memref<1x2048xf32, #tpu.memory_space<hbm>>
    %dma_start3A_1992 = tpu.memref_squeeze %dma_start3A_1991 : memref<1x2048xf32, #tpu.memory_space<hbm>> -> memref<2048xf32, #tpu.memory_space<hbm>>
    %dma_start3A_1993 = tpu.memref_slice %arg11[%add3A_1982] : memref<1048592xf32, #tpu.memory_space<vmem_shared>> -> memref<2048xf32, #tpu.memory_space<vmem_shared>>
    tpu.enqueue_dma source(%dma_start3A_1993 : memref<2048xf32, #tpu.memory_space<vmem_shared>>) target(%dma_start3A_1992 : memref<2048xf32, #tpu.memory_space<hbm>>) target_semaphore(%arg12 : memref<!tpu.dma_semaphore, #tpu.memory_space<semaphore_mem>>)
    %mul3A_1994 = arith.constant 65536 : i32
    %mul3A_1995 = arith.muli %arg1, %mul3A_1994 : i32
    %add3A_1996 = arith.constant 16384 : i32
    %add3A_1997 = arith.addi %mul3A_1995, %add3A_1996 : i32
    %mul3A_1998 = arith.constant 512 : i32
    %mul3A_1999 = arith.muli %add3A_1287, %mul3A_1998 : i32
    %mul3A_2000 = arith.constant 32 : i32
    %mul3A_2001 = arith.muli %arg1, %mul3A_2000 : i32
    %add3A_2002 = arith.addi %mul3A_1999, %mul3A_2001 : i32
    %add3A_2003 = arith.constant 8 : i32
    %add3A_2004 = arith.addi %add3A_2002, %add3A_2003 : i32
    %dma_start3A_2005 = arith.constant 0 : i32
    %dma_start3A_2006 = tpu.memref_slice %arg5[%add3A_2004, %dma_start3A_2005] : memref<2048x2048xf32, #tpu.memory_space<hbm>> -> memref<1x2048xf32, #tpu.memory_space<hbm>>
    %dma_start3A_2007 = tpu.memref_squeeze %dma_start3A_2006 : memref<1x2048xf32, #tpu.memory_space<hbm>> -> memref<2048xf32, #tpu.memory_space<hbm>>
    %dma_start3A_2008 = tpu.memref_slice %arg11[%add3A_1997] : memref<1048592xf32, #tpu.memory_space<vmem_shared>> -> memref<2048xf32, #tpu.memory_space<vmem_shared>>
    tpu.enqueue_dma source(%dma_start3A_2008 : memref<2048xf32, #tpu.memory_space<vmem_shared>>) target(%dma_start3A_2007 : memref<2048xf32, #tpu.memory_space<hbm>>) target_semaphore(%arg12 : memref<!tpu.dma_semaphore, #tpu.memory_space<semaphore_mem>>)
    %mul3A_2009 = arith.constant 65536 : i32
    %mul3A_2010 = arith.muli %arg1, %mul3A_2009 : i32
    %add3A_2011 = arith.constant 18432 : i32
    %add3A_2012 = arith.addi %mul3A_2010, %add3A_2011 : i32
    %mul3A_2013 = arith.constant 512 : i32
    %mul3A_2014 = arith.muli %add3A_1287, %mul3A_2013 : i32
    %mul3A_2015 = arith.constant 32 : i32
    %mul3A_2016 = arith.muli %arg1, %mul3A_2015 : i32
    %add3A_2017 = arith.addi %mul3A_2014, %mul3A_2016 : i32
    %add3A_2018 = arith.constant 9 : i32
    %add3A_2019 = arith.addi %add3A_2017, %add3A_2018 : i32
    %dma_start3A_2020 = arith.constant 0 : i32
    %dma_start3A_2021 = tpu.memref_slice %arg5[%add3A_2019, %dma_start3A_2020] : memref<2048x2048xf32, #tpu.memory_space<hbm>> -> memref<1x2048xf32, #tpu.memory_space<hbm>>
    %dma_start3A_2022 = tpu.memref_squeeze %dma_start3A_2021 : memref<1x2048xf32, #tpu.memory_space<hbm>> -> memref<2048xf32, #tpu.memory_space<hbm>>
    %dma_start3A_2023 = tpu.memref_slice %arg11[%add3A_2012] : memref<1048592xf32, #tpu.memory_space<vmem_shared>> -> memref<2048xf32, #tpu.memory_space<vmem_shared>>
    tpu.enqueue_dma source(%dma_start3A_2023 : memref<2048xf32, #tpu.memory_space<vmem_shared>>) target(%dma_start3A_2022 : memref<2048xf32, #tpu.memory_space<hbm>>) target_semaphore(%arg12 : memref<!tpu.dma_semaphore, #tpu.memory_space<semaphore_mem>>)
    %mul3A_2024 = arith.constant 65536 : i32
    %mul3A_2025 = arith.muli %arg1, %mul3A_2024 : i32
    %add3A_2026 = arith.constant 20480 : i32
    %add3A_2027 = arith.addi %mul3A_2025, %add3A_2026 : i32
    %mul3A_2028 = arith.constant 512 : i32
    %mul3A_2029 = arith.muli %add3A_1287, %mul3A_2028 : i32
    %mul3A_2030 = arith.constant 32 : i32
    %mul3A_2031 = arith.muli %arg1, %mul3A_2030 : i32
    %add3A_2032 = arith.addi %mul3A_2029, %mul3A_2031 : i32
    %add3A_2033 = arith.constant 10 : i32
    %add3A_2034 = arith.addi %add3A_2032, %add3A_2033 : i32
    %dma_start3A_2035 = arith.constant 0 : i32
    %dma_start3A_2036 = tpu.memref_slice %arg5[%add3A_2034, %dma_start3A_2035] : memref<2048x2048xf32, #tpu.memory_space<hbm>> -> memref<1x2048xf32, #tpu.memory_space<hbm>>
    %dma_start3A_2037 = tpu.memref_squeeze %dma_start3A_2036 : memref<1x2048xf32, #tpu.memory_space<hbm>> -> memref<2048xf32, #tpu.memory_space<hbm>>
    %dma_start3A_2038 = tpu.memref_slice %arg11[%add3A_2027] : memref<1048592xf32, #tpu.memory_space<vmem_shared>> -> memref<2048xf32, #tpu.memory_space<vmem_shared>>
    tpu.enqueue_dma source(%dma_start3A_2038 : memref<2048xf32, #tpu.memory_space<vmem_shared>>) target(%dma_start3A_2037 : memref<2048xf32, #tpu.memory_space<hbm>>) target_semaphore(%arg12 : memref<!tpu.dma_semaphore, #tpu.memory_space<semaphore_mem>>)
    %mul3A_2039 = arith.constant 65536 : i32
    %mul3A_2040 = arith.muli %arg1, %mul3A_2039 : i32
    %add3A_2041 = arith.constant 22528 : i32
    %add3A_2042 = arith.addi %mul3A_2040, %add3A_2041 : i32
    %mul3A_2043 = arith.constant 512 : i32
    %mul3A_2044 = arith.muli %add3A_1287, %mul3A_2043 : i32
    %mul3A_2045 = arith.constant 32 : i32
    %mul3A_2046 = arith.muli %arg1, %mul3A_2045 : i32
    %add3A_2047 = arith.addi %mul3A_2044, %mul3A_2046 : i32
    %add3A_2048 = arith.constant 11 : i32
    %add3A_2049 = arith.addi %add3A_2047, %add3A_2048 : i32
    %dma_start3A_2050 = arith.constant 0 : i32
    %dma_start3A_2051 = tpu.memref_slice %arg5[%add3A_2049, %dma_start3A_2050] : memref<2048x2048xf32, #tpu.memory_space<hbm>> -> memref<1x2048xf32, #tpu.memory_space<hbm>>
    %dma_start3A_2052 = tpu.memref_squeeze %dma_start3A_2051 : memref<1x2048xf32, #tpu.memory_space<hbm>> -> memref<2048xf32, #tpu.memory_space<hbm>>
    %dma_start3A_2053 = tpu.memref_slice %arg11[%add3A_2042] : memref<1048592xf32, #tpu.memory_space<vmem_shared>> -> memref<2048xf32, #tpu.memory_space<vmem_shared>>
    tpu.enqueue_dma source(%dma_start3A_2053 : memref<2048xf32, #tpu.memory_space<vmem_shared>>) target(%dma_start3A_2052 : memref<2048xf32, #tpu.memory_space<hbm>>) target_semaphore(%arg12 : memref<!tpu.dma_semaphore, #tpu.memory_space<semaphore_mem>>)
    %mul3A_2054 = arith.constant 65536 : i32
    %mul3A_2055 = arith.muli %arg1, %mul3A_2054 : i32
    %add3A_2056 = arith.constant 24576 : i32
    %add3A_2057 = arith.addi %mul3A_2055, %add3A_2056 : i32
    %mul3A_2058 = arith.constant 512 : i32
    %mul3A_2059 = arith.muli %add3A_1287, %mul3A_2058 : i32
    %mul3A_2060 = arith.constant 32 : i32
    %mul3A_2061 = arith.muli %arg1, %mul3A_2060 : i32
    %add3A_2062 = arith.addi %mul3A_2059, %mul3A_2061 : i32
    %add3A_2063 = arith.constant 12 : i32
    %add3A_2064 = arith.addi %add3A_2062, %add3A_2063 : i32
    %dma_start3A_2065 = arith.constant 0 : i32
    %dma_start3A_2066 = tpu.memref_slice %arg5[%add3A_2064, %dma_start3A_2065] : memref<2048x2048xf32, #tpu.memory_space<hbm>> -> memref<1x2048xf32, #tpu.memory_space<hbm>>
    %dma_start3A_2067 = tpu.memref_squeeze %dma_start3A_2066 : memref<1x2048xf32, #tpu.memory_space<hbm>> -> memref<2048xf32, #tpu.memory_space<hbm>>
    %dma_start3A_2068 = tpu.memref_slice %arg11[%add3A_2057] : memref<1048592xf32, #tpu.memory_space<vmem_shared>> -> memref<2048xf32, #tpu.memory_space<vmem_shared>>
    tpu.enqueue_dma source(%dma_start3A_2068 : memref<2048xf32, #tpu.memory_space<vmem_shared>>) target(%dma_start3A_2067 : memref<2048xf32, #tpu.memory_space<hbm>>) target_semaphore(%arg12 : memref<!tpu.dma_semaphore, #tpu.memory_space<semaphore_mem>>)
    %mul3A_2069 = arith.constant 65536 : i32
    %mul3A_2070 = arith.muli %arg1, %mul3A_2069 : i32
    %add3A_2071 = arith.constant 26624 : i32
    %add3A_2072 = arith.addi %mul3A_2070, %add3A_2071 : i32
    %mul3A_2073 = arith.constant 512 : i32
    %mul3A_2074 = arith.muli %add3A_1287, %mul3A_2073 : i32
    %mul3A_2075 = arith.constant 32 : i32
    %mul3A_2076 = arith.muli %arg1, %mul3A_2075 : i32
    %add3A_2077 = arith.addi %mul3A_2074, %mul3A_2076 : i32
    %add3A_2078 = arith.constant 13 : i32
    %add3A_2079 = arith.addi %add3A_2077, %add3A_2078 : i32
    %dma_start3A_2080 = arith.constant 0 : i32
    %dma_start3A_2081 = tpu.memref_slice %arg5[%add3A_2079, %dma_start3A_2080] : memref<2048x2048xf32, #tpu.memory_space<hbm>> -> memref<1x2048xf32, #tpu.memory_space<hbm>>
    %dma_start3A_2082 = tpu.memref_squeeze %dma_start3A_2081 : memref<1x2048xf32, #tpu.memory_space<hbm>> -> memref<2048xf32, #tpu.memory_space<hbm>>
    %dma_start3A_2083 = tpu.memref_slice %arg11[%add3A_2072] : memref<1048592xf32, #tpu.memory_space<vmem_shared>> -> memref<2048xf32, #tpu.memory_space<vmem_shared>>
    tpu.enqueue_dma source(%dma_start3A_2083 : memref<2048xf32, #tpu.memory_space<vmem_shared>>) target(%dma_start3A_2082 : memref<2048xf32, #tpu.memory_space<hbm>>) target_semaphore(%arg12 : memref<!tpu.dma_semaphore, #tpu.memory_space<semaphore_mem>>)
    %mul3A_2084 = arith.constant 65536 : i32
    %mul3A_2085 = arith.muli %arg1, %mul3A_2084 : i32
    %add3A_2086 = arith.constant 28672 : i32
    %add3A_2087 = arith.addi %mul3A_2085, %add3A_2086 : i32
    %mul3A_2088 = arith.constant 512 : i32
    %mul3A_2089 = arith.muli %add3A_1287, %mul3A_2088 : i32
    %mul3A_2090 = arith.constant 32 : i32
    %mul3A_2091 = arith.muli %arg1, %mul3A_2090 : i32
    %add3A_2092 = arith.addi %mul3A_2089, %mul3A_2091 : i32
    %add3A_2093 = arith.constant 14 : i32
    %add3A_2094 = arith.addi %add3A_2092, %add3A_2093 : i32
    %dma_start3A_2095 = arith.constant 0 : i32
    %dma_start3A_2096 = tpu.memref_slice %arg5[%add3A_2094, %dma_start3A_2095] : memref<2048x2048xf32, #tpu.memory_space<hbm>> -> memref<1x2048xf32, #tpu.memory_space<hbm>>
    %dma_start3A_2097 = tpu.memref_squeeze %dma_start3A_2096 : memref<1x2048xf32, #tpu.memory_space<hbm>> -> memref<2048xf32, #tpu.memory_space<hbm>>
    %dma_start3A_2098 = tpu.memref_slice %arg11[%add3A_2087] : memref<1048592xf32, #tpu.memory_space<vmem_shared>> -> memref<2048xf32, #tpu.memory_space<vmem_shared>>
    tpu.enqueue_dma source(%dma_start3A_2098 : memref<2048xf32, #tpu.memory_space<vmem_shared>>) target(%dma_start3A_2097 : memref<2048xf32, #tpu.memory_space<hbm>>) target_semaphore(%arg12 : memref<!tpu.dma_semaphore, #tpu.memory_space<semaphore_mem>>)
    %mul3A_2099 = arith.constant 65536 : i32
    %mul3A_2100 = arith.muli %arg1, %mul3A_2099 : i32
    %add3A_2101 = arith.constant 30720 : i32
    %add3A_2102 = arith.addi %mul3A_2100, %add3A_2101 : i32
    %mul3A_2103 = arith.constant 512 : i32
    %mul3A_2104 = arith.muli %add3A_1287, %mul3A_2103 : i32
    %mul3A_2105 = arith.constant 32 : i32
    %mul3A_2106 = arith.muli %arg1, %mul3A_2105 : i32
    %add3A_2107 = arith.addi %mul3A_2104, %mul3A_2106 : i32
    %add3A_2108 = arith.constant 15 : i32
    %add3A_2109 = arith.addi %add3A_2107, %add3A_2108 : i32
    %dma_start3A_2110 = arith.constant 0 : i32
    %dma_start3A_2111 = tpu.memref_slice %arg5[%add3A_2109, %dma_start3A_2110] : memref<2048x2048xf32, #tpu.memory_space<hbm>> -> memref<1x2048xf32, #tpu.memory_space<hbm>>
    %dma_start3A_2112 = tpu.memref_squeeze %dma_start3A_2111 : memref<1x2048xf32, #tpu.memory_space<hbm>> -> memref<2048xf32, #tpu.memory_space<hbm>>
    %dma_start3A_2113 = tpu.memref_slice %arg11[%add3A_2102] : memref<1048592xf32, #tpu.memory_space<vmem_shared>> -> memref<2048xf32, #tpu.memory_space<vmem_shared>>
    tpu.enqueue_dma source(%dma_start3A_2113 : memref<2048xf32, #tpu.memory_space<vmem_shared>>) target(%dma_start3A_2112 : memref<2048xf32, #tpu.memory_space<hbm>>) target_semaphore(%arg12 : memref<!tpu.dma_semaphore, #tpu.memory_space<semaphore_mem>>)
    %mul3A_2114 = arith.constant 65536 : i32
    %mul3A_2115 = arith.muli %arg1, %mul3A_2114 : i32
    %add3A_2116 = arith.constant 32768 : i32
    %add3A_2117 = arith.addi %mul3A_2115, %add3A_2116 : i32
    %mul3A_2118 = arith.constant 512 : i32
    %mul3A_2119 = arith.muli %add3A_1287, %mul3A_2118 : i32
    %mul3A_2120 = arith.constant 32 : i32
    %mul3A_2121 = arith.muli %arg1, %mul3A_2120 : i32
    %add3A_2122 = arith.addi %mul3A_2119, %mul3A_2121 : i32
    %add3A_2123 = arith.constant 16 : i32
    %add3A_2124 = arith.addi %add3A_2122, %add3A_2123 : i32
    %dma_start3A_2125 = arith.constant 0 : i32
    %dma_start3A_2126 = tpu.memref_slice %arg5[%add3A_2124, %dma_start3A_2125] : memref<2048x2048xf32, #tpu.memory_space<hbm>> -> memref<1x2048xf32, #tpu.memory_space<hbm>>
    %dma_start3A_2127 = tpu.memref_squeeze %dma_start3A_2126 : memref<1x2048xf32, #tpu.memory_space<hbm>> -> memref<2048xf32, #tpu.memory_space<hbm>>
    %dma_start3A_2128 = tpu.memref_slice %arg11[%add3A_2117] : memref<1048592xf32, #tpu.memory_space<vmem_shared>> -> memref<2048xf32, #tpu.memory_space<vmem_shared>>
    tpu.enqueue_dma source(%dma_start3A_2128 : memref<2048xf32, #tpu.memory_space<vmem_shared>>) target(%dma_start3A_2127 : memref<2048xf32, #tpu.memory_space<hbm>>) target_semaphore(%arg12 : memref<!tpu.dma_semaphore, #tpu.memory_space<semaphore_mem>>)
    %mul3A_2129 = arith.constant 65536 : i32
    %mul3A_2130 = arith.muli %arg1, %mul3A_2129 : i32
    %add3A_2131 = arith.constant 34816 : i32
    %add3A_2132 = arith.addi %mul3A_2130, %add3A_2131 : i32
    %mul3A_2133 = arith.constant 512 : i32
    %mul3A_2134 = arith.muli %add3A_1287, %mul3A_2133 : i32
    %mul3A_2135 = arith.constant 32 : i32
    %mul3A_2136 = arith.muli %arg1, %mul3A_2135 : i32
    %add3A_2137 = arith.addi %mul3A_2134, %mul3A_2136 : i32
    %add3A_2138 = arith.constant 17 : i32
    %add3A_2139 = arith.addi %add3A_2137, %add3A_2138 : i32
    %dma_start3A_2140 = arith.constant 0 : i32
    %dma_start3A_2141 = tpu.memref_slice %arg5[%add3A_2139, %dma_start3A_2140] : memref<2048x2048xf32, #tpu.memory_space<hbm>> -> memref<1x2048xf32, #tpu.memory_space<hbm>>
    %dma_start3A_2142 = tpu.memref_squeeze %dma_start3A_2141 : memref<1x2048xf32, #tpu.memory_space<hbm>> -> memref<2048xf32, #tpu.memory_space<hbm>>
    %dma_start3A_2143 = tpu.memref_slice %arg11[%add3A_2132] : memref<1048592xf32, #tpu.memory_space<vmem_shared>> -> memref<2048xf32, #tpu.memory_space<vmem_shared>>
    tpu.enqueue_dma source(%dma_start3A_2143 : memref<2048xf32, #tpu.memory_space<vmem_shared>>) target(%dma_start3A_2142 : memref<2048xf32, #tpu.memory_space<hbm>>) target_semaphore(%arg12 : memref<!tpu.dma_semaphore, #tpu.memory_space<semaphore_mem>>)
    %mul3A_2144 = arith.constant 65536 : i32
    %mul3A_2145 = arith.muli %arg1, %mul3A_2144 : i32
    %add3A_2146 = arith.constant 36864 : i32
    %add3A_2147 = arith.addi %mul3A_2145, %add3A_2146 : i32
    %mul3A_2148 = arith.constant 512 : i32
    %mul3A_2149 = arith.muli %add3A_1287, %mul3A_2148 : i32
    %mul3A_2150 = arith.constant 32 : i32
    %mul3A_2151 = arith.muli %arg1, %mul3A_2150 : i32
    %add3A_2152 = arith.addi %mul3A_2149, %mul3A_2151 : i32
    %add3A_2153 = arith.constant 18 : i32
    %add3A_2154 = arith.addi %add3A_2152, %add3A_2153 : i32
    %dma_start3A_2155 = arith.constant 0 : i32
    %dma_start3A_2156 = tpu.memref_slice %arg5[%add3A_2154, %dma_start3A_2155] : memref<2048x2048xf32, #tpu.memory_space<hbm>> -> memref<1x2048xf32, #tpu.memory_space<hbm>>
    %dma_start3A_2157 = tpu.memref_squeeze %dma_start3A_2156 : memref<1x2048xf32, #tpu.memory_space<hbm>> -> memref<2048xf32, #tpu.memory_space<hbm>>
    %dma_start3A_2158 = tpu.memref_slice %arg11[%add3A_2147] : memref<1048592xf32, #tpu.memory_space<vmem_shared>> -> memref<2048xf32, #tpu.memory_space<vmem_shared>>
    tpu.enqueue_dma source(%dma_start3A_2158 : memref<2048xf32, #tpu.memory_space<vmem_shared>>) target(%dma_start3A_2157 : memref<2048xf32, #tpu.memory_space<hbm>>) target_semaphore(%arg12 : memref<!tpu.dma_semaphore, #tpu.memory_space<semaphore_mem>>)
    %mul3A_2159 = arith.constant 65536 : i32
    %mul3A_2160 = arith.muli %arg1, %mul3A_2159 : i32
    %add3A_2161 = arith.constant 38912 : i32
    %add3A_2162 = arith.addi %mul3A_2160, %add3A_2161 : i32
    %mul3A_2163 = arith.constant 512 : i32
    %mul3A_2164 = arith.muli %add3A_1287, %mul3A_2163 : i32
    %mul3A_2165 = arith.constant 32 : i32
    %mul3A_2166 = arith.muli %arg1, %mul3A_2165 : i32
    %add3A_2167 = arith.addi %mul3A_2164, %mul3A_2166 : i32
    %add3A_2168 = arith.constant 19 : i32
    %add3A_2169 = arith.addi %add3A_2167, %add3A_2168 : i32
    %dma_start3A_2170 = arith.constant 0 : i32
    %dma_start3A_2171 = tpu.memref_slice %arg5[%add3A_2169, %dma_start3A_2170] : memref<2048x2048xf32, #tpu.memory_space<hbm>> -> memref<1x2048xf32, #tpu.memory_space<hbm>>
    %dma_start3A_2172 = tpu.memref_squeeze %dma_start3A_2171 : memref<1x2048xf32, #tpu.memory_space<hbm>> -> memref<2048xf32, #tpu.memory_space<hbm>>
    %dma_start3A_2173 = tpu.memref_slice %arg11[%add3A_2162] : memref<1048592xf32, #tpu.memory_space<vmem_shared>> -> memref<2048xf32, #tpu.memory_space<vmem_shared>>
    tpu.enqueue_dma source(%dma_start3A_2173 : memref<2048xf32, #tpu.memory_space<vmem_shared>>) target(%dma_start3A_2172 : memref<2048xf32, #tpu.memory_space<hbm>>) target_semaphore(%arg12 : memref<!tpu.dma_semaphore, #tpu.memory_space<semaphore_mem>>)
    %mul3A_2174 = arith.constant 65536 : i32
    %mul3A_2175 = arith.muli %arg1, %mul3A_2174 : i32
    %add3A_2176 = arith.constant 40960 : i32
    %add3A_2177 = arith.addi %mul3A_2175, %add3A_2176 : i32
    %mul3A_2178 = arith.constant 512 : i32
    %mul3A_2179 = arith.muli %add3A_1287, %mul3A_2178 : i32
    %mul3A_2180 = arith.constant 32 : i32
    %mul3A_2181 = arith.muli %arg1, %mul3A_2180 : i32
    %add3A_2182 = arith.addi %mul3A_2179, %mul3A_2181 : i32
    %add3A_2183 = arith.constant 20 : i32
    %add3A_2184 = arith.addi %add3A_2182, %add3A_2183 : i32
    %dma_start3A_2185 = arith.constant 0 : i32
    %dma_start3A_2186 = tpu.memref_slice %arg5[%add3A_2184, %dma_start3A_2185] : memref<2048x2048xf32, #tpu.memory_space<hbm>> -> memref<1x2048xf32, #tpu.memory_space<hbm>>
    %dma_start3A_2187 = tpu.memref_squeeze %dma_start3A_2186 : memref<1x2048xf32, #tpu.memory_space<hbm>> -> memref<2048xf32, #tpu.memory_space<hbm>>
    %dma_start3A_2188 = tpu.memref_slice %arg11[%add3A_2177] : memref<1048592xf32, #tpu.memory_space<vmem_shared>> -> memref<2048xf32, #tpu.memory_space<vmem_shared>>
    tpu.enqueue_dma source(%dma_start3A_2188 : memref<2048xf32, #tpu.memory_space<vmem_shared>>) target(%dma_start3A_2187 : memref<2048xf32, #tpu.memory_space<hbm>>) target_semaphore(%arg12 : memref<!tpu.dma_semaphore, #tpu.memory_space<semaphore_mem>>)
    %mul3A_2189 = arith.constant 65536 : i32
    %mul3A_2190 = arith.muli %arg1, %mul3A_2189 : i32
    %add3A_2191 = arith.constant 43008 : i32
    %add3A_2192 = arith.addi %mul3A_2190, %add3A_2191 : i32
    %mul3A_2193 = arith.constant 512 : i32
    %mul3A_2194 = arith.muli %add3A_1287, %mul3A_2193 : i32
    %mul3A_2195 = arith.constant 32 : i32
    %mul3A_2196 = arith.muli %arg1, %mul3A_2195 : i32
    %add3A_2197 = arith.addi %mul3A_2194, %mul3A_2196 : i32
    %add3A_2198 = arith.constant 21 : i32
    %add3A_2199 = arith.addi %add3A_2197, %add3A_2198 : i32
    %dma_start3A_2200 = arith.constant 0 : i32
    %dma_start3A_2201 = tpu.memref_slice %arg5[%add3A_2199, %dma_start3A_2200] : memref<2048x2048xf32, #tpu.memory_space<hbm>> -> memref<1x2048xf32, #tpu.memory_space<hbm>>
    %dma_start3A_2202 = tpu.memref_squeeze %dma_start3A_2201 : memref<1x2048xf32, #tpu.memory_space<hbm>> -> memref<2048xf32, #tpu.memory_space<hbm>>
    %dma_start3A_2203 = tpu.memref_slice %arg11[%add3A_2192] : memref<1048592xf32, #tpu.memory_space<vmem_shared>> -> memref<2048xf32, #tpu.memory_space<vmem_shared>>
    tpu.enqueue_dma source(%dma_start3A_2203 : memref<2048xf32, #tpu.memory_space<vmem_shared>>) target(%dma_start3A_2202 : memref<2048xf32, #tpu.memory_space<hbm>>) target_semaphore(%arg12 : memref<!tpu.dma_semaphore, #tpu.memory_space<semaphore_mem>>)
    %mul3A_2204 = arith.constant 65536 : i32
    %mul3A_2205 = arith.muli %arg1, %mul3A_2204 : i32
    %add3A_2206 = arith.constant 45056 : i32
    %add3A_2207 = arith.addi %mul3A_2205, %add3A_2206 : i32
    %mul3A_2208 = arith.constant 512 : i32
    %mul3A_2209 = arith.muli %add3A_1287, %mul3A_2208 : i32
    %mul3A_2210 = arith.constant 32 : i32
    %mul3A_2211 = arith.muli %arg1, %mul3A_2210 : i32
    %add3A_2212 = arith.addi %mul3A_2209, %mul3A_2211 : i32
    %add3A_2213 = arith.constant 22 : i32
    %add3A_2214 = arith.addi %add3A_2212, %add3A_2213 : i32
    %dma_start3A_2215 = arith.constant 0 : i32
    %dma_start3A_2216 = tpu.memref_slice %arg5[%add3A_2214, %dma_start3A_2215] : memref<2048x2048xf32, #tpu.memory_space<hbm>> -> memref<1x2048xf32, #tpu.memory_space<hbm>>
    %dma_start3A_2217 = tpu.memref_squeeze %dma_start3A_2216 : memref<1x2048xf32, #tpu.memory_space<hbm>> -> memref<2048xf32, #tpu.memory_space<hbm>>
    %dma_start3A_2218 = tpu.memref_slice %arg11[%add3A_2207] : memref<1048592xf32, #tpu.memory_space<vmem_shared>> -> memref<2048xf32, #tpu.memory_space<vmem_shared>>
    tpu.enqueue_dma source(%dma_start3A_2218 : memref<2048xf32, #tpu.memory_space<vmem_shared>>) target(%dma_start3A_2217 : memref<2048xf32, #tpu.memory_space<hbm>>) target_semaphore(%arg12 : memref<!tpu.dma_semaphore, #tpu.memory_space<semaphore_mem>>)
    %mul3A_2219 = arith.constant 65536 : i32
    %mul3A_2220 = arith.muli %arg1, %mul3A_2219 : i32
    %add3A_2221 = arith.constant 47104 : i32
    %add3A_2222 = arith.addi %mul3A_2220, %add3A_2221 : i32
    %mul3A_2223 = arith.constant 512 : i32
    %mul3A_2224 = arith.muli %add3A_1287, %mul3A_2223 : i32
    %mul3A_2225 = arith.constant 32 : i32
    %mul3A_2226 = arith.muli %arg1, %mul3A_2225 : i32
    %add3A_2227 = arith.addi %mul3A_2224, %mul3A_2226 : i32
    %add3A_2228 = arith.constant 23 : i32
    %add3A_2229 = arith.addi %add3A_2227, %add3A_2228 : i32
    %dma_start3A_2230 = arith.constant 0 : i32
    %dma_start3A_2231 = tpu.memref_slice %arg5[%add3A_2229, %dma_start3A_2230] : memref<2048x2048xf32, #tpu.memory_space<hbm>> -> memref<1x2048xf32, #tpu.memory_space<hbm>>
    %dma_start3A_2232 = tpu.memref_squeeze %dma_start3A_2231 : memref<1x2048xf32, #tpu.memory_space<hbm>> -> memref<2048xf32, #tpu.memory_space<hbm>>
    %dma_start3A_2233 = tpu.memref_slice %arg11[%add3A_2222] : memref<1048592xf32, #tpu.memory_space<vmem_shared>> -> memref<2048xf32, #tpu.memory_space<vmem_shared>>
    tpu.enqueue_dma source(%dma_start3A_2233 : memref<2048xf32, #tpu.memory_space<vmem_shared>>) target(%dma_start3A_2232 : memref<2048xf32, #tpu.memory_space<hbm>>) target_semaphore(%arg12 : memref<!tpu.dma_semaphore, #tpu.memory_space<semaphore_mem>>)
    %mul3A_2234 = arith.constant 65536 : i32
    %mul3A_2235 = arith.muli %arg1, %mul3A_2234 : i32
    %add3A_2236 = arith.constant 49152 : i32
    %add3A_2237 = arith.addi %mul3A_2235, %add3A_2236 : i32
    %mul3A_2238 = arith.constant 512 : i32
    %mul3A_2239 = arith.muli %add3A_1287, %mul3A_2238 : i32
    %mul3A_2240 = arith.constant 32 : i32
    %mul3A_2241 = arith.muli %arg1, %mul3A_2240 : i32
    %add3A_2242 = arith.addi %mul3A_2239, %mul3A_2241 : i32
    %add3A_2243 = arith.constant 24 : i32
    %add3A_2244 = arith.addi %add3A_2242, %add3A_2243 : i32
    %dma_start3A_2245 = arith.constant 0 : i32
    %dma_start3A_2246 = tpu.memref_slice %arg5[%add3A_2244, %dma_start3A_2245] : memref<2048x2048xf32, #tpu.memory_space<hbm>> -> memref<1x2048xf32, #tpu.memory_space<hbm>>
    %dma_start3A_2247 = tpu.memref_squeeze %dma_start3A_2246 : memref<1x2048xf32, #tpu.memory_space<hbm>> -> memref<2048xf32, #tpu.memory_space<hbm>>
    %dma_start3A_2248 = tpu.memref_slice %arg11[%add3A_2237] : memref<1048592xf32, #tpu.memory_space<vmem_shared>> -> memref<2048xf32, #tpu.memory_space<vmem_shared>>
    tpu.enqueue_dma source(%dma_start3A_2248 : memref<2048xf32, #tpu.memory_space<vmem_shared>>) target(%dma_start3A_2247 : memref<2048xf32, #tpu.memory_space<hbm>>) target_semaphore(%arg12 : memref<!tpu.dma_semaphore, #tpu.memory_space<semaphore_mem>>)
    %mul3A_2249 = arith.constant 65536 : i32
    %mul3A_2250 = arith.muli %arg1, %mul3A_2249 : i32
    %add3A_2251 = arith.constant 51200 : i32
    %add3A_2252 = arith.addi %mul3A_2250, %add3A_2251 : i32
    %mul3A_2253 = arith.constant 512 : i32
    %mul3A_2254 = arith.muli %add3A_1287, %mul3A_2253 : i32
    %mul3A_2255 = arith.constant 32 : i32
    %mul3A_2256 = arith.muli %arg1, %mul3A_2255 : i32
    %add3A_2257 = arith.addi %mul3A_2254, %mul3A_2256 : i32
    %add3A_2258 = arith.constant 25 : i32
    %add3A_2259 = arith.addi %add3A_2257, %add3A_2258 : i32
    %dma_start3A_2260 = arith.constant 0 : i32
    %dma_start3A_2261 = tpu.memref_slice %arg5[%add3A_2259, %dma_start3A_2260] : memref<2048x2048xf32, #tpu.memory_space<hbm>> -> memref<1x2048xf32, #tpu.memory_space<hbm>>
    %dma_start3A_2262 = tpu.memref_squeeze %dma_start3A_2261 : memref<1x2048xf32, #tpu.memory_space<hbm>> -> memref<2048xf32, #tpu.memory_space<hbm>>
    %dma_start3A_2263 = tpu.memref_slice %arg11[%add3A_2252] : memref<1048592xf32, #tpu.memory_space<vmem_shared>> -> memref<2048xf32, #tpu.memory_space<vmem_shared>>
    tpu.enqueue_dma source(%dma_start3A_2263 : memref<2048xf32, #tpu.memory_space<vmem_shared>>) target(%dma_start3A_2262 : memref<2048xf32, #tpu.memory_space<hbm>>) target_semaphore(%arg12 : memref<!tpu.dma_semaphore, #tpu.memory_space<semaphore_mem>>)
    %mul3A_2264 = arith.constant 65536 : i32
    %mul3A_2265 = arith.muli %arg1, %mul3A_2264 : i32
    %add3A_2266 = arith.constant 53248 : i32
    %add3A_2267 = arith.addi %mul3A_2265, %add3A_2266 : i32
    %mul3A_2268 = arith.constant 512 : i32
    %mul3A_2269 = arith.muli %add3A_1287, %mul3A_2268 : i32
    %mul3A_2270 = arith.constant 32 : i32
    %mul3A_2271 = arith.muli %arg1, %mul3A_2270 : i32
    %add3A_2272 = arith.addi %mul3A_2269, %mul3A_2271 : i32
    %add3A_2273 = arith.constant 26 : i32
    %add3A_2274 = arith.addi %add3A_2272, %add3A_2273 : i32
    %dma_start3A_2275 = arith.constant 0 : i32
    %dma_start3A_2276 = tpu.memref_slice %arg5[%add3A_2274, %dma_start3A_2275] : memref<2048x2048xf32, #tpu.memory_space<hbm>> -> memref<1x2048xf32, #tpu.memory_space<hbm>>
    %dma_start3A_2277 = tpu.memref_squeeze %dma_start3A_2276 : memref<1x2048xf32, #tpu.memory_space<hbm>> -> memref<2048xf32, #tpu.memory_space<hbm>>
    %dma_start3A_2278 = tpu.memref_slice %arg11[%add3A_2267] : memref<1048592xf32, #tpu.memory_space<vmem_shared>> -> memref<2048xf32, #tpu.memory_space<vmem_shared>>
    tpu.enqueue_dma source(%dma_start3A_2278 : memref<2048xf32, #tpu.memory_space<vmem_shared>>) target(%dma_start3A_2277 : memref<2048xf32, #tpu.memory_space<hbm>>) target_semaphore(%arg12 : memref<!tpu.dma_semaphore, #tpu.memory_space<semaphore_mem>>)
    %mul3A_2279 = arith.constant 65536 : i32
    %mul3A_2280 = arith.muli %arg1, %mul3A_2279 : i32
    %add3A_2281 = arith.constant 55296 : i32
    %add3A_2282 = arith.addi %mul3A_2280, %add3A_2281 : i32
    %mul3A_2283 = arith.constant 512 : i32
    %mul3A_2284 = arith.muli %add3A_1287, %mul3A_2283 : i32
    %mul3A_2285 = arith.constant 32 : i32
    %mul3A_2286 = arith.muli %arg1, %mul3A_2285 : i32
    %add3A_2287 = arith.addi %mul3A_2284, %mul3A_2286 : i32
    %add3A_2288 = arith.constant 27 : i32
    %add3A_2289 = arith.addi %add3A_2287, %add3A_2288 : i32
    %dma_start3A_2290 = arith.constant 0 : i32
    %dma_start3A_2291 = tpu.memref_slice %arg5[%add3A_2289, %dma_start3A_2290] : memref<2048x2048xf32, #tpu.memory_space<hbm>> -> memref<1x2048xf32, #tpu.memory_space<hbm>>
    %dma_start3A_2292 = tpu.memref_squeeze %dma_start3A_2291 : memref<1x2048xf32, #tpu.memory_space<hbm>> -> memref<2048xf32, #tpu.memory_space<hbm>>
    %dma_start3A_2293 = tpu.memref_slice %arg11[%add3A_2282] : memref<1048592xf32, #tpu.memory_space<vmem_shared>> -> memref<2048xf32, #tpu.memory_space<vmem_shared>>
    tpu.enqueue_dma source(%dma_start3A_2293 : memref<2048xf32, #tpu.memory_space<vmem_shared>>) target(%dma_start3A_2292 : memref<2048xf32, #tpu.memory_space<hbm>>) target_semaphore(%arg12 : memref<!tpu.dma_semaphore, #tpu.memory_space<semaphore_mem>>)
    %mul3A_2294 = arith.constant 65536 : i32
    %mul3A_2295 = arith.muli %arg1, %mul3A_2294 : i32
    %add3A_2296 = arith.constant 57344 : i32
    %add3A_2297 = arith.addi %mul3A_2295, %add3A_2296 : i32
    %mul3A_2298 = arith.constant 512 : i32
    %mul3A_2299 = arith.muli %add3A_1287, %mul3A_2298 : i32
    %mul3A_2300 = arith.constant 32 : i32
    %mul3A_2301 = arith.muli %arg1, %mul3A_2300 : i32
    %add3A_2302 = arith.addi %mul3A_2299, %mul3A_2301 : i32
    %add3A_2303 = arith.constant 28 : i32
    %add3A_2304 = arith.addi %add3A_2302, %add3A_2303 : i32
    %dma_start3A_2305 = arith.constant 0 : i32
    %dma_start3A_2306 = tpu.memref_slice %arg5[%add3A_2304, %dma_start3A_2305] : memref<2048x2048xf32, #tpu.memory_space<hbm>> -> memref<1x2048xf32, #tpu.memory_space<hbm>>
    %dma_start3A_2307 = tpu.memref_squeeze %dma_start3A_2306 : memref<1x2048xf32, #tpu.memory_space<hbm>> -> memref<2048xf32, #tpu.memory_space<hbm>>
    %dma_start3A_2308 = tpu.memref_slice %arg11[%add3A_2297] : memref<1048592xf32, #tpu.memory_space<vmem_shared>> -> memref<2048xf32, #tpu.memory_space<vmem_shared>>
    tpu.enqueue_dma source(%dma_start3A_2308 : memref<2048xf32, #tpu.memory_space<vmem_shared>>) target(%dma_start3A_2307 : memref<2048xf32, #tpu.memory_space<hbm>>) target_semaphore(%arg12 : memref<!tpu.dma_semaphore, #tpu.memory_space<semaphore_mem>>)
    %mul3A_2309 = arith.constant 65536 : i32
    %mul3A_2310 = arith.muli %arg1, %mul3A_2309 : i32
    %add3A_2311 = arith.constant 59392 : i32
    %add3A_2312 = arith.addi %mul3A_2310, %add3A_2311 : i32
    %mul3A_2313 = arith.constant 512 : i32
    %mul3A_2314 = arith.muli %add3A_1287, %mul3A_2313 : i32
    %mul3A_2315 = arith.constant 32 : i32
    %mul3A_2316 = arith.muli %arg1, %mul3A_2315 : i32
    %add3A_2317 = arith.addi %mul3A_2314, %mul3A_2316 : i32
    %add3A_2318 = arith.constant 29 : i32
    %add3A_2319 = arith.addi %add3A_2317, %add3A_2318 : i32
    %dma_start3A_2320 = arith.constant 0 : i32
    %dma_start3A_2321 = tpu.memref_slice %arg5[%add3A_2319, %dma_start3A_2320] : memref<2048x2048xf32, #tpu.memory_space<hbm>> -> memref<1x2048xf32, #tpu.memory_space<hbm>>
    %dma_start3A_2322 = tpu.memref_squeeze %dma_start3A_2321 : memref<1x2048xf32, #tpu.memory_space<hbm>> -> memref<2048xf32, #tpu.memory_space<hbm>>
    %dma_start3A_2323 = tpu.memref_slice %arg11[%add3A_2312] : memref<1048592xf32, #tpu.memory_space<vmem_shared>> -> memref<2048xf32, #tpu.memory_space<vmem_shared>>
    tpu.enqueue_dma source(%dma_start3A_2323 : memref<2048xf32, #tpu.memory_space<vmem_shared>>) target(%dma_start3A_2322 : memref<2048xf32, #tpu.memory_space<hbm>>) target_semaphore(%arg12 : memref<!tpu.dma_semaphore, #tpu.memory_space<semaphore_mem>>)
    %mul3A_2324 = arith.constant 65536 : i32
    %mul3A_2325 = arith.muli %arg1, %mul3A_2324 : i32
    %add3A_2326 = arith.constant 61440 : i32
    %add3A_2327 = arith.addi %mul3A_2325, %add3A_2326 : i32
    %mul3A_2328 = arith.constant 512 : i32
    %mul3A_2329 = arith.muli %add3A_1287, %mul3A_2328 : i32
    %mul3A_2330 = arith.constant 32 : i32
    %mul3A_2331 = arith.muli %arg1, %mul3A_2330 : i32
    %add3A_2332 = arith.addi %mul3A_2329, %mul3A_2331 : i32
    %add3A_2333 = arith.constant 30 : i32
    %add3A_2334 = arith.addi %add3A_2332, %add3A_2333 : i32
    %dma_start3A_2335 = arith.constant 0 : i32
    %dma_start3A_2336 = tpu.memref_slice %arg5[%add3A_2334, %dma_start3A_2335] : memref<2048x2048xf32, #tpu.memory_space<hbm>> -> memref<1x2048xf32, #tpu.memory_space<hbm>>
    %dma_start3A_2337 = tpu.memref_squeeze %dma_start3A_2336 : memref<1x2048xf32, #tpu.memory_space<hbm>> -> memref<2048xf32, #tpu.memory_space<hbm>>
    %dma_start3A_2338 = tpu.memref_slice %arg11[%add3A_2327] : memref<1048592xf32, #tpu.memory_space<vmem_shared>> -> memref<2048xf32, #tpu.memory_space<vmem_shared>>
    tpu.enqueue_dma source(%dma_start3A_2338 : memref<2048xf32, #tpu.memory_space<vmem_shared>>) target(%dma_start3A_2337 : memref<2048xf32, #tpu.memory_space<hbm>>) target_semaphore(%arg12 : memref<!tpu.dma_semaphore, #tpu.memory_space<semaphore_mem>>)
    %mul3A_2339 = arith.constant 65536 : i32
    %mul3A_2340 = arith.muli %arg1, %mul3A_2339 : i32
    %add3A_2341 = arith.constant 63488 : i32
    %add3A_2342 = arith.addi %mul3A_2340, %add3A_2341 : i32
    %mul3A_2343 = arith.constant 512 : i32
    %mul3A_2344 = arith.muli %add3A_1287, %mul3A_2343 : i32
    %mul3A_2345 = arith.constant 32 : i32
    %mul3A_2346 = arith.muli %arg1, %mul3A_2345 : i32
    %add3A_2347 = arith.addi %mul3A_2344, %mul3A_2346 : i32
    %add3A_2348 = arith.constant 31 : i32
    %add3A_2349 = arith.addi %add3A_2347, %add3A_2348 : i32
    %dma_start3A_2350 = arith.constant 0 : i32
    %dma_start3A_2351 = tpu.memref_slice %arg5[%add3A_2349, %dma_start3A_2350] : memref<2048x2048xf32, #tpu.memory_space<hbm>> -> memref<1x2048xf32, #tpu.memory_space<hbm>>
    %dma_start3A_2352 = tpu.memref_squeeze %dma_start3A_2351 : memref<1x2048xf32, #tpu.memory_space<hbm>> -> memref<2048xf32, #tpu.memory_space<hbm>>
    %dma_start3A_2353 = tpu.memref_slice %arg11[%add3A_2342] : memref<1048592xf32, #tpu.memory_space<vmem_shared>> -> memref<2048xf32, #tpu.memory_space<vmem_shared>>
    tpu.enqueue_dma source(%dma_start3A_2353 : memref<2048xf32, #tpu.memory_space<vmem_shared>>) target(%dma_start3A_2352 : memref<2048xf32, #tpu.memory_space<hbm>>) target_semaphore(%arg12 : memref<!tpu.dma_semaphore, #tpu.memory_space<semaphore_mem>>)
    %dma_wait3A_2354 = arith.constant 0 : i32
    %dma_wait3A_2355 = tpu.memref_slice %arg5[%add3A_1884, %dma_wait3A_2354] : memref<2048x2048xf32, #tpu.memory_space<hbm>> -> memref<1x2048xf32, #tpu.memory_space<hbm>>
    %dma_wait3A_2356 = tpu.memref_squeeze %dma_wait3A_2355 : memref<1x2048xf32, #tpu.memory_space<hbm>> -> memref<2048xf32, #tpu.memory_space<hbm>>
    %dma_wait3A_2357 = tpu.memref_slice %arg11[%add3A_1877] : memref<1048592xf32, #tpu.memory_space<vmem_shared>> -> memref<2048xf32, #tpu.memory_space<vmem_shared>>
    tpu.wait_dma2 semaphore(%arg12 : memref<!tpu.dma_semaphore, #tpu.memory_space<semaphore_mem>>) src(%dma_wait3A_2357 : memref<2048xf32, #tpu.memory_space<vmem_shared>>) dst(%dma_wait3A_2356 : memref<2048xf32, #tpu.memory_space<hbm>>)
    %dma_wait3A_2358 = arith.constant 0 : i32
    %dma_wait3A_2359 = tpu.memref_slice %arg5[%add3A_1899, %dma_wait3A_2358] : memref<2048x2048xf32, #tpu.memory_space<hbm>> -> memref<1x2048xf32, #tpu.memory_space<hbm>>
    %dma_wait3A_2360 = tpu.memref_squeeze %dma_wait3A_2359 : memref<1x2048xf32, #tpu.memory_space<hbm>> -> memref<2048xf32, #tpu.memory_space<hbm>>
    %dma_wait3A_2361 = tpu.memref_slice %arg11[%add3A_1892] : memref<1048592xf32, #tpu.memory_space<vmem_shared>> -> memref<2048xf32, #tpu.memory_space<vmem_shared>>
    tpu.wait_dma2 semaphore(%arg12 : memref<!tpu.dma_semaphore, #tpu.memory_space<semaphore_mem>>) src(%dma_wait3A_2361 : memref<2048xf32, #tpu.memory_space<vmem_shared>>) dst(%dma_wait3A_2360 : memref<2048xf32, #tpu.memory_space<hbm>>)
    %dma_wait3A_2362 = arith.constant 0 : i32
    %dma_wait3A_2363 = tpu.memref_slice %arg5[%add3A_1914, %dma_wait3A_2362] : memref<2048x2048xf32, #tpu.memory_space<hbm>> -> memref<1x2048xf32, #tpu.memory_space<hbm>>
    %dma_wait3A_2364 = tpu.memref_squeeze %dma_wait3A_2363 : memref<1x2048xf32, #tpu.memory_space<hbm>> -> memref<2048xf32, #tpu.memory_space<hbm>>
    %dma_wait3A_2365 = tpu.memref_slice %arg11[%add3A_1907] : memref<1048592xf32, #tpu.memory_space<vmem_shared>> -> memref<2048xf32, #tpu.memory_space<vmem_shared>>
    tpu.wait_dma2 semaphore(%arg12 : memref<!tpu.dma_semaphore, #tpu.memory_space<semaphore_mem>>) src(%dma_wait3A_2365 : memref<2048xf32, #tpu.memory_space<vmem_shared>>) dst(%dma_wait3A_2364 : memref<2048xf32, #tpu.memory_space<hbm>>)
    %dma_wait3A_2366 = arith.constant 0 : i32
    %dma_wait3A_2367 = tpu.memref_slice %arg5[%add3A_1929, %dma_wait3A_2366] : memref<2048x2048xf32, #tpu.memory_space<hbm>> -> memref<1x2048xf32, #tpu.memory_space<hbm>>
    %dma_wait3A_2368 = tpu.memref_squeeze %dma_wait3A_2367 : memref<1x2048xf32, #tpu.memory_space<hbm>> -> memref<2048xf32, #tpu.memory_space<hbm>>
    %dma_wait3A_2369 = tpu.memref_slice %arg11[%add3A_1922] : memref<1048592xf32, #tpu.memory_space<vmem_shared>> -> memref<2048xf32, #tpu.memory_space<vmem_shared>>
    tpu.wait_dma2 semaphore(%arg12 : memref<!tpu.dma_semaphore, #tpu.memory_space<semaphore_mem>>) src(%dma_wait3A_2369 : memref<2048xf32, #tpu.memory_space<vmem_shared>>) dst(%dma_wait3A_2368 : memref<2048xf32, #tpu.memory_space<hbm>>)
    %dma_wait3A_2370 = arith.constant 0 : i32
    %dma_wait3A_2371 = tpu.memref_slice %arg5[%add3A_1944, %dma_wait3A_2370] : memref<2048x2048xf32, #tpu.memory_space<hbm>> -> memref<1x2048xf32, #tpu.memory_space<hbm>>
    %dma_wait3A_2372 = tpu.memref_squeeze %dma_wait3A_2371 : memref<1x2048xf32, #tpu.memory_space<hbm>> -> memref<2048xf32, #tpu.memory_space<hbm>>
    %dma_wait3A_2373 = tpu.memref_slice %arg11[%add3A_1937] : memref<1048592xf32, #tpu.memory_space<vmem_shared>> -> memref<2048xf32, #tpu.memory_space<vmem_shared>>
    tpu.wait_dma2 semaphore(%arg12 : memref<!tpu.dma_semaphore, #tpu.memory_space<semaphore_mem>>) src(%dma_wait3A_2373 : memref<2048xf32, #tpu.memory_space<vmem_shared>>) dst(%dma_wait3A_2372 : memref<2048xf32, #tpu.memory_space<hbm>>)
    %dma_wait3A_2374 = arith.constant 0 : i32
    %dma_wait3A_2375 = tpu.memref_slice %arg5[%add3A_1959, %dma_wait3A_2374] : memref<2048x2048xf32, #tpu.memory_space<hbm>> -> memref<1x2048xf32, #tpu.memory_space<hbm>>
    %dma_wait3A_2376 = tpu.memref_squeeze %dma_wait3A_2375 : memref<1x2048xf32, #tpu.memory_space<hbm>> -> memref<2048xf32, #tpu.memory_space<hbm>>
    %dma_wait3A_2377 = tpu.memref_slice %arg11[%add3A_1952] : memref<1048592xf32, #tpu.memory_space<vmem_shared>> -> memref<2048xf32, #tpu.memory_space<vmem_shared>>
    tpu.wait_dma2 semaphore(%arg12 : memref<!tpu.dma_semaphore, #tpu.memory_space<semaphore_mem>>) src(%dma_wait3A_2377 : memref<2048xf32, #tpu.memory_space<vmem_shared>>) dst(%dma_wait3A_2376 : memref<2048xf32, #tpu.memory_space<hbm>>)
    %dma_wait3A_2378 = arith.constant 0 : i32
    %dma_wait3A_2379 = tpu.memref_slice %arg5[%add3A_1974, %dma_wait3A_2378] : memref<2048x2048xf32, #tpu.memory_space<hbm>> -> memref<1x2048xf32, #tpu.memory_space<hbm>>
    %dma_wait3A_2380 = tpu.memref_squeeze %dma_wait3A_2379 : memref<1x2048xf32, #tpu.memory_space<hbm>> -> memref<2048xf32, #tpu.memory_space<hbm>>
    %dma_wait3A_2381 = tpu.memref_slice %arg11[%add3A_1967] : memref<1048592xf32, #tpu.memory_space<vmem_shared>> -> memref<2048xf32, #tpu.memory_space<vmem_shared>>
    tpu.wait_dma2 semaphore(%arg12 : memref<!tpu.dma_semaphore, #tpu.memory_space<semaphore_mem>>) src(%dma_wait3A_2381 : memref<2048xf32, #tpu.memory_space<vmem_shared>>) dst(%dma_wait3A_2380 : memref<2048xf32, #tpu.memory_space<hbm>>)
    %dma_wait3A_2382 = arith.constant 0 : i32
    %dma_wait3A_2383 = tpu.memref_slice %arg5[%add3A_1989, %dma_wait3A_2382] : memref<2048x2048xf32, #tpu.memory_space<hbm>> -> memref<1x2048xf32, #tpu.memory_space<hbm>>
    %dma_wait3A_2384 = tpu.memref_squeeze %dma_wait3A_2383 : memref<1x2048xf32, #tpu.memory_space<hbm>> -> memref<2048xf32, #tpu.memory_space<hbm>>
    %dma_wait3A_2385 = tpu.memref_slice %arg11[%add3A_1982] : memref<1048592xf32, #tpu.memory_space<vmem_shared>> -> memref<2048xf32, #tpu.memory_space<vmem_shared>>
    tpu.wait_dma2 semaphore(%arg12 : memref<!tpu.dma_semaphore, #tpu.memory_space<semaphore_mem>>) src(%dma_wait3A_2385 : memref<2048xf32, #tpu.memory_space<vmem_shared>>) dst(%dma_wait3A_2384 : memref<2048xf32, #tpu.memory_space<hbm>>)
    %dma_wait3A_2386 = arith.constant 0 : i32
    %dma_wait3A_2387 = tpu.memref_slice %arg5[%add3A_2004, %dma_wait3A_2386] : memref<2048x2048xf32, #tpu.memory_space<hbm>> -> memref<1x2048xf32, #tpu.memory_space<hbm>>
    %dma_wait3A_2388 = tpu.memref_squeeze %dma_wait3A_2387 : memref<1x2048xf32, #tpu.memory_space<hbm>> -> memref<2048xf32, #tpu.memory_space<hbm>>
    %dma_wait3A_2389 = tpu.memref_slice %arg11[%add3A_1997] : memref<1048592xf32, #tpu.memory_space<vmem_shared>> -> memref<2048xf32, #tpu.memory_space<vmem_shared>>
    tpu.wait_dma2 semaphore(%arg12 : memref<!tpu.dma_semaphore, #tpu.memory_space<semaphore_mem>>) src(%dma_wait3A_2389 : memref<2048xf32, #tpu.memory_space<vmem_shared>>) dst(%dma_wait3A_2388 : memref<2048xf32, #tpu.memory_space<hbm>>)
    %dma_wait3A_2390 = arith.constant 0 : i32
    %dma_wait3A_2391 = tpu.memref_slice %arg5[%add3A_2019, %dma_wait3A_2390] : memref<2048x2048xf32, #tpu.memory_space<hbm>> -> memref<1x2048xf32, #tpu.memory_space<hbm>>
    %dma_wait3A_2392 = tpu.memref_squeeze %dma_wait3A_2391 : memref<1x2048xf32, #tpu.memory_space<hbm>> -> memref<2048xf32, #tpu.memory_space<hbm>>
    %dma_wait3A_2393 = tpu.memref_slice %arg11[%add3A_2012] : memref<1048592xf32, #tpu.memory_space<vmem_shared>> -> memref<2048xf32, #tpu.memory_space<vmem_shared>>
    tpu.wait_dma2 semaphore(%arg12 : memref<!tpu.dma_semaphore, #tpu.memory_space<semaphore_mem>>) src(%dma_wait3A_2393 : memref<2048xf32, #tpu.memory_space<vmem_shared>>) dst(%dma_wait3A_2392 : memref<2048xf32, #tpu.memory_space<hbm>>)
    %dma_wait3A_2394 = arith.constant 0 : i32
    %dma_wait3A_2395 = tpu.memref_slice %arg5[%add3A_2034, %dma_wait3A_2394] : memref<2048x2048xf32, #tpu.memory_space<hbm>> -> memref<1x2048xf32, #tpu.memory_space<hbm>>
    %dma_wait3A_2396 = tpu.memref_squeeze %dma_wait3A_2395 : memref<1x2048xf32, #tpu.memory_space<hbm>> -> memref<2048xf32, #tpu.memory_space<hbm>>
    %dma_wait3A_2397 = tpu.memref_slice %arg11[%add3A_2027] : memref<1048592xf32, #tpu.memory_space<vmem_shared>> -> memref<2048xf32, #tpu.memory_space<vmem_shared>>
    tpu.wait_dma2 semaphore(%arg12 : memref<!tpu.dma_semaphore, #tpu.memory_space<semaphore_mem>>) src(%dma_wait3A_2397 : memref<2048xf32, #tpu.memory_space<vmem_shared>>) dst(%dma_wait3A_2396 : memref<2048xf32, #tpu.memory_space<hbm>>)
    %dma_wait3A_2398 = arith.constant 0 : i32
    %dma_wait3A_2399 = tpu.memref_slice %arg5[%add3A_2049, %dma_wait3A_2398] : memref<2048x2048xf32, #tpu.memory_space<hbm>> -> memref<1x2048xf32, #tpu.memory_space<hbm>>
    %dma_wait3A_2400 = tpu.memref_squeeze %dma_wait3A_2399 : memref<1x2048xf32, #tpu.memory_space<hbm>> -> memref<2048xf32, #tpu.memory_space<hbm>>
    %dma_wait3A_2401 = tpu.memref_slice %arg11[%add3A_2042] : memref<1048592xf32, #tpu.memory_space<vmem_shared>> -> memref<2048xf32, #tpu.memory_space<vmem_shared>>
    tpu.wait_dma2 semaphore(%arg12 : memref<!tpu.dma_semaphore, #tpu.memory_space<semaphore_mem>>) src(%dma_wait3A_2401 : memref<2048xf32, #tpu.memory_space<vmem_shared>>) dst(%dma_wait3A_2400 : memref<2048xf32, #tpu.memory_space<hbm>>)
    %dma_wait3A_2402 = arith.constant 0 : i32
    %dma_wait3A_2403 = tpu.memref_slice %arg5[%add3A_2064, %dma_wait3A_2402] : memref<2048x2048xf32, #tpu.memory_space<hbm>> -> memref<1x2048xf32, #tpu.memory_space<hbm>>
    %dma_wait3A_2404 = tpu.memref_squeeze %dma_wait3A_2403 : memref<1x2048xf32, #tpu.memory_space<hbm>> -> memref<2048xf32, #tpu.memory_space<hbm>>
    %dma_wait3A_2405 = tpu.memref_slice %arg11[%add3A_2057] : memref<1048592xf32, #tpu.memory_space<vmem_shared>> -> memref<2048xf32, #tpu.memory_space<vmem_shared>>
    tpu.wait_dma2 semaphore(%arg12 : memref<!tpu.dma_semaphore, #tpu.memory_space<semaphore_mem>>) src(%dma_wait3A_2405 : memref<2048xf32, #tpu.memory_space<vmem_shared>>) dst(%dma_wait3A_2404 : memref<2048xf32, #tpu.memory_space<hbm>>)
    %dma_wait3A_2406 = arith.constant 0 : i32
    %dma_wait3A_2407 = tpu.memref_slice %arg5[%add3A_2079, %dma_wait3A_2406] : memref<2048x2048xf32, #tpu.memory_space<hbm>> -> memref<1x2048xf32, #tpu.memory_space<hbm>>
    %dma_wait3A_2408 = tpu.memref_squeeze %dma_wait3A_2407 : memref<1x2048xf32, #tpu.memory_space<hbm>> -> memref<2048xf32, #tpu.memory_space<hbm>>
    %dma_wait3A_2409 = tpu.memref_slice %arg11[%add3A_2072] : memref<1048592xf32, #tpu.memory_space<vmem_shared>> -> memref<2048xf32, #tpu.memory_space<vmem_shared>>
    tpu.wait_dma2 semaphore(%arg12 : memref<!tpu.dma_semaphore, #tpu.memory_space<semaphore_mem>>) src(%dma_wait3A_2409 : memref<2048xf32, #tpu.memory_space<vmem_shared>>) dst(%dma_wait3A_2408 : memref<2048xf32, #tpu.memory_space<hbm>>)
    %dma_wait3A_2410 = arith.constant 0 : i32
    %dma_wait3A_2411 = tpu.memref_slice %arg5[%add3A_2094, %dma_wait3A_2410] : memref<2048x2048xf32, #tpu.memory_space<hbm>> -> memref<1x2048xf32, #tpu.memory_space<hbm>>
    %dma_wait3A_2412 = tpu.memref_squeeze %dma_wait3A_2411 : memref<1x2048xf32, #tpu.memory_space<hbm>> -> memref<2048xf32, #tpu.memory_space<hbm>>
    %dma_wait3A_2413 = tpu.memref_slice %arg11[%add3A_2087] : memref<1048592xf32, #tpu.memory_space<vmem_shared>> -> memref<2048xf32, #tpu.memory_space<vmem_shared>>
    tpu.wait_dma2 semaphore(%arg12 : memref<!tpu.dma_semaphore, #tpu.memory_space<semaphore_mem>>) src(%dma_wait3A_2413 : memref<2048xf32, #tpu.memory_space<vmem_shared>>) dst(%dma_wait3A_2412 : memref<2048xf32, #tpu.memory_space<hbm>>)
    %dma_wait3A_2414 = arith.constant 0 : i32
    %dma_wait3A_2415 = tpu.memref_slice %arg5[%add3A_2109, %dma_wait3A_2414] : memref<2048x2048xf32, #tpu.memory_space<hbm>> -> memref<1x2048xf32, #tpu.memory_space<hbm>>
    %dma_wait3A_2416 = tpu.memref_squeeze %dma_wait3A_2415 : memref<1x2048xf32, #tpu.memory_space<hbm>> -> memref<2048xf32, #tpu.memory_space<hbm>>
    %dma_wait3A_2417 = tpu.memref_slice %arg11[%add3A_2102] : memref<1048592xf32, #tpu.memory_space<vmem_shared>> -> memref<2048xf32, #tpu.memory_space<vmem_shared>>
    tpu.wait_dma2 semaphore(%arg12 : memref<!tpu.dma_semaphore, #tpu.memory_space<semaphore_mem>>) src(%dma_wait3A_2417 : memref<2048xf32, #tpu.memory_space<vmem_shared>>) dst(%dma_wait3A_2416 : memref<2048xf32, #tpu.memory_space<hbm>>)
    %dma_wait3A_2418 = arith.constant 0 : i32
    %dma_wait3A_2419 = tpu.memref_slice %arg5[%add3A_2124, %dma_wait3A_2418] : memref<2048x2048xf32, #tpu.memory_space<hbm>> -> memref<1x2048xf32, #tpu.memory_space<hbm>>
    %dma_wait3A_2420 = tpu.memref_squeeze %dma_wait3A_2419 : memref<1x2048xf32, #tpu.memory_space<hbm>> -> memref<2048xf32, #tpu.memory_space<hbm>>
    %dma_wait3A_2421 = tpu.memref_slice %arg11[%add3A_2117] : memref<1048592xf32, #tpu.memory_space<vmem_shared>> -> memref<2048xf32, #tpu.memory_space<vmem_shared>>
    tpu.wait_dma2 semaphore(%arg12 : memref<!tpu.dma_semaphore, #tpu.memory_space<semaphore_mem>>) src(%dma_wait3A_2421 : memref<2048xf32, #tpu.memory_space<vmem_shared>>) dst(%dma_wait3A_2420 : memref<2048xf32, #tpu.memory_space<hbm>>)
    %dma_wait3A_2422 = arith.constant 0 : i32
    %dma_wait3A_2423 = tpu.memref_slice %arg5[%add3A_2139, %dma_wait3A_2422] : memref<2048x2048xf32, #tpu.memory_space<hbm>> -> memref<1x2048xf32, #tpu.memory_space<hbm>>
    %dma_wait3A_2424 = tpu.memref_squeeze %dma_wait3A_2423 : memref<1x2048xf32, #tpu.memory_space<hbm>> -> memref<2048xf32, #tpu.memory_space<hbm>>
    %dma_wait3A_2425 = tpu.memref_slice %arg11[%add3A_2132] : memref<1048592xf32, #tpu.memory_space<vmem_shared>> -> memref<2048xf32, #tpu.memory_space<vmem_shared>>
    tpu.wait_dma2 semaphore(%arg12 : memref<!tpu.dma_semaphore, #tpu.memory_space<semaphore_mem>>) src(%dma_wait3A_2425 : memref<2048xf32, #tpu.memory_space<vmem_shared>>) dst(%dma_wait3A_2424 : memref<2048xf32, #tpu.memory_space<hbm>>)
    %dma_wait3A_2426 = arith.constant 0 : i32
    %dma_wait3A_2427 = tpu.memref_slice %arg5[%add3A_2154, %dma_wait3A_2426] : memref<2048x2048xf32, #tpu.memory_space<hbm>> -> memref<1x2048xf32, #tpu.memory_space<hbm>>
    %dma_wait3A_2428 = tpu.memref_squeeze %dma_wait3A_2427 : memref<1x2048xf32, #tpu.memory_space<hbm>> -> memref<2048xf32, #tpu.memory_space<hbm>>
    %dma_wait3A_2429 = tpu.memref_slice %arg11[%add3A_2147] : memref<1048592xf32, #tpu.memory_space<vmem_shared>> -> memref<2048xf32, #tpu.memory_space<vmem_shared>>
    tpu.wait_dma2 semaphore(%arg12 : memref<!tpu.dma_semaphore, #tpu.memory_space<semaphore_mem>>) src(%dma_wait3A_2429 : memref<2048xf32, #tpu.memory_space<vmem_shared>>) dst(%dma_wait3A_2428 : memref<2048xf32, #tpu.memory_space<hbm>>)
    %dma_wait3A_2430 = arith.constant 0 : i32
    %dma_wait3A_2431 = tpu.memref_slice %arg5[%add3A_2169, %dma_wait3A_2430] : memref<2048x2048xf32, #tpu.memory_space<hbm>> -> memref<1x2048xf32, #tpu.memory_space<hbm>>
    %dma_wait3A_2432 = tpu.memref_squeeze %dma_wait3A_2431 : memref<1x2048xf32, #tpu.memory_space<hbm>> -> memref<2048xf32, #tpu.memory_space<hbm>>
    %dma_wait3A_2433 = tpu.memref_slice %arg11[%add3A_2162] : memref<1048592xf32, #tpu.memory_space<vmem_shared>> -> memref<2048xf32, #tpu.memory_space<vmem_shared>>
    tpu.wait_dma2 semaphore(%arg12 : memref<!tpu.dma_semaphore, #tpu.memory_space<semaphore_mem>>) src(%dma_wait3A_2433 : memref<2048xf32, #tpu.memory_space<vmem_shared>>) dst(%dma_wait3A_2432 : memref<2048xf32, #tpu.memory_space<hbm>>)
    %dma_wait3A_2434 = arith.constant 0 : i32
    %dma_wait3A_2435 = tpu.memref_slice %arg5[%add3A_2184, %dma_wait3A_2434] : memref<2048x2048xf32, #tpu.memory_space<hbm>> -> memref<1x2048xf32, #tpu.memory_space<hbm>>
    %dma_wait3A_2436 = tpu.memref_squeeze %dma_wait3A_2435 : memref<1x2048xf32, #tpu.memory_space<hbm>> -> memref<2048xf32, #tpu.memory_space<hbm>>
    %dma_wait3A_2437 = tpu.memref_slice %arg11[%add3A_2177] : memref<1048592xf32, #tpu.memory_space<vmem_shared>> -> memref<2048xf32, #tpu.memory_space<vmem_shared>>
    tpu.wait_dma2 semaphore(%arg12 : memref<!tpu.dma_semaphore, #tpu.memory_space<semaphore_mem>>) src(%dma_wait3A_2437 : memref<2048xf32, #tpu.memory_space<vmem_shared>>) dst(%dma_wait3A_2436 : memref<2048xf32, #tpu.memory_space<hbm>>)
    %dma_wait3A_2438 = arith.constant 0 : i32
    %dma_wait3A_2439 = tpu.memref_slice %arg5[%add3A_2199, %dma_wait3A_2438] : memref<2048x2048xf32, #tpu.memory_space<hbm>> -> memref<1x2048xf32, #tpu.memory_space<hbm>>
    %dma_wait3A_2440 = tpu.memref_squeeze %dma_wait3A_2439 : memref<1x2048xf32, #tpu.memory_space<hbm>> -> memref<2048xf32, #tpu.memory_space<hbm>>
    %dma_wait3A_2441 = tpu.memref_slice %arg11[%add3A_2192] : memref<1048592xf32, #tpu.memory_space<vmem_shared>> -> memref<2048xf32, #tpu.memory_space<vmem_shared>>
    tpu.wait_dma2 semaphore(%arg12 : memref<!tpu.dma_semaphore, #tpu.memory_space<semaphore_mem>>) src(%dma_wait3A_2441 : memref<2048xf32, #tpu.memory_space<vmem_shared>>) dst(%dma_wait3A_2440 : memref<2048xf32, #tpu.memory_space<hbm>>)
    %dma_wait3A_2442 = arith.constant 0 : i32
    %dma_wait3A_2443 = tpu.memref_slice %arg5[%add3A_2214, %dma_wait3A_2442] : memref<2048x2048xf32, #tpu.memory_space<hbm>> -> memref<1x2048xf32, #tpu.memory_space<hbm>>
    %dma_wait3A_2444 = tpu.memref_squeeze %dma_wait3A_2443 : memref<1x2048xf32, #tpu.memory_space<hbm>> -> memref<2048xf32, #tpu.memory_space<hbm>>
    %dma_wait3A_2445 = tpu.memref_slice %arg11[%add3A_2207] : memref<1048592xf32, #tpu.memory_space<vmem_shared>> -> memref<2048xf32, #tpu.memory_space<vmem_shared>>
    tpu.wait_dma2 semaphore(%arg12 : memref<!tpu.dma_semaphore, #tpu.memory_space<semaphore_mem>>) src(%dma_wait3A_2445 : memref<2048xf32, #tpu.memory_space<vmem_shared>>) dst(%dma_wait3A_2444 : memref<2048xf32, #tpu.memory_space<hbm>>)
    %dma_wait3A_2446 = arith.constant 0 : i32
    %dma_wait3A_2447 = tpu.memref_slice %arg5[%add3A_2229, %dma_wait3A_2446] : memref<2048x2048xf32, #tpu.memory_space<hbm>> -> memref<1x2048xf32, #tpu.memory_space<hbm>>
    %dma_wait3A_2448 = tpu.memref_squeeze %dma_wait3A_2447 : memref<1x2048xf32, #tpu.memory_space<hbm>> -> memref<2048xf32, #tpu.memory_space<hbm>>
    %dma_wait3A_2449 = tpu.memref_slice %arg11[%add3A_2222] : memref<1048592xf32, #tpu.memory_space<vmem_shared>> -> memref<2048xf32, #tpu.memory_space<vmem_shared>>
    tpu.wait_dma2 semaphore(%arg12 : memref<!tpu.dma_semaphore, #tpu.memory_space<semaphore_mem>>) src(%dma_wait3A_2449 : memref<2048xf32, #tpu.memory_space<vmem_shared>>) dst(%dma_wait3A_2448 : memref<2048xf32, #tpu.memory_space<hbm>>)
    %dma_wait3A_2450 = arith.constant 0 : i32
    %dma_wait3A_2451 = tpu.memref_slice %arg5[%add3A_2244, %dma_wait3A_2450] : memref<2048x2048xf32, #tpu.memory_space<hbm>> -> memref<1x2048xf32, #tpu.memory_space<hbm>>
    %dma_wait3A_2452 = tpu.memref_squeeze %dma_wait3A_2451 : memref<1x2048xf32, #tpu.memory_space<hbm>> -> memref<2048xf32, #tpu.memory_space<hbm>>
    %dma_wait3A_2453 = tpu.memref_slice %arg11[%add3A_2237] : memref<1048592xf32, #tpu.memory_space<vmem_shared>> -> memref<2048xf32, #tpu.memory_space<vmem_shared>>
    tpu.wait_dma2 semaphore(%arg12 : memref<!tpu.dma_semaphore, #tpu.memory_space<semaphore_mem>>) src(%dma_wait3A_2453 : memref<2048xf32, #tpu.memory_space<vmem_shared>>) dst(%dma_wait3A_2452 : memref<2048xf32, #tpu.memory_space<hbm>>)
    %dma_wait3A_2454 = arith.constant 0 : i32
    %dma_wait3A_2455 = tpu.memref_slice %arg5[%add3A_2259, %dma_wait3A_2454] : memref<2048x2048xf32, #tpu.memory_space<hbm>> -> memref<1x2048xf32, #tpu.memory_space<hbm>>
    %dma_wait3A_2456 = tpu.memref_squeeze %dma_wait3A_2455 : memref<1x2048xf32, #tpu.memory_space<hbm>> -> memref<2048xf32, #tpu.memory_space<hbm>>
    %dma_wait3A_2457 = tpu.memref_slice %arg11[%add3A_2252] : memref<1048592xf32, #tpu.memory_space<vmem_shared>> -> memref<2048xf32, #tpu.memory_space<vmem_shared>>
    tpu.wait_dma2 semaphore(%arg12 : memref<!tpu.dma_semaphore, #tpu.memory_space<semaphore_mem>>) src(%dma_wait3A_2457 : memref<2048xf32, #tpu.memory_space<vmem_shared>>) dst(%dma_wait3A_2456 : memref<2048xf32, #tpu.memory_space<hbm>>)
    %dma_wait3A_2458 = arith.constant 0 : i32
    %dma_wait3A_2459 = tpu.memref_slice %arg5[%add3A_2274, %dma_wait3A_2458] : memref<2048x2048xf32, #tpu.memory_space<hbm>> -> memref<1x2048xf32, #tpu.memory_space<hbm>>
    %dma_wait3A_2460 = tpu.memref_squeeze %dma_wait3A_2459 : memref<1x2048xf32, #tpu.memory_space<hbm>> -> memref<2048xf32, #tpu.memory_space<hbm>>
    %dma_wait3A_2461 = tpu.memref_slice %arg11[%add3A_2267] : memref<1048592xf32, #tpu.memory_space<vmem_shared>> -> memref<2048xf32, #tpu.memory_space<vmem_shared>>
    tpu.wait_dma2 semaphore(%arg12 : memref<!tpu.dma_semaphore, #tpu.memory_space<semaphore_mem>>) src(%dma_wait3A_2461 : memref<2048xf32, #tpu.memory_space<vmem_shared>>) dst(%dma_wait3A_2460 : memref<2048xf32, #tpu.memory_space<hbm>>)
    %dma_wait3A_2462 = arith.constant 0 : i32
    %dma_wait3A_2463 = tpu.memref_slice %arg5[%add3A_2289, %dma_wait3A_2462] : memref<2048x2048xf32, #tpu.memory_space<hbm>> -> memref<1x2048xf32, #tpu.memory_space<hbm>>
    %dma_wait3A_2464 = tpu.memref_squeeze %dma_wait3A_2463 : memref<1x2048xf32, #tpu.memory_space<hbm>> -> memref<2048xf32, #tpu.memory_space<hbm>>
    %dma_wait3A_2465 = tpu.memref_slice %arg11[%add3A_2282] : memref<1048592xf32, #tpu.memory_space<vmem_shared>> -> memref<2048xf32, #tpu.memory_space<vmem_shared>>
    tpu.wait_dma2 semaphore(%arg12 : memref<!tpu.dma_semaphore, #tpu.memory_space<semaphore_mem>>) src(%dma_wait3A_2465 : memref<2048xf32, #tpu.memory_space<vmem_shared>>) dst(%dma_wait3A_2464 : memref<2048xf32, #tpu.memory_space<hbm>>)
    %dma_wait3A_2466 = arith.constant 0 : i32
    %dma_wait3A_2467 = tpu.memref_slice %arg5[%add3A_2304, %dma_wait3A_2466] : memref<2048x2048xf32, #tpu.memory_space<hbm>> -> memref<1x2048xf32, #tpu.memory_space<hbm>>
    %dma_wait3A_2468 = tpu.memref_squeeze %dma_wait3A_2467 : memref<1x2048xf32, #tpu.memory_space<hbm>> -> memref<2048xf32, #tpu.memory_space<hbm>>
    %dma_wait3A_2469 = tpu.memref_slice %arg11[%add3A_2297] : memref<1048592xf32, #tpu.memory_space<vmem_shared>> -> memref<2048xf32, #tpu.memory_space<vmem_shared>>
    tpu.wait_dma2 semaphore(%arg12 : memref<!tpu.dma_semaphore, #tpu.memory_space<semaphore_mem>>) src(%dma_wait3A_2469 : memref<2048xf32, #tpu.memory_space<vmem_shared>>) dst(%dma_wait3A_2468 : memref<2048xf32, #tpu.memory_space<hbm>>)
    %dma_wait3A_2470 = arith.constant 0 : i32
    %dma_wait3A_2471 = tpu.memref_slice %arg5[%add3A_2319, %dma_wait3A_2470] : memref<2048x2048xf32, #tpu.memory_space<hbm>> -> memref<1x2048xf32, #tpu.memory_space<hbm>>
    %dma_wait3A_2472 = tpu.memref_squeeze %dma_wait3A_2471 : memref<1x2048xf32, #tpu.memory_space<hbm>> -> memref<2048xf32, #tpu.memory_space<hbm>>
    %dma_wait3A_2473 = tpu.memref_slice %arg11[%add3A_2312] : memref<1048592xf32, #tpu.memory_space<vmem_shared>> -> memref<2048xf32, #tpu.memory_space<vmem_shared>>
    tpu.wait_dma2 semaphore(%arg12 : memref<!tpu.dma_semaphore, #tpu.memory_space<semaphore_mem>>) src(%dma_wait3A_2473 : memref<2048xf32, #tpu.memory_space<vmem_shared>>) dst(%dma_wait3A_2472 : memref<2048xf32, #tpu.memory_space<hbm>>)
    %dma_wait3A_2474 = arith.constant 0 : i32
    %dma_wait3A_2475 = tpu.memref_slice %arg5[%add3A_2334, %dma_wait3A_2474] : memref<2048x2048xf32, #tpu.memory_space<hbm>> -> memref<1x2048xf32, #tpu.memory_space<hbm>>
    %dma_wait3A_2476 = tpu.memref_squeeze %dma_wait3A_2475 : memref<1x2048xf32, #tpu.memory_space<hbm>> -> memref<2048xf32, #tpu.memory_space<hbm>>
    %dma_wait3A_2477 = tpu.memref_slice %arg11[%add3A_2327] : memref<1048592xf32, #tpu.memory_space<vmem_shared>> -> memref<2048xf32, #tpu.memory_space<vmem_shared>>
    tpu.wait_dma2 semaphore(%arg12 : memref<!tpu.dma_semaphore, #tpu.memory_space<semaphore_mem>>) src(%dma_wait3A_2477 : memref<2048xf32, #tpu.memory_space<vmem_shared>>) dst(%dma_wait3A_2476 : memref<2048xf32, #tpu.memory_space<hbm>>)
    %dma_wait3A_2478 = arith.constant 0 : i32
    %dma_wait3A_2479 = tpu.memref_slice %arg5[%add3A_2349, %dma_wait3A_2478] : memref<2048x2048xf32, #tpu.memory_space<hbm>> -> memref<1x2048xf32, #tpu.memory_space<hbm>>
    %dma_wait3A_2480 = tpu.memref_squeeze %dma_wait3A_2479 : memref<1x2048xf32, #tpu.memory_space<hbm>> -> memref<2048xf32, #tpu.memory_space<hbm>>
    %dma_wait3A_2481 = tpu.memref_slice %arg11[%add3A_2342] : memref<1048592xf32, #tpu.memory_space<vmem_shared>> -> memref<2048xf32, #tpu.memory_space<vmem_shared>>
    tpu.wait_dma2 semaphore(%arg12 : memref<!tpu.dma_semaphore, #tpu.memory_space<semaphore_mem>>) src(%dma_wait3A_2481 : memref<2048xf32, #tpu.memory_space<vmem_shared>>) dst(%dma_wait3A_2480 : memref<2048xf32, #tpu.memory_space<hbm>>)
    %barrier3A_2482 = arith.constant 0 : index
    tpu.barrier barrier_id(%barrier3A_2482)
    return
  }
}

module attributes {stable_mosaic.version = 14 : i64} {
  func.func @_layer2_kernel(%arg0: i32, %arg1: memref<512x2048xf32, #tpu.memory_space<vmem>>, %arg2: memref<2048x64xf32, #tpu.memory_space<vmem>>, %arg3: memref<1x64xf32, #tpu.memory_space<vmem>>, %arg4: memref<512x64xf32, #tpu.memory_space<vmem>>) attributes {dimension_semantics = [#tpu.dimension_semantics<arbitrary>], iteration_bounds = array<i64: 4>, scalar_prefetch = 0 : i64, scratch_operands = 0 : i64, tpu.core_type = #tpu.core_type<tc>, window_params = [{transform_indices = @transform_0, window_bounds = array<i64: 512, 2048>}, {pipeline_mode = #tpu.pipeline_mode<synchronous>, transform_indices = @transform_1, window_bounds = array<i64: 2048, 64>}, {pipeline_mode = #tpu.pipeline_mode<synchronous>, transform_indices = @transform_2, window_bounds = array<i64: 1, 64>}, {transform_indices = @transform_3, window_bounds = array<i64: 512, 64>}]} {
    %get3A = arith.constant 0 : index
    %get3A_0 = arith.constant 0 : index
    %get3A_1 = vector.load %arg1[%get3A, %get3A_0] : memref<512x2048xf32, #tpu.memory_space<vmem>>, vector<512x2048xf32>
    %get3A_2 = arith.constant 0 : index
    %get3A_3 = arith.constant 0 : index
    %get3A_4 = vector.load %arg2[%get3A_2, %get3A_3] : memref<2048x64xf32, #tpu.memory_space<vmem>>, vector<2048x64xf32>
    %dot_general3A = arith.constant dense<0.000000e+00> : vector<512x64xf32>
    %dot_general3A_5 = tpu.matmul %get3A_1, %get3A_4, %dot_general3A {dimension_numbers = #tpu.dot_dimension_numbers<[1], [0], [0], [1], [0, 0, 1, 1], [], []>, transpose_lhs_hint = false} : vector<512x2048xf32>, vector<2048x64xf32>, vector<512x64xf32> -> vector<512x64xf32>
    %get3A_6 = arith.constant 0 : index
    %get3A_7 = arith.constant 0 : index
    %get3A_8 = vector.load %arg3[%get3A_6, %get3A_7] : memref<1x64xf32, #tpu.memory_space<vmem>>, vector<1x64xf32>
    %add3A = vector.broadcast %get3A_8 : vector<1x64xf32> to vector<512x64xf32>
    %add3A_9 = arith.addf %dot_general3A_5, %add3A : vector<512x64xf32>
    %max3A = arith.constant 0.000000e+00 : f32
    %max3A_10 = vector.broadcast %max3A : f32 to vector<512x64xf32>
    %max3A_11 = arith.maximumf %add3A_9, %max3A_10 : vector<512x64xf32>
    %swap3A = arith.constant 0 : index
    %swap3A_12 = arith.constant 0 : index
    %swap3A_13 = vector.load %arg4[%swap3A, %swap3A_12] : memref<512x64xf32, #tpu.memory_space<vmem>>, vector<512x64xf32>
    tpu.vector_store %arg4[%swap3A, %swap3A_12], %max3A_11 {strides = array<i32>} : memref<512x64xf32, #tpu.memory_space<vmem>>, vector<512x64xf32>,
    return
  }
  func.func @transform_0(%arg0: i32) -> (i32, i32) {
    %c0_i32 = arith.constant 0 : i32
    %c0_i32_0 = arith.constant 0 : i32
    return %arg0, %c0_i32 : i32, i32
  }
  func.func @transform_1(%arg0: i32) -> (i32, i32) {
    %c0_i32 = arith.constant 0 : i32
    %c0_i32_0 = arith.constant 0 : i32
    %c0_i32_1 = arith.constant 0 : i32
    return %c0_i32, %c0_i32_0 : i32, i32
  }
  func.func @transform_2(%arg0: i32) -> (i32, i32) {
    %c0_i32 = arith.constant 0 : i32
    %c0_i32_0 = arith.constant 0 : i32
    %c0_i32_1 = arith.constant 0 : i32
    return %c0_i32, %c0_i32_0 : i32, i32
  }
  func.func @transform_3(%arg0: i32) -> (i32, i32) {
    %c0_i32 = arith.constant 0 : i32
    %c0_i32_0 = arith.constant 0 : i32
    return %arg0, %c0_i32 : i32, i32
  }
}

module attributes {stable_mosaic.version = 14 : i64} {
  func.func @_gat_mlp_kernel(%arg0: i32, %arg1: memref<2048x64xf32, #tpu.memory_space<vmem>>, %arg2: memref<4x64x64xf32, #tpu.memory_space<vmem>>, %arg3: memref<4x128xf32, #tpu.memory_space<vmem>>, %arg4: memref<128x64xf32, #tpu.memory_space<vmem>>, %arg5: memref<1x64xf32, #tpu.memory_space<vmem>>, %arg6: memref<64x64xf32, #tpu.memory_space<vmem>>, %arg7: memref<1x64xf32, #tpu.memory_space<vmem>>, %arg8: memref<512x64xf32, #tpu.memory_space<vmem>>) attributes {dimension_semantics = [#tpu.dimension_semantics<arbitrary>], iteration_bounds = array<i64: 4>, scalar_prefetch = 0 : i64, scratch_operands = 0 : i64, tpu.core_type = #tpu.core_type<tc>, window_params = [{pipeline_mode = #tpu.pipeline_mode<synchronous>, transform_indices = @transform_0, window_bounds = array<i64: 2048, 64>}, {pipeline_mode = #tpu.pipeline_mode<synchronous>, transform_indices = @transform_1, window_bounds = array<i64: 4, 64, 64>}, {pipeline_mode = #tpu.pipeline_mode<synchronous>, transform_indices = @transform_2, window_bounds = array<i64: 4, 128>}, {pipeline_mode = #tpu.pipeline_mode<synchronous>, transform_indices = @transform_3, window_bounds = array<i64: 128, 64>}, {pipeline_mode = #tpu.pipeline_mode<synchronous>, transform_indices = @transform_4, window_bounds = array<i64: 1, 64>}, {pipeline_mode = #tpu.pipeline_mode<synchronous>, transform_indices = @transform_5, window_bounds = array<i64: 64, 64>}, {pipeline_mode = #tpu.pipeline_mode<synchronous>, transform_indices = @transform_6, window_bounds = array<i64: 1, 64>}, {transform_indices = @transform_7, window_bounds = array<i64: 512, 64>}]} {
    %get3A = arith.constant 0 : index
    %get3A_0 = arith.constant 0 : index
    %get3A_1 = vector.load %arg1[%get3A, %get3A_0] : memref<2048x64xf32, #tpu.memory_space<vmem>>, vector<2048x64xf32>
    %mul3A = arith.constant 512 : i32
    %mul3A_2 = arith.muli %arg0, %mul3A : i32
    %get3A_3 = arith.index_cast %mul3A_2 : i32 to index
    %get3A_4 = arith.constant 0 : index
    %get3A_5 = vector.load %arg1[%get3A_3, %get3A_4] : memref<2048x64xf32, #tpu.memory_space<vmem>>, vector<512x64xf32>
    %get3A_6 = arith.constant 0 : index
    %get3A_7 = arith.constant 0 : index
    %get3A_8 = arith.constant 0 : index
    %get3A_9 = vector.load %arg2[%get3A_6, %get3A_7, %get3A_8] : memref<4x64x64xf32, #tpu.memory_space<vmem>>, vector<4x64x64xf32>
    %get3A_10 = arith.constant 0 : index
    %get3A_11 = arith.constant 0 : index
    %get3A_12 = vector.load %arg3[%get3A_10, %get3A_11] : memref<4x128xf32, #tpu.memory_space<vmem>>, vector<4x128xf32>
    %slice3A = vector.extract_strided_slice %get3A_12 {offsets = [0, 0], sizes = [4, 64], strides = [1, 1]} : vector<4x128xf32> to vector<4x64xf32>
    %slice3A_13 = vector.extract_strided_slice %get3A_12 {offsets = [0, 64], sizes = [4, 64], strides = [1, 1]} : vector<4x128xf32> to vector<4x64xf32>
    %broadcast_in_dim3A = arith.constant 0.000000e+00 : f32
    %broadcast_in_dim3A_14 = vector.broadcast %broadcast_in_dim3A : f32 to vector<512x64xf32>
    %slice3A_15 = vector.extract_strided_slice %get3A_9 {offsets = [0, 0, 0], sizes = [1, 64, 64], strides = [1, 1, 1]} : vector<4x64x64xf32> to vector<1x64x64xf32>
    %squeeze3A = vector.shape_cast %slice3A_15 : vector<1x64x64xf32> to vector<64x64xf32>
    %dot_general3A = arith.constant dense<0.000000e+00> : vector<2048x64xf32>
    %dot_general3A_16 = tpu.matmul %get3A_1, %squeeze3A, %dot_general3A {dimension_numbers = #tpu.dot_dimension_numbers<[1], [0], [0], [1], [0, 0, 1, 1], [], []>, transpose_lhs_hint = false} : vector<2048x64xf32>, vector<64x64xf32>, vector<2048x64xf32> -> vector<2048x64xf32>
    %slice3A_17 = vector.extract_strided_slice %get3A_9 {offsets = [0, 0, 0], sizes = [1, 64, 64], strides = [1, 1, 1]} : vector<4x64x64xf32> to vector<1x64x64xf32>
    %squeeze3A_18 = vector.shape_cast %slice3A_17 : vector<1x64x64xf32> to vector<64x64xf32>
    %dot_general3A_19 = arith.constant dense<0.000000e+00> : vector<512x64xf32>
    %dot_general3A_20 = tpu.matmul %get3A_5, %squeeze3A_18, %dot_general3A_19 {dimension_numbers = #tpu.dot_dimension_numbers<[1], [0], [0], [1], [0, 0, 1, 1], [], []>, transpose_lhs_hint = false} : vector<512x64xf32>, vector<64x64xf32>, vector<512x64xf32> -> vector<512x64xf32>
    %slice3A_21 = vector.extract_strided_slice %slice3A_13 {offsets = [0, 0], sizes = [1, 64], strides = [1, 1]} : vector<4x64xf32> to vector<1x64xf32>
    %dot_general3A_22 = arith.constant dense<0.000000e+00> : vector<1x2048xf32>
    %dot_general3A_23 = tpu.matmul %slice3A_21, %dot_general3A_16, %dot_general3A_22 {dimension_numbers = #tpu.dot_dimension_numbers<[1], [1], [0], [0], [0, 0, 1, 0], [], []>, transpose_lhs_hint = false} : vector<1x64xf32>, vector<2048x64xf32>, vector<1x2048xf32> -> vector<1x2048xf32>
    %slice3A_24 = vector.extract_strided_slice %slice3A {offsets = [0, 0], sizes = [1, 64], strides = [1, 1]} : vector<4x64xf32> to vector<1x64xf32>
    %dot_general3A_25 = arith.constant dense<0.000000e+00> : vector<512x1xf32>
    %dot_general3A_26 = tpu.matmul %dot_general3A_20, %slice3A_24, %dot_general3A_25 {dimension_numbers = #tpu.dot_dimension_numbers<[1], [1], [0], [0], [0, 0, 1, 0], [], []>, transpose_lhs_hint = false} : vector<512x64xf32>, vector<1x64xf32>, vector<512x1xf32> -> vector<512x1xf32>
    %reduce_max3A = arith.constant dense<0xFF800000> : vector<1xf32>
    %reduce_max3A_27 = vector.multi_reduction <maximumf>, %dot_general3A_23, %reduce_max3A [1] : vector<1x2048xf32> to vector<1xf32>
    %broadcast_in_dim3A_28 = vector.shape_cast %reduce_max3A_27 : vector<1xf32> to vector<1x1xf32>
    %add3A = vector.broadcast %broadcast_in_dim3A_28 : vector<1x1xf32> to vector<512x1xf32>
    %add3A_29 = arith.addf %dot_general3A_26, %add3A : vector<512x1xf32>
    %mul3A_30 = arith.constant 0.00999999977 : f32
    %mul3A_31 = vector.broadcast %mul3A_30 : f32 to vector<512x1xf32>
    %mul3A_32 = arith.mulf %mul3A_31, %add3A_29 : vector<512x1xf32>
    %max3A = arith.maximumf %add3A_29, %mul3A_32 : vector<512x1xf32>
    %sub3A = arith.subf %dot_general3A_26, %max3A : vector<512x1xf32>
    %add3A_33 = vector.broadcast %sub3A : vector<512x1xf32> to vector<512x2048xf32>
    %add3A_34 = vector.broadcast %dot_general3A_23 : vector<1x2048xf32> to vector<512x2048xf32>
    %add3A_35 = arith.addf %add3A_33, %add3A_34 : vector<512x2048xf32>
    %mul3A_36 = arith.constant 0.00999999977 : f32
    %mul3A_37 = vector.broadcast %mul3A_36 : f32 to vector<512x1xf32>
    %mul3A_38 = arith.mulf %mul3A_37, %dot_general3A_26 : vector<512x1xf32>
    %sub3A_39 = arith.subf %mul3A_38, %max3A : vector<512x1xf32>
    %mul3A_40 = arith.constant 0.00999999977 : f32
    %mul3A_41 = vector.broadcast %mul3A_40 : f32 to vector<1x2048xf32>
    %mul3A_42 = arith.mulf %mul3A_41, %dot_general3A_23 : vector<1x2048xf32>
    %add3A_43 = vector.broadcast %sub3A_39 : vector<512x1xf32> to vector<512x2048xf32>
    %add3A_44 = vector.broadcast %mul3A_42 : vector<1x2048xf32> to vector<512x2048xf32>
    %add3A_45 = arith.addf %add3A_43, %add3A_44 : vector<512x2048xf32>
    %max3A_46 = arith.maximumf %add3A_35, %add3A_45 : vector<512x2048xf32>
    %exp3A = math.exp %max3A_46 : vector<512x2048xf32>
    %reduce_sum3A = arith.constant dense<0.000000e+00> : vector<512xf32>
    %reduce_sum3A_47 = vector.multi_reduction <add>, %exp3A, %reduce_sum3A [1] : vector<512x2048xf32> to vector<512xf32>
    %broadcast_in_dim3A_48 = vector.shape_cast %reduce_sum3A_47 : vector<512xf32> to vector<512x1xf32>
    %dot_general3A_49 = arith.constant dense<0.000000e+00> : vector<512x64xf32>
    %dot_general3A_50 = tpu.matmul %exp3A, %dot_general3A_16, %dot_general3A_49 {dimension_numbers = #tpu.dot_dimension_numbers<[1], [0], [0], [1], [0, 0, 1, 1], [], []>, transpose_lhs_hint = false} : vector<512x2048xf32>, vector<2048x64xf32>, vector<512x64xf32> -> vector<512x64xf32>
    %div3A = vector.broadcast %broadcast_in_dim3A_48 : vector<512x1xf32> to vector<512x64xf32>
    %div3A_51 = arith.divf %dot_general3A_50, %div3A : vector<512x64xf32>
    %add3A_52 = arith.addf %broadcast_in_dim3A_14, %div3A_51 : vector<512x64xf32>
    %slice3A_53 = vector.extract_strided_slice %get3A_9 {offsets = [1, 0, 0], sizes = [1, 64, 64], strides = [1, 1, 1]} : vector<4x64x64xf32> to vector<1x64x64xf32>
    %squeeze3A_54 = vector.shape_cast %slice3A_53 : vector<1x64x64xf32> to vector<64x64xf32>
    %dot_general3A_55 = arith.constant dense<0.000000e+00> : vector<2048x64xf32>
    %dot_general3A_56 = tpu.matmul %get3A_1, %squeeze3A_54, %dot_general3A_55 {dimension_numbers = #tpu.dot_dimension_numbers<[1], [0], [0], [1], [0, 0, 1, 1], [], []>, transpose_lhs_hint = false} : vector<2048x64xf32>, vector<64x64xf32>, vector<2048x64xf32> -> vector<2048x64xf32>
    %slice3A_57 = vector.extract_strided_slice %get3A_9 {offsets = [1, 0, 0], sizes = [1, 64, 64], strides = [1, 1, 1]} : vector<4x64x64xf32> to vector<1x64x64xf32>
    %squeeze3A_58 = vector.shape_cast %slice3A_57 : vector<1x64x64xf32> to vector<64x64xf32>
    %dot_general3A_59 = arith.constant dense<0.000000e+00> : vector<512x64xf32>
    %dot_general3A_60 = tpu.matmul %get3A_5, %squeeze3A_58, %dot_general3A_59 {dimension_numbers = #tpu.dot_dimension_numbers<[1], [0], [0], [1], [0, 0, 1, 1], [], []>, transpose_lhs_hint = false} : vector<512x64xf32>, vector<64x64xf32>, vector<512x64xf32> -> vector<512x64xf32>
    %slice3A_61 = vector.extract_strided_slice %slice3A_13 {offsets = [1, 0], sizes = [1, 64], strides = [1, 1]} : vector<4x64xf32> to vector<1x64xf32>
    %dot_general3A_62 = arith.constant dense<0.000000e+00> : vector<1x2048xf32>
    %dot_general3A_63 = tpu.matmul %slice3A_61, %dot_general3A_56, %dot_general3A_62 {dimension_numbers = #tpu.dot_dimension_numbers<[1], [1], [0], [0], [0, 0, 1, 0], [], []>, transpose_lhs_hint = false} : vector<1x64xf32>, vector<2048x64xf32>, vector<1x2048xf32> -> vector<1x2048xf32>
    %slice3A_64 = vector.extract_strided_slice %slice3A {offsets = [1, 0], sizes = [1, 64], strides = [1, 1]} : vector<4x64xf32> to vector<1x64xf32>
    %dot_general3A_65 = arith.constant dense<0.000000e+00> : vector<512x1xf32>
    %dot_general3A_66 = tpu.matmul %dot_general3A_60, %slice3A_64, %dot_general3A_65 {dimension_numbers = #tpu.dot_dimension_numbers<[1], [1], [0], [0], [0, 0, 1, 0], [], []>, transpose_lhs_hint = false} : vector<512x64xf32>, vector<1x64xf32>, vector<512x1xf32> -> vector<512x1xf32>
    %reduce_max3A_67 = arith.constant dense<0xFF800000> : vector<1xf32>
    %reduce_max3A_68 = vector.multi_reduction <maximumf>, %dot_general3A_63, %reduce_max3A_67 [1] : vector<1x2048xf32> to vector<1xf32>
    %broadcast_in_dim3A_69 = vector.shape_cast %reduce_max3A_68 : vector<1xf32> to vector<1x1xf32>
    %add3A_70 = vector.broadcast %broadcast_in_dim3A_69 : vector<1x1xf32> to vector<512x1xf32>
    %add3A_71 = arith.addf %dot_general3A_66, %add3A_70 : vector<512x1xf32>
    %mul3A_72 = arith.constant 0.00999999977 : f32
    %mul3A_73 = vector.broadcast %mul3A_72 : f32 to vector<512x1xf32>
    %mul3A_74 = arith.mulf %mul3A_73, %add3A_71 : vector<512x1xf32>
    %max3A_75 = arith.maximumf %add3A_71, %mul3A_74 : vector<512x1xf32>
    %sub3A_76 = arith.subf %dot_general3A_66, %max3A_75 : vector<512x1xf32>
    %add3A_77 = vector.broadcast %sub3A_76 : vector<512x1xf32> to vector<512x2048xf32>
    %add3A_78 = vector.broadcast %dot_general3A_63 : vector<1x2048xf32> to vector<512x2048xf32>
    %add3A_79 = arith.addf %add3A_77, %add3A_78 : vector<512x2048xf32>
    %mul3A_80 = arith.constant 0.00999999977 : f32
    %mul3A_81 = vector.broadcast %mul3A_80 : f32 to vector<512x1xf32>
    %mul3A_82 = arith.mulf %mul3A_81, %dot_general3A_66 : vector<512x1xf32>
    %sub3A_83 = arith.subf %mul3A_82, %max3A_75 : vector<512x1xf32>
    %mul3A_84 = arith.constant 0.00999999977 : f32
    %mul3A_85 = vector.broadcast %mul3A_84 : f32 to vector<1x2048xf32>
    %mul3A_86 = arith.mulf %mul3A_85, %dot_general3A_63 : vector<1x2048xf32>
    %add3A_87 = vector.broadcast %sub3A_83 : vector<512x1xf32> to vector<512x2048xf32>
    %add3A_88 = vector.broadcast %mul3A_86 : vector<1x2048xf32> to vector<512x2048xf32>
    %add3A_89 = arith.addf %add3A_87, %add3A_88 : vector<512x2048xf32>
    %max3A_90 = arith.maximumf %add3A_79, %add3A_89 : vector<512x2048xf32>
    %exp3A_91 = math.exp %max3A_90 : vector<512x2048xf32>
    %reduce_sum3A_92 = arith.constant dense<0.000000e+00> : vector<512xf32>
    %reduce_sum3A_93 = vector.multi_reduction <add>, %exp3A_91, %reduce_sum3A_92 [1] : vector<512x2048xf32> to vector<512xf32>
    %broadcast_in_dim3A_94 = vector.shape_cast %reduce_sum3A_93 : vector<512xf32> to vector<512x1xf32>
    %dot_general3A_95 = arith.constant dense<0.000000e+00> : vector<512x64xf32>
    %dot_general3A_96 = tpu.matmul %exp3A_91, %dot_general3A_56, %dot_general3A_95 {dimension_numbers = #tpu.dot_dimension_numbers<[1], [0], [0], [1], [0, 0, 1, 1], [], []>, transpose_lhs_hint = false} : vector<512x2048xf32>, vector<2048x64xf32>, vector<512x64xf32> -> vector<512x64xf32>
    %div3A_97 = vector.broadcast %broadcast_in_dim3A_94 : vector<512x1xf32> to vector<512x64xf32>
    %div3A_98 = arith.divf %dot_general3A_96, %div3A_97 : vector<512x64xf32>
    %add3A_99 = arith.addf %add3A_52, %div3A_98 : vector<512x64xf32>
    %slice3A_100 = vector.extract_strided_slice %get3A_9 {offsets = [2, 0, 0], sizes = [1, 64, 64], strides = [1, 1, 1]} : vector<4x64x64xf32> to vector<1x64x64xf32>
    %squeeze3A_101 = vector.shape_cast %slice3A_100 : vector<1x64x64xf32> to vector<64x64xf32>
    %dot_general3A_102 = arith.constant dense<0.000000e+00> : vector<2048x64xf32>
    %dot_general3A_103 = tpu.matmul %get3A_1, %squeeze3A_101, %dot_general3A_102 {dimension_numbers = #tpu.dot_dimension_numbers<[1], [0], [0], [1], [0, 0, 1, 1], [], []>, transpose_lhs_hint = false} : vector<2048x64xf32>, vector<64x64xf32>, vector<2048x64xf32> -> vector<2048x64xf32>
    %slice3A_104 = vector.extract_strided_slice %get3A_9 {offsets = [2, 0, 0], sizes = [1, 64, 64], strides = [1, 1, 1]} : vector<4x64x64xf32> to vector<1x64x64xf32>
    %squeeze3A_105 = vector.shape_cast %slice3A_104 : vector<1x64x64xf32> to vector<64x64xf32>
    %dot_general3A_106 = arith.constant dense<0.000000e+00> : vector<512x64xf32>
    %dot_general3A_107 = tpu.matmul %get3A_5, %squeeze3A_105, %dot_general3A_106 {dimension_numbers = #tpu.dot_dimension_numbers<[1], [0], [0], [1], [0, 0, 1, 1], [], []>, transpose_lhs_hint = false} : vector<512x64xf32>, vector<64x64xf32>, vector<512x64xf32> -> vector<512x64xf32>
    %slice3A_108 = vector.extract_strided_slice %slice3A_13 {offsets = [2, 0], sizes = [1, 64], strides = [1, 1]} : vector<4x64xf32> to vector<1x64xf32>
    %dot_general3A_109 = arith.constant dense<0.000000e+00> : vector<1x2048xf32>
    %dot_general3A_110 = tpu.matmul %slice3A_108, %dot_general3A_103, %dot_general3A_109 {dimension_numbers = #tpu.dot_dimension_numbers<[1], [1], [0], [0], [0, 0, 1, 0], [], []>, transpose_lhs_hint = false} : vector<1x64xf32>, vector<2048x64xf32>, vector<1x2048xf32> -> vector<1x2048xf32>
    %slice3A_111 = vector.extract_strided_slice %slice3A {offsets = [2, 0], sizes = [1, 64], strides = [1, 1]} : vector<4x64xf32> to vector<1x64xf32>
    %dot_general3A_112 = arith.constant dense<0.000000e+00> : vector<512x1xf32>
    %dot_general3A_113 = tpu.matmul %dot_general3A_107, %slice3A_111, %dot_general3A_112 {dimension_numbers = #tpu.dot_dimension_numbers<[1], [1], [0], [0], [0, 0, 1, 0], [], []>, transpose_lhs_hint = false} : vector<512x64xf32>, vector<1x64xf32>, vector<512x1xf32> -> vector<512x1xf32>
    %reduce_max3A_114 = arith.constant dense<0xFF800000> : vector<1xf32>
    %reduce_max3A_115 = vector.multi_reduction <maximumf>, %dot_general3A_110, %reduce_max3A_114 [1] : vector<1x2048xf32> to vector<1xf32>
    %broadcast_in_dim3A_116 = vector.shape_cast %reduce_max3A_115 : vector<1xf32> to vector<1x1xf32>
    %add3A_117 = vector.broadcast %broadcast_in_dim3A_116 : vector<1x1xf32> to vector<512x1xf32>
    %add3A_118 = arith.addf %dot_general3A_113, %add3A_117 : vector<512x1xf32>
    %mul3A_119 = arith.constant 0.00999999977 : f32
    %mul3A_120 = vector.broadcast %mul3A_119 : f32 to vector<512x1xf32>
    %mul3A_121 = arith.mulf %mul3A_120, %add3A_118 : vector<512x1xf32>
    %max3A_122 = arith.maximumf %add3A_118, %mul3A_121 : vector<512x1xf32>
    %sub3A_123 = arith.subf %dot_general3A_113, %max3A_122 : vector<512x1xf32>
    %add3A_124 = vector.broadcast %sub3A_123 : vector<512x1xf32> to vector<512x2048xf32>
    %add3A_125 = vector.broadcast %dot_general3A_110 : vector<1x2048xf32> to vector<512x2048xf32>
    %add3A_126 = arith.addf %add3A_124, %add3A_125 : vector<512x2048xf32>
    %mul3A_127 = arith.constant 0.00999999977 : f32
    %mul3A_128 = vector.broadcast %mul3A_127 : f32 to vector<512x1xf32>
    %mul3A_129 = arith.mulf %mul3A_128, %dot_general3A_113 : vector<512x1xf32>
    %sub3A_130 = arith.subf %mul3A_129, %max3A_122 : vector<512x1xf32>
    %mul3A_131 = arith.constant 0.00999999977 : f32
    %mul3A_132 = vector.broadcast %mul3A_131 : f32 to vector<1x2048xf32>
    %mul3A_133 = arith.mulf %mul3A_132, %dot_general3A_110 : vector<1x2048xf32>
    %add3A_134 = vector.broadcast %sub3A_130 : vector<512x1xf32> to vector<512x2048xf32>
    %add3A_135 = vector.broadcast %mul3A_133 : vector<1x2048xf32> to vector<512x2048xf32>
    %add3A_136 = arith.addf %add3A_134, %add3A_135 : vector<512x2048xf32>
    %max3A_137 = arith.maximumf %add3A_126, %add3A_136 : vector<512x2048xf32>
    %exp3A_138 = math.exp %max3A_137 : vector<512x2048xf32>
    %reduce_sum3A_139 = arith.constant dense<0.000000e+00> : vector<512xf32>
    %reduce_sum3A_140 = vector.multi_reduction <add>, %exp3A_138, %reduce_sum3A_139 [1] : vector<512x2048xf32> to vector<512xf32>
    %broadcast_in_dim3A_141 = vector.shape_cast %reduce_sum3A_140 : vector<512xf32> to vector<512x1xf32>
    %dot_general3A_142 = arith.constant dense<0.000000e+00> : vector<512x64xf32>
    %dot_general3A_143 = tpu.matmul %exp3A_138, %dot_general3A_103, %dot_general3A_142 {dimension_numbers = #tpu.dot_dimension_numbers<[1], [0], [0], [1], [0, 0, 1, 1], [], []>, transpose_lhs_hint = false} : vector<512x2048xf32>, vector<2048x64xf32>, vector<512x64xf32> -> vector<512x64xf32>
    %div3A_144 = vector.broadcast %broadcast_in_dim3A_141 : vector<512x1xf32> to vector<512x64xf32>
    %div3A_145 = arith.divf %dot_general3A_143, %div3A_144 : vector<512x64xf32>
    %add3A_146 = arith.addf %add3A_99, %div3A_145 : vector<512x64xf32>
    %slice3A_147 = vector.extract_strided_slice %get3A_9 {offsets = [3, 0, 0], sizes = [1, 64, 64], strides = [1, 1, 1]} : vector<4x64x64xf32> to vector<1x64x64xf32>
    %squeeze3A_148 = vector.shape_cast %slice3A_147 : vector<1x64x64xf32> to vector<64x64xf32>
    %dot_general3A_149 = arith.constant dense<0.000000e+00> : vector<2048x64xf32>
    %dot_general3A_150 = tpu.matmul %get3A_1, %squeeze3A_148, %dot_general3A_149 {dimension_numbers = #tpu.dot_dimension_numbers<[1], [0], [0], [1], [0, 0, 1, 1], [], []>, transpose_lhs_hint = false} : vector<2048x64xf32>, vector<64x64xf32>, vector<2048x64xf32> -> vector<2048x64xf32>
    %slice3A_151 = vector.extract_strided_slice %get3A_9 {offsets = [3, 0, 0], sizes = [1, 64, 64], strides = [1, 1, 1]} : vector<4x64x64xf32> to vector<1x64x64xf32>
    %squeeze3A_152 = vector.shape_cast %slice3A_151 : vector<1x64x64xf32> to vector<64x64xf32>
    %dot_general3A_153 = arith.constant dense<0.000000e+00> : vector<512x64xf32>
    %dot_general3A_154 = tpu.matmul %get3A_5, %squeeze3A_152, %dot_general3A_153 {dimension_numbers = #tpu.dot_dimension_numbers<[1], [0], [0], [1], [0, 0, 1, 1], [], []>, transpose_lhs_hint = false} : vector<512x64xf32>, vector<64x64xf32>, vector<512x64xf32> -> vector<512x64xf32>
    %slice3A_155 = vector.extract_strided_slice %slice3A_13 {offsets = [3, 0], sizes = [1, 64], strides = [1, 1]} : vector<4x64xf32> to vector<1x64xf32>
    %dot_general3A_156 = arith.constant dense<0.000000e+00> : vector<1x2048xf32>
    %dot_general3A_157 = tpu.matmul %slice3A_155, %dot_general3A_150, %dot_general3A_156 {dimension_numbers = #tpu.dot_dimension_numbers<[1], [1], [0], [0], [0, 0, 1, 0], [], []>, transpose_lhs_hint = false} : vector<1x64xf32>, vector<2048x64xf32>, vector<1x2048xf32> -> vector<1x2048xf32>
    %slice3A_158 = vector.extract_strided_slice %slice3A {offsets = [3, 0], sizes = [1, 64], strides = [1, 1]} : vector<4x64xf32> to vector<1x64xf32>
    %dot_general3A_159 = arith.constant dense<0.000000e+00> : vector<512x1xf32>
    %dot_general3A_160 = tpu.matmul %dot_general3A_154, %slice3A_158, %dot_general3A_159 {dimension_numbers = #tpu.dot_dimension_numbers<[1], [1], [0], [0], [0, 0, 1, 0], [], []>, transpose_lhs_hint = false} : vector<512x64xf32>, vector<1x64xf32>, vector<512x1xf32> -> vector<512x1xf32>
    %reduce_max3A_161 = arith.constant dense<0xFF800000> : vector<1xf32>
    %reduce_max3A_162 = vector.multi_reduction <maximumf>, %dot_general3A_157, %reduce_max3A_161 [1] : vector<1x2048xf32> to vector<1xf32>
    %broadcast_in_dim3A_163 = vector.shape_cast %reduce_max3A_162 : vector<1xf32> to vector<1x1xf32>
    %add3A_164 = vector.broadcast %broadcast_in_dim3A_163 : vector<1x1xf32> to vector<512x1xf32>
    %add3A_165 = arith.addf %dot_general3A_160, %add3A_164 : vector<512x1xf32>
    %mul3A_166 = arith.constant 0.00999999977 : f32
    %mul3A_167 = vector.broadcast %mul3A_166 : f32 to vector<512x1xf32>
    %mul3A_168 = arith.mulf %mul3A_167, %add3A_165 : vector<512x1xf32>
    %max3A_169 = arith.maximumf %add3A_165, %mul3A_168 : vector<512x1xf32>
    %sub3A_170 = arith.subf %dot_general3A_160, %max3A_169 : vector<512x1xf32>
    %add3A_171 = vector.broadcast %sub3A_170 : vector<512x1xf32> to vector<512x2048xf32>
    %add3A_172 = vector.broadcast %dot_general3A_157 : vector<1x2048xf32> to vector<512x2048xf32>
    %add3A_173 = arith.addf %add3A_171, %add3A_172 : vector<512x2048xf32>
    %mul3A_174 = arith.constant 0.00999999977 : f32
    %mul3A_175 = vector.broadcast %mul3A_174 : f32 to vector<512x1xf32>
    %mul3A_176 = arith.mulf %mul3A_175, %dot_general3A_160 : vector<512x1xf32>
    %sub3A_177 = arith.subf %mul3A_176, %max3A_169 : vector<512x1xf32>
    %mul3A_178 = arith.constant 0.00999999977 : f32
    %mul3A_179 = vector.broadcast %mul3A_178 : f32 to vector<1x2048xf32>
    %mul3A_180 = arith.mulf %mul3A_179, %dot_general3A_157 : vector<1x2048xf32>
    %add3A_181 = vector.broadcast %sub3A_177 : vector<512x1xf32> to vector<512x2048xf32>
    %add3A_182 = vector.broadcast %mul3A_180 : vector<1x2048xf32> to vector<512x2048xf32>
    %add3A_183 = arith.addf %add3A_181, %add3A_182 : vector<512x2048xf32>
    %max3A_184 = arith.maximumf %add3A_173, %add3A_183 : vector<512x2048xf32>
    %exp3A_185 = math.exp %max3A_184 : vector<512x2048xf32>
    %reduce_sum3A_186 = arith.constant dense<0.000000e+00> : vector<512xf32>
    %reduce_sum3A_187 = vector.multi_reduction <add>, %exp3A_185, %reduce_sum3A_186 [1] : vector<512x2048xf32> to vector<512xf32>
    %broadcast_in_dim3A_188 = vector.shape_cast %reduce_sum3A_187 : vector<512xf32> to vector<512x1xf32>
    %dot_general3A_189 = arith.constant dense<0.000000e+00> : vector<512x64xf32>
    %dot_general3A_190 = tpu.matmul %exp3A_185, %dot_general3A_150, %dot_general3A_189 {dimension_numbers = #tpu.dot_dimension_numbers<[1], [0], [0], [1], [0, 0, 1, 1], [], []>, transpose_lhs_hint = false} : vector<512x2048xf32>, vector<2048x64xf32>, vector<512x64xf32> -> vector<512x64xf32>
    %div3A_191 = vector.broadcast %broadcast_in_dim3A_188 : vector<512x1xf32> to vector<512x64xf32>
    %div3A_192 = arith.divf %dot_general3A_190, %div3A_191 : vector<512x64xf32>
    %add3A_193 = arith.addf %add3A_146, %div3A_192 : vector<512x64xf32>
    %mul3A_194 = arith.constant 2.500000e-01 : f32
    %mul3A_195 = vector.broadcast %mul3A_194 : f32 to vector<512x64xf32>
    %mul3A_196 = arith.mulf %add3A_193, %mul3A_195 : vector<512x64xf32>
    %concatenate3A = tpu.concatenate %get3A_5, %mul3A_196 in 1 : vector<512x64xf32>, vector<512x64xf32> -> vector<512x128xf32>
    %get3A_197 = arith.constant 0 : index
    %get3A_198 = arith.constant 0 : index
    %get3A_199 = vector.load %arg4[%get3A_197, %get3A_198] : memref<128x64xf32, #tpu.memory_space<vmem>>, vector<128x64xf32>
    %dot_general3A_200 = arith.constant dense<0.000000e+00> : vector<512x64xf32>
    %dot_general3A_201 = tpu.matmul %concatenate3A, %get3A_199, %dot_general3A_200 {dimension_numbers = #tpu.dot_dimension_numbers<[1], [0], [0], [1], [0, 0, 1, 1], [], []>, transpose_lhs_hint = false} : vector<512x128xf32>, vector<128x64xf32>, vector<512x64xf32> -> vector<512x64xf32>
    %get3A_202 = arith.constant 0 : index
    %get3A_203 = arith.constant 0 : index
    %get3A_204 = vector.load %arg5[%get3A_202, %get3A_203] : memref<1x64xf32, #tpu.memory_space<vmem>>, vector<1x64xf32>
    %add3A_205 = vector.broadcast %get3A_204 : vector<1x64xf32> to vector<512x64xf32>
    %add3A_206 = arith.addf %dot_general3A_201, %add3A_205 : vector<512x64xf32>
    %max3A_207 = arith.constant 0.000000e+00 : f32
    %max3A_208 = vector.broadcast %max3A_207 : f32 to vector<512x64xf32>
    %max3A_209 = arith.maximumf %add3A_206, %max3A_208 : vector<512x64xf32>
    %get3A_210 = arith.constant 0 : index
    %get3A_211 = arith.constant 0 : index
    %get3A_212 = vector.load %arg6[%get3A_210, %get3A_211] : memref<64x64xf32, #tpu.memory_space<vmem>>, vector<64x64xf32>
    %dot_general3A_213 = arith.constant dense<0.000000e+00> : vector<512x64xf32>
    %dot_general3A_214 = tpu.matmul %max3A_209, %get3A_212, %dot_general3A_213 {dimension_numbers = #tpu.dot_dimension_numbers<[1], [0], [0], [1], [0, 0, 1, 1], [], []>, transpose_lhs_hint = false} : vector<512x64xf32>, vector<64x64xf32>, vector<512x64xf32> -> vector<512x64xf32>
    %get3A_215 = arith.constant 0 : index
    %get3A_216 = arith.constant 0 : index
    %get3A_217 = vector.load %arg7[%get3A_215, %get3A_216] : memref<1x64xf32, #tpu.memory_space<vmem>>, vector<1x64xf32>
    %add3A_218 = vector.broadcast %get3A_217 : vector<1x64xf32> to vector<512x64xf32>
    %add3A_219 = arith.addf %dot_general3A_214, %add3A_218 : vector<512x64xf32>
    %reduce_max3A_220 = arith.constant dense<0xFF800000> : vector<512xf32>
    %reduce_max3A_221 = vector.multi_reduction <maximumf>, %add3A_219, %reduce_max3A_220 [1] : vector<512x64xf32> to vector<512xf32>
    %broadcast_in_dim3A_222 = vector.shape_cast %reduce_max3A_221 : vector<512xf32> to vector<512x1xf32>
    %sub3A_223 = vector.broadcast %broadcast_in_dim3A_222 : vector<512x1xf32> to vector<512x64xf32>
    %sub3A_224 = arith.subf %add3A_219, %sub3A_223 : vector<512x64xf32>
    %exp3A_225 = math.exp %sub3A_224 : vector<512x64xf32>
    %reduce_sum3A_226 = arith.constant dense<0.000000e+00> : vector<512xf32>
    %reduce_sum3A_227 = vector.multi_reduction <add>, %exp3A_225, %reduce_sum3A_226 [1] : vector<512x64xf32> to vector<512xf32>
    %broadcast_in_dim3A_228 = vector.shape_cast %reduce_sum3A_227 : vector<512xf32> to vector<512x1xf32>
    %div3A_229 = vector.broadcast %broadcast_in_dim3A_228 : vector<512x1xf32> to vector<512x64xf32>
    %div3A_230 = arith.divf %exp3A_225, %div3A_229 : vector<512x64xf32>
    %swap3A = arith.constant 0 : index
    %swap3A_231 = arith.constant 0 : index
    %swap3A_232 = vector.load %arg8[%swap3A, %swap3A_231] : memref<512x64xf32, #tpu.memory_space<vmem>>, vector<512x64xf32>
    tpu.vector_store %arg8[%swap3A, %swap3A_231], %div3A_230 {strides = array<i32>} : memref<512x64xf32, #tpu.memory_space<vmem>>, vector<512x64xf32>,
    return
  }
  func.func @transform_0(%arg0: i32) -> (i32, i32) {
    %c0_i32 = arith.constant 0 : i32
    %c0_i32_0 = arith.constant 0 : i32
    %c0_i32_1 = arith.constant 0 : i32
    return %c0_i32, %c0_i32_0 : i32, i32
  }
  func.func @transform_1(%arg0: i32) -> (i32, i32, i32) {
    %c0_i32 = arith.constant 0 : i32
    %c0_i32_0 = arith.constant 0 : i32
    %c0_i32_1 = arith.constant 0 : i32
    %c0_i32_2 = arith.constant 0 : i32
    return %c0_i32, %c0_i32_0, %c0_i32_1 : i32, i32, i32
  }
  func.func @transform_2(%arg0: i32) -> (i32, i32) {
    %c0_i32 = arith.constant 0 : i32
    %c0_i32_0 = arith.constant 0 : i32
    %c0_i32_1 = arith.constant 0 : i32
    return %c0_i32, %c0_i32_0 : i32, i32
  }
  func.func @transform_3(%arg0: i32) -> (i32, i32) {
    %c0_i32 = arith.constant 0 : i32
    %c0_i32_0 = arith.constant 0 : i32
    %c0_i32_1 = arith.constant 0 : i32
    return %c0_i32, %c0_i32_0 : i32, i32
  }
  func.func @transform_4(%arg0: i32) -> (i32, i32) {
    %c0_i32 = arith.constant 0 : i32
    %c0_i32_0 = arith.constant 0 : i32
    %c0_i32_1 = arith.constant 0 : i32
    return %c0_i32, %c0_i32_0 : i32, i32
  }
  func.func @transform_5(%arg0: i32) -> (i32, i32) {
    %c0_i32 = arith.constant 0 : i32
    %c0_i32_0 = arith.constant 0 : i32
    %c0_i32_1 = arith.constant 0 : i32
    return %c0_i32, %c0_i32_0 : i32, i32
  }
  func.func @transform_6(%arg0: i32) -> (i32, i32) {
    %c0_i32 = arith.constant 0 : i32
    %c0_i32_0 = arith.constant 0 : i32
    %c0_i32_1 = arith.constant 0 : i32
    return %c0_i32, %c0_i32_0 : i32, i32
  }
  func.func @transform_7(%arg0: i32) -> (i32, i32) {
    %c0_i32 = arith.constant 0 : i32
    %c0_i32_0 = arith.constant 0 : i32
    return %arg0, %c0_i32 : i32, i32
  }
}

module attributes {stable_mosaic.version = 14 : i64} {
  func.func @_mm_kernel(%arg0: memref<2048x256xf32, #tpu.memory_space<vmem>>, %arg1: memref<256x64xf32, #tpu.memory_space<vmem>>, %arg2: memref<2048x64xf32, #tpu.memory_space<vmem>>) attributes {dimension_semantics = [], scalar_prefetch = 0 : i64, scratch_operands = 0 : i64, tpu.core_type = #tpu.core_type<tc>} {
    %get3A = arith.constant 0 : index
    %get3A_0 = arith.constant 0 : index
    %get3A_1 = vector.load %arg0[%get3A, %get3A_0] : memref<2048x256xf32, #tpu.memory_space<vmem>>, vector<2048x256xf32>
    %get3A_2 = arith.constant 0 : index
    %get3A_3 = arith.constant 0 : index
    %get3A_4 = vector.load %arg1[%get3A_2, %get3A_3] : memref<256x64xf32, #tpu.memory_space<vmem>>, vector<256x64xf32>
    %dot_general3A = arith.constant dense<0.000000e+00> : vector<2048x64xf32>
    %dot_general3A_5 = tpu.matmul %get3A_1, %get3A_4, %dot_general3A {dimension_numbers = #tpu.dot_dimension_numbers<[1], [0], [0], [1], [0, 0, 1, 1], [], []>, transpose_lhs_hint = false} : vector<2048x256xf32>, vector<256x64xf32>, vector<2048x64xf32> -> vector<2048x64xf32>
    %swap3A = arith.constant 0 : index
    %swap3A_6 = arith.constant 0 : index
    %swap3A_7 = vector.load %arg2[%swap3A, %swap3A_6] : memref<2048x64xf32, #tpu.memory_space<vmem>>, vector<2048x64xf32>
    tpu.vector_store %arg2[%swap3A, %swap3A_6], %dot_general3A_5 {strides = array<i32>} : memref<2048x64xf32, #tpu.memory_space<vmem>>, vector<2048x64xf32>,
    return
  }
}

module attributes {stable_mosaic.version = 14 : i64} {
  func.func @_layer1_kernel(%arg0: i32, %arg1: memref<512x2048xf32, #tpu.memory_space<vmem>>, %arg2: memref<2048x64xf32, #tpu.memory_space<vmem>>, %arg3: memref<1x64xf32, #tpu.memory_space<vmem>>, %arg4: memref<64x64xf32, #tpu.memory_space<vmem>>, %arg5: memref<512x64xf32, #tpu.memory_space<vmem>>) attributes {dimension_semantics = [#tpu.dimension_semantics<arbitrary>], iteration_bounds = array<i64: 4>, scalar_prefetch = 0 : i64, scratch_operands = 0 : i64, tpu.core_type = #tpu.core_type<tc>, window_params = [{transform_indices = @transform_0, window_bounds = array<i64: 512, 2048>}, {pipeline_mode = #tpu.pipeline_mode<synchronous>, transform_indices = @transform_1, window_bounds = array<i64: 2048, 64>}, {pipeline_mode = #tpu.pipeline_mode<synchronous>, transform_indices = @transform_2, window_bounds = array<i64: 1, 64>}, {pipeline_mode = #tpu.pipeline_mode<synchronous>, transform_indices = @transform_3, window_bounds = array<i64: 64, 64>}, {transform_indices = @transform_4, window_bounds = array<i64: 512, 64>}]} {
    %get3A = arith.constant 0 : index
    %get3A_0 = arith.constant 0 : index
    %get3A_1 = vector.load %arg1[%get3A, %get3A_0] : memref<512x2048xf32, #tpu.memory_space<vmem>>, vector<512x2048xf32>
    %get3A_2 = arith.constant 0 : index
    %get3A_3 = arith.constant 0 : index
    %get3A_4 = vector.load %arg2[%get3A_2, %get3A_3] : memref<2048x64xf32, #tpu.memory_space<vmem>>, vector<2048x64xf32>
    %dot_general3A = arith.constant dense<0.000000e+00> : vector<512x64xf32>
    %dot_general3A_5 = tpu.matmul %get3A_1, %get3A_4, %dot_general3A {dimension_numbers = #tpu.dot_dimension_numbers<[1], [0], [0], [1], [0, 0, 1, 1], [], []>, transpose_lhs_hint = false} : vector<512x2048xf32>, vector<2048x64xf32>, vector<512x64xf32> -> vector<512x64xf32>
    %get3A_6 = arith.constant 0 : index
    %get3A_7 = arith.constant 0 : index
    %get3A_8 = vector.load %arg3[%get3A_6, %get3A_7] : memref<1x64xf32, #tpu.memory_space<vmem>>, vector<1x64xf32>
    %add3A = vector.broadcast %get3A_8 : vector<1x64xf32> to vector<512x64xf32>
    %add3A_9 = arith.addf %dot_general3A_5, %add3A : vector<512x64xf32>
    %max3A = arith.constant 0.000000e+00 : f32
    %max3A_10 = vector.broadcast %max3A : f32 to vector<512x64xf32>
    %max3A_11 = arith.maximumf %add3A_9, %max3A_10 : vector<512x64xf32>
    %get3A_12 = arith.constant 0 : index
    %get3A_13 = arith.constant 0 : index
    %get3A_14 = vector.load %arg4[%get3A_12, %get3A_13] : memref<64x64xf32, #tpu.memory_space<vmem>>, vector<64x64xf32>
    %dot_general3A_15 = arith.constant dense<0.000000e+00> : vector<512x64xf32>
    %dot_general3A_16 = tpu.matmul %max3A_11, %get3A_14, %dot_general3A_15 {dimension_numbers = #tpu.dot_dimension_numbers<[1], [0], [0], [1], [0, 0, 1, 1], [], []>, transpose_lhs_hint = false} : vector<512x64xf32>, vector<64x64xf32>, vector<512x64xf32> -> vector<512x64xf32>
    %swap3A = arith.constant 0 : index
    %swap3A_17 = arith.constant 0 : index
    %swap3A_18 = vector.load %arg5[%swap3A, %swap3A_17] : memref<512x64xf32, #tpu.memory_space<vmem>>, vector<512x64xf32>
    tpu.vector_store %arg5[%swap3A, %swap3A_17], %dot_general3A_16 {strides = array<i32>} : memref<512x64xf32, #tpu.memory_space<vmem>>, vector<512x64xf32>,
    return
  }
  func.func @transform_0(%arg0: i32) -> (i32, i32) {
    %c0_i32 = arith.constant 0 : i32
    %c0_i32_0 = arith.constant 0 : i32
    return %arg0, %c0_i32 : i32, i32
  }
  func.func @transform_1(%arg0: i32) -> (i32, i32) {
    %c0_i32 = arith.constant 0 : i32
    %c0_i32_0 = arith.constant 0 : i32
    %c0_i32_1 = arith.constant 0 : i32
    return %c0_i32, %c0_i32_0 : i32, i32
  }
  func.func @transform_2(%arg0: i32) -> (i32, i32) {
    %c0_i32 = arith.constant 0 : i32
    %c0_i32_0 = arith.constant 0 : i32
    %c0_i32_1 = arith.constant 0 : i32
    return %c0_i32, %c0_i32_0 : i32, i32
  }
  func.func @transform_3(%arg0: i32) -> (i32, i32) {
    %c0_i32 = arith.constant 0 : i32
    %c0_i32_0 = arith.constant 0 : i32
    %c0_i32_1 = arith.constant 0 : i32
    return %c0_i32, %c0_i32_0 : i32, i32
  }
  func.func @transform_4(%arg0: i32) -> (i32, i32) {
    %c0_i32 = arith.constant 0 : i32
    %c0_i32_0 = arith.constant 0 : i32
    return %arg0, %c0_i32 : i32, i32
  }
}

</mosaic_0001>

<sc_bundles>
// kernel: kernel.7.cloned.1.call-start
scs
__scs_entry_jumppad:
0x0: {  	(pc) =	sbr.rel $0x88, $3  }
0x1: {  	(tag) =	ssettag $0x0;
	lr =	simm.s32 $0x1  }
0x2: {  	[smem:$0x3F93] =	sst lr;
	_ =	strace $0xD0000000  }
0x3: {  	_ = 	snop  }
0x4: {  	_ = 	snop  }
0x5: {  	_ = 	snop  }
0x6: {  	_ = 	snop  }
0x7: {  	_ = 	snop  }
__scs_overlays_trampoline_lowered:
0x8: {  	[smem:$0x3FA2] =	sst s0  }
0x9: {  	[smem:$0x3FA3] =	sst s1  }
0xa: {  	[smem:$0x3FA4] =	sst s2  }
0xb: {  	[smem:$0x3FA5] =	sst s3  }
0xc: {  	[smem:$0x3FA6] =	sst s4  }
0xd: {  	[smem:$0x3FA7] =	sst s5  }
0xe: {  	[smem:$0x3FA8] =	sst s6  }
0xf: {  	[smem:$0x3FA9] =	sst s7  }
0x10: {  	[smem:$0x3FAA] =	sst s8  }
0x11: {  	[smem:$0x3FAB] =	sst s9;
	s0 =	simm.s32 @!p0 $0x0  }
0x12: {  	s1 =	sld [smem:$0x3F91];
	s0 =	simm.s32 @p0 $0x1  }
0x13: {  	[smem:$0x3FAC] =	sst s0;
	s0 =	simm.s32 @!p1 $0x0  }
0x14: {  	s2 =	sld [smem:$0x3F90];
	s0 =	simm.s32 @p1 $0x1  }
0x15: {  	[smem:$0x3FAD] =	sst s0;
	s0 =	simm.s32 @!p2 $0x0  }
0x16: {  	s3 =	sld [smem:$0x3FDB];
	s0 =	simm.s32 @p2 $0x1  }
0x17: {  	s4 =	simm.s32 $0x1BF5;
	[smem:$0x3FAF] =	sst s0  }
0x18: {  	s0 =	sld [smem:$0x3F92];
	_ =	swait.ge [sflag:s4], $0x0  }
0x19: {  	s7 =	sld [smem:$0x3F93]  }
0x1a: {  	s8 =	sadd.s32 $0xFFFFE003, lr  }
0x1b: {  	s9 =	sadd.s32 $0xFFFFFEF7, lr;
	s5 =	simm.s32 $0xFFFFFFFF;
	p2 =	slt.u32 s8, $0xFFFFF086  }
0x1c: {  	p1 =	slt.u32 s9, $0xF7A;
	s5 =	simm.s32 @!p2 $0x0  }
0x1d: {  	s5 =	simm.s32 @p1 $0x1;
	p0 =	seq.s32 s7, s2  }
0x1e: {  	s7 =	smul.u32 @!p0 $0xF7A, s2;
	p2 =	seq.s32 @!p0 s5, $0x0  }
0x1f: {  	s9 =	smul.u32 $0xF7A, s1;
	s8 =	simm.s32 @!p0 $0x1BF5;
	p2 =	por !p2, p0  }
0x20: {  	[sflag:s8] =	ssyncset.s32 @!p0 $0xFFFFF086;
	s6 =	sadd.s32 @!p0 s3, s7;
	s7 =	simm.s32 @!p0 $0x108  }
0x21: {  	s3 =	sadd.s32 s3, s9;
	s6 =	sadd.s32 @!p0 $0x88, s6;
	s7 =	simm.s32 @p2 $0x1082  }
0x22: {  	[simem:s7], [sflag:s8] =	dma.local @!p0 [hbm:s6], $0xF7A  }
0x23: {  	s9 =	sor.u32 $0xD0000000, s2;
	s6 =	simm.s32 $0x108;
	_ =	swait.ge @!p0 [sflag:s8], $0x0  }
0x24: {  	s3 =	sadd.s32 $0x88, s3;
	s6 =	simm.s32 @!p1 $0x1082;
	[sflag:s4] =	ssyncset.s32 $0xFFFFF086  }
0x25: {  	[simem:s6], [sflag:s4] =	dma.local [hbm:s3], $0xF7A  }
0x26: {  	[smem:$0x3F93] =	sst s1;
	(tag) =	ssettag s2;
	_ =	strace s9  }
0x27: {  	s1 =	sld [smem:$0x3FA3]  }
0x28: {  	s2 =	sld [smem:$0x3FA4]  }
0x29: {  	s4 =	sld [smem:$0x3FA6]  }
0x2a: {  	p0 =	seq.s32 s5, $0x0;
	s5 =	sld [smem:$0x3FA7]  }
0x2b: {  	s6 =	sld [smem:$0x3FA8]  }
0x2c: {  	s7 =	sld [smem:$0x3FA9]  }
0x2d: {  	s3 =	simm.s32 $0x108;
	s8 =	sld [smem:$0x3FAA]  }
0x2e: {  	s3 =	simm.s32 @!p0 $0x1082;
	s9 =	sld [smem:$0x3FAB]  }
0x2f: {  	lr =	sadd.s32 s0, s3;
	s0 =	sld [smem:$0x3FA2]  }
0x30: {  	s3 =	sld [smem:$0x3FA5]  }
0x31: {  	[smem:$0x3FAE] =	sst s10  }
0x32: {  	s10 =	sld [smem:$0x3FAC];
	_ =	sdelay $0x3  }
0x33: {  	p0 =	seq.s32 s10, $0x1;
	s10 =	sld [smem:$0x3FAE];
	_ =	sdelay $0x3  }
0x34: {  	[smem:$0x3FAE] =	sst s10  }
0x35: {  	s10 =	sld [smem:$0x3FAD];
	_ =	sdelay $0x3  }
0x36: {  	p1 =	seq.s32 s10, $0x1;
	s10 =	sld [smem:$0x3FAE];
	_ =	sdelay $0x3  }
0x37: {  	[smem:$0x3FAE] =	sst s10  }
0x38: {  	s10 =	sld [smem:$0x3FAF]  }
0x39: {  	_ = 	snop;
	(pc) =	sbr.ind lr, $3  }
0x3a: {  	_ = 	snop  }
0x3b: {  	_ = 	snop  }
0x3c: {  	p2 =	seq.s32 s10, $0x1;
	s10 =	sld [smem:$0x3FAE]  }
0x3d: {  	_ =	shalt  }
0x3e: {  	_ =	shalt  }
0x3f: {  	_ =	shalt  }
0x40: {  	_ =	shalt  }
0x41: {  	_ =	shalt  }
0x42: {  	_ =	shalt  }
0x43: {  	_ =	shalt  }
0x44: {  	_ =	shalt  }
0x45: {  	_ =	shalt  }
0x46: {  	_ =	shalt  }
0x47: {  	_ =	shalt  }
0x48: {  	_ =	shalt  }
0x49: {  	_ =	shalt  }
0x4a: {  	_ =	shalt  }
0x4b: {  	_ =	shalt  }
0x4c: {  	_ =	shalt  }
0x4d: {  	_ =	shalt  }
0x4e: {  	_ =	shalt  }
0x4f: {  	_ =	shalt  }
0x50: {  	_ =	shalt  }
0x51: {  	_ =	shalt  }
0x52: {  	_ =	shalt  }
0x53: {  	_ =	shalt  }
0x54: {  	_ =	shalt  }
0x55: {  	_ =	shalt  }
0x56: {  	_ =	shalt  }
0x57: {  	_ =	shalt  }
0x58: {  	_ =	shalt  }
0x59: {  	_ =	shalt  }
0x5a: {  	_ =	shalt  }
0x5b: {  	_ =	shalt  }
0x5c: {  	_ =	shalt  }
0x5d: {  	_ =	shalt  }
0x5e: {  	_ =	shalt  }
0x5f: {  	_ =	shalt  }
0x60: {  	_ =	shalt  }
0x61: {  	_ =	shalt  }
0x62: {  	_ =	shalt  }
0x63: {  	_ =	shalt  }
0x64: {  	_ =	shalt  }
0x65: {  	_ =	shalt  }
0x66: {  	_ =	shalt  }
0x67: {  	_ =	shalt  }
0x68: {  	_ =	shalt  }
0x69: {  	_ =	shalt  }
0x6a: {  	_ =	shalt  }
0x6b: {  	_ =	shalt  }
0x6c: {  	_ =	shalt  }
0x6d: {  	_ =	shalt  }
0x6e: {  	_ =	shalt  }
0x6f: {  	_ =	shalt  }
0x70: {  	_ =	shalt  }
0x71: {  	_ =	shalt  }
0x72: {  	_ =	shalt  }
0x73: {  	_ =	shalt  }
0x74: {  	_ =	shalt  }
0x75: {  	_ =	shalt  }
0x76: {  	_ =	shalt  }
0x77: {  	_ =	shalt  }
0x78: {  	_ =	shalt  }
0x79: {  	_ =	shalt  }
0x7a: {  	_ =	shalt  }
0x7b: {  	_ =	shalt  }
0x7c: {  	_ =	shalt  }
0x7d: {  	_ =	shalt  }
0x7e: {  	_ =	shalt  }
0x7f: {  	_ =	shalt  }
0x80: {  	_ =	shalt  }
0x81: {  	_ =	shalt  }
0x82: {  	_ =	shalt  }
0x83: {  	_ =	shalt  }
0x84: {  	_ =	shalt  }
0x85: {  	_ =	shalt  }
0x86: {  	_ =	shalt  }
0x87: {  	_ =	shalt  }
.Lfunc_end0:
.L_simem_size_0:
called_computation_lowered:
.L_overlay_start_0:
0x88: {  	s2 =	sld [smem:$0x3FD9]  }
0x89: {  	s3 =	sld [smem:$0x3FFE];
	_ =	sdelay $0x1  }
0x8a: {  	s1 =	srdreg.scid  }
0x8b: {  	s0 =	sand.u32 $0x1, s1  }
0x8c: {  	s17 =	sshll.u32 s0, $0xA;
	s2 =	sadd.s32 s3, s2  }
0x8d: {  	s2 =	sadd.s32 s2, s17  }
0x8e: {  	[smem:$0x3FBA] =	sst s2  }
0x8f: {  	_ = 	snop  }
0x90: {  	s2 =	sld [smem:$0x3FC8]  }
0x91: {  	s18 =	sld [smem:$0x3FC7]  }
0x92: {  	s4 =	sld [smem:$0x3FC6];
	(tm) =	ssettm $0x1  }
0x93: {  	s5 =	sld [smem:$0x3FFB];
	_ =	sdelay $0x3  }
0x94: {  	_ =	strace s5  }
0x95: {  	s5 =	sld [smem:$0x3FFC];
	_ =	sdelay $0x3  }
0x96: {  	_ =	strace s5  }
0x97: {  	s5 =	sld [smem:$0x3FFD];
	_ =	sdelay $0x3  }
0x98: {  	_ =	strace s5  }
0x99: {  	_ =	strace $0x8FFFFFFF  }
0x9a: {  	s19 =	sld [smem:$0x3FDB];
	_ =	sdelay $0x1  }
0x9b: {  	s6 =	simm.s32 $_scs_section_size  }
0x9c: {  	s7 =	simm.s32 $_size__tile_overlayer_lowered;
	s8 =	simm.s32 $_tile_overlayer_lowered  }
0x9d: {  	s22 =	simm.s32 $0x1BFF;
	s21 =	sshll.u32 s8, $0x1;
	s5 =	sadd.s32 s6, s19  }
0x9e: {  	s9 =	simm.s32 $0x0;
	s20 =	sshll.u32 s7, $0x1;
	s7 =	sadd.s32 s21, s5  }
0x9f: {  	[timem:s9], [sflag:s22] =	dma.local [hbm:s7], s20  }
0xa0: {  	_ =	swait.ge [sflag:s22], s20  }
0xa1: {  	s6 =	ssub.s32 $0x0, s20;
	[sflag:s22] =	ssyncset.done $0x0  }
0xa2: {  	[sflag:s22] =	ssyncadd.s32 s6;
	_ =	sdelay $0x1  }
0xa3: {  	s23 =	simm.s32 $0x1B8B  }
0xa4: {  	_ =	swait.ge [sflag:s23], $0x1  }
0xa5: {  	[sflag:s23] =	ssyncset.done $0x0  }
0xa6: {  	s25 =	simm.s32 $0x1B8E;
	s24 =	sld [smem:$0x3FFE];
	[sflag:s23] =	ssyncadd.s32 $0xFFFFFFFF  }
0xa7: {  	s26 =	simm.s32 $execute0_lowered;
	[smem:$0x3FD2] =	sst s25  }
0xa8: {  	s7 =	sshll.u32 s26, $0x1;
	_ =	strace $0x80000046;
	[dreg:$0x1] =	wrdreg $0xFFFFFFFF  }
0xa9: {  	s28 =	simm.s32 $_size_execute0_lowered;
	s5 =	sadd.s32 s5, s7;
	[dreg:$0x0] =	wrdreg $0x0  }
0xaa: {  	s7 =	sshll.u32 s28, $0x1;
	[dreg:$0x2] =	wrdreg s5  }
0xab: {  	[dreg:$0x3] =	wrdreg s7  }
0xac: {  	[dreg:$0x4] =	wrdreg $0xC0  }
0xad: {  	_ =	task [dreg:s9], $0x5FFFF  }
0xae: {  	[dreg:$0x1] =	wrdreg $0xFFFFFFFF  }
0xaf: {  	[dreg:$0x0] =	wrdreg $0x60  }
0xb0: {  	[dreg:$0x2] =	wrdreg s2  }
0xb1: {  	[dreg:$0x3] =	wrdreg s18  }
0xb2: {  	[dreg:$0x4] =	wrdreg s4  }
0xb3: {  	[dreg:$0x5] =	wrdreg s24  }
0xb4: {  	[dreg:$0x6] =	wrdreg $0x90000  }
0xb5: {  	[dreg:$0x7] =	wrdreg $0x9  }
0xb6: {  	_ =	task.clear_ibuf [dreg:s9], $0x8FFFF;
	_ =	strace $0x90000046  }
0xb7: {  	s29 =	simm.s32 $0x9;
	_ =	strace $0x80000048  }
0xb8: {  	_ =	swait.ge [sflag:s29], $0x1  }
0xb9: {  	[sflag:s29] =	ssyncadd.s32 $0xFFFFFFFF  }
0xba: {  	_ =	strace $0x90000048  }
0xbb: {  	_ =	sfence  }
0xbc: {  	s30 =	sld [smem:$0x0];
	_ =	sdelay $0x2  }
0xbd: {  	s31 =	sshll.u32 s1, $0xD;
	s1 =	sshrl.u32 s1, $0x2  }
0xbe: {  	s3 =	sand.u32 $0x4000, s31;
	s1 =	sadd.s32 s1, s30  }
0xbf: {  	s0 =	sor.u32 s3, s0;
	s1 =	sshll.u32 s1, $0x11  }
0xc0: {  	s0 =	sor.u32 s1, s0  }
0xc1: {  	s0 =	sadd.s32 $0x8F2B, s0  }
0xc2: {  	[sflag:s0] =	ssyncadd.remote.s32 $0x1  }
0xc3: {  	_ =	sfence.sel $0xFFFF  }
0xc4: {  	[dreg:$0x0] =	wrdreg $0xFFFFFFFF;
	(pc) =	sbr.abs _section_cstart, $3  }
0xc5: {  	[dreg:$0x1] =	wrdreg $0xFFFFFFFF  }
0xc6: {  	_ =	task.clear_ibuf [dreg:s9], $0x2FFFF;
	_ =	strace $0x9FFFFFFF  }
0xc7: {  	(tm) =	ssettm $0x7FFFFFFF  }
tec
execute0_lowered:
.L_overlay_start_1:
0x0: {  	(tag) =	ssettag $0x1  }
0x1: {  	s0 =	rddreg [dreg:$0x0]  }
0x2: {  	s1 =	rddreg [dreg:$0x1]  }
0x3: {  	s2 =	srdreg.scid;
	s4 =	rddreg [dreg:$0x2]  }
0x4: {  	s3 =	rddreg [dreg:$0x3];
	s6 =	simm.s32 $0x0;
	s31 =	stileid.u32  }
0x5: {  	s2 =	sand.u32 $0x1, s2;
	[smem:$0x7FF] =	sst s6;
	s7 =	sadd.s32 $0x1C00, s3  }
0x6: {  	s6 =	sshll.u32 s31, $0x9;
	s9 =	sshll.u32 s31, $0x5;
	s29 =	sadd.s32 $0x1C10, s3  }
0x7: {  	s18 =	sadd.s32 $0x1C30, s3;
	s19 =	sadd.s32 $0x1C40, s3;
	s20 =	sadd.s32 $0x1C50, s3  }
0x8: {  	s22 =	sadd.s32 $0x1C60, s3;
	s23 =	sadd.s32 $0x1C70, s3;
	s24 =	sadd.s32 $0x2400, s3  }
0x9: {  	s25 =	sadd.s32 $0x2410, s3;
	s26 =	sadd.s32 $0x2420, s3;
	s28 =	sadd.s32 $0x2430, s3  }
0xa: {  	s31 =	sadd.s32 $0x2440, s3;
	s14 =	sadd.s32 $0x2450, s3;
	s15 =	sadd.s32 $0x2460, s3  }
0xb: {  	s16 =	sadd.s32 $0x3440, s3;
	s17 =	sadd.s32 $0x3450, s3;
	[smem:$0x7A9] =	sst s7  }
0xc: {  	s5 =	ssub.s32 $0x2, s2;
	s8 =	sshll.u32 s2, $0xA;
	[smem:$0x7C2] =	sst s14  }
0xd: {  	s0 =	sadd.s32 s0, s6;
	s10 =	sadd.s32 s1, s6;
	[smem:$0x7C4] =	sst s15  }
0xe: {  	s12 =	sadd.s32 s4, s6;
	s14 =	sadd.s32 $0x2C50, s3;
	[smem:$0x7AF] =	sst s16  }
0xf: {  	s15 =	sadd.s32 $0x2C60, s3;
	s1 =	sadd.s32 $0x2C70, s3;
	[smem:$0x7B1] =	sst s17  }
0x10: {  	s7 =	sadd.s32 $0x3410, s3;
	s4 =	sadd.s32 $0x3420, s3;
	[smem:$0x7FC] =	sst s8  }
0x11: {  	s2 =	sadd.s32 $0x3430, s3;
	s17 =	sadd.s32 $0x3460, s3;
	[dreg:$0x6] =	wrdreg s0  }
0x12: {  	s16 =	sadd.s32 $0x3470, s3;
	s30 =	sshrl.u32 s5, $0x1;
	[dreg:$0x7] =	wrdreg s10  }
0x13: {  	s11 =	sor.u32 s9, s8;
	[dreg:$0x8] =	wrdreg s12;
	s13 =	sor.u32 $0x200, s8  }
0x14: {  	s8 =	sadd.s32 $0x2470, s3;
	s10 =	sadd.s32 $0x2C10, s3;
	[smem:$0x7D2] =	sst s4  }
0x15: {  	s12 =	sadd.s32 $0x2C30, s3;
	s6 =	sld [smem:$0x7A9];
	s5 =	ssub.s32 s5, s30  }
0x16: {  	[smem:$0x7FD] =	sst s13;
	s21 =	sshll.u32 s11, $0x8;
	s30 =	sadd.s32 $0x1C20, s3  }
0x17: {  	s0 =	sor.u32 s9, s13;
	s9 =	sadd.s32 $0x2C00, s3;
	s11 =	sadd.s32 $0x2C20, s3  }
0x18: {  	s13 =	sadd.s32 $0x2C40, s3;
	[smem:$0x7D9] =	sst s5;
	s5 =	sadd.s32 $0x3400, s3  }
0x19: {  	s3 =	sshll.u32 s0, $0x8;
	[smem:$0x7CF] =	sst s5;
	s0 =	sadd.s32 s6, s21  }
0x1a: {  	s5 =	sadd.s32 s21, s5;
	[dreg:$0x9] =	wrdreg s0  }
0x1b: {  	s0 =	sadd.s32 s21, s29;
	[smem:$0x7AB] =	sst s5  }
0x1c: {  	s5 =	sadd.s32 s21, s7;
	[dreg:$0xa] =	wrdreg s0  }
0x1d: {  	s29 =	sadd.s32 s3, s29;
	[smem:$0x7AC] =	sst s5  }
0x1e: {  	s0 =	sadd.s32 s21, s30;
	[smem:$0x7B6] =	sst s29  }
0x1f: {  	s5 =	sadd.s32 s21, s4;
	[dreg:$0xb] =	wrdreg s0  }
0x20: {  	s4 =	sadd.s32 s21, s2;
	[smem:$0x7AD] =	sst s5  }
0x21: {  	[smem:$0x7AE] =	sst s4  }
0x22: {  	s29 =	sadd.s32 s3, s26;
	s4 =	sld [smem:$0x7AF]  }
0x23: {  	s0 =	sadd.s32 s21, s18;
	[smem:$0x7BF] =	sst s29  }
0x24: {  	s18 =	sadd.s32 s3, s18;
	[dreg:$0xc] =	wrdreg s0  }
0x25: {  	[smem:$0x7B8] =	sst s18  }
0x26: {  	s29 =	sadd.s32 s3, s1;
	s18 =	sld [smem:$0x7C2]  }
0x27: {  	s0 =	sadd.s32 s21, s19;
	[smem:$0x7CE] =	sst s29  }
0x28: {  	s19 =	sadd.s32 s3, s19;
	[dreg:$0xd] =	wrdreg s0  }
0x29: {  	[smem:$0x7B9] =	sst s19  }
0x2a: {  	s0 =	sadd.s32 s21, s20;
	s19 =	sld [smem:$0x7C4]  }
0x2b: {  	[dreg:$0xe] =	wrdreg s0;
	s0 =	sadd.s32 s21, s22  }
0x2c: {  	s5 =	sadd.s32 s21, s4;
	[dreg:$0xf] =	wrdreg s0  }
0x2d: {  	[smem:$0x7B0] =	sst s5  }
0x2e: {  	s22 =	sadd.s32 s3, s22;
	s5 =	sld [smem:$0x7B1]  }
0x2f: {  	s0 =	sadd.s32 s21, s23;
	[smem:$0x7BB] =	sst s22  }
0x30: {  	s23 =	sadd.s32 s3, s23;
	[dreg:$0x10] =	wrdreg s0  }
0x31: {  	s22 =	sadd.s32 s3, s10;
	[smem:$0x7BC] =	sst s23  }
0x32: {  	s0 =	sadd.s32 s21, s24;
	[smem:$0x7C8] =	sst s22  }
0x33: {  	[dreg:$0x11] =	wrdreg s0;
	s0 =	sadd.s32 s21, s25  }
0x34: {  	[dreg:$0x12] =	wrdreg s0;
	s0 =	sadd.s32 s21, s26  }
0x35: {  	[dreg:$0x13] =	wrdreg s0;
	s0 =	sadd.s32 s21, s28  }
0x36: {  	[dreg:$0x14] =	wrdreg s0;
	s0 =	sadd.s32 s21, s31  }
0x37: {  	[dreg:$0x15] =	wrdreg s0  }
0x38: {  	s24 =	sadd.s32 s3, s24;
	s0 =	sld [smem:$0x7C2]  }
0x39: {  	s23 =	sadd.s32 s3, s11;
	[smem:$0x7BD] =	sst s24  }
0x3a: {  	s25 =	sadd.s32 s3, s25;
	[smem:$0x7C9] =	sst s23  }
0x3b: {  	[smem:$0x7BE] =	sst s25;
	s0 =	sadd.s32 s21, s0  }
0x3c: {  	[dreg:$0x16] =	wrdreg s0  }
0x3d: {  	s24 =	sadd.s32 s3, s12;
	s0 =	sld [smem:$0x7C4]  }
0x3e: {  	[smem:$0x7CA] =	sst s24;
	s25 =	sadd.s32 s3, s13  }
0x3f: {  	s26 =	sadd.s32 s3, s14;
	[smem:$0x7CB] =	sst s25  }
0x40: {  	[smem:$0x7CC] =	sst s26;
	s0 =	sadd.s32 s21, s0  }
0x41: {  	[dreg:$0x17] =	wrdreg s0;
	s0 =	sadd.s32 s21, s8  }
0x42: {  	[dreg:$0x18] =	wrdreg s0;
	s0 =	sadd.s32 s21, s9  }
0x43: {  	[dreg:$0x19] =	wrdreg s0;
	s0 =	sadd.s32 s21, s10  }
0x44: {  	[dreg:$0x1a] =	wrdreg s0;
	s0 =	sadd.s32 s21, s11  }
0x45: {  	[dreg:$0x1b] =	wrdreg s0;
	s0 =	sadd.s32 s21, s12  }
0x46: {  	s12 =	sadd.s32 s3, s16;
	[dreg:$0x1c] =	wrdreg s0  }
0x47: {  	s0 =	sadd.s32 s21, s13;
	[smem:$0x7D8] =	sst s12  }
0x48: {  	[dreg:$0x1d] =	wrdreg s0;
	s0 =	sadd.s32 s21, s14  }
0x49: {  	[dreg:$0x1e] =	wrdreg s0;
	s0 =	sadd.s32 s21, s15  }
0x4a: {  	[dreg:$0x1f] =	wrdreg s0  }
0x4b: {  	s0 =	sadd.s32 s21, s1;
	s1 =	sld [smem:$0x7D2]  }
0x4c: {  	[smem:$0x7AA] =	sst s0;
	s0 =	sadd.s32 s21, s5  }
0x4d: {  	[smem:$0x7B2] =	sst s0;
	s0 =	sadd.s32 s21, s17  }
0x4e: {  	s21 =	sadd.s32 s21, s16;
	[smem:$0x7B3] =	sst s0  }
0x4f: {  	[smem:$0x7B4] =	sst s21;
	s21 =	sadd.s32 s6, s3  }
0x50: {  	s6 =	sadd.s32 s3, s30;
	[smem:$0x7B5] =	sst s21  }
0x51: {  	s30 =	sadd.s32 s3, s28;
	[smem:$0x7B7] =	sst s6  }
0x52: {  	s0 =	sadd.s32 s3, s18;
	[smem:$0x7C0] =	sst s30  }
0x53: {  	s28 =	sadd.s32 s3, s15;
	[smem:$0x7C3] =	sst s0  }
0x54: {  	[smem:$0x7CD] =	sst s28  }
0x55: {  	s21 =	sadd.s32 s3, s20;
	s30 =	sld [smem:$0x7CF]  }
0x56: {  	s6 =	sadd.s32 s3, s31;
	[smem:$0x7BA] =	sst s21  }
0x57: {  	s0 =	sadd.s32 s3, s19;
	[smem:$0x7C1] =	sst s6  }
0x58: {  	s20 =	sadd.s32 s3, s8;
	[smem:$0x7C5] =	sst s0  }
0x59: {  	s31 =	sadd.s32 s3, s7;
	[smem:$0x7C6] =	sst s20  }
0x5a: {  	s7 =	sadd.s32 s3, s4;
	[smem:$0x7D1] =	sst s31  }
0x5b: {  	s8 =	sadd.s32 s3, s5;
	[smem:$0x7D5] =	sst s7  }
0x5c: {  	[smem:$0x7D6] =	sst s8  }
0x5d: {  	s21 =	sadd.s32 s3, s9;
	s7 =	rddreg [dreg:$0x4]  }
0x5e: {  	s6 =	sadd.s32 s3, s2;
	[smem:$0x7C7] =	sst s21  }
0x5f: {  	s9 =	sadd.s32 s3, s17;
	[smem:$0x7D4] =	sst s6  }
0x60: {  	s10 =	stileid.u32;
	[smem:$0x7D7] =	sst s9;
	s0 =	sadd.s32 s3, s30  }
0x61: {  	s11 =	sshll.u32 s10, $0x10;
	[smem:$0x7D0] =	sst s0;
	s0 =	sadd.s32 s3, s1  }
0x62: {  	s3 =	sadd.s32 s11, s7;
	[smem:$0x7D3] =	sst s0  }
0x63: {  	s16 =	sadd.s32 $0x1800, s3;
	_ =	strace $0x80000047;
	[smem:$0x7F9] =	sst s3  }
0x64: {  	s20 =	sadd.s32 $0x3000, s3;
	s17 =	sshrl.u32 s16, $0x3;
	s13 =	sld [smem:$0x7D9]  }
0x65: {  	s24 =	sadd.s32 $0x5000, s3;
	s21 =	sshrl.u32 s20, $0x3;
	[smem:$0x7DD] =	sst s17  }
0x66: {  	s29 =	sadd.s32 $0x6800, s3;
	s25 =	sshrl.u32 s24, $0x3;
	[smem:$0x7E0] =	sst s21  }
0x67: {  	s2 =	sadd.s32 $0x8800, s3;
	s30 =	sshrl.u32 s29, $0x3;
	[smem:$0x7E3] =	sst s25  }
0x68: {  	s9 =	sadd.s32 $0xA000, s3;
	s5 =	sshrl.u32 s2, $0x3;
	[smem:$0x7E6] =	sst s30  }
0x69: {  	p0 =	sne.s32 s10, $0x0;
	s10 =	sshrl.u32 s9, $0x3;
	[smem:$0x7E9] =	sst s5  }
0x6a: {  	s24 =	sadd.s32 $0x4000, s3;
	[smem:$0x7EC] =	sst s10  }
0x6b: {  	[smem:$0x7F7] =	sst s24  }
0x6c: {  	s4 =	stileid.u32;
	s25 =	sadd.s32 $0x8000, s3;
	s30 =	sld [smem:$0x7FC]  }
0x6d: {  	s14 =	sadd.s32 $0x800, s3;
	[smem:$0x7F8] =	sst s25;
	s0 =	smax.u32 s13, $0x1  }
0x6e: {  	s13 =	sadd.s32 $0xB800, s3;
	[smem:$0x7DA] =	sst s0;
	s0 =	sshrl.u32 s14, $0x3  }
0x6f: {  	s15 =	sadd.s32 $0x1000, s3;
	s14 =	sshrl.u32 s13, $0x3;
	[smem:$0x7DB] =	sst s0  }
0x70: {  	s18 =	sadd.s32 $0x2000, s3;
	s0 =	sshrl.u32 s15, $0x3;
	[smem:$0x7EF] =	sst s14  }
0x71: {  	s17 =	sadd.s32 $0xD800, s3;
	[smem:$0x7DC] =	sst s0;
	s0 =	sshrl.u32 s18, $0x3  }
0x72: {  	s19 =	sadd.s32 $0x2800, s3;
	s18 =	sshrl.u32 s17, $0x3;
	[smem:$0x7DE] =	sst s0  }
0x73: {  	s22 =	sadd.s32 $0x3800, s3;
	s0 =	sshrl.u32 s19, $0x3;
	[smem:$0x7F2] =	sst s18  }
0x74: {  	s21 =	sadd.s32 $0xF000, s3;
	[smem:$0x7DF] =	sst s0;
	s0 =	sshrl.u32 s22, $0x3  }
0x75: {  	s23 =	sadd.s32 $0x4800, s3;
	s22 =	sshrl.u32 s21, $0x3;
	[smem:$0x7E1] =	sst s0  }
0x76: {  	s26 =	sadd.s32 $0x5800, s3;
	s0 =	sshrl.u32 s23, $0x3;
	[smem:$0x7F5] =	sst s22  }
0x77: {  	s28 =	sadd.s32 $0x6000, s3;
	[smem:$0x7E2] =	sst s0;
	s0 =	sshrl.u32 s26, $0x3  }
0x78: {  	s31 =	sadd.s32 $0x7000, s3;
	s26 =	sadd.s32 $0xC000, s3;
	[smem:$0x7E4] =	sst s0  }
0x79: {  	s1 =	sadd.s32 $0x7800, s3;
	s0 =	sshrl.u32 s28, $0x3;
	[smem:$0x7FA] =	sst s26  }
0x7a: {  	s6 =	sadd.s32 $0x9000, s3;
	s28 =	sadd.s32 $0x100000, s7;
	[smem:$0x7E5] =	sst s0  }
0x7b: {  	s8 =	sadd.s32 $0x9800, s3;
	s11 =	sadd.s32 $0xA800, s3;
	[smem:$0x7FB] =	sst s28  }
0x7c: {  	s12 =	sadd.s32 $0xB000, s3;
	s0 =	sshrl.u32 s31, $0x3;
	s31 =	sld [smem:$0x7FD]  }
0x7d: {  	s16 =	sadd.s32 $0xD000, s3;
	[smem:$0x7E7] =	sst s0;
	s0 =	sshrl.u32 s1, $0x3  }
0x7e: {  	s20 =	sadd.s32 $0xE800, s3;
	[smem:$0x7E8] =	sst s0;
	s0 =	sshrl.u32 s6, $0x3  }
0x7f: {  	s29 =	sor.u32 $0x100000, s4;
	[smem:$0x7EA] =	sst s0;
	s0 =	sshrl.u32 s8, $0x3  }
0x80: {  	s15 =	sadd.s32 $0xC800, s3;
	[smem:$0x7EB] =	sst s0;
	s0 =	sshrl.u32 s11, $0x3  }
0x81: {  	s14 =	simm.s32 $0x1;
	[smem:$0x7ED] =	sst s0;
	s0 =	sshrl.u32 s12, $0x3  }
0x82: {  	s17 =	simm.s32 $0x10;
	[smem:$0x7EE] =	sst s0;
	s0 =	sshrl.u32 s15, $0x3  }
0x83: {  	s19 =	sadd.s32 $0xE000, s3;
	[smem:$0x7F0] =	sst s0;
	s0 =	sshrl.u32 s16, $0x3  }
0x84: {  	s23 =	sadd.s32 $0xF800, s3;
	[smem:$0x7F1] =	sst s0;
	s0 =	sshrl.u32 s19, $0x3  }
0x85: {  	s1 =	simm.s32 $0x2000;
	[smem:$0x7F3] =	sst s0;
	s0 =	sshrl.u32 s20, $0x3  }
0x86: {  	v3 =	vimm.f32 $0.0e+00;
	s15 =	simm.s32 $0x5000;
	[smem:$0x7F4] =	sst s0;
	s0 =	sshrl.u32 s23, $0x3  }
0x87: {  	v1 =	vmov s29;
	v0 =	vmov s30;
	v2 =	vmov s31;
	s16 =	simm.s32 $0x80;
	[smem:$0x7F6] =	sst s0;
	s0 =	simm.s32 $0x0  }
.LBB2_1:
0x88: {  	s19 =	simm.s32 $0x0;
	s20 =	rddreg [dreg:$0x6]  }
0x89: {  	[tilespmem:s19], [sflag:$0x1] =	stream.linear.gather [hbm4b:s20+s19], $0x1000, $0x38;
	[tilespmem:$0x19008] =	vst v63  }
0x8a: {  	s29 =	rddreg [dreg:$0x7];
	s30 =	simm.s32 $0x1000  }
0x8b: {  	[tilespmem:s30], [sflag:$0x1] =	stream.linear.gather [hbm4b:s29+s19], $0x1000, $0x38;
	[tilespmem:$0x19008] =	vst v63  }
0x8c: {  	s31 =	rddreg [dreg:$0x8]  }
0x8d: {  	[tilespmem:s1], [sflag:$0x1] =	stream.linear.gather [hbm4b:s31+s19], $0x1000, $0x38;
	[tilespmem:$0x19008] =	vst v63  }
0x8e: {  	[smem:$0x7A8] =	sst s0;
	s20 =	simm.s32 $0x0;
	s19 =	simm.s32 $0x40  }
.LBB2_2:
0x8f: {  	p1 =	sne.s32 s19, $0xFFC0;
	[tilespmem:s20+$0x5000] =	vst v3;
	s20 =	smov.u32 s19;
	s19 =	sadd.s32 $0x40, s19  }
.Ltmp0:
0x90: {  	(pc) =	sbr.rel @p1 .LBB2_2-.Ltmp0, $2  }
0x91: {  	_ =	sdelay $0x2  }
0x92: {  	s20 =	sshra.s32 s20, $0x2  }
0x93: {  	[tilespmem:s20+$0x5000] =	vst v3  }
0x94: {  	_ =	swait.ge [sflag:s14], $0x1000  }
0x95: {  	[sflag:s14] =	ssyncset.done $0x0  }
0x96: {  	[sflag:s14] =	ssyncadd.s32 $0xFFFFF000  }
0x97: {  	_ =	swait.ge [sflag:s14], $0x1000  }
0x98: {  	[sflag:s14] =	ssyncset.done $0x0  }
0x99: {  	[sflag:s14] =	ssyncadd.s32 $0xFFFFF000  }
0x9a: {  	_ =	swait.ge [sflag:s14], $0x1000  }
0x9b: {  	s0 =	sld [smem:$0x7F9]  }
0x9c: {  	[sflag:s14] =	ssyncset.done $0x0  }
0x9d: {  	s29 =	sld [smem:$0x7F7];
	[sflag:s14] =	ssyncadd.s32 $0xFFFFF000  }
0x9e: {  	[spmem:s0] =	stream.linear.scatter [tilespmem:s15], [sflag:$0x1], $0x4000, $0x38;
	[tilespmem:$0x19008] =	vst v63  }
0x9f: {  	s30 =	sld [smem:$0x7F8]  }
0xa0: {  	[spmem:s29] =	stream.linear.scatter [tilespmem:s15], [sflag:$0x1], $0x4000, $0x38;
	[tilespmem:$0x19008] =	vst v63  }
0xa1: {  	s31 =	sld [smem:$0x7FA]  }
0xa2: {  	[spmem:s30] =	stream.linear.scatter [tilespmem:s15], [sflag:$0x1], $0x4000, $0x38;
	[tilespmem:$0x19008] =	vst v63  }
0xa3: {  	s0 =	sld [smem:$0x7FB]  }
0xa4: {  	[spmem:s31] =	stream.linear.scatter [tilespmem:s15], [sflag:$0x1], $0x4000, $0x38;
	[tilespmem:$0x19008] =	vst v63  }
0xa5: {  	s19 =	simm.s32 @!p0 $0x5000  }
0xa6: {  	[spmem:s0] =	stream.linear.scatter @!p0 [tilespmem:s19], [sflag:$0x2], $0x10, $0x38;
	[tilespmem:$0x19008] =	vst v63  }
0xa7: {  	s19 =	simm.s32 @!p0 $0x2  }
0xa8: {  	_ =	swait.ge @!p0 [sflag:s19], $0x10  }
0xa9: {  	[sflag:s19] =	ssyncset.done @!p0 $0x0  }
0xaa: {  	[sflag:s19] =	ssyncadd.s32 @!p0 $0xFFFFFFF0;
	s19 =	simm.s32 $0x0  }
0xab: {  	v4 =	vld [tilespmem:s19+$0x70]  }
0xac: {  	v5 =	vld [tilespmem:s19+$0x0]  }
0xad: {  	v6 =	vld [tilespmem:s19+$0x1070]  }
0xae: {  	v7 =	vld [tilespmem:s19+$0x10]  }
0xaf: {  	v13 =	vld [tilespmem:s19+$0x60]  }
0xb0: {  	v8 =	vld [tilespmem:s19+$0x20]  }
0xb1: {  	v12 =	vld [tilespmem:s19+$0x50]  }
0xb2: {  	v9 =	vld [tilespmem:s19+$0x30]  }
0xb3: {  	v10 =	vld [tilespmem:s19+$0x40];
	v4 =	vsub.s32 v4, v0;
	v5 =	vsub.s32 v5, v0  }
0xb4: {  	v15 =	vld [tilespmem:s19+$0x1000];
	v13 =	vsub.s32 v13, v0;
	v11 =	vshll.u32 v4, $0xB;
	vm0 =	vlt.u32 v4, $0x200  }
0xb5: {  	v14 =	vshll.u32 v5, $0xB;
	vm6 =	vlt.u32 v5, $0x200;
	v5 =	vsub.s32 v8, v0  }
0xb6: {  	v8 =	vsub.s32 v12, v0;
	vm5 =	vlt.u32 v13, $0x200;
	v4 =	vadd.s32 v6, v11  }
0xb7: {  	v17 =	vld [tilespmem:s19+$0x1010];
	v6 =	vsub.s32 v7, v0;
	vm1 =	vlt.u32 v5, $0x200;
	v4 =	vsel vm0, v4, v1  }
0xb8: {  	vm0 =	vlt.u32 v6, $0x200;
	v16 =	vshll.u32 v6, $0xB;
	v6 =	vsub.s32 v9, v0;
	v9 =	vld [tilespmem:s19+$0x1020]  }
0xb9: {  	v7 =	vsub.s32 v10, v0;
	v10 =	vld [tilespmem:s19+$0x1030];
	vm4 =	vlt.u32 v8, $0x200;
	v14 =	vadd.s32 v15, v14  }
0xba: {  	v11 =	vld [tilespmem:s19+$0x1040];
	vm3 =	vlt.u32 v7, $0x200;
	v14 =	vsel vm6, v14, v1;
	[tilespmem:s19+$0x3070] =	vst v4;
	v4 =	vshll.u32 v5, $0xB  }
0xbb: {  	v12 =	vld [tilespmem:s19+$0x1050];
	vm2 =	vlt.u32 v6, $0x200;
	v5 =	vshll.u32 v6, $0xB;
	v6 =	vshll.u32 v7, $0xB  }
0xbc: {  	s20 =	simm.s32 $0x80;
	s22 =	simm.s32 $0x400;
	s21 =	simm.s32 $0x0;
	v7 =	vshll.u32 v8, $0xB;
	v8 =	vshll.u32 v13, $0xB;
	v15 =	vadd.s32 v17, v16;
	v13 =	vld [tilespmem:s19+$0x1060]  }
.LBB2_4:
0xbd: {  	p1 =	sne.s32 s22, $0x3E00;
	v16 =	vld [tilespmem:s20+$0x70];
	[tilespmem:s21+$0x3000] =	vst v14;
	v14 =	vsel vm0, v15, v1;
	v4 =	vadd.s32 v9, v4  }
0xbe: {  	v9 =	vld [tilespmem:s20+$0x0];
	[tilespmem:s21+$0x3010] =	vst v14;
	v4 =	vsel vm1, v4, v1;
	v5 =	vadd.s32 v10, v5  }
0xbf: {  	v10 =	vld [tilespmem:s20+$0x1070];
	[tilespmem:s21+$0x3020] =	vst v4;
	v4 =	vsel vm2, v5, v1;
	v5 =	vadd.s32 v11, v6  }
0xc0: {  	v6 =	vld [tilespmem:s20+$0x10];
	[tilespmem:s21+$0x3030] =	vst v4;
	v4 =	vsel vm3, v5, v1;
	v5 =	vadd.s32 v12, v7  }
0xc1: {  	v7 =	vld [tilespmem:s20+$0x20];
	[tilespmem:s21+$0x3040] =	vst v4;
	v4 =	vsel vm4, v5, v1;
	v5 =	vadd.s32 v13, v8  }
0xc2: {  	v8 =	vld [tilespmem:s20+$0x30];
	v11 =	vsub.s32 v16, v0;
	[tilespmem:s21+$0x3050] =	vst v4;
	v4 =	vsel vm5, v5, v1  }
0xc3: {  	v5 =	vsub.s32 v9, v0;
	v12 =	vld [tilespmem:s20+$0x40];
	v9 =	vshll.u32 v11, $0xB;
	[tilespmem:s21+$0x3060] =	vst v4;
	s21 =	smov.u32 s20  }
0xc4: {  	vm0 =	vlt.u32 v11, $0x200;
	v13 =	vshll.u32 v5, $0xB;
	v14 =	vld [tilespmem:s21+$0x50];
	v4 =	vadd.s32 v10, v9  }
0xc5: {  	vm6 =	vlt.u32 v5, $0x200;
	v5 =	vsub.s32 v6, v0;
	v15 =	vld [tilespmem:s21+$0x60];
	v4 =	vsel vm0, v4, v1  }
0xc6: {  	v16 =	vld [tilespmem:s21+$0x1000];
	vm0 =	vlt.u32 v5, $0x200;
	v17 =	vshll.u32 v5, $0xB;
	v5 =	vsub.s32 v7, v0;
	[tilespmem:s21+$0x3070] =	vst v4  }
0xc7: {  	v18 =	vld [tilespmem:s21+$0x1010];
	vm1 =	vlt.u32 v5, $0x200;
	v4 =	vshll.u32 v5, $0xB;
	v5 =	vsub.s32 v8, v0  }
.Ltmp1:
0xc8: {  	v9 =	vld [tilespmem:s21+$0x1020];
	vm2 =	vlt.u32 v5, $0x200;
	v5 =	vshll.u32 v5, $0xB;
	v6 =	vsub.s32 v12, v0;
	(pc) =	sbr.rel @p1 .LBB2_4-.Ltmp1, $4  }
0xc9: {  	v10 =	vld [tilespmem:s21+$0x1030];
	vm3 =	vlt.u32 v6, $0x200;
	v6 =	vshll.u32 v6, $0xB;
	v7 =	vsub.s32 v14, v0  }
0xca: {  	v11 =	vld [tilespmem:s21+$0x1040];
	vm4 =	vlt.u32 v7, $0x200;
	v7 =	vshll.u32 v7, $0xB;
	v8 =	vsub.s32 v15, v0  }
0xcb: {  	v13 =	vadd.s32 v16, v13;
	v12 =	vld [tilespmem:s21+$0x1050];
	vm5 =	vlt.u32 v8, $0x200;
	v8 =	vshll.u32 v8, $0xB  }
0xcc: {  	s20 =	sshra.s32 s22, $0x2;
	s22 =	sadd.s32 $0x200, s22;
	v14 =	vsel vm6, v13, v1;
	v15 =	vadd.s32 v18, v17;
	v13 =	vld [tilespmem:s21+$0x1060]  }
0xcd: {  	v16 =	vld [tilespmem:s20+$0x70];
	[tilespmem:s21+$0x3000] =	vst v14;
	v14 =	vsel vm0, v15, v1;
	v4 =	vadd.s32 v9, v4  }
0xce: {  	v15 =	vld [tilespmem:s20+$0x0];
	[tilespmem:s21+$0x3010] =	vst v14;
	v4 =	vsel vm1, v4, v1;
	v5 =	vadd.s32 v10, v5  }
0xcf: {  	v9 =	vld [tilespmem:s20+$0x1070];
	[tilespmem:s21+$0x3020] =	vst v4;
	v4 =	vsel vm2, v5, v1;
	v6 =	vadd.s32 v11, v6  }
0xd0: {  	v5 =	vld [tilespmem:s20+$0x10];
	[tilespmem:s21+$0x3030] =	vst v4;
	v4 =	vsel vm3, v6, v1;
	v7 =	vadd.s32 v12, v7  }
0xd1: {  	v6 =	vld [tilespmem:s20+$0x20];
	[tilespmem:s21+$0x3040] =	vst v4;
	v4 =	vsel vm4, v7, v1;
	v8 =	vadd.s32 v13, v8  }
0xd2: {  	v7 =	vld [tilespmem:s20+$0x30];
	[tilespmem:s21+$0x3050] =	vst v4;
	v4 =	vsel vm5, v8, v1  }
0xd3: {  	v10 =	vsub.s32 v16, v0;
	v8 =	vld [tilespmem:s20+$0x40];
	[tilespmem:s21+$0x3060] =	vst v4  }
0xd4: {  	v4 =	vshll.u32 v10, $0xB;
	v11 =	vld [tilespmem:s20+$0x50]  }
0xd5: {  	vm0 =	vlt.u32 v10, $0x200;
	v4 =	vadd.s32 v9, v4;
	v9 =	vld [tilespmem:s20+$0x60]  }
0xd6: {  	v12 =	vsub.s32 v15, v0;
	v10 =	vld [tilespmem:s20+$0x1000];
	v4 =	vsel vm0, v4, v1  }
0xd7: {  	vm0 =	vlt.u32 v12, $0x200;
	v5 =	vsub.s32 v5, v0;
	[tilespmem:s20+$0x3070] =	vst v4;
	v4 =	vshll.u32 v12, $0xB;
	v12 =	vld [tilespmem:s20+$0x1010]  }
0xd8: {  	v13 =	vld [tilespmem:s20+$0x1020];
	vm1 =	vlt.u32 v5, $0x200;
	v5 =	vshll.u32 v5, $0xB;
	v6 =	vsub.s32 v6, v0  }
0xd9: {  	v14 =	vld [tilespmem:s20+$0x1030];
	vm2 =	vlt.u32 v6, $0x200;
	v6 =	vshll.u32 v6, $0xB;
	v7 =	vsub.s32 v7, v0  }
0xda: {  	v15 =	vld [tilespmem:s20+$0x1040];
	vm3 =	vlt.u32 v7, $0x200;
	v7 =	vshll.u32 v7, $0xB;
	v8 =	vsub.s32 v8, v0  }
0xdb: {  	vm4 =	vlt.u32 v8, $0x200;
	v8 =	vshll.u32 v8, $0xB;
	v4 =	vadd.s32 v10, v4;
	v10 =	vld [tilespmem:s20+$0x1050]  }
0xdc: {  	v11 =	vsub.s32 v11, v0;
	v4 =	vsel vm0, v4, v1;
	v5 =	vadd.s32 v12, v5;
	v12 =	vld [tilespmem:s20+$0x1060]  }
0xdd: {  	vm0 =	vlt.u32 v11, $0x200;
	[tilespmem:s20+$0x3000] =	vst v4;
	v4 =	vsel vm1, v5, v1;
	v5 =	vadd.s32 v13, v6  }
0xde: {  	v6 =	vshll.u32 v11, $0xB;
	[tilespmem:s20+$0x3010] =	vst v4;
	v4 =	vsel vm2, v5, v1;
	v5 =	vadd.s32 v14, v7  }
0xdf: {  	v7 =	vsub.s32 v9, v0;
	[tilespmem:s20+$0x3020] =	vst v4;
	v4 =	vsel vm3, v5, v1;
	v5 =	vadd.s32 v15, v8  }
0xe0: {  	v8 =	vshll.u32 v7, $0xB;
	[tilespmem:s20+$0x3030] =	vst v4;
	v4 =	vsel vm4, v5, v1;
	v5 =	vadd.s32 v10, v6  }
0xe1: {  	vm1 =	vlt.u32 v7, $0x200;
	[tilespmem:s20+$0x3040] =	vst v4;
	v4 =	vsel vm0, v5, v1;
	v5 =	vadd.s32 v12, v8  }
0xe2: {  	[tilespmem:s20+$0x3050] =	vst v4;
	v4 =	vsel vm1, v5, v1  }
0xe3: {  	[tilespmem:s20+$0x3060] =	vst v4  }
0xe4: {  	v4 =	vld [tilespmem:s19+$0x70]  }
0xe5: {  	v5 =	vld [tilespmem:s19+$0x0]  }
0xe6: {  	v6 =	vld [tilespmem:s19+$0x1070]  }
0xe7: {  	v7 =	vld [tilespmem:s19+$0x10]  }
0xe8: {  	v13 =	vld [tilespmem:s19+$0x60]  }
0xe9: {  	v8 =	vld [tilespmem:s19+$0x20]  }
0xea: {  	v12 =	vld [tilespmem:s19+$0x50]  }
0xeb: {  	v9 =	vld [tilespmem:s19+$0x30]  }
0xec: {  	v10 =	vld [tilespmem:s19+$0x40];
	v4 =	vsub.s32 v4, v2;
	v5 =	vsub.s32 v5, v2  }
0xed: {  	v15 =	vld [tilespmem:s19+$0x1000];
	v13 =	vsub.s32 v13, v2;
	v11 =	vshll.u32 v4, $0xB;
	vm0 =	vlt.u32 v4, $0x200  }
0xee: {  	v14 =	vshll.u32 v5, $0xB;
	vm6 =	vlt.u32 v5, $0x200;
	v5 =	vsub.s32 v8, v2  }
0xef: {  	v8 =	vsub.s32 v12, v2;
	vm5 =	vlt.u32 v13, $0x200;
	v4 =	vadd.s32 v6, v11  }
0xf0: {  	v17 =	vld [tilespmem:s19+$0x1010];
	v6 =	vsub.s32 v7, v2;
	vm1 =	vlt.u32 v5, $0x200;
	v4 =	vsel vm0, v4, v1  }
0xf1: {  	vm0 =	vlt.u32 v6, $0x200;
	v16 =	vshll.u32 v6, $0xB;
	v6 =	vsub.s32 v9, v2;
	v9 =	vld [tilespmem:s19+$0x1020]  }
0xf2: {  	v7 =	vsub.s32 v10, v2;
	v10 =	vld [tilespmem:s19+$0x1030];
	vm4 =	vlt.u32 v8, $0x200;
	v14 =	vadd.s32 v15, v14  }
0xf3: {  	v11 =	vld [tilespmem:s19+$0x1040];
	vm3 =	vlt.u32 v7, $0x200;
	v14 =	vsel vm6, v14, v1;
	[tilespmem:s19+$0x4070] =	vst v4;
	v4 =	vshll.u32 v5, $0xB  }
0xf4: {  	v12 =	vld [tilespmem:s19+$0x1050];
	vm2 =	vlt.u32 v6, $0x200;
	v5 =	vshll.u32 v6, $0xB;
	v6 =	vshll.u32 v7, $0xB  }
0xf5: {  	s21 =	simm.s32 $0x400;
	s20 =	simm.s32 $0x80;
	v7 =	vshll.u32 v8, $0xB;
	v8 =	vshll.u32 v13, $0xB;
	v15 =	vadd.s32 v17, v16;
	v13 =	vld [tilespmem:s19+$0x1060]  }
.LBB2_6:
0xf6: {  	p1 =	sne.s32 s21, $0x3E00;
	v16 =	vld [tilespmem:s20+$0x70];
	[tilespmem:s19+$0x4000] =	vst v14;
	v14 =	vsel vm0, v15, v1;
	v4 =	vadd.s32 v9, v4  }
0xf7: {  	v9 =	vld [tilespmem:s20+$0x0];
	[tilespmem:s19+$0x4010] =	vst v14;
	v4 =	vsel vm1, v4, v1;
	v5 =	vadd.s32 v10, v5  }
0xf8: {  	v10 =	vld [tilespmem:s20+$0x1070];
	[tilespmem:s19+$0x4020] =	vst v4;
	v4 =	vsel vm2, v5, v1;
	v5 =	vadd.s32 v11, v6  }
0xf9: {  	v6 =	vld [tilespmem:s20+$0x10];
	[tilespmem:s19+$0x4030] =	vst v4;
	v4 =	vsel vm3, v5, v1;
	v5 =	vadd.s32 v12, v7  }
0xfa: {  	v7 =	vld [tilespmem:s20+$0x20];
	[tilespmem:s19+$0x4040] =	vst v4;
	v4 =	vsel vm4, v5, v1;
	v5 =	vadd.s32 v13, v8  }
0xfb: {  	v8 =	vld [tilespmem:s20+$0x30];
	v11 =	vsub.s32 v16, v2;
	[tilespmem:s19+$0x4050] =	vst v4;
	v4 =	vsel vm5, v5, v1  }
0xfc: {  	v5 =	vsub.s32 v9, v2;
	v12 =	vld [tilespmem:s20+$0x40];
	v9 =	vshll.u32 v11, $0xB;
	[tilespmem:s19+$0x4060] =	vst v4;
	s19 =	smov.u32 s20  }
0xfd: {  	vm0 =	vlt.u32 v11, $0x200;
	v13 =	vshll.u32 v5, $0xB;
	v14 =	vld [tilespmem:s19+$0x50];
	v4 =	vadd.s32 v10, v9  }
0xfe: {  	vm6 =	vlt.u32 v5, $0x200;
	v5 =	vsub.s32 v6, v2;
	v15 =	vld [tilespmem:s19+$0x60];
	v4 =	vsel vm0, v4, v1  }
0xff: {  	v16 =	vld [tilespmem:s19+$0x1000];
	vm0 =	vlt.u32 v5, $0x200;
	v17 =	vshll.u32 v5, $0xB;
	v5 =	vsub.s32 v7, v2;
	[tilespmem:s19+$0x4070] =	vst v4  }
0x100: {  	v18 =	vld [tilespmem:s19+$0x1010];
	vm1 =	vlt.u32 v5, $0x200;
	v4 =	vshll.u32 v5, $0xB;
	v5 =	vsub.s32 v8, v2  }
.Ltmp2:
0x101: {  	v9 =	vld [tilespmem:s19+$0x1020];
	vm2 =	vlt.u32 v5, $0x200;
	v5 =	vshll.u32 v5, $0xB;
	v6 =	vsub.s32 v12, v2;
	(pc) =	sbr.rel @p1 .LBB2_6-.Ltmp2, $4  }
0x102: {  	v10 =	vld [tilespmem:s19+$0x1030];
	vm3 =	vlt.u32 v6, $0x200;
	v6 =	vshll.u32 v6, $0xB;
	v7 =	vsub.s32 v14, v2  }
0x103: {  	v11 =	vld [tilespmem:s19+$0x1040];
	vm4 =	vlt.u32 v7, $0x200;
	v7 =	vshll.u32 v7, $0xB;
	v8 =	vsub.s32 v15, v2  }
0x104: {  	v13 =	vadd.s32 v16, v13;
	v12 =	vld [tilespmem:s19+$0x1050];
	vm5 =	vlt.u32 v8, $0x200;
	v8 =	vshll.u32 v8, $0xB  }
0x105: {  	s20 =	sshra.s32 s21, $0x2;
	s21 =	sadd.s32 $0x200, s21;
	v14 =	vsel vm6, v13, v1;
	v15 =	vadd.s32 v18, v17;
	v13 =	vld [tilespmem:s19+$0x1060]  }
0x106: {  	v16 =	vld [tilespmem:s20+$0x70];
	[tilespmem:s19+$0x4000] =	vst v14;
	v45 =	vsel vm0, v15, v1;
	v4 =	vadd.s32 v9, v4  }
0x107: {  	v46 =	vld [tilespmem:s20+$0x0];
	[tilespmem:s19+$0x4010] =	vst v45;
	v4 =	vsel vm1, v4, v1;
	v5 =	vadd.s32 v10, v5  }
0x108: {  	v47 =	vld [tilespmem:s20+$0x1070];
	[tilespmem:s19+$0x4020] =	vst v4;
	v4 =	vsel vm2, v5, v1;
	v6 =	vadd.s32 v11, v6  }
0x109: {  	v5 =	vld [tilespmem:s20+$0x10];
	[tilespmem:s19+$0x4030] =	vst v4;
	v4 =	vsel vm3, v6, v1;
	v7 =	vadd.s32 v12, v7  }
0x10a: {  	v48 =	vld [tilespmem:s20+$0x20];
	[tilespmem:s19+$0x4040] =	vst v4;
	v4 =	vsel vm4, v7, v1;
	v8 =	vadd.s32 v13, v8  }
0x10b: {  	v49 =	vld [tilespmem:s20+$0x30];
	[tilespmem:s19+$0x4050] =	vst v4;
	v4 =	vsel vm5, v8, v1  }
0x10c: {  	v51 =	vsub.s32 v16, v2;
	v50 =	vld [tilespmem:s20+$0x40];
	[tilespmem:s19+$0x4060] =	vst v4  }
0x10d: {  	v4 =	vshll.u32 v51, $0xB;
	v52 =	vld [tilespmem:s20+$0x50]  }
0x10e: {  	vm8 =	vlt.u32 v51, $0x200;
	v4 =	vadd.s32 v47, v4;
	v53 =	vld [tilespmem:s20+$0x60]  }
0x10f: {  	v55 =	vsub.s32 v46, v2;
	v54 =	vld [tilespmem:s20+$0x1000];
	v4 =	vsel vm8, v4, v1  }
0x110: {  	vm9 =	vlt.u32 v55, $0x200;
	v56 =	vld [tilespmem:s20+$0x1010];
	v5 =	vsub.s32 v5, v2;
	[tilespmem:s20+$0x4070] =	vst v4;
	v4 =	vshll.u32 v55, $0xB  }
0x111: {  	v57 =	vld [tilespmem:s20+$0x1020];
	vm10 =	vlt.u32 v5, $0x200;
	v5 =	vshll.u32 v5, $0xB;
	v6 =	vsub.s32 v48, v2  }
0x112: {  	v14 =	vld [tilespmem:s20+$0x1030];
	vm11 =	vlt.u32 v6, $0x200;
	v6 =	vshll.u32 v6, $0xB;
	v7 =	vsub.s32 v49, v2  }
0x113: {  	v58 =	vld [tilespmem:s20+$0x1040];
	vm12 =	vlt.u32 v7, $0x200;
	v7 =	vshll.u32 v7, $0xB;
	v8 =	vsub.s32 v50, v2  }
0x114: {  	v59 =	vld [tilespmem:s20+$0x1050];
	vm13 =	vlt.u32 v8, $0x200;
	v8 =	vshll.u32 v8, $0xB;
	v4 =	vadd.s32 v54, v4  }
0x115: {  	v60 =	vld [tilespmem:s20+$0x1060];
	v11 =	vsub.s32 v52, v2;
	v5 =	vadd.s32 v56, v5;
	v4 =	vsel vm9, v4, v1  }
0x116: {  	v62 =	vsub.s32 v53, v2;
	[tilespmem:s20+$0x4000] =	vst v4;
	v4 =	vsel vm10, v5, v1;
	v5 =	vadd.s32 v57, v6  }
0x117: {  	vm14 =	vlt.u32 v11, $0x200;
	[tilespmem:s20+$0x4010] =	vst v4;
	v4 =	vsel vm11, v5, v1;
	v5 =	vadd.s32 v14, v7  }
0x118: {  	v61 =	vshll.u32 v11, $0xB;
	[tilespmem:s20+$0x4020] =	vst v4;
	v4 =	vsel vm12, v5, v1;
	v5 =	vadd.s32 v58, v8  }
0x119: {  	v63 =	vshll.u32 v62, $0xB;
	[tilespmem:s20+$0x4030] =	vst v4;
	v4 =	vsel vm13, v5, v1;
	v5 =	vadd.s32 v59, v61  }
0x11a: {  	vm15 =	vlt.u32 v62, $0x200;
	[tilespmem:s20+$0x4040] =	vst v4;
	v4 =	vsel vm14, v5, v1;
	v5 =	vadd.s32 v60, v63  }
0x11b: {  	[tilespmem:s20+$0x4050] =	vst v4;
	v4 =	vsel vm15, v5, v1  }
0x11c: {  	[tilespmem:s20+$0x4060] =	vst v4  }
0x11d: {  	_ =	swait.ge [sflag:s14], $0x4000  }
0x11e: {  	[sflag:s14] =	ssyncset.done $0x0  }
0x11f: {  	[sflag:s14] =	ssyncadd.s32 $0xFFFFC000  }
0x120: {  	_ =	swait.ge [sflag:s14], $0x4000  }
0x121: {  	[sflag:s14] =	ssyncset.done $0x0  }
0x122: {  	[sflag:s14] =	ssyncadd.s32 $0xFFFFC000  }
0x123: {  	_ =	swait.ge [sflag:s14], $0x4000  }
0x124: {  	[sflag:s14] =	ssyncset.done $0x0  }
0x125: {  	[sflag:s14] =	ssyncadd.s32 $0xFFFFC000  }
0x126: {  	_ =	swait.ge [sflag:s14], $0x4000  }
0x127: {  	[sflag:s14] =	ssyncset.done $0x0  }
0x128: {  	[sflag:s14] =	ssyncadd.s32 $0xFFFFC000  }
0x129: {  	s0 =	simm.s32 $0x3000;
	[bflag:$0x0] =	sbarrier.arrive $0xFFFF  }
0x12a: {  	[spmem:s7] =	stream.indirect.scatter.add.f32 [tilespmem:s1], [sflag:$0x1], $0x1, s0, s16, $0xb8;
	[tilespmem:$0x19008] =	vst v63  }
0x12b: {  	s3 =	simm.s32 $0x3080;
	s4 =	simm.s32 $0x2080  }
0x12c: {  	[spmem:s7] =	stream.indirect.scatter.add.f32 [tilespmem:s4], [sflag:$0x1], $0x1, s3, s16, $0xb8;
	[tilespmem:$0x19008] =	vst v63  }
0x12d: {  	s5 =	simm.s32 $0x3100;
	s6 =	simm.s32 $0x2100  }
0x12e: {  	[spmem:s7] =	stream.indirect.scatter.add.f32 [tilespmem:s6], [sflag:$0x1], $0x1, s5, s16, $0xb8;
	[tilespmem:$0x19008] =	vst v63  }
0x12f: {  	s8 =	simm.s32 $0x3180;
	s9 =	simm.s32 $0x2180  }
0x130: {  	[spmem:s7] =	stream.indirect.scatter.add.f32 [tilespmem:s9], [sflag:$0x1], $0x1, s8, s16, $0xb8;
	[tilespmem:$0x19008] =	vst v63  }
0x131: {  	s10 =	simm.s32 $0x3200;
	s11 =	simm.s32 $0x2200  }
0x132: {  	[spmem:s7] =	stream.indirect.scatter.add.f32 [tilespmem:s11], [sflag:$0x1], $0x1, s10, s16, $0xb8;
	[tilespmem:$0x19008] =	vst v63  }
0x133: {  	s12 =	simm.s32 $0x3280;
	s13 =	simm.s32 $0x2280  }
0x134: {  	[spmem:s7] =	stream.indirect.scatter.add.f32 [tilespmem:s13], [sflag:$0x1], $0x1, s12, s16, $0xb8;
	[tilespmem:$0x19008] =	vst v63  }
0x135: {  	s15 =	simm.s32 $0x3300;
	s18 =	simm.s32 $0x2300  }
0x136: {  	[spmem:s7] =	stream.indirect.scatter.add.f32 [tilespmem:s18], [sflag:$0x1], $0x1, s15, s16, $0xb8;
	[tilespmem:$0x19008] =	vst v63  }
0x137: {  	s19 =	simm.s32 $0x3380;
	s20 =	simm.s32 $0x2380  }
0x138: {  	[spmem:s7] =	stream.indirect.scatter.add.f32 [tilespmem:s20], [sflag:$0x1], $0x1, s19, s16, $0xb8;
	[tilespmem:$0x19008] =	vst v63  }
0x139: {  	s21 =	simm.s32 $0x3400;
	s22 =	simm.s32 $0x2400  }
0x13a: {  	[spmem:s7] =	stream.indirect.scatter.add.f32 [tilespmem:s22], [sflag:$0x1], $0x1, s21, s16, $0xb8;
	[tilespmem:$0x19008] =	vst v63  }
0x13b: {  	s23 =	simm.s32 $0x3480;
	s24 =	simm.s32 $0x2480  }
0x13c: {  	[spmem:s7] =	stream.indirect.scatter.add.f32 [tilespmem:s24], [sflag:$0x1], $0x1, s23, s16, $0xb8;
	[tilespmem:$0x19008] =	vst v63  }
0x13d: {  	s25 =	simm.s32 $0x3500;
	s26 =	simm.s32 $0x2500  }
0x13e: {  	[spmem:s7] =	stream.indirect.scatter.add.f32 [tilespmem:s26], [sflag:$0x1], $0x1, s25, s16, $0xb8;
	[tilespmem:$0x19008] =	vst v63  }
0x13f: {  	s28 =	simm.s32 $0x3580;
	s29 =	simm.s32 $0x2580  }
0x140: {  	[spmem:s7] =	stream.indirect.scatter.add.f32 [tilespmem:s29], [sflag:$0x1], $0x1, s28, s16, $0xb8;
	[tilespmem:$0x19008] =	vst v63  }
0x141: {  	s30 =	simm.s32 $0x3600;
	s31 =	simm.s32 $0x2600  }
0x142: {  	[spmem:s7] =	stream.indirect.scatter.add.f32 [tilespmem:s31], [sflag:$0x1], $0x1, s30, s16, $0xb8;
	[tilespmem:$0x19008] =	vst v63  }
0x143: {  	s2 =	simm.s32 $0x2680;
	s1 =	simm.s32 $0x3680  }
0x144: {  	[spmem:s7] =	stream.indirect.scatter.add.f32 [tilespmem:s2], [sflag:$0x1], $0x1, s1, s16, $0xb8;
	[tilespmem:$0x19008] =	vst v63  }
0x145: {  	s3 =	simm.s32 $0x3700;
	s4 =	simm.s32 $0x2700  }
0x146: {  	[spmem:s7] =	stream.indirect.scatter.add.f32 [tilespmem:s4], [sflag:$0x1], $0x1, s3, s16, $0xb8;
	[tilespmem:$0x19008] =	vst v63  }
0x147: {  	s5 =	simm.s32 $0x3780;
	s6 =	simm.s32 $0x2780  }
0x148: {  	[spmem:s7] =	stream.indirect.scatter.add.f32 [tilespmem:s6], [sflag:$0x1], $0x1, s5, s16, $0xb8;
	[tilespmem:$0x19008] =	vst v63  }
0x149: {  	s8 =	simm.s32 $0x3800;
	s9 =	simm.s32 $0x2800  }
0x14a: {  	[spmem:s7] =	stream.indirect.scatter.add.f32 [tilespmem:s9], [sflag:$0x1], $0x1, s8, s16, $0xb8;
	[tilespmem:$0x19008] =	vst v63  }
0x14b: {  	s10 =	simm.s32 $0x3880;
	s11 =	simm.s32 $0x2880  }
0x14c: {  	[spmem:s7] =	stream.indirect.scatter.add.f32 [tilespmem:s11], [sflag:$0x1], $0x1, s10, s16, $0xb8;
	[tilespmem:$0x19008] =	vst v63  }
0x14d: {  	s12 =	simm.s32 $0x3900;
	s13 =	simm.s32 $0x2900  }
0x14e: {  	[spmem:s7] =	stream.indirect.scatter.add.f32 [tilespmem:s13], [sflag:$0x1], $0x1, s12, s16, $0xb8;
	[tilespmem:$0x19008] =	vst v63  }
0x14f: {  	s15 =	simm.s32 $0x3980;
	s18 =	simm.s32 $0x2980  }
0x150: {  	[spmem:s7] =	stream.indirect.scatter.add.f32 [tilespmem:s18], [sflag:$0x1], $0x1, s15, s16, $0xb8;
	[tilespmem:$0x19008] =	vst v63  }
0x151: {  	s19 =	simm.s32 $0x3A00;
	s20 =	simm.s32 $0x2A00  }
0x152: {  	[spmem:s7] =	stream.indirect.scatter.add.f32 [tilespmem:s20], [sflag:$0x1], $0x1, s19, s16, $0xb8;
	[tilespmem:$0x19008] =	vst v63  }
0x153: {  	s21 =	simm.s32 $0x3A80;
	s22 =	simm.s32 $0x2A80  }
0x154: {  	[spmem:s7] =	stream.indirect.scatter.add.f32 [tilespmem:s22], [sflag:$0x1], $0x1, s21, s16, $0xb8;
	[tilespmem:$0x19008] =	vst v63  }
0x155: {  	s23 =	simm.s32 $0x3B00;
	s24 =	simm.s32 $0x2B00  }
0x156: {  	[spmem:s7] =	stream.indirect.scatter.add.f32 [tilespmem:s24], [sflag:$0x1], $0x1, s23, s16, $0xb8;
	[tilespmem:$0x19008] =	vst v63  }
0x157: {  	s25 =	simm.s32 $0x3B80;
	s26 =	simm.s32 $0x2B80  }
0x158: {  	[spmem:s7] =	stream.indirect.scatter.add.f32 [tilespmem:s26], [sflag:$0x1], $0x1, s25, s16, $0xb8;
	[tilespmem:$0x19008] =	vst v63  }
0x159: {  	s28 =	simm.s32 $0x3C00;
	s29 =	simm.s32 $0x2C00  }
0x15a: {  	[spmem:s7] =	stream.indirect.scatter.add.f32 [tilespmem:s29], [sflag:$0x1], $0x1, s28, s16, $0xb8;
	[tilespmem:$0x19008] =	vst v63  }
0x15b: {  	s30 =	simm.s32 $0x3C80;
	s31 =	simm.s32 $0x2C80  }
0x15c: {  	[spmem:s7] =	stream.indirect.scatter.add.f32 [tilespmem:s31], [sflag:$0x1], $0x1, s30, s16, $0xb8;
	[tilespmem:$0x19008] =	vst v63  }
0x15d: {  	s1 =	simm.s32 $0x3D00;
	s2 =	simm.s32 $0x2D00  }
0x15e: {  	[spmem:s7] =	stream.indirect.scatter.add.f32 [tilespmem:s2], [sflag:$0x1], $0x1, s1, s16, $0xb8;
	[tilespmem:$0x19008] =	vst v63  }
0x15f: {  	s3 =	simm.s32 $0x3D80;
	s4 =	simm.s32 $0x2D80  }
0x160: {  	[spmem:s7] =	stream.indirect.scatter.add.f32 [tilespmem:s4], [sflag:$0x1], $0x1, s3, s16, $0xb8;
	[tilespmem:$0x19008] =	vst v63  }
0x161: {  	s5 =	simm.s32 $0x3E00;
	s6 =	simm.s32 $0x2E00  }
0x162: {  	[spmem:s7] =	stream.indirect.scatter.add.f32 [tilespmem:s6], [sflag:$0x1], $0x1, s5, s16, $0xb8;
	[tilespmem:$0x19008] =	vst v63  }
0x163: {  	s8 =	simm.s32 $0x3E80;
	s9 =	simm.s32 $0x2E80  }
0x164: {  	[spmem:s7] =	stream.indirect.scatter.add.f32 [tilespmem:s9], [sflag:$0x1], $0x1, s8, s16, $0xb8;
	[tilespmem:$0x19008] =	vst v63  }
0x165: {  	s10 =	simm.s32 $0x3F00;
	s11 =	simm.s32 $0x2F00  }
0x166: {  	[spmem:s7] =	stream.indirect.scatter.add.f32 [tilespmem:s11], [sflag:$0x1], $0x1, s10, s16, $0xb8;
	[tilespmem:$0x19008] =	vst v63  }
0x167: {  	s12 =	simm.s32 $0x3F80;
	s13 =	simm.s32 $0x2F80  }
0x168: {  	[spmem:s7] =	stream.indirect.scatter.add.f32 [tilespmem:s13], [sflag:$0x1], $0x1, s12, s16, $0xb8;
	[tilespmem:$0x19008] =	vst v63  }
0x169: {  	_ =	swait.ge [sflag:s14], $0x80  }
0x16a: {  	[sflag:s14] =	ssyncset.done $0x0  }
0x16b: {  	[sflag:s14] =	ssyncadd.s32 $0xFFFFFF80  }
0x16c: {  	_ =	swait.ge [sflag:s14], $0x80  }
0x16d: {  	[sflag:s14] =	ssyncset.done $0x0  }
0x16e: {  	[sflag:s14] =	ssyncadd.s32 $0xFFFFFF80  }
0x16f: {  	_ =	swait.ge [sflag:s14], $0x80  }
0x170: {  	[sflag:s14] =	ssyncset.done $0x0  }
0x171: {  	[sflag:s14] =	ssyncadd.s32 $0xFFFFFF80  }
0x172: {  	_ =	swait.ge [sflag:s14], $0x80  }
0x173: {  	[sflag:s14] =	ssyncset.done $0x0  }
0x174: {  	[sflag:s14] =	ssyncadd.s32 $0xFFFFFF80  }
0x175: {  	_ =	swait.ge [sflag:s14], $0x80  }
0x176: {  	[sflag:s14] =	ssyncset.done $0x0  }
0x177: {  	[sflag:s14] =	ssyncadd.s32 $0xFFFFFF80  }
0x178: {  	_ =	swait.ge [sflag:s14], $0x80  }
0x179: {  	[sflag:s14] =	ssyncset.done $0x0  }
0x17a: {  	[sflag:s14] =	ssyncadd.s32 $0xFFFFFF80  }
0x17b: {  	_ =	swait.ge [sflag:s14], $0x80  }
0x17c: {  	[sflag:s14] =	ssyncset.done $0x0  }
0x17d: {  	[sflag:s14] =	ssyncadd.s32 $0xFFFFFF80  }
0x17e: {  	_ =	swait.ge [sflag:s14], $0x80  }
0x17f: {  	[sflag:s14] =	ssyncset.done $0x0  }
0x180: {  	[sflag:s14] =	ssyncadd.s32 $0xFFFFFF80  }
0x181: {  	_ =	swait.ge [sflag:s14], $0x80  }
0x182: {  	[sflag:s14] =	ssyncset.done $0x0  }
0x183: {  	[sflag:s14] =	ssyncadd.s32 $0xFFFFFF80  }
0x184: {  	_ =	swait.ge [sflag:s14], $0x80  }
0x185: {  	[sflag:s14] =	ssyncset.done $0x0  }
0x186: {  	[sflag:s14] =	ssyncadd.s32 $0xFFFFFF80  }
0x187: {  	_ =	swait.ge [sflag:s14], $0x80  }
0x188: {  	[sflag:s14] =	ssyncset.done $0x0  }
0x189: {  	[sflag:s14] =	ssyncadd.s32 $0xFFFFFF80  }
0x18a: {  	_ =	swait.ge [sflag:s14], $0x80  }
0x18b: {  	[sflag:s14] =	ssyncset.done $0x0  }
0x18c: {  	[sflag:s14] =	ssyncadd.s32 $0xFFFFFF80  }
0x18d: {  	_ =	swait.ge [sflag:s14], $0x80  }
0x18e: {  	[sflag:s14] =	ssyncset.done $0x0  }
0x18f: {  	[sflag:s14] =	ssyncadd.s32 $0xFFFFFF80  }
0x190: {  	_ =	swait.ge [sflag:s14], $0x80  }
0x191: {  	[sflag:s14] =	ssyncset.done $0x0  }
0x192: {  	[sflag:s14] =	ssyncadd.s32 $0xFFFFFF80  }
0x193: {  	_ =	swait.ge [sflag:s14], $0x80  }
0x194: {  	[sflag:s14] =	ssyncset.done $0x0  }
0x195: {  	[sflag:s14] =	ssyncadd.s32 $0xFFFFFF80  }
0x196: {  	_ =	swait.ge [sflag:s14], $0x80  }
0x197: {  	[sflag:s14] =	ssyncset.done $0x0  }
0x198: {  	[sflag:s14] =	ssyncadd.s32 $0xFFFFFF80  }
0x199: {  	_ =	swait.ge [sflag:s14], $0x80  }
0x19a: {  	[sflag:s14] =	ssyncset.done $0x0  }
0x19b: {  	[sflag:s14] =	ssyncadd.s32 $0xFFFFFF80  }
0x19c: {  	_ =	swait.ge [sflag:s14], $0x80  }
0x19d: {  	[sflag:s14] =	ssyncset.done $0x0  }
0x19e: {  	[sflag:s14] =	ssyncadd.s32 $0xFFFFFF80  }
0x19f: {  	_ =	swait.ge [sflag:s14], $0x80  }
0x1a0: {  	[sflag:s14] =	ssyncset.done $0x0  }
0x1a1: {  	[sflag:s14] =	ssyncadd.s32 $0xFFFFFF80  }
0x1a2: {  	_ =	swait.ge [sflag:s14], $0x80  }
0x1a3: {  	[sflag:s14] =	ssyncset.done $0x0  }
0x1a4: {  	[sflag:s14] =	ssyncadd.s32 $0xFFFFFF80  }
0x1a5: {  	_ =	swait.ge [sflag:s14], $0x80  }
0x1a6: {  	[sflag:s14] =	ssyncset.done $0x0  }
0x1a7: {  	[sflag:s14] =	ssyncadd.s32 $0xFFFFFF80  }
0x1a8: {  	_ =	swait.ge [sflag:s14], $0x80  }
0x1a9: {  	[sflag:s14] =	ssyncset.done $0x0  }
0x1aa: {  	[sflag:s14] =	ssyncadd.s32 $0xFFFFFF80  }
0x1ab: {  	_ =	swait.ge [sflag:s14], $0x80  }
0x1ac: {  	[sflag:s14] =	ssyncset.done $0x0  }
0x1ad: {  	[sflag:s14] =	ssyncadd.s32 $0xFFFFFF80  }
0x1ae: {  	_ =	swait.ge [sflag:s14], $0x80  }
0x1af: {  	[sflag:s14] =	ssyncset.done $0x0  }
0x1b0: {  	[sflag:s14] =	ssyncadd.s32 $0xFFFFFF80  }
0x1b1: {  	_ =	swait.ge [sflag:s14], $0x80  }
0x1b2: {  	[sflag:s14] =	ssyncset.done $0x0  }
0x1b3: {  	[sflag:s14] =	ssyncadd.s32 $0xFFFFFF80  }
0x1b4: {  	_ =	swait.ge [sflag:s14], $0x80  }
0x1b5: {  	[sflag:s14] =	ssyncset.done $0x0  }
0x1b6: {  	[sflag:s14] =	ssyncadd.s32 $0xFFFFFF80  }
0x1b7: {  	_ =	swait.ge [sflag:s14], $0x80  }
0x1b8: {  	[sflag:s14] =	ssyncset.done $0x0  }
0x1b9: {  	[sflag:s14] =	ssyncadd.s32 $0xFFFFFF80  }
0x1ba: {  	_ =	swait.ge [sflag:s14], $0x80  }
0x1bb: {  	[sflag:s14] =	ssyncset.done $0x0  }
0x1bc: {  	[sflag:s14] =	ssyncadd.s32 $0xFFFFFF80  }
0x1bd: {  	_ =	swait.ge [sflag:s14], $0x80  }
0x1be: {  	[sflag:s14] =	ssyncset.done $0x0  }
0x1bf: {  	[sflag:s14] =	ssyncadd.s32 $0xFFFFFF80  }
0x1c0: {  	_ =	swait.ge [sflag:s14], $0x80  }
0x1c1: {  	[sflag:s14] =	ssyncset.done $0x0  }
0x1c2: {  	[sflag:s14] =	ssyncadd.s32 $0xFFFFFF80  }
0x1c3: {  	_ =	swait.ge [sflag:s14], $0x80  }
0x1c4: {  	[sflag:s14] =	ssyncset.done $0x0  }
0x1c5: {  	[sflag:s14] =	ssyncadd.s32 $0xFFFFFF80  }
0x1c6: {  	_ =	swait.ge [sflag:s14], $0x80  }
0x1c7: {  	[sflag:s14] =	ssyncset.done $0x0  }
0x1c8: {  	[sflag:s14] =	ssyncadd.s32 $0xFFFFFF80  }
0x1c9: {  	s15 =	stileid.u32;
	[bflag:$0x0] =	sbarrier.arrive $0xFFFF  }
0x1ca: {  	s19 =	sshll.u32 s15, $0x6;
	s15 =	sld [smem:$0x7F9];
	_ =	sdelay $0x2  }
0x1cb: {  	s19 =	sor.u32 $0x1C01, s19;
	s21 =	rddreg [dreg:$0x9];
	s20 =	sshrl.u32 s15, $0x3  }
0x1cc: {  	[hbm:s21@s16], [sflag:s19] =	dma.strided [spmem:s20@s17], $0x100, s14, $0x10   }
0x1cd: {  	s18 =	sld [smem:$0x7DB];
	_ =	sdelay $0x1  }
0x1ce: {  	s21 =	rddreg [dreg:$0xa]  }
0x1cf: {  	[hbm:s21@s16], [sflag:s19] =	dma.strided [spmem:s18@s17], $0x100, s14, $0x10   }
0x1d0: {  	s0 =	sld [smem:$0x7DC];
	_ =	sdelay $0x1  }
0x1d1: {  	s21 =	rddreg [dreg:$0xb]  }
0x1d2: {  	[hbm:s21@s16], [sflag:s19] =	dma.strided [spmem:s0@s17], $0x100, s14, $0x10   }
0x1d3: {  	s0 =	sld [smem:$0x7DD];
	_ =	sdelay $0x1  }
0x1d4: {  	s21 =	rddreg [dreg:$0xc]  }
0x1d5: {  	[hbm:s21@s16], [sflag:s19] =	dma.strided [spmem:s0@s17], $0x100, s14, $0x10   }
0x1d6: {  	s0 =	sld [smem:$0x7DE];
	_ =	sdelay $0x1  }
0x1d7: {  	s21 =	rddreg [dreg:$0xd]  }
0x1d8: {  	[hbm:s21@s16], [sflag:s19] =	dma.strided [spmem:s0@s17], $0x100, s14, $0x10   }
0x1d9: {  	s0 =	sld [smem:$0x7DF];
	_ =	sdelay $0x1  }
0x1da: {  	s21 =	rddreg [dreg:$0xe]  }
0x1db: {  	[hbm:s21@s16], [sflag:s19] =	dma.strided [spmem:s0@s17], $0x100, s14, $0x10   }
0x1dc: {  	s0 =	sld [smem:$0x7E0];
	_ =	sdelay $0x1  }
0x1dd: {  	s21 =	rddreg [dreg:$0xf]  }
0x1de: {  	[hbm:s21@s16], [sflag:s19] =	dma.strided [spmem:s0@s17], $0x100, s14, $0x10   }
0x1df: {  	s0 =	sld [smem:$0x7E1];
	_ =	sdelay $0x1  }
0x1e0: {  	s21 =	rddreg [dreg:$0x10]  }
0x1e1: {  	[hbm:s21@s16], [sflag:s19] =	dma.strided [spmem:s0@s17], $0x100, s14, $0x10   }
0x1e2: {  	s2 =	sld [smem:$0x7F7];
	_ =	sdelay $0x2  }
0x1e3: {  	s22 =	rddreg [dreg:$0x11];
	s21 =	sshrl.u32 s2, $0x3  }
0x1e4: {  	[smem:$0x7A6] =	sst s21  }
0x1e5: {  	[hbm:s22@s16], [sflag:s19] =	dma.strided [spmem:s21@s17], $0x100, s14, $0x10   }
0x1e6: {  	s0 =	sld [smem:$0x7E2];
	_ =	sdelay $0x1  }
0x1e7: {  	s22 =	rddreg [dreg:$0x12]  }
0x1e8: {  	[hbm:s22@s16], [sflag:s19] =	dma.strided [spmem:s0@s17], $0x100, s14, $0x10   }
0x1e9: {  	s0 =	sld [smem:$0x7E3];
	_ =	sdelay $0x1  }
0x1ea: {  	s22 =	rddreg [dreg:$0x13]  }
0x1eb: {  	[hbm:s22@s16], [sflag:s19] =	dma.strided [spmem:s0@s17], $0x100, s14, $0x10   }
0x1ec: {  	s26 =	sld [smem:$0x7E4];
	_ =	sdelay $0x1  }
0x1ed: {  	s22 =	rddreg [dreg:$0x14]  }
0x1ee: {  	[hbm:s22@s16], [sflag:s19] =	dma.strided [spmem:s26@s17], $0x100, s14, $0x10   }
0x1ef: {  	s28 =	sld [smem:$0x7E5];
	_ =	sdelay $0x1  }
0x1f0: {  	s22 =	rddreg [dreg:$0x15]  }
0x1f1: {  	[hbm:s22@s16], [sflag:s19] =	dma.strided [spmem:s28@s17], $0x100, s14, $0x10   }
0x1f2: {  	s29 =	sld [smem:$0x7E6];
	_ =	sdelay $0x1  }
0x1f3: {  	s22 =	rddreg [dreg:$0x16]  }
0x1f4: {  	[hbm:s22@s16], [sflag:s19] =	dma.strided [spmem:s29@s17], $0x100, s14, $0x10   }
0x1f5: {  	s30 =	sld [smem:$0x7E7];
	_ =	sdelay $0x1  }
0x1f6: {  	s22 =	rddreg [dreg:$0x17]  }
0x1f7: {  	[hbm:s22@s16], [sflag:s19] =	dma.strided [spmem:s30@s17], $0x100, s14, $0x10   }
0x1f8: {  	s31 =	sld [smem:$0x7E8];
	_ =	sdelay $0x1  }
0x1f9: {  	s22 =	rddreg [dreg:$0x18]  }
0x1fa: {  	[hbm:s22@s16], [sflag:s19] =	dma.strided [spmem:s31@s17], $0x100, s14, $0x10   }
0x1fb: {  	s1 =	sld [smem:$0x7F8];
	_ =	sdelay $0x2  }
0x1fc: {  	s23 =	rddreg [dreg:$0x19];
	s22 =	sshrl.u32 s1, $0x3  }
0x1fd: {  	[smem:$0x7A7] =	sst s22  }
0x1fe: {  	[hbm:s23@s16], [sflag:s19] =	dma.strided [spmem:s22@s17], $0x100, s14, $0x10   }
0x1ff: {  	s11 =	sld [smem:$0x7E9];
	_ =	sdelay $0x1  }
0x200: {  	s23 =	rddreg [dreg:$0x1a]  }
0x201: {  	[hbm:s23@s16], [sflag:s19] =	dma.strided [spmem:s11@s17], $0x100, s14, $0x10   }
0x202: {  	s22 =	sld [smem:$0x7EA];
	_ =	sdelay $0x1  }
0x203: {  	s23 =	rddreg [dreg:$0x1b]  }
0x204: {  	[hbm:s23@s16], [sflag:s19] =	dma.strided [spmem:s22@s17], $0x100, s14, $0x10   }
0x205: {  	s12 =	sld [smem:$0x7EB];
	_ =	sdelay $0x1  }
0x206: {  	s23 =	rddreg [dreg:$0x1c]  }
0x207: {  	[hbm:s23@s16], [sflag:s19] =	dma.strided [spmem:s12@s17], $0x100, s14, $0x10   }
0x208: {  	s13 =	sld [smem:$0x7EC];
	_ =	sdelay $0x1  }
0x209: {  	s23 =	rddreg [dreg:$0x1d]  }
0x20a: {  	[hbm:s23@s16], [sflag:s19] =	dma.strided [spmem:s13@s17], $0x100, s14, $0x10   }
0x20b: {  	s25 =	sld [smem:$0x7ED];
	_ =	sdelay $0x1  }
0x20c: {  	s23 =	rddreg [dreg:$0x1e]  }
0x20d: {  	[hbm:s23@s16], [sflag:s19] =	dma.strided [spmem:s25@s17], $0x100, s14, $0x10   }
0x20e: {  	s18 =	sld [smem:$0x7EE];
	_ =	sdelay $0x1  }
0x20f: {  	s23 =	rddreg [dreg:$0x1f]  }
0x210: {  	[hbm:s23@s16], [sflag:s19] =	dma.strided [spmem:s18@s17], $0x100, s14, $0x10   }
0x211: {  	s23 =	sld [smem:$0x7AA]  }
0x212: {  	s21 =	sld [smem:$0x7EF];
	_ =	sdelay $0x2  }
0x213: {  	[hbm:s23@s16], [sflag:s19] =	dma.strided [spmem:s21@s17], $0x100, s14, $0x10   }
0x214: {  	s0 =	sld [smem:$0x7FA]  }
0x215: {  	s24 =	sld [smem:$0x7AB];
	_ =	sdelay $0x1  }
0x216: {  	s23 =	sshrl.u32 s0, $0x3  }
0x217: {  	[hbm:s24@s16], [sflag:s19] =	dma.strided [spmem:s23@s17], $0x100, s14, $0x10   }
0x218: {  	s24 =	sld [smem:$0x7AC]  }
0x219: {  	s8 =	sld [smem:$0x7F0];
	_ =	sdelay $0x2  }
0x21a: {  	[hbm:s24@s16], [sflag:s19] =	dma.strided [spmem:s8@s17], $0x100, s14, $0x10   }
0x21b: {  	s24 =	sld [smem:$0x7AD]  }
0x21c: {  	s9 =	sld [smem:$0x7F1];
	_ =	sdelay $0x2  }
0x21d: {  	[hbm:s24@s16], [sflag:s19] =	dma.strided [spmem:s9@s17], $0x100, s14, $0x10   }
0x21e: {  	s24 =	sld [smem:$0x7AE]  }
0x21f: {  	s10 =	sld [smem:$0x7F2];
	_ =	sdelay $0x2  }
0x220: {  	[hbm:s24@s16], [sflag:s19] =	dma.strided [spmem:s10@s17], $0x100, s14, $0x10   }
0x221: {  	s24 =	sld [smem:$0x7B0]  }
0x222: {  	s3 =	sld [smem:$0x7F3];
	_ =	sdelay $0x2  }
0x223: {  	[hbm:s24@s16], [sflag:s19] =	dma.strided [spmem:s3@s17], $0x100, s14, $0x10   }
0x224: {  	s24 =	sld [smem:$0x7B2]  }
0x225: {  	s4 =	sld [smem:$0x7F4];
	_ =	sdelay $0x2  }
0x226: {  	[hbm:s24@s16], [sflag:s19] =	dma.strided [spmem:s4@s17], $0x100, s14, $0x10   }
0x227: {  	s24 =	sld [smem:$0x7B3]  }
0x228: {  	s5 =	sld [smem:$0x7F5];
	_ =	sdelay $0x2  }
0x229: {  	[hbm:s24@s16], [sflag:s19] =	dma.strided [spmem:s5@s17], $0x100, s14, $0x10   }
0x22a: {  	s24 =	sld [smem:$0x7B4]  }
0x22b: {  	s6 =	sld [smem:$0x7F6];
	_ =	sdelay $0x2  }
0x22c: {  	[hbm:s24@s16], [sflag:s19] =	dma.strided [spmem:s6@s17], $0x100, s14, $0x10   }
0x22d: {  	_ =	swait.ge [sflag:s14], $0x100  }
0x22e: {  	[sflag:s14] =	ssyncset.done $0x0  }
0x22f: {  	[sflag:s14] =	ssyncadd.s32 $0xFFFFFF00  }
0x230: {  	_ =	swait.ge [sflag:s14], $0x100  }
0x231: {  	[sflag:s14] =	ssyncset.done $0x0  }
0x232: {  	[sflag:s14] =	ssyncadd.s32 $0xFFFFFF00  }
0x233: {  	_ =	swait.ge [sflag:s14], $0x100  }
0x234: {  	[sflag:s14] =	ssyncset.done $0x0  }
0x235: {  	[sflag:s14] =	ssyncadd.s32 $0xFFFFFF00  }
0x236: {  	_ =	swait.ge [sflag:s14], $0x100  }
0x237: {  	[sflag:s14] =	ssyncset.done $0x0  }
0x238: {  	[sflag:s14] =	ssyncadd.s32 $0xFFFFFF00  }
0x239: {  	_ =	swait.ge [sflag:s14], $0x100  }
0x23a: {  	[sflag:s14] =	ssyncset.done $0x0  }
0x23b: {  	[sflag:s14] =	ssyncadd.s32 $0xFFFFFF00  }
0x23c: {  	_ =	swait.ge [sflag:s14], $0x100  }
0x23d: {  	[sflag:s14] =	ssyncset.done $0x0  }
0x23e: {  	[sflag:s14] =	ssyncadd.s32 $0xFFFFFF00  }
0x23f: {  	_ =	swait.ge [sflag:s14], $0x100  }
0x240: {  	[sflag:s14] =	ssyncset.done $0x0  }
0x241: {  	[sflag:s14] =	ssyncadd.s32 $0xFFFFFF00  }
0x242: {  	_ =	swait.ge [sflag:s14], $0x100  }
0x243: {  	[sflag:s14] =	ssyncset.done $0x0  }
0x244: {  	[sflag:s14] =	ssyncadd.s32 $0xFFFFFF00  }
0x245: {  	_ =	swait.ge [sflag:s14], $0x100  }
0x246: {  	[sflag:s14] =	ssyncset.done $0x0  }
0x247: {  	[sflag:s14] =	ssyncadd.s32 $0xFFFFFF00  }
0x248: {  	_ =	swait.ge [sflag:s14], $0x100  }
0x249: {  	[sflag:s14] =	ssyncset.done $0x0  }
0x24a: {  	[sflag:s14] =	ssyncadd.s32 $0xFFFFFF00  }
0x24b: {  	_ =	swait.ge [sflag:s14], $0x100  }
0x24c: {  	[sflag:s14] =	ssyncset.done $0x0  }
0x24d: {  	[sflag:s14] =	ssyncadd.s32 $0xFFFFFF00  }
0x24e: {  	_ =	swait.ge [sflag:s14], $0x100  }
0x24f: {  	[sflag:s14] =	ssyncset.done $0x0  }
0x250: {  	[sflag:s14] =	ssyncadd.s32 $0xFFFFFF00  }
0x251: {  	_ =	swait.ge [sflag:s14], $0x100  }
0x252: {  	[sflag:s14] =	ssyncset.done $0x0  }
0x253: {  	[sflag:s14] =	ssyncadd.s32 $0xFFFFFF00  }
0x254: {  	_ =	swait.ge [sflag:s14], $0x100  }
0x255: {  	[sflag:s14] =	ssyncset.done $0x0  }
0x256: {  	[sflag:s14] =	ssyncadd.s32 $0xFFFFFF00  }
0x257: {  	_ =	swait.ge [sflag:s14], $0x100  }
0x258: {  	[sflag:s14] =	ssyncset.done $0x0  }
0x259: {  	[sflag:s14] =	ssyncadd.s32 $0xFFFFFF00  }
0x25a: {  	_ =	swait.ge [sflag:s14], $0x100  }
0x25b: {  	[sflag:s14] =	ssyncset.done $0x0  }
0x25c: {  	[sflag:s14] =	ssyncadd.s32 $0xFFFFFF00  }
0x25d: {  	_ =	swait.ge [sflag:s14], $0x100  }
0x25e: {  	[sflag:s14] =	ssyncset.done $0x0  }
0x25f: {  	[sflag:s14] =	ssyncadd.s32 $0xFFFFFF00  }
0x260: {  	_ =	swait.ge [sflag:s14], $0x100  }
0x261: {  	[sflag:s14] =	ssyncset.done $0x0  }
0x262: {  	[sflag:s14] =	ssyncadd.s32 $0xFFFFFF00  }
0x263: {  	_ =	swait.ge [sflag:s14], $0x100  }
0x264: {  	[sflag:s14] =	ssyncset.done $0x0  }
0x265: {  	[sflag:s14] =	ssyncadd.s32 $0xFFFFFF00  }
0x266: {  	_ =	swait.ge [sflag:s14], $0x100  }
0x267: {  	[sflag:s14] =	ssyncset.done $0x0  }
0x268: {  	[sflag:s14] =	ssyncadd.s32 $0xFFFFFF00  }
0x269: {  	_ =	swait.ge [sflag:s14], $0x100  }
0x26a: {  	[sflag:s14] =	ssyncset.done $0x0  }
0x26b: {  	[sflag:s14] =	ssyncadd.s32 $0xFFFFFF00  }
0x26c: {  	_ =	swait.ge [sflag:s14], $0x100  }
0x26d: {  	[sflag:s14] =	ssyncset.done $0x0  }
0x26e: {  	[sflag:s14] =	ssyncadd.s32 $0xFFFFFF00  }
0x26f: {  	_ =	swait.ge [sflag:s14], $0x100  }
0x270: {  	[sflag:s14] =	ssyncset.done $0x0  }
0x271: {  	[sflag:s14] =	ssyncadd.s32 $0xFFFFFF00  }
0x272: {  	_ =	swait.ge [sflag:s14], $0x100  }
0x273: {  	[sflag:s14] =	ssyncset.done $0x0  }
0x274: {  	[sflag:s14] =	ssyncadd.s32 $0xFFFFFF00  }
0x275: {  	_ =	swait.ge [sflag:s14], $0x100  }
0x276: {  	[sflag:s14] =	ssyncset.done $0x0  }
0x277: {  	[sflag:s14] =	ssyncadd.s32 $0xFFFFFF00  }
0x278: {  	_ =	swait.ge [sflag:s14], $0x100  }
0x279: {  	[sflag:s14] =	ssyncset.done $0x0  }
0x27a: {  	[sflag:s14] =	ssyncadd.s32 $0xFFFFFF00  }
0x27b: {  	_ =	swait.ge [sflag:s14], $0x100  }
0x27c: {  	[sflag:s14] =	ssyncset.done $0x0  }
0x27d: {  	[sflag:s14] =	ssyncadd.s32 $0xFFFFFF00  }
0x27e: {  	_ =	swait.ge [sflag:s14], $0x100  }
0x27f: {  	[sflag:s14] =	ssyncset.done $0x0  }
0x280: {  	[sflag:s14] =	ssyncadd.s32 $0xFFFFFF00  }
0x281: {  	_ =	swait.ge [sflag:s14], $0x100  }
0x282: {  	[sflag:s14] =	ssyncset.done $0x0  }
0x283: {  	[sflag:s14] =	ssyncadd.s32 $0xFFFFFF00  }
0x284: {  	_ =	swait.ge [sflag:s14], $0x100  }
0x285: {  	[sflag:s14] =	ssyncset.done $0x0  }
0x286: {  	[sflag:s14] =	ssyncadd.s32 $0xFFFFFF00  }
0x287: {  	_ =	swait.ge [sflag:s14], $0x100  }
0x288: {  	[sflag:s14] =	ssyncset.done $0x0  }
0x289: {  	[sflag:s14] =	ssyncadd.s32 $0xFFFFFF00  }
0x28a: {  	_ =	swait.ge [sflag:s14], $0x100  }
0x28b: {  	[sflag:s14] =	ssyncset.done $0x0  }
0x28c: {  	s24 =	simm.s32 $0x5000;
	[sflag:s14] =	ssyncadd.s32 $0xFFFFFF00  }
0x28d: {  	[spmem:s15] =	stream.linear.scatter [tilespmem:s24], [sflag:$0x1], $0x4000, $0x38;
	[tilespmem:$0x19008] =	vst v63  }
0x28e: {  	s15 =	simm.s32 $0x5000  }
0x28f: {  	[spmem:s2] =	stream.linear.scatter [tilespmem:s15], [sflag:$0x1], $0x4000, $0x38;
	[tilespmem:$0x19008] =	vst v63  }
0x290: {  	_ = 	snop  }
0x291: {  	[spmem:s1] =	stream.linear.scatter [tilespmem:s15], [sflag:$0x1], $0x4000, $0x38;
	[tilespmem:$0x19008] =	vst v63  }
0x292: {  	_ = 	snop  }
0x293: {  	[spmem:s0] =	stream.linear.scatter [tilespmem:s15], [sflag:$0x1], $0x4000, $0x38;
	[tilespmem:$0x19008] =	vst v63  }
0x294: {  	[bflag:$0x0] =	sbarrier.arrive $0xFFFF  }
0x295: {  	_ =	swait.ge [sflag:s14], $0x4000  }
0x296: {  	[sflag:s14] =	ssyncset.done $0x0  }
0x297: {  	[sflag:s14] =	ssyncadd.s32 $0xFFFFC000  }
0x298: {  	_ =	swait.ge [sflag:s14], $0x4000  }
0x299: {  	[sflag:s14] =	ssyncset.done $0x0  }
0x29a: {  	[sflag:s14] =	ssyncadd.s32 $0xFFFFC000  }
0x29b: {  	_ =	swait.ge [sflag:s14], $0x4000  }
0x29c: {  	[sflag:s14] =	ssyncset.done $0x0  }
0x29d: {  	[sflag:s14] =	ssyncadd.s32 $0xFFFFC000  }
0x29e: {  	_ =	swait.ge [sflag:s14], $0x4000  }
0x29f: {  	[sflag:s14] =	ssyncset.done $0x0  }
0x2a0: {  	[sflag:s14] =	ssyncadd.s32 $0xFFFFC000  }
0x2a1: {  	s24 =	simm.s32 $0x4000;
	s1 =	simm.s32 $0x2000;
	[bflag:$0x0] =	sbarrier.arrive $0xFFFF  }
0x2a2: {  	[spmem:s7] =	stream.indirect.scatter.add.f32 [tilespmem:s1], [sflag:$0x1], $0x1, s24, s16, $0xb8;
	[tilespmem:$0x19008] =	vst v63  }
0x2a3: {  	s2 =	simm.s32 $0x4080;
	s24 =	simm.s32 $0x2080  }
0x2a4: {  	[spmem:s7] =	stream.indirect.scatter.add.f32 [tilespmem:s24], [sflag:$0x1], $0x1, s2, s16, $0xb8;
	[tilespmem:$0x19008] =	vst v63  }
0x2a5: {  	s2 =	simm.s32 $0x4100;
	s24 =	simm.s32 $0x2100  }
0x2a6: {  	[spmem:s7] =	stream.indirect.scatter.add.f32 [tilespmem:s24], [sflag:$0x1], $0x1, s2, s16, $0xb8;
	[tilespmem:$0x19008] =	vst v63  }
0x2a7: {  	s2 =	simm.s32 $0x4180;
	s24 =	simm.s32 $0x2180  }
0x2a8: {  	[spmem:s7] =	stream.indirect.scatter.add.f32 [tilespmem:s24], [sflag:$0x1], $0x1, s2, s16, $0xb8;
	[tilespmem:$0x19008] =	vst v63  }
0x2a9: {  	s2 =	simm.s32 $0x4200;
	s24 =	simm.s32 $0x2200  }
0x2aa: {  	[spmem:s7] =	stream.indirect.scatter.add.f32 [tilespmem:s24], [sflag:$0x1], $0x1, s2, s16, $0xb8;
	[tilespmem:$0x19008] =	vst v63  }
0x2ab: {  	s2 =	simm.s32 $0x4280;
	s24 =	simm.s32 $0x2280  }
0x2ac: {  	[spmem:s7] =	stream.indirect.scatter.add.f32 [tilespmem:s24], [sflag:$0x1], $0x1, s2, s16, $0xb8;
	[tilespmem:$0x19008] =	vst v63  }
0x2ad: {  	s2 =	simm.s32 $0x4300;
	s24 =	simm.s32 $0x2300  }
0x2ae: {  	[spmem:s7] =	stream.indirect.scatter.add.f32 [tilespmem:s24], [sflag:$0x1], $0x1, s2, s16, $0xb8;
	[tilespmem:$0x19008] =	vst v63  }
0x2af: {  	s2 =	simm.s32 $0x4380;
	s24 =	simm.s32 $0x2380  }
0x2b0: {  	[spmem:s7] =	stream.indirect.scatter.add.f32 [tilespmem:s24], [sflag:$0x1], $0x1, s2, s16, $0xb8;
	[tilespmem:$0x19008] =	vst v63  }
0x2b1: {  	s2 =	simm.s32 $0x4400;
	s24 =	simm.s32 $0x2400  }
0x2b2: {  	[spmem:s7] =	stream.indirect.scatter.add.f32 [tilespmem:s24], [sflag:$0x1], $0x1, s2, s16, $0xb8;
	[tilespmem:$0x19008] =	vst v63  }
0x2b3: {  	s2 =	simm.s32 $0x4480;
	s24 =	simm.s32 $0x2480  }
0x2b4: {  	[spmem:s7] =	stream.indirect.scatter.add.f32 [tilespmem:s24], [sflag:$0x1], $0x1, s2, s16, $0xb8;
	[tilespmem:$0x19008] =	vst v63  }
0x2b5: {  	s2 =	simm.s32 $0x4500;
	s24 =	simm.s32 $0x2500  }
0x2b6: {  	[spmem:s7] =	stream.indirect.scatter.add.f32 [tilespmem:s24], [sflag:$0x1], $0x1, s2, s16, $0xb8;
	[tilespmem:$0x19008] =	vst v63  }
0x2b7: {  	s2 =	simm.s32 $0x4580;
	s24 =	simm.s32 $0x2580  }
0x2b8: {  	[spmem:s7] =	stream.indirect.scatter.add.f32 [tilespmem:s24], [sflag:$0x1], $0x1, s2, s16, $0xb8;
	[tilespmem:$0x19008] =	vst v63  }
0x2b9: {  	s2 =	simm.s32 $0x4600;
	s24 =	simm.s32 $0x2600  }
0x2ba: {  	[spmem:s7] =	stream.indirect.scatter.add.f32 [tilespmem:s24], [sflag:$0x1], $0x1, s2, s16, $0xb8;
	[tilespmem:$0x19008] =	vst v63  }
0x2bb: {  	s2 =	simm.s32 $0x4680;
	s24 =	simm.s32 $0x2680  }
0x2bc: {  	[spmem:s7] =	stream.indirect.scatter.add.f32 [tilespmem:s24], [sflag:$0x1], $0x1, s2, s16, $0xb8;
	[tilespmem:$0x19008] =	vst v63  }
0x2bd: {  	s2 =	simm.s32 $0x4700;
	s24 =	simm.s32 $0x2700  }
0x2be: {  	[spmem:s7] =	stream.indirect.scatter.add.f32 [tilespmem:s24], [sflag:$0x1], $0x1, s2, s16, $0xb8;
	[tilespmem:$0x19008] =	vst v63  }
0x2bf: {  	s2 =	simm.s32 $0x4780;
	s24 =	simm.s32 $0x2780  }
0x2c0: {  	[spmem:s7] =	stream.indirect.scatter.add.f32 [tilespmem:s24], [sflag:$0x1], $0x1, s2, s16, $0xb8;
	[tilespmem:$0x19008] =	vst v63  }
0x2c1: {  	s2 =	simm.s32 $0x4800;
	s24 =	simm.s32 $0x2800  }
0x2c2: {  	[spmem:s7] =	stream.indirect.scatter.add.f32 [tilespmem:s24], [sflag:$0x1], $0x1, s2, s16, $0xb8;
	[tilespmem:$0x19008] =	vst v63  }
0x2c3: {  	s2 =	simm.s32 $0x4880;
	s24 =	simm.s32 $0x2880  }
0x2c4: {  	[spmem:s7] =	stream.indirect.scatter.add.f32 [tilespmem:s24], [sflag:$0x1], $0x1, s2, s16, $0xb8;
	[tilespmem:$0x19008] =	vst v63  }
0x2c5: {  	s2 =	simm.s32 $0x4900;
	s24 =	simm.s32 $0x2900  }
0x2c6: {  	[spmem:s7] =	stream.indirect.scatter.add.f32 [tilespmem:s24], [sflag:$0x1], $0x1, s2, s16, $0xb8;
	[tilespmem:$0x19008] =	vst v63  }
0x2c7: {  	s2 =	simm.s32 $0x4980;
	s24 =	simm.s32 $0x2980  }
0x2c8: {  	[spmem:s7] =	stream.indirect.scatter.add.f32 [tilespmem:s24], [sflag:$0x1], $0x1, s2, s16, $0xb8;
	[tilespmem:$0x19008] =	vst v63  }
0x2c9: {  	s2 =	simm.s32 $0x4A00;
	s24 =	simm.s32 $0x2A00  }
0x2ca: {  	[spmem:s7] =	stream.indirect.scatter.add.f32 [tilespmem:s24], [sflag:$0x1], $0x1, s2, s16, $0xb8;
	[tilespmem:$0x19008] =	vst v63  }
0x2cb: {  	s2 =	simm.s32 $0x4A80;
	s24 =	simm.s32 $0x2A80  }
0x2cc: {  	[spmem:s7] =	stream.indirect.scatter.add.f32 [tilespmem:s24], [sflag:$0x1], $0x1, s2, s16, $0xb8;
	[tilespmem:$0x19008] =	vst v63  }
0x2cd: {  	s2 =	simm.s32 $0x4B00;
	s24 =	simm.s32 $0x2B00  }
0x2ce: {  	[spmem:s7] =	stream.indirect.scatter.add.f32 [tilespmem:s24], [sflag:$0x1], $0x1, s2, s16, $0xb8;
	[tilespmem:$0x19008] =	vst v63  }
0x2cf: {  	s2 =	simm.s32 $0x4B80;
	s24 =	simm.s32 $0x2B80  }
0x2d0: {  	[spmem:s7] =	stream.indirect.scatter.add.f32 [tilespmem:s24], [sflag:$0x1], $0x1, s2, s16, $0xb8;
	[tilespmem:$0x19008] =	vst v63  }
0x2d1: {  	s2 =	simm.s32 $0x4C00;
	s24 =	simm.s32 $0x2C00  }
0x2d2: {  	[spmem:s7] =	stream.indirect.scatter.add.f32 [tilespmem:s24], [sflag:$0x1], $0x1, s2, s16, $0xb8;
	[tilespmem:$0x19008] =	vst v63  }
0x2d3: {  	s2 =	simm.s32 $0x4C80;
	s24 =	simm.s32 $0x2C80  }
0x2d4: {  	[spmem:s7] =	stream.indirect.scatter.add.f32 [tilespmem:s24], [sflag:$0x1], $0x1, s2, s16, $0xb8;
	[tilespmem:$0x19008] =	vst v63  }
0x2d5: {  	s2 =	simm.s32 $0x4D00;
	s24 =	simm.s32 $0x2D00  }
0x2d6: {  	[spmem:s7] =	stream.indirect.scatter.add.f32 [tilespmem:s24], [sflag:$0x1], $0x1, s2, s16, $0xb8;
	[tilespmem:$0x19008] =	vst v63  }
0x2d7: {  	s2 =	simm.s32 $0x4D80;
	s24 =	simm.s32 $0x2D80  }
0x2d8: {  	[spmem:s7] =	stream.indirect.scatter.add.f32 [tilespmem:s24], [sflag:$0x1], $0x1, s2, s16, $0xb8;
	[tilespmem:$0x19008] =	vst v63  }
0x2d9: {  	s2 =	simm.s32 $0x4E00;
	s24 =	simm.s32 $0x2E00  }
0x2da: {  	[spmem:s7] =	stream.indirect.scatter.add.f32 [tilespmem:s24], [sflag:$0x1], $0x1, s2, s16, $0xb8;
	[tilespmem:$0x19008] =	vst v63  }
0x2db: {  	s2 =	simm.s32 $0x4E80;
	s24 =	simm.s32 $0x2E80  }
0x2dc: {  	[spmem:s7] =	stream.indirect.scatter.add.f32 [tilespmem:s24], [sflag:$0x1], $0x1, s2, s16, $0xb8;
	[tilespmem:$0x19008] =	vst v63  }
0x2dd: {  	s2 =	simm.s32 $0x4F00;
	s24 =	simm.s32 $0x2F00  }
0x2de: {  	[spmem:s7] =	stream.indirect.scatter.add.f32 [tilespmem:s24], [sflag:$0x1], $0x1, s2, s16, $0xb8;
	[tilespmem:$0x19008] =	vst v63  }
0x2df: {  	s2 =	simm.s32 $0x4F80;
	s24 =	simm.s32 $0x2F80  }
0x2e0: {  	[spmem:s7] =	stream.indirect.scatter.add.f32 [tilespmem:s24], [sflag:$0x1], $0x1, s2, s16, $0xb8;
	[tilespmem:$0x19008] =	vst v63  }
0x2e1: {  	_ =	swait.ge [sflag:s14], $0x80  }
0x2e2: {  	[sflag:s14] =	ssyncset.done $0x0  }
0x2e3: {  	[sflag:s14] =	ssyncadd.s32 $0xFFFFFF80  }
0x2e4: {  	_ =	swait.ge [sflag:s14], $0x80  }
0x2e5: {  	[sflag:s14] =	ssyncset.done $0x0  }
0x2e6: {  	[sflag:s14] =	ssyncadd.s32 $0xFFFFFF80  }
0x2e7: {  	_ =	swait.ge [sflag:s14], $0x80  }
0x2e8: {  	[sflag:s14] =	ssyncset.done $0x0  }
0x2e9: {  	[sflag:s14] =	ssyncadd.s32 $0xFFFFFF80  }
0x2ea: {  	_ =	swait.ge [sflag:s14], $0x80  }
0x2eb: {  	[sflag:s14] =	ssyncset.done $0x0  }
0x2ec: {  	[sflag:s14] =	ssyncadd.s32 $0xFFFFFF80  }
0x2ed: {  	_ =	swait.ge [sflag:s14], $0x80  }
0x2ee: {  	[sflag:s14] =	ssyncset.done $0x0  }
0x2ef: {  	[sflag:s14] =	ssyncadd.s32 $0xFFFFFF80  }
0x2f0: {  	_ =	swait.ge [sflag:s14], $0x80  }
0x2f1: {  	[sflag:s14] =	ssyncset.done $0x0  }
0x2f2: {  	[sflag:s14] =	ssyncadd.s32 $0xFFFFFF80  }
0x2f3: {  	_ =	swait.ge [sflag:s14], $0x80  }
0x2f4: {  	[sflag:s14] =	ssyncset.done $0x0  }
0x2f5: {  	[sflag:s14] =	ssyncadd.s32 $0xFFFFFF80  }
0x2f6: {  	_ =	swait.ge [sflag:s14], $0x80  }
0x2f7: {  	[sflag:s14] =	ssyncset.done $0x0  }
0x2f8: {  	[sflag:s14] =	ssyncadd.s32 $0xFFFFFF80  }
0x2f9: {  	_ =	swait.ge [sflag:s14], $0x80  }
0x2fa: {  	[sflag:s14] =	ssyncset.done $0x0  }
0x2fb: {  	[sflag:s14] =	ssyncadd.s32 $0xFFFFFF80  }
0x2fc: {  	_ =	swait.ge [sflag:s14], $0x80  }
0x2fd: {  	[sflag:s14] =	ssyncset.done $0x0  }
0x2fe: {  	[sflag:s14] =	ssyncadd.s32 $0xFFFFFF80  }
0x2ff: {  	_ =	swait.ge [sflag:s14], $0x80  }
0x300: {  	[sflag:s14] =	ssyncset.done $0x0  }
0x301: {  	[sflag:s14] =	ssyncadd.s32 $0xFFFFFF80  }
0x302: {  	_ =	swait.ge [sflag:s14], $0x80  }
0x303: {  	[sflag:s14] =	ssyncset.done $0x0  }
0x304: {  	[sflag:s14] =	ssyncadd.s32 $0xFFFFFF80  }
0x305: {  	_ =	swait.ge [sflag:s14], $0x80  }
0x306: {  	[sflag:s14] =	ssyncset.done $0x0  }
0x307: {  	[sflag:s14] =	ssyncadd.s32 $0xFFFFFF80  }
0x308: {  	_ =	swait.ge [sflag:s14], $0x80  }
0x309: {  	[sflag:s14] =	ssyncset.done $0x0  }
0x30a: {  	[sflag:s14] =	ssyncadd.s32 $0xFFFFFF80  }
0x30b: {  	_ =	swait.ge [sflag:s14], $0x80  }
0x30c: {  	[sflag:s14] =	ssyncset.done $0x0  }
0x30d: {  	[sflag:s14] =	ssyncadd.s32 $0xFFFFFF80  }
0x30e: {  	_ =	swait.ge [sflag:s14], $0x80  }
0x30f: {  	[sflag:s14] =	ssyncset.done $0x0  }
0x310: {  	[sflag:s14] =	ssyncadd.s32 $0xFFFFFF80  }
0x311: {  	_ =	swait.ge [sflag:s14], $0x80  }
0x312: {  	[sflag:s14] =	ssyncset.done $0x0  }
0x313: {  	[sflag:s14] =	ssyncadd.s32 $0xFFFFFF80  }
0x314: {  	_ =	swait.ge [sflag:s14], $0x80  }
0x315: {  	[sflag:s14] =	ssyncset.done $0x0  }
0x316: {  	[sflag:s14] =	ssyncadd.s32 $0xFFFFFF80  }
0x317: {  	_ =	swait.ge [sflag:s14], $0x80  }
0x318: {  	[sflag:s14] =	ssyncset.done $0x0  }
0x319: {  	[sflag:s14] =	ssyncadd.s32 $0xFFFFFF80  }
0x31a: {  	_ =	swait.ge [sflag:s14], $0x80  }
0x31b: {  	[sflag:s14] =	ssyncset.done $0x0  }
0x31c: {  	[sflag:s14] =	ssyncadd.s32 $0xFFFFFF80  }
0x31d: {  	_ =	swait.ge [sflag:s14], $0x80  }
0x31e: {  	[sflag:s14] =	ssyncset.done $0x0  }
0x31f: {  	[sflag:s14] =	ssyncadd.s32 $0xFFFFFF80  }
0x320: {  	_ =	swait.ge [sflag:s14], $0x80  }
0x321: {  	[sflag:s14] =	ssyncset.done $0x0  }
0x322: {  	[sflag:s14] =	ssyncadd.s32 $0xFFFFFF80  }
0x323: {  	_ =	swait.ge [sflag:s14], $0x80  }
0x324: {  	[sflag:s14] =	ssyncset.done $0x0  }
0x325: {  	[sflag:s14] =	ssyncadd.s32 $0xFFFFFF80  }
0x326: {  	_ =	swait.ge [sflag:s14], $0x80  }
0x327: {  	[sflag:s14] =	ssyncset.done $0x0  }
0x328: {  	[sflag:s14] =	ssyncadd.s32 $0xFFFFFF80  }
0x329: {  	_ =	swait.ge [sflag:s14], $0x80  }
0x32a: {  	[sflag:s14] =	ssyncset.done $0x0  }
0x32b: {  	[sflag:s14] =	ssyncadd.s32 $0xFFFFFF80  }
0x32c: {  	_ =	swait.ge [sflag:s14], $0x80  }
0x32d: {  	[sflag:s14] =	ssyncset.done $0x0  }
0x32e: {  	[sflag:s14] =	ssyncadd.s32 $0xFFFFFF80  }
0x32f: {  	_ =	swait.ge [sflag:s14], $0x80  }
0x330: {  	[sflag:s14] =	ssyncset.done $0x0  }
0x331: {  	[sflag:s14] =	ssyncadd.s32 $0xFFFFFF80  }
0x332: {  	_ =	swait.ge [sflag:s14], $0x80  }
0x333: {  	[sflag:s14] =	ssyncset.done $0x0  }
0x334: {  	[sflag:s14] =	ssyncadd.s32 $0xFFFFFF80  }
0x335: {  	_ =	swait.ge [sflag:s14], $0x80  }
0x336: {  	[sflag:s14] =	ssyncset.done $0x0  }
0x337: {  	[sflag:s14] =	ssyncadd.s32 $0xFFFFFF80  }
0x338: {  	_ =	swait.ge [sflag:s14], $0x80  }
0x339: {  	[sflag:s14] =	ssyncset.done $0x0  }
0x33a: {  	[sflag:s14] =	ssyncadd.s32 $0xFFFFFF80  }
0x33b: {  	_ =	swait.ge [sflag:s14], $0x80  }
0x33c: {  	[sflag:s14] =	ssyncset.done $0x0  }
0x33d: {  	[sflag:s14] =	ssyncadd.s32 $0xFFFFFF80  }
0x33e: {  	_ =	swait.ge [sflag:s14], $0x80  }
0x33f: {  	[sflag:s14] =	ssyncset.done $0x0  }
0x340: {  	[sflag:s14] =	ssyncadd.s32 $0xFFFFFF80  }
0x341: {  	[bflag:$0x0] =	sbarrier.arrive $0xFFFF  }
0x342: {  	s2 =	sld [smem:$0x7B5];
	_ =	sdelay $0x2  }
0x343: {  	[hbm:s2@s16], [sflag:s19] =	dma.strided [spmem:s20@s17], $0x100, s14, $0x10   }
0x344: {  	s20 =	sld [smem:$0x7B6]  }
0x345: {  	s24 =	sld [smem:$0x7DB];
	_ =	sdelay $0x2  }
0x346: {  	[hbm:s20@s16], [sflag:s19] =	dma.strided [spmem:s24@s17], $0x100, s14, $0x10   }
0x347: {  	s20 =	sld [smem:$0x7B7]  }
0x348: {  	s0 =	sld [smem:$0x7DC];
	_ =	sdelay $0x2  }
0x349: {  	[hbm:s20@s16], [sflag:s19] =	dma.strided [spmem:s0@s17], $0x100, s14, $0x10   }
0x34a: {  	s20 =	sld [smem:$0x7B8]  }
0x34b: {  	s0 =	sld [smem:$0x7DD];
	_ =	sdelay $0x2  }
0x34c: {  	[hbm:s20@s16], [sflag:s19] =	dma.strided [spmem:s0@s17], $0x100, s14, $0x10   }
0x34d: {  	s20 =	sld [smem:$0x7B9]  }
0x34e: {  	s0 =	sld [smem:$0x7DE];
	_ =	sdelay $0x2  }
0x34f: {  	[hbm:s20@s16], [sflag:s19] =	dma.strided [spmem:s0@s17], $0x100, s14, $0x10   }
0x350: {  	s20 =	sld [smem:$0x7BA]  }
0x351: {  	s0 =	sld [smem:$0x7DF];
	_ =	sdelay $0x2  }
0x352: {  	[hbm:s20@s16], [sflag:s19] =	dma.strided [spmem:s0@s17], $0x100, s14, $0x10   }
0x353: {  	s20 =	sld [smem:$0x7BB]  }
0x354: {  	s0 =	sld [smem:$0x7E0];
	_ =	sdelay $0x2  }
0x355: {  	[hbm:s20@s16], [sflag:s19] =	dma.strided [spmem:s0@s17], $0x100, s14, $0x10   }
0x356: {  	s20 =	sld [smem:$0x7BC]  }
0x357: {  	s0 =	sld [smem:$0x7E1];
	_ =	sdelay $0x2  }
0x358: {  	[hbm:s20@s16], [sflag:s19] =	dma.strided [spmem:s0@s17], $0x100, s14, $0x10   }
0x359: {  	s20 =	sld [smem:$0x7BD]  }
0x35a: {  	s0 =	sld [smem:$0x7A6];
	_ =	sdelay $0x2  }
0x35b: {  	[hbm:s20@s16], [sflag:s19] =	dma.strided [spmem:s0@s17], $0x100, s14, $0x10   }
0x35c: {  	s20 =	sld [smem:$0x7BE]  }
0x35d: {  	s0 =	sld [smem:$0x7E2];
	_ =	sdelay $0x2  }
0x35e: {  	[hbm:s20@s16], [sflag:s19] =	dma.strided [spmem:s0@s17], $0x100, s14, $0x10   }
0x35f: {  	s20 =	sld [smem:$0x7BF]  }
0x360: {  	s0 =	sld [smem:$0x7E3];
	_ =	sdelay $0x2  }
0x361: {  	[hbm:s20@s16], [sflag:s19] =	dma.strided [spmem:s0@s17], $0x100, s14, $0x10   }
0x362: {  	s20 =	sld [smem:$0x7C0];
	_ =	sdelay $0x2  }
0x363: {  	[hbm:s20@s16], [sflag:s19] =	dma.strided [spmem:s26@s17], $0x100, s14, $0x10   }
0x364: {  	s20 =	sld [smem:$0x7C1];
	_ =	sdelay $0x2  }
0x365: {  	[hbm:s20@s16], [sflag:s19] =	dma.strided [spmem:s28@s17], $0x100, s14, $0x10   }
0x366: {  	s20 =	sld [smem:$0x7C3];
	_ =	sdelay $0x2  }
0x367: {  	[hbm:s20@s16], [sflag:s19] =	dma.strided [spmem:s29@s17], $0x100, s14, $0x10   }
0x368: {  	s20 =	sld [smem:$0x7C5];
	_ =	sdelay $0x2  }
0x369: {  	[hbm:s20@s16], [sflag:s19] =	dma.strided [spmem:s30@s17], $0x100, s14, $0x10   }
0x36a: {  	s20 =	sld [smem:$0x7C6];
	_ =	sdelay $0x2  }
0x36b: {  	[hbm:s20@s16], [sflag:s19] =	dma.strided [spmem:s31@s17], $0x100, s14, $0x10   }
0x36c: {  	s20 =	sld [smem:$0x7C7]  }
0x36d: {  	s29 =	sld [smem:$0x7A7];
	_ =	sdelay $0x2  }
0x36e: {  	[hbm:s20@s16], [sflag:s19] =	dma.strided [spmem:s29@s17], $0x100, s14, $0x10   }
0x36f: {  	s20 =	sld [smem:$0x7C8];
	_ =	sdelay $0x2  }
0x370: {  	[hbm:s20@s16], [sflag:s19] =	dma.strided [spmem:s11@s17], $0x100, s14, $0x10   }
0x371: {  	s20 =	sld [smem:$0x7C9];
	_ =	sdelay $0x2  }
0x372: {  	[hbm:s20@s16], [sflag:s19] =	dma.strided [spmem:s22@s17], $0x100, s14, $0x10   }
0x373: {  	s20 =	sld [smem:$0x7CA];
	_ =	sdelay $0x2  }
0x374: {  	[hbm:s20@s16], [sflag:s19] =	dma.strided [spmem:s12@s17], $0x100, s14, $0x10   }
0x375: {  	s20 =	sld [smem:$0x7CB];
	_ =	sdelay $0x2  }
0x376: {  	[hbm:s20@s16], [sflag:s19] =	dma.strided [spmem:s13@s17], $0x100, s14, $0x10   }
0x377: {  	s20 =	sld [smem:$0x7CC];
	_ =	sdelay $0x2  }
0x378: {  	[hbm:s20@s16], [sflag:s19] =	dma.strided [spmem:s25@s17], $0x100, s14, $0x10   }
0x379: {  	s20 =	sld [smem:$0x7CD];
	_ =	sdelay $0x2  }
0x37a: {  	[hbm:s20@s16], [sflag:s19] =	dma.strided [spmem:s18@s17], $0x100, s14, $0x10   }
0x37b: {  	s20 =	sld [smem:$0x7CE];
	_ =	sdelay $0x2  }
0x37c: {  	[hbm:s20@s16], [sflag:s19] =	dma.strided [spmem:s21@s17], $0x100, s14, $0x10   }
0x37d: {  	s20 =	sld [smem:$0x7D0];
	_ =	sdelay $0x2  }
0x37e: {  	[hbm:s20@s16], [sflag:s19] =	dma.strided [spmem:s23@s17], $0x100, s14, $0x10   }
0x37f: {  	s20 =	sld [smem:$0x7D1];
	_ =	sdelay $0x2  }
0x380: {  	[hbm:s20@s16], [sflag:s19] =	dma.strided [spmem:s8@s17], $0x100, s14, $0x10   }
0x381: {  	s20 =	sld [smem:$0x7D3];
	_ =	sdelay $0x2  }
0x382: {  	[hbm:s20@s16], [sflag:s19] =	dma.strided [spmem:s9@s17], $0x100, s14, $0x10   }
0x383: {  	s20 =	sld [smem:$0x7D4];
	_ =	sdelay $0x2  }
0x384: {  	[hbm:s20@s16], [sflag:s19] =	dma.strided [spmem:s10@s17], $0x100, s14, $0x10   }
0x385: {  	s20 =	sld [smem:$0x7D5];
	_ =	sdelay $0x2  }
0x386: {  	[hbm:s20@s16], [sflag:s19] =	dma.strided [spmem:s3@s17], $0x100, s14, $0x10   }
0x387: {  	s20 =	sld [smem:$0x7D6];
	_ =	sdelay $0x2  }
0x388: {  	[hbm:s20@s16], [sflag:s19] =	dma.strided [spmem:s4@s17], $0x100, s14, $0x10   }
0x389: {  	s20 =	sld [smem:$0x7D7];
	_ =	sdelay $0x2  }
0x38a: {  	[hbm:s20@s16], [sflag:s19] =	dma.strided [spmem:s5@s17], $0x100, s14, $0x10   }
0x38b: {  	s20 =	sld [smem:$0x7D8];
	_ =	sdelay $0x2  }
0x38c: {  	[hbm:s20@s16], [sflag:s19] =	dma.strided [spmem:s6@s17], $0x100, s14, $0x10   }
0x38d: {  	_ =	swait.ge [sflag:s14], $0x100  }
0x38e: {  	[sflag:s14] =	ssyncset.done $0x0  }
0x38f: {  	[sflag:s14] =	ssyncadd.s32 $0xFFFFFF00  }
0x390: {  	_ =	swait.ge [sflag:s14], $0x100  }
0x391: {  	[sflag:s14] =	ssyncset.done $0x0  }
0x392: {  	[sflag:s14] =	ssyncadd.s32 $0xFFFFFF00  }
0x393: {  	_ =	swait.ge [sflag:s14], $0x100  }
0x394: {  	[sflag:s14] =	ssyncset.done $0x0  }
0x395: {  	[sflag:s14] =	ssyncadd.s32 $0xFFFFFF00  }
0x396: {  	_ =	swait.ge [sflag:s14], $0x100  }
0x397: {  	[sflag:s14] =	ssyncset.done $0x0  }
0x398: {  	[sflag:s14] =	ssyncadd.s32 $0xFFFFFF00  }
0x399: {  	_ =	swait.ge [sflag:s14], $0x100  }
0x39a: {  	[sflag:s14] =	ssyncset.done $0x0  }
0x39b: {  	[sflag:s14] =	ssyncadd.s32 $0xFFFFFF00  }
0x39c: {  	_ =	swait.ge [sflag:s14], $0x100  }
0x39d: {  	[sflag:s14] =	ssyncset.done $0x0  }
0x39e: {  	[sflag:s14] =	ssyncadd.s32 $0xFFFFFF00  }
0x39f: {  	_ =	swait.ge [sflag:s14], $0x100  }
0x3a0: {  	[sflag:s14] =	ssyncset.done $0x0  }
0x3a1: {  	[sflag:s14] =	ssyncadd.s32 $0xFFFFFF00  }
0x3a2: {  	_ =	swait.ge [sflag:s14], $0x100  }
0x3a3: {  	[sflag:s14] =	ssyncset.done $0x0  }
0x3a4: {  	[sflag:s14] =	ssyncadd.s32 $0xFFFFFF00  }
0x3a5: {  	_ =	swait.ge [sflag:s14], $0x100  }
0x3a6: {  	[sflag:s14] =	ssyncset.done $0x0  }
0x3a7: {  	[sflag:s14] =	ssyncadd.s32 $0xFFFFFF00  }
0x3a8: {  	_ =	swait.ge [sflag:s14], $0x100  }
0x3a9: {  	[sflag:s14] =	ssyncset.done $0x0  }
0x3aa: {  	[sflag:s14] =	ssyncadd.s32 $0xFFFFFF00  }
0x3ab: {  	_ =	swait.ge [sflag:s14], $0x100  }
0x3ac: {  	[sflag:s14] =	ssyncset.done $0x0  }
0x3ad: {  	[sflag:s14] =	ssyncadd.s32 $0xFFFFFF00  }
0x3ae: {  	_ =	swait.ge [sflag:s14], $0x100  }
0x3af: {  	[sflag:s14] =	ssyncset.done $0x0  }
0x3b0: {  	[sflag:s14] =	ssyncadd.s32 $0xFFFFFF00  }
0x3b1: {  	_ =	swait.ge [sflag:s14], $0x100  }
0x3b2: {  	[sflag:s14] =	ssyncset.done $0x0  }
0x3b3: {  	[sflag:s14] =	ssyncadd.s32 $0xFFFFFF00  }
0x3b4: {  	_ =	swait.ge [sflag:s14], $0x100  }
0x3b5: {  	[sflag:s14] =	ssyncset.done $0x0  }
0x3b6: {  	[sflag:s14] =	ssyncadd.s32 $0xFFFFFF00  }
0x3b7: {  	_ =	swait.ge [sflag:s14], $0x100  }
0x3b8: {  	[sflag:s14] =	ssyncset.done $0x0  }
0x3b9: {  	[sflag:s14] =	ssyncadd.s32 $0xFFFFFF00  }
0x3ba: {  	_ =	swait.ge [sflag:s14], $0x100  }
0x3bb: {  	[sflag:s14] =	ssyncset.done $0x0  }
0x3bc: {  	[sflag:s14] =	ssyncadd.s32 $0xFFFFFF00  }
0x3bd: {  	_ =	swait.ge [sflag:s14], $0x100  }
0x3be: {  	[sflag:s14] =	ssyncset.done $0x0  }
0x3bf: {  	[sflag:s14] =	ssyncadd.s32 $0xFFFFFF00  }
0x3c0: {  	_ =	swait.ge [sflag:s14], $0x100  }
0x3c1: {  	[sflag:s14] =	ssyncset.done $0x0  }
0x3c2: {  	[sflag:s14] =	ssyncadd.s32 $0xFFFFFF00  }
0x3c3: {  	_ =	swait.ge [sflag:s14], $0x100  }
0x3c4: {  	[sflag:s14] =	ssyncset.done $0x0  }
0x3c5: {  	[sflag:s14] =	ssyncadd.s32 $0xFFFFFF00  }
0x3c6: {  	_ =	swait.ge [sflag:s14], $0x100  }
0x3c7: {  	[sflag:s14] =	ssyncset.done $0x0  }
0x3c8: {  	[sflag:s14] =	ssyncadd.s32 $0xFFFFFF00  }
0x3c9: {  	_ =	swait.ge [sflag:s14], $0x100  }
0x3ca: {  	[sflag:s14] =	ssyncset.done $0x0  }
0x3cb: {  	[sflag:s14] =	ssyncadd.s32 $0xFFFFFF00  }
0x3cc: {  	_ =	swait.ge [sflag:s14], $0x100  }
0x3cd: {  	[sflag:s14] =	ssyncset.done $0x0  }
0x3ce: {  	[sflag:s14] =	ssyncadd.s32 $0xFFFFFF00  }
0x3cf: {  	_ =	swait.ge [sflag:s14], $0x100  }
0x3d0: {  	[sflag:s14] =	ssyncset.done $0x0  }
0x3d1: {  	[sflag:s14] =	ssyncadd.s32 $0xFFFFFF00  }
0x3d2: {  	_ =	swait.ge [sflag:s14], $0x100  }
0x3d3: {  	[sflag:s14] =	ssyncset.done $0x0  }
0x3d4: {  	[sflag:s14] =	ssyncadd.s32 $0xFFFFFF00  }
0x3d5: {  	_ =	swait.ge [sflag:s14], $0x100  }
0x3d6: {  	[sflag:s14] =	ssyncset.done $0x0  }
0x3d7: {  	[sflag:s14] =	ssyncadd.s32 $0xFFFFFF00  }
0x3d8: {  	_ =	swait.ge [sflag:s14], $0x100  }
0x3d9: {  	[sflag:s14] =	ssyncset.done $0x0  }
0x3da: {  	[sflag:s14] =	ssyncadd.s32 $0xFFFFFF00  }
0x3db: {  	_ =	swait.ge [sflag:s14], $0x100  }
0x3dc: {  	[sflag:s14] =	ssyncset.done $0x0  }
0x3dd: {  	[sflag:s14] =	ssyncadd.s32 $0xFFFFFF00  }
0x3de: {  	_ =	swait.ge [sflag:s14], $0x100  }
0x3df: {  	[sflag:s14] =	ssyncset.done $0x0  }
0x3e0: {  	[sflag:s14] =	ssyncadd.s32 $0xFFFFFF00  }
0x3e1: {  	_ =	swait.ge [sflag:s14], $0x100  }
0x3e2: {  	[sflag:s14] =	ssyncset.done $0x0  }
0x3e3: {  	[sflag:s14] =	ssyncadd.s32 $0xFFFFFF00  }
0x3e4: {  	_ =	swait.ge [sflag:s14], $0x100  }
0x3e5: {  	[sflag:s14] =	ssyncset.done $0x0  }
0x3e6: {  	[sflag:s14] =	ssyncadd.s32 $0xFFFFFF00  }
0x3e7: {  	_ =	swait.ge [sflag:s14], $0x100  }
0x3e8: {  	[sflag:s14] =	ssyncset.done $0x0  }
0x3e9: {  	[sflag:s14] =	ssyncadd.s32 $0xFFFFFF00  }
0x3ea: {  	_ =	swait.ge [sflag:s14], $0x100  }
0x3eb: {  	s30 =	sld [smem:$0x7A8]  }
0x3ec: {  	s31 =	sld [smem:$0x7DA];
	_ =	sdelay $0x1  }
0x3ed: {  	s0 =	sadd.s32 $0x1, s30  }
0x3ee: {  	p1 =	sne.s32 s0, s31  }
.Ltmp3:
0x3ef: {  	_ = 	snop;
	(pc) =	sbr.rel @p1 .LBB2_1-.Ltmp3, $3  }
0x3f0: {  	[sflag:s14] =	ssyncset.done $0x0  }
0x3f1: {  	[sflag:s14] =	ssyncadd.s32 $0xFFFFFF00  }
0x3f2: {  	[bflag:$0x0] =	sbarrier.arrive $0xFFFF;
	_ =	sdelay $0x1  }
0x3f3: {  	_ =	sfence.sel $0x180000  }
0x3f4: {  	[bflag:$0x0] =	sbarrier.arrive $0xFFFF  }
0x3f5: {  	_ =	strace $0x90000047  }
0x3f6: {  	[bflag:$0x2] =	sbarrier.arrive $0xFFFF  }
0x3f7: {  	s0 =	rddreg [dreg:$0x5]  }
0x3f8: {  	s0 =	sadd.s32 @!p0 $0x100000, s0  }
0x3f9: {  	[sflag:s0] =	ssyncadd.tile.s32 @!p0 $0x1;
	_ =	shalt  }
.Lfunc_end2:
_tile_overlayer_lowered:
.L_overlay_start_2:
0x3fa: {  	(tag) =	ssettag $0x2  }
0x3fb: {  	s0 =	rddreg [dreg:$0x0];
	s2 =	stileid.u32  }
0x3fc: {  	s1 =	rddreg [dreg:$0x1];
	p0 =	sne.s32 s2, $0x0  }
0x3fd: {  	s3 =	rddreg [dreg:$0x2];
	[bflag:$0x3] =	sbarrier.arrive $0xFFFF;
	s2 =	simm.s32 @!p0 $0x1C02  }
0x3fe: {  	[timem:s3], [sflag:s2] =	dma.local @!p0 [hbm:s0], s1  }
0x3ff: {  	s0 =	simm.s32 @!p0 $0x2  }
0x400: {  	_ =	swait.ge @!p0 [sflag:s0], s1  }
0x401: {  	s1 =	ssub.s32 @!p0 $0x0, s1;
	[sflag:s0] =	ssyncset.done @!p0 $0x0  }
0x402: {  	[sflag:s0] =	ssyncadd.s32 @!p0 s1  }
0x403: {  	[bflag:$0x3] =	sbarrier.arrive $0xFFFF  }
0x404: {  	_ =	shalt  }

</sc_bundles>
